<compile_context>
chip_gen: v7x
topology: tpu7x:2x2x1
jax: 0.10.2.dev20260603
libtpu: 0.0.44.dev20260713+nightly
codegen_flags: <defaults>
</compile_context>

<pallas_src>
import functools

import jax
import jax.numpy as jnp
from jax import lax
from jax.experimental import pallas as pl
from jax.experimental.pallas import tpu as pltpu
from jax.experimental.pallas import tpu_sc as plsc

B, H, W, K = 4, 384, 384, 8
P = B * H * W
NW = 32
G = W
NG = G // 16
TROWS = (B * H) // NW
NJ = TROWS // 2

MAGIC = 2.0 ** 23


def _round_half_even(x):
    return (x + MAGIC) - MAGIC


@functools.partial(
    pl.kernel,
    mesh=plsc.VectorSubcoreMesh(core_axis_name="c", subcore_axis_name="s"),
    compiler_params=pltpu.CompilerParams(needs_layout_passes=False),
    out_type=(
        jax.ShapeDtypeStruct((4, P), jnp.float32),
        jax.ShapeDtypeStruct((B * H, W), jnp.float32),
        jax.ShapeDtypeStruct((B * H, W), jnp.int32),
        jax.ShapeDtypeStruct((B * H * K, 4, W), jnp.float32),
    ),
    scratch_types=[
        pltpu.VMEM((5 * K, W), jnp.float32),
        pltpu.VMEM((5 * K, W), jnp.float32),
        pltpu.VMEM((K, W), jnp.float32),
        pltpu.VMEM((K, W), jnp.float32),
        pltpu.VMEM((4, W), jnp.float32),
        pltpu.VMEM((4, W), jnp.float32),
        pltpu.VMEM((K, 4, W), jnp.float32),
        pltpu.VMEM((K, 4, W), jnp.float32),
        pltpu.VMEM((TROWS, W), jnp.float32),
        pltpu.VMEM((TROWS, W), jnp.int32),
        pltpu.SemaphoreType.DMA,
        pltpu.SemaphoreType.DMA,
        pltpu.SemaphoreType.DMA,
        pltpu.SemaphoreType.DMA,
        pltpu.SemaphoreType.DMA,
        pltpu.SemaphoreType.DMA,
        pltpu.SemaphoreType.DMA,
        pltpu.SemaphoreType.DMA,
    ],
)
def _sc_shader(st_h, z_h, comp_h, depth_h, lab_h, hum_h,
               st_a, st_b, z_a, z_b, comp_a, comp_b, hum_a, hum_b,
               depth_v, lab_v,
               s_st_a, s_st_b, s_z_a, s_z_b,
               s_comp_a, s_comp_b, s_hum_a, s_hum_b):
    wid = lax.axis_index("s") * 2 + lax.axis_index("c")
    lane = lax.iota(jnp.int32, 16)
    row0 = pl.multiple_of(wid * TROWS, 8)

    def start_in(c, st_v, z_v, s_st, s_z):
        pltpu.async_copy(st_h.at[pl.ds(pl.multiple_of(c * (5 * K), 8), 5 * K)], st_v, s_st)
        pltpu.async_copy(z_h.at[pl.ds(pl.multiple_of(c * K, 8), K)], z_v, s_z)

    def wait_in(st_v, z_v, s_st, s_z):
        pltpu.make_async_copy(st_h.at[pl.ds(0, 5 * K)], st_v, s_st).wait()
        pltpu.make_async_copy(z_h.at[pl.ds(0, K)], z_v, s_z).wait()

    def fire_out(c, comp_v, hum_v, s_comp, s_hum):
        pltpu.async_copy(comp_v, comp_h.at[:, pl.ds(pl.multiple_of(c * W, 128), W)], s_comp)
        pltpu.async_copy(hum_v, hum_h.at[pl.ds(pl.multiple_of(c * K, 8), K)], s_hum)

    def wait_out(comp_v, hum_v, s_comp, s_hum):
        pltpu.make_async_copy(comp_v, comp_h.at[:, pl.ds(0, W)], s_comp).wait()
        pltpu.make_async_copy(hum_v, hum_h.at[pl.ds(0, K)], s_hum).wait()

    def compute(tr, st_v, z_v, comp_v, hum_v):
        @plsc.parallel_loop(0, NG, 1, unroll=4)
        def group(g):
            col = g * 16
            pcol = lane + col
            one = jnp.full((16,), 1.0, jnp.float32)
            for n in range(K):
                hum_v[n, 0, pl.ds(col, 16)] = one
                hum_v[n, 1, pl.ds(col, 16)] = one
                hum_v[n, 2, pl.ds(col, 16)] = one
                hum_v[n, 3, pl.ds(col, 16)] = one * 0.0
            rgb0 = one
            rgb1 = one
            rgb2 = one
            aacc = jnp.zeros((16,), jnp.float32)
            depth = jnp.full((16,), 100.0, jnp.float32)
            labf = jnp.full((16,), float(K), jnp.float32)
            zero = lane * 0
            for k in range(K - 1, -1, -1):
                c0 = st_v[0 * K + k, pl.ds(col, 16)]
                c1 = st_v[1 * K + k, pl.ds(col, 16)]
                c2v = st_v[2 * K + k, pl.ds(col, 16)]
                a = st_v[3 * K + k, pl.ds(col, 16)]
                labk = st_v[4 * K + k, pl.ds(col, 16)]
                z = z_v[k, pl.ds(col, 16)]
                om = 1.0 - a
                rgb0 = c0 * a + rgb0 * om
                rgb1 = c1 * a + rgb1 * om
                rgb2 = c2v * a + rgb2 * om
                aacc = jnp.maximum(a, aacc)
                zvalid = z >= 0.0
                depth = jnp.where(z > 0.0, z * a + depth * om, depth)
                labf = jnp.where(zvalid & (a > 0.5), labk, labf)
                li = _round_half_even(labk).astype(jnp.int32)
                m = zvalid
                plsc.store_scatter(hum_v, [li, zero, pcol], c0 * a + om, mask=m)
                plsc.store_scatter(hum_v, [li, zero + 1, pcol], c1 * a + om, mask=m)
                plsc.store_scatter(hum_v, [li, zero + 2, pcol], c2v * a + om, mask=m)
                plsc.store_scatter(hum_v, [li, zero + 3, pcol], a, mask=m)
            comp_v[0, pl.ds(col, 16)] = rgb0
            comp_v[1, pl.ds(col, 16)] = rgb1
            comp_v[2, pl.ds(col, 16)] = rgb2
            comp_v[3, pl.ds(col, 16)] = aacc
            depth_v[tr, pl.ds(col, 16)] = depth
            labf2 = jnp.where(labf > K - 0.5, jnp.float32(-1.0), labf)
            lab_v[tr, pl.ds(col, 16)] = _round_half_even(labf2).astype(jnp.int32)

    start_in(row0, st_a, z_a, s_st_a, s_z_a)

    def body(j, carry):
        c0 = row0 + 2 * j
        c1 = c0 + 1
        start_in(c1, st_b, z_b, s_st_b, s_z_b)
        wait_in(st_a, z_a, s_st_a, s_z_a)
        pl.when(j > 0)(lambda: wait_out(comp_a, hum_a, s_comp_a, s_hum_a))
        compute(2 * j, st_a, z_a, comp_a, hum_a)
        fire_out(c0, comp_a, hum_a, s_comp_a, s_hum_a)
        pl.when(j < NJ - 1)(lambda: start_in(c0 + 2, st_a, z_a, s_st_a, s_z_a))
        wait_in(st_b, z_b, s_st_b, s_z_b)
        pl.when(j > 0)(lambda: wait_out(comp_b, hum_b, s_comp_b, s_hum_b))
        compute(2 * j + 1, st_b, z_b, comp_b, hum_b)
        fire_out(c1, comp_b, hum_b, s_comp_b, s_hum_b)
        return carry

    lax.fori_loop(0, NJ, body, 0)
    wait_out(comp_a, hum_a, s_comp_a, s_hum_a)
    wait_out(comp_b, hum_b, s_comp_b, s_hum_b)
    pltpu.sync_copy(depth_v, depth_h.at[pl.ds(row0, TROWS)])
    pltpu.sync_copy(lab_v, lab_h.at[pl.ds(row0, TROWS)])


def kernel(sampled_textures, zbuf):
    st_t = jnp.transpose(sampled_textures, (0, 1, 4, 3, 2)).reshape(B * H * 5 * K, W)
    z_t = jnp.transpose(zbuf, (0, 1, 3, 2)).reshape(B * H * K, W)
    comp_t, depth, lab, hum_t = _sc_shader(st_t, z_t)
    composite_image = jnp.transpose(comp_t.reshape(4, B, H, W), (1, 2, 3, 0))
    composite_depth = depth.reshape(B, H, W)
    composite_label = lab.reshape(B, H, W).astype(jnp.int64)
    human_images = jnp.transpose(hum_t.reshape(B, H, K, 4, W), (0, 1, 4, 2, 3))
    return composite_image, composite_depth, composite_label, human_images

# --- scband reference (transcript-rebuilt; emitter-appended) ---
"""Pipeline reference for scband-alpha-composition-shader-86500641341769 (READ-ONLY COPY).

The authoritative reference and input builder live on the scoring server;
editing this copy changes nothing except your own understanding.
"""

import jax, jax.numpy as jnp
import numpy as np

BG = (1.0, 1.0, 1.0)


def setup_inputs(seed: int = 0) -> dict:
    key = jax.random.key(seed)
    k1, k2 = jax.random.split(key)
    B, H, W, K = 4, 384, 384, 8
    sampled_textures = jax.random.uniform(k1, (B, H, W, K, 5), dtype=jnp.float32)
    zbuf = jax.random.normal(k2, (B, H, W, K), dtype=jnp.float32)
    return {"sampled_textures": sampled_textures, "zbuf": zbuf}


def _composite(sampled_textures, zbuf):
    pixel_colors = sampled_textures[..., :4]
    pixel_labels = sampled_textures[..., 4]
    B, H, W, K, _ = pixel_colors.shape
    pixel_labels = jnp.where(zbuf < 0, jnp.nan, pixel_labels)
    composite_rgb = jnp.broadcast_to(jnp.array(BG, dtype=pixel_colors.dtype), (B, H, W, 3))
    composite_a = jnp.zeros((B, H, W), dtype=pixel_colors.dtype)
    composite_depth = jnp.full((B, H, W), 100.0, dtype=zbuf.dtype)
    composite_label = jnp.full((B, H, W), float(K), dtype=pixel_labels.dtype)
    for k in range(K - 1, -1, -1):
        layer_color = pixel_colors[..., k, :3]
        layer_alpha = pixel_colors[..., k, 3]
        layer_depth = zbuf[..., k]
        layer_label = pixel_labels[..., k]
        depth_valid = layer_depth > 0
        label_valid = jnp.isfinite(layer_label)
        composite_rgb = layer_color * layer_alpha[..., None] + composite_rgb * (1 - layer_alpha[..., None])
        composite_a = jnp.maximum(layer_alpha, composite_a)
        composite_depth = jnp.where(depth_valid, layer_depth * layer_alpha + composite_depth * (1 - layer_alpha), composite_depth)
        composite_label = jnp.where(label_valid, jnp.where(layer_alpha > 0.5, layer_label, composite_label), composite_label)
    composite_image = jnp.concatenate([composite_rgb, composite_a[..., None]], axis=-1)
    return composite_image, composite_depth, composite_label


def _raster_each_labeled_human(sampled_textures, zbuf):
    pixel_colors = sampled_textures[..., :4]
    labels = jnp.round(sampled_textures[..., 4]).astype(jnp.int32)
    labels = jnp.where(zbuf < 0, -1, labels)
    B, H, W, K, C = pixel_colors.shape
    N = K
    label_range = jnp.arange(N, dtype=labels.dtype)
    hit = labels[..., :, None] == label_range[None, None, None, None, :]
    hit = jnp.concatenate([hit, jnp.ones((B, H, W, 1, N), dtype=bool)], axis=3)
    first_indices = jnp.argmax(hit.astype(jnp.int32), axis=3)
    pcv = jnp.concatenate([pixel_colors, jnp.zeros((B, H, W, 1, C), dtype=pixel_colors.dtype)], axis=3)
    gathered = jnp.take_along_axis(pcv, jnp.broadcast_to(first_indices[..., None], (B, H, W, N, C)), axis=3)
    b_idx = jnp.broadcast_to(jnp.arange(B)[:, None, None, None], (B, H, W, N))
    h_idx = jnp.broadcast_to(jnp.arange(H)[None, :, None, None], (B, H, W, N))
    w_idx = jnp.broadcast_to(jnp.arange(W)[None, None, :, None], (B, H, W, N))
    n_idx = jnp.broadcast_to(label_range[None, None, None, :], (B, H, W, N))
    human_images = jnp.zeros((B, H, W, N, C), dtype=pixel_colors.dtype).at[b_idx, h_idx, w_idx, n_idx].set(gathered)
    human_color = human_images[..., :3]
    human_alpha = human_images[..., 3:4]
    bkg = jnp.array(BG, dtype=human_color.dtype)
    rgb = human_color * human_alpha + bkg * (1 - human_alpha)
    return jnp.concatenate([rgb, human_alpha], axis=-1)


def reference(sampled_textures, zbuf):
    K = sampled_textures.shape[3]
    composite_image, composite_depth, composite_label = _composite(sampled_textures, zbuf)
    human_images = _raster_each_labeled_human(sampled_textures, zbuf)
    composite_label = jnp.where(composite_label > K - 0.5, -1.0, composite_label)
    return (composite_image, composite_depth, jnp.round(composite_label).astype(jnp.int64), human_images)

if __name__ == "__main__":
    import jax
    _d = setup_inputs()
    print(jax.jit(kernel)(*tuple(_d.values())))

</pallas_src>

<mosaic_0001>
#map = affine_map<(d0, d1) -> (0, 0)>
#map1 = affine_map<(d0, d1) -> (0, 0, 0)>
module attributes {stable_mosaic.version = 14 : i64} {
  func.func @_sc_shader(%arg0: i32, %arg1: i32, %arg2: memref<61440x384xf32, #tpu.memory_space<hbm>>, %arg3: memref<12288x384xf32, #tpu.memory_space<hbm>>, %arg4: memref<4x589824xf32, #tpu.memory_space<hbm>>, %arg5: memref<1536x384xf32, #tpu.memory_space<hbm>>, %arg6: memref<1536x384xi32, #tpu.memory_space<hbm>>, %arg7: memref<12288x4x384xf32, #tpu.memory_space<hbm>>, %arg8: memref<40x384xf32, #tpu.memory_space<vmem>>, %arg9: memref<40x384xf32, #tpu.memory_space<vmem>>, %arg10: memref<8x384xf32, #tpu.memory_space<vmem>>, %arg11: memref<8x384xf32, #tpu.memory_space<vmem>>, %arg12: memref<4x384xf32, #tpu.memory_space<vmem>>, %arg13: memref<4x384xf32, #tpu.memory_space<vmem>>, %arg14: memref<8x4x384xf32, #tpu.memory_space<vmem>>, %arg15: memref<8x4x384xf32, #tpu.memory_space<vmem>>, %arg16: memref<48x384xf32, #tpu.memory_space<vmem>>, %arg17: memref<48x384xi32, #tpu.memory_space<vmem>>, %arg18: memref<!tpu.dma_semaphore, #tpu.memory_space<semaphore_mem>>, %arg19: memref<!tpu.dma_semaphore, #tpu.memory_space<semaphore_mem>>, %arg20: memref<!tpu.dma_semaphore, #tpu.memory_space<semaphore_mem>>, %arg21: memref<!tpu.dma_semaphore, #tpu.memory_space<semaphore_mem>>, %arg22: memref<!tpu.dma_semaphore, #tpu.memory_space<semaphore_mem>>, %arg23: memref<!tpu.dma_semaphore, #tpu.memory_space<semaphore_mem>>, %arg24: memref<!tpu.dma_semaphore, #tpu.memory_space<semaphore_mem>>, %arg25: memref<!tpu.dma_semaphore, #tpu.memory_space<semaphore_mem>>) attributes {dimension_semantics = [#tpu.dimension_semantics<core_parallel>, #tpu.dimension_semantics<subcore_parallel>], iteration_bounds = array<i64: 2, 16>, scalar_prefetch = 0 : i64, scratch_operands = 18 : i64, tpu.core_type = #tpu.core_type<sc_vector_subcore>, window_params = [{transform_indices = #map}, {transform_indices = #map}, {transform_indices = #map}, {transform_indices = #map}, {transform_indices = #map}, {transform_indices = #map1}]} {
    %mul3A = arith.constant 2 : i32
    %mul3A_0 = arith.muli %arg1, %mul3A : i32
    %add3A = arith.addi %mul3A_0, %arg0 : i32
    %iota3A = tpu.iota {dimensions = array<i32: 0>} : vector<16xi32>
    %mul3A_1 = arith.constant 48 : i32
    %mul3A_2 = arith.muli %add3A, %mul3A_1 : i32
    %multiple_of3A = tpu.assume_multiple %mul3A_2, 8 : i32
    %mul3A_3 = arith.constant 40 : i32
    %mul3A_4 = arith.muli %multiple_of3A, %mul3A_3 : i32
    %multiple_of3A_5 = tpu.assume_multiple %mul3A_4, 8 : i32
    %dma_start3A = arith.constant 0 : i32
    %dma_start3A_6 = tpu.memref_slice %arg2[%multiple_of3A_5, %dma_start3A] : memref<61440x384xf32, #tpu.memory_space<hbm>> -> memref<40x384xf32, #tpu.memory_space<hbm>>
    %dma_start3A_7 = arith.constant 0 : i32
    %dma_start3A_8 = tpu.memref_slice %arg2[%multiple_of3A_5, %dma_start3A_7] : memref<61440x384xf32, #tpu.memory_space<hbm>> -> memref<40x384xf32, #tpu.memory_space<hbm>>
    tpu.enqueue_dma source(%dma_start3A_8 : memref<40x384xf32, #tpu.memory_space<hbm>>) target(%arg8 : memref<40x384xf32, #tpu.memory_space<vmem>>) target_semaphore(%arg18 : memref<!tpu.dma_semaphore, #tpu.memory_space<semaphore_mem>>)
    %mul3A_9 = arith.constant 8 : i32
    %mul3A_10 = arith.muli %multiple_of3A, %mul3A_9 : i32
    %multiple_of3A_11 = tpu.assume_multiple %mul3A_10, 8 : i32
    %dma_start3A_12 = arith.constant 0 : i32
    %dma_start3A_13 = tpu.memref_slice %arg3[%multiple_of3A_11, %dma_start3A_12] : memref<12288x384xf32, #tpu.memory_space<hbm>> -> memref<8x384xf32, #tpu.memory_space<hbm>>
    %dma_start3A_14 = arith.constant 0 : i32
    %dma_start3A_15 = tpu.memref_slice %arg3[%multiple_of3A_11, %dma_start3A_14] : memref<12288x384xf32, #tpu.memory_space<hbm>> -> memref<8x384xf32, #tpu.memory_space<hbm>>
    tpu.enqueue_dma source(%dma_start3A_15 : memref<8x384xf32, #tpu.memory_space<hbm>>) target(%arg10 : memref<8x384xf32, #tpu.memory_space<vmem>>) target_semaphore(%arg20 : memref<!tpu.dma_semaphore, #tpu.memory_space<semaphore_mem>>)
    %scan3A = arith.constant 0 : i32
    %scan3A_16 = arith.constant 0 : i32
    %scan3A_17 = arith.constant 24 : i32
    %scan3A_18 = arith.addi %scan3A_16, %scan3A_17 : i32
    %scan3A_19 = arith.constant 1 : i32
    scf.for %scan3A_48 = %scan3A_16 to %scan3A_18 step %scan3A_19  : i32 {
      %mul3A_49 = arith.constant 2 : i32
      %mul3A_50 = arith.muli %mul3A_49, %scan3A_48 : i32
      %add3A_51 = arith.addi %multiple_of3A, %mul3A_50 : i32
      %add3A_52 = arith.constant 1 : i32
      %add3A_53 = arith.addi %add3A_51, %add3A_52 : i32
      %mul3A_54 = arith.constant 40 : i32
      %mul3A_55 = arith.muli %add3A_53, %mul3A_54 : i32
      %multiple_of3A_56 = tpu.assume_multiple %mul3A_55, 8 : i32
      %dma_start3A_57 = arith.constant 0 : i32
      %dma_start3A_58 = tpu.memref_slice %arg2[%multiple_of3A_56, %dma_start3A_57] : memref<61440x384xf32, #tpu.memory_space<hbm>> -> memref<40x384xf32, #tpu.memory_space<hbm>>
      %dma_start3A_59 = arith.constant 0 : i32
      %dma_start3A_60 = tpu.memref_slice %arg2[%multiple_of3A_56, %dma_start3A_59] : memref<61440x384xf32, #tpu.memory_space<hbm>> -> memref<40x384xf32, #tpu.memory_space<hbm>>
      tpu.enqueue_dma source(%dma_start3A_60 : memref<40x384xf32, #tpu.memory_space<hbm>>) target(%arg9 : memref<40x384xf32, #tpu.memory_space<vmem>>) target_semaphore(%arg19 : memref<!tpu.dma_semaphore, #tpu.memory_space<semaphore_mem>>)
      %mul3A_61 = arith.constant 8 : i32
      %mul3A_62 = arith.muli %add3A_53, %mul3A_61 : i32
      %multiple_of3A_63 = tpu.assume_multiple %mul3A_62, 8 : i32
      %dma_start3A_64 = arith.constant 0 : i32
      %dma_start3A_65 = tpu.memref_slice %arg3[%multiple_of3A_63, %dma_start3A_64] : memref<12288x384xf32, #tpu.memory_space<hbm>> -> memref<8x384xf32, #tpu.memory_space<hbm>>
      %dma_start3A_66 = arith.constant 0 : i32
      %dma_start3A_67 = tpu.memref_slice %arg3[%multiple_of3A_63, %dma_start3A_66] : memref<12288x384xf32, #tpu.memory_space<hbm>> -> memref<8x384xf32, #tpu.memory_space<hbm>>
      tpu.enqueue_dma source(%dma_start3A_67 : memref<8x384xf32, #tpu.memory_space<hbm>>) target(%arg11 : memref<8x384xf32, #tpu.memory_space<vmem>>) target_semaphore(%arg21 : memref<!tpu.dma_semaphore, #tpu.memory_space<semaphore_mem>>)
      %dma_wait3A_68 = arith.constant 0 : i32
      %dma_wait3A_69 = arith.constant 0 : i32
      %dma_wait3A_70 = tpu.memref_slice %arg2[%dma_wait3A_68, %dma_wait3A_69] : memref<61440x384xf32, #tpu.memory_space<hbm>> -> memref<40x384xf32, #tpu.memory_space<hbm>>
      %dma_wait3A_71 = arith.constant 0 : i32
      %dma_wait3A_72 = arith.constant 0 : i32
      %dma_wait3A_73 = tpu.memref_slice %arg2[%dma_wait3A_71, %dma_wait3A_72] : memref<61440x384xf32, #tpu.memory_space<hbm>> -> memref<40x384xf32, #tpu.memory_space<hbm>>
      tpu.wait_dma2 semaphore(%arg18 : memref<!tpu.dma_semaphore, #tpu.memory_space<semaphore_mem>>) src(%dma_wait3A_73 : memref<40x384xf32, #tpu.memory_space<hbm>>) dst(%arg8 : memref<40x384xf32, #tpu.memory_space<vmem>>)
      %dma_wait3A_74 = arith.constant 0 : i32
      %dma_wait3A_75 = arith.constant 0 : i32
      %dma_wait3A_76 = tpu.memref_slice %arg3[%dma_wait3A_74, %dma_wait3A_75] : memref<12288x384xf32, #tpu.memory_space<hbm>> -> memref<8x384xf32, #tpu.memory_space<hbm>>
      %dma_wait3A_77 = arith.constant 0 : i32
      %dma_wait3A_78 = arith.constant 0 : i32
      %dma_wait3A_79 = tpu.memref_slice %arg3[%dma_wait3A_77, %dma_wait3A_78] : memref<12288x384xf32, #tpu.memory_space<hbm>> -> memref<8x384xf32, #tpu.memory_space<hbm>>
      tpu.wait_dma2 semaphore(%arg20 : memref<!tpu.dma_semaphore, #tpu.memory_space<semaphore_mem>>) src(%dma_wait3A_79 : memref<8x384xf32, #tpu.memory_space<hbm>>) dst(%arg10 : memref<8x384xf32, #tpu.memory_space<vmem>>)
      %gt3A = arith.constant 0 : i32
      %gt3A_80 = arith.cmpi sgt, %scan3A_48, %gt3A : i32
      %convert_element_type3A = arith.extui %gt3A_80 : i1 to i32
      %cond3A = arith.constant 0 : i32
      %cond3A_81 = arith.cmpi ne, %convert_element_type3A, %cond3A : i32
      scf.if %cond3A_81 {
        %dma_wait3A_146 = arith.constant 0 : i32
        %dma_wait3A_147 = arith.constant 0 : i32
        %dma_wait3A_148 = tpu.memref_slice %arg4[%dma_wait3A_146, %dma_wait3A_147] : memref<4x589824xf32, #tpu.memory_space<hbm>> -> memref<4x384xf32, #tpu.memory_space<hbm>>
        %dma_wait3A_149 = arith.constant 0 : i32
        %dma_wait3A_150 = arith.constant 0 : i32
        %dma_wait3A_151 = tpu.memref_slice %arg4[%dma_wait3A_149, %dma_wait3A_150] : memref<4x589824xf32, #tpu.memory_space<hbm>> -> memref<4x384xf32, #tpu.memory_space<hbm>>
        tpu.wait_dma2 semaphore(%arg22 : memref<!tpu.dma_semaphore, #tpu.memory_space<semaphore_mem>>) src(%arg12 : memref<4x384xf32, #tpu.memory_space<vmem>>) dst(%dma_wait3A_151 : memref<4x384xf32, #tpu.memory_space<hbm>>)
        %dma_wait3A_152 = arith.constant 0 : i32
        %dma_wait3A_153 = arith.constant 0 : i32
        %dma_wait3A_154 = arith.constant 0 : i32
        %dma_wait3A_155 = tpu.memref_slice %arg7[%dma_wait3A_152, %dma_wait3A_153, %dma_wait3A_154] : memref<12288x4x384xf32, #tpu.memory_space<hbm>> -> memref<8x4x384xf32, #tpu.memory_space<hbm>>
        %dma_wait3A_156 = arith.constant 0 : i32
        %dma_wait3A_157 = arith.constant 0 : i32
        %dma_wait3A_158 = arith.constant 0 : i32
        %dma_wait3A_159 = tpu.memref_slice %arg7[%dma_wait3A_156, %dma_wait3A_157, %dma_wait3A_158] : memref<12288x4x384xf32, #tpu.memory_space<hbm>> -> memref<8x4x384xf32, #tpu.memory_space<hbm>>
        tpu.wait_dma2 semaphore(%arg24 : memref<!tpu.dma_semaphore, #tpu.memory_space<semaphore_mem>>) src(%arg14 : memref<8x4x384xf32, #tpu.memory_space<vmem>>) dst(%dma_wait3A_159 : memref<8x4x384xf32, #tpu.memory_space<hbm>>)
      } else {
      }
      %mul3A_82 = arith.constant 2 : i32
      %mul3A_83 = arith.muli %mul3A_82, %scan3A_48 : i32
      %parallel_loop3A = arith.constant 0 : i32
      %parallel_loop3A_84 = arith.constant 24 : i32
      %parallel_loop3A_85 = arith.constant 1 : i32
      scf.for %parallel_loop3A_146 = %parallel_loop3A to %parallel_loop3A_84 step %parallel_loop3A_85  : i32 {
        %parallel_loop3A_147 = arith.constant 16 : i32
        %parallel_loop3A_148 = arith.muli %parallel_loop3A_146, %parallel_loop3A_147 : i32
        %parallel_loop3A_149 = vector.broadcast %parallel_loop3A_148 : i32 to vector<16xi32>
        %parallel_loop3A_150 = arith.addi %iota3A, %parallel_loop3A_149 : vector<16xi32>
        %parallel_loop3A_151 = arith.constant 1.000000e+00 : f32
        %parallel_loop3A_152 = vector.broadcast %parallel_loop3A_151 : f32 to vector<16xf32>
        %parallel_loop3A_153 = arith.constant 0 : i32
        %parallel_loop3A_154 = arith.constant 0 : i32
        %parallel_loop3A_155 = arith.index_cast %parallel_loop3A_153 : i32 to index
        %parallel_loop3A_156 = arith.index_cast %parallel_loop3A_154 : i32 to index
        %parallel_loop3A_157 = arith.index_cast %parallel_loop3A_148 : i32 to index
        %parallel_loop3A_158 = tpu.vector_load %arg14[%parallel_loop3A_155, %parallel_loop3A_156, %parallel_loop3A_157] {strides = array<i32>} : memref<8x4x384xf32, #tpu.memory_space<vmem>>, vector<16xf32>,
        tpu.vector_store %arg14[%parallel_loop3A_155, %parallel_loop3A_156, %parallel_loop3A_157], %parallel_loop3A_152 {strides = array<i32>} : memref<8x4x384xf32, #tpu.memory_space<vmem>>, vector<16xf32>,
        %parallel_loop3A_159 = arith.constant 0 : i32
        %parallel_loop3A_160 = arith.constant 1 : i32
        %parallel_loop3A_161 = arith.index_cast %parallel_loop3A_159 : i32 to index
        %parallel_loop3A_162 = arith.index_cast %parallel_loop3A_160 : i32 to index
        %parallel_loop3A_163 = arith.index_cast %parallel_loop3A_148 : i32 to index
        %parallel_loop3A_164 = tpu.vector_load %arg14[%parallel_loop3A_161, %parallel_loop3A_162, %parallel_loop3A_163] {strides = array<i32>} : memref<8x4x384xf32, #tpu.memory_space<vmem>>, vector<16xf32>,
        tpu.vector_store %arg14[%parallel_loop3A_161, %parallel_loop3A_162, %parallel_loop3A_163], %parallel_loop3A_152 {strides = array<i32>} : memref<8x4x384xf32, #tpu.memory_space<vmem>>, vector<16xf32>,
        %parallel_loop3A_165 = arith.constant 0 : i32
        %parallel_loop3A_166 = arith.constant 2 : i32
        %parallel_loop3A_167 = arith.index_cast %parallel_loop3A_165 : i32 to index
        %parallel_loop3A_168 = arith.index_cast %parallel_loop3A_166 : i32 to index
        %parallel_loop3A_169 = arith.index_cast %parallel_loop3A_148 : i32 to index
        %parallel_loop3A_170 = tpu.vector_load %arg14[%parallel_loop3A_167, %parallel_loop3A_168, %parallel_loop3A_169] {strides = array<i32>} : memref<8x4x384xf32, #tpu.memory_space<vmem>>, vector<16xf32>,
        tpu.vector_store %arg14[%parallel_loop3A_167, %parallel_loop3A_168, %parallel_loop3A_169], %parallel_loop3A_152 {strides = array<i32>} : memref<8x4x384xf32, #tpu.memory_space<vmem>>, vector<16xf32>,
        %parallel_loop3A_171 = arith.constant 0.000000e+00 : f32
        %parallel_loop3A_172 = vector.broadcast %parallel_loop3A_171 : f32 to vector<16xf32>
        %parallel_loop3A_173 = arith.mulf %parallel_loop3A_152, %parallel_loop3A_172 : vector<16xf32>
        %parallel_loop3A_174 = arith.constant 0 : i32
        %parallel_loop3A_175 = arith.constant 3 : i32
        %parallel_loop3A_176 = arith.index_cast %parallel_loop3A_174 : i32 to index
        %parallel_loop3A_177 = arith.index_cast %parallel_loop3A_175 : i32 to index
        %parallel_loop3A_178 = arith.index_cast %parallel_loop3A_148 : i32 to index
        %parallel_loop3A_179 = tpu.vector_load %arg14[%parallel_loop3A_176, %parallel_loop3A_177, %parallel_loop3A_178] {strides = array<i32>} : memref<8x4x384xf32, #tpu.memory_space<vmem>>, vector<16xf32>,
        tpu.vector_store %arg14[%parallel_loop3A_176, %parallel_loop3A_177, %parallel_loop3A_178], %parallel_loop3A_173 {strides = array<i32>} : memref<8x4x384xf32, #tpu.memory_space<vmem>>, vector<16xf32>,
        %parallel_loop3A_180 = arith.constant 1 : i32
        %parallel_loop3A_181 = arith.constant 0 : i32
        %parallel_loop3A_182 = arith.index_cast %parallel_loop3A_180 : i32 to index
        %parallel_loop3A_183 = arith.index_cast %parallel_loop3A_181 : i32 to index
        %parallel_loop3A_184 = arith.index_cast %parallel_loop3A_148 : i32 to index
        %parallel_loop3A_185 = tpu.vector_load %arg14[%parallel_loop3A_182, %parallel_loop3A_183, %parallel_loop3A_184] {strides = array<i32>} : memref<8x4x384xf32, #tpu.memory_space<vmem>>, vector<16xf32>,
        tpu.vector_store %arg14[%parallel_loop3A_182, %parallel_loop3A_183, %parallel_loop3A_184], %parallel_loop3A_152 {strides = array<i32>} : memref<8x4x384xf32, #tpu.memory_space<vmem>>, vector<16xf32>,
        %parallel_loop3A_186 = arith.constant 1 : i32
        %parallel_loop3A_187 = arith.constant 1 : i32
        %parallel_loop3A_188 = arith.index_cast %parallel_loop3A_186 : i32 to index
        %parallel_loop3A_189 = arith.index_cast %parallel_loop3A_187 : i32 to index
        %parallel_loop3A_190 = arith.index_cast %parallel_loop3A_148 : i32 to index
        %parallel_loop3A_191 = tpu.vector_load %arg14[%parallel_loop3A_188, %parallel_loop3A_189, %parallel_loop3A_190] {strides = array<i32>} : memref<8x4x384xf32, #tpu.memory_space<vmem>>, vector<16xf32>,
        tpu.vector_store %arg14[%parallel_loop3A_188, %parallel_loop3A_189, %parallel_loop3A_190], %parallel_loop3A_152 {strides = array<i32>} : memref<8x4x384xf32, #tpu.memory_space<vmem>>, vector<16xf32>,
        %parallel_loop3A_192 = arith.constant 1 : i32
        %parallel_loop3A_193 = arith.constant 2 : i32
        %parallel_loop3A_194 = arith.index_cast %parallel_loop3A_192 : i32 to index
        %parallel_loop3A_195 = arith.index_cast %parallel_loop3A_193 : i32 to index
        %parallel_loop3A_196 = arith.index_cast %parallel_loop3A_148 : i32 to index
        %parallel_loop3A_197 = tpu.vector_load %arg14[%parallel_loop3A_194, %parallel_loop3A_195, %parallel_loop3A_196] {strides = array<i32>} : memref<8x4x384xf32, #tpu.memory_space<vmem>>, vector<16xf32>,
        tpu.vector_store %arg14[%parallel_loop3A_194, %parallel_loop3A_195, %parallel_loop3A_196], %parallel_loop3A_152 {strides = array<i32>} : memref<8x4x384xf32, #tpu.memory_space<vmem>>, vector<16xf32>,
        %parallel_loop3A_198 = arith.constant 0.000000e+00 : f32
        %parallel_loop3A_199 = vector.broadcast %parallel_loop3A_198 : f32 to vector<16xf32>
        %parallel_loop3A_200 = arith.mulf %parallel_loop3A_152, %parallel_loop3A_199 : vector<16xf32>
        %parallel_loop3A_201 = arith.constant 1 : i32
        %parallel_loop3A_202 = arith.constant 3 : i32
        %parallel_loop3A_203 = arith.index_cast %parallel_loop3A_201 : i32 to index
        %parallel_loop3A_204 = arith.index_cast %parallel_loop3A_202 : i32 to index
        %parallel_loop3A_205 = arith.index_cast %parallel_loop3A_148 : i32 to index
        %parallel_loop3A_206 = tpu.vector_load %arg14[%parallel_loop3A_203, %parallel_loop3A_204, %parallel_loop3A_205] {strides = array<i32>} : memref<8x4x384xf32, #tpu.memory_space<vmem>>, vector<16xf32>,
        tpu.vector_store %arg14[%parallel_loop3A_203, %parallel_loop3A_204, %parallel_loop3A_205], %parallel_loop3A_200 {strides = array<i32>} : memref<8x4x384xf32, #tpu.memory_space<vmem>>, vector<16xf32>,
        %parallel_loop3A_207 = arith.constant 2 : i32
        %parallel_loop3A_208 = arith.constant 0 : i32
        %parallel_loop3A_209 = arith.index_cast %parallel_loop3A_207 : i32 to index
        %parallel_loop3A_210 = arith.index_cast %parallel_loop3A_208 : i32 to index
        %parallel_loop3A_211 = arith.index_cast %parallel_loop3A_148 : i32 to index
        %parallel_loop3A_212 = tpu.vector_load %arg14[%parallel_loop3A_209, %parallel_loop3A_210, %parallel_loop3A_211] {strides = array<i32>} : memref<8x4x384xf32, #tpu.memory_space<vmem>>, vector<16xf32>,
        tpu.vector_store %arg14[%parallel_loop3A_209, %parallel_loop3A_210, %parallel_loop3A_211], %parallel_loop3A_152 {strides = array<i32>} : memref<8x4x384xf32, #tpu.memory_space<vmem>>, vector<16xf32>,
        %parallel_loop3A_213 = arith.constant 2 : i32
        %parallel_loop3A_214 = arith.constant 1 : i32
        %parallel_loop3A_215 = arith.index_cast %parallel_loop3A_213 : i32 to index
        %parallel_loop3A_216 = arith.index_cast %parallel_loop3A_214 : i32 to index
        %parallel_loop3A_217 = arith.index_cast %parallel_loop3A_148 : i32 to index
        %parallel_loop3A_218 = tpu.vector_load %arg14[%parallel_loop3A_215, %parallel_loop3A_216, %parallel_loop3A_217] {strides = array<i32>} : memref<8x4x384xf32, #tpu.memory_space<vmem>>, vector<16xf32>,
        tpu.vector_store %arg14[%parallel_loop3A_215, %parallel_loop3A_216, %parallel_loop3A_217], %parallel_loop3A_152 {strides = array<i32>} : memref<8x4x384xf32, #tpu.memory_space<vmem>>, vector<16xf32>,
        %parallel_loop3A_219 = arith.constant 2 : i32
        %parallel_loop3A_220 = arith.constant 2 : i32
        %parallel_loop3A_221 = arith.index_cast %parallel_loop3A_219 : i32 to index
        %parallel_loop3A_222 = arith.index_cast %parallel_loop3A_220 : i32 to index
        %parallel_loop3A_223 = arith.index_cast %parallel_loop3A_148 : i32 to index
        %parallel_loop3A_224 = tpu.vector_load %arg14[%parallel_loop3A_221, %parallel_loop3A_222, %parallel_loop3A_223] {strides = array<i32>} : memref<8x4x384xf32, #tpu.memory_space<vmem>>, vector<16xf32>,
        tpu.vector_store %arg14[%parallel_loop3A_221, %parallel_loop3A_222, %parallel_loop3A_223], %parallel_loop3A_152 {strides = array<i32>} : memref<8x4x384xf32, #tpu.memory_space<vmem>>, vector<16xf32>,
        %parallel_loop3A_225 = arith.constant 0.000000e+00 : f32
        %parallel_loop3A_226 = vector.broadcast %parallel_loop3A_225 : f32 to vector<16xf32>
        %parallel_loop3A_227 = arith.mulf %parallel_loop3A_152, %parallel_loop3A_226 : vector<16xf32>
        %parallel_loop3A_228 = arith.constant 2 : i32
        %parallel_loop3A_229 = arith.constant 3 : i32
        %parallel_loop3A_230 = arith.index_cast %parallel_loop3A_228 : i32 to index
        %parallel_loop3A_231 = arith.index_cast %parallel_loop3A_229 : i32 to index
        %parallel_loop3A_232 = arith.index_cast %parallel_loop3A_148 : i32 to index
        %parallel_loop3A_233 = tpu.vector_load %arg14[%parallel_loop3A_230, %parallel_loop3A_231, %parallel_loop3A_232] {strides = array<i32>} : memref<8x4x384xf32, #tpu.memory_space<vmem>>, vector<16xf32>,
        tpu.vector_store %arg14[%parallel_loop3A_230, %parallel_loop3A_231, %parallel_loop3A_232], %parallel_loop3A_227 {strides = array<i32>} : memref<8x4x384xf32, #tpu.memory_space<vmem>>, vector<16xf32>,
        %parallel_loop3A_234 = arith.constant 3 : i32
        %parallel_loop3A_235 = arith.constant 0 : i32
        %parallel_loop3A_236 = arith.index_cast %parallel_loop3A_234 : i32 to index
        %parallel_loop3A_237 = arith.index_cast %parallel_loop3A_235 : i32 to index
        %parallel_loop3A_238 = arith.index_cast %parallel_loop3A_148 : i32 to index
        %parallel_loop3A_239 = tpu.vector_load %arg14[%parallel_loop3A_236, %parallel_loop3A_237, %parallel_loop3A_238] {strides = array<i32>} : memref<8x4x384xf32, #tpu.memory_space<vmem>>, vector<16xf32>,
        tpu.vector_store %arg14[%parallel_loop3A_236, %parallel_loop3A_237, %parallel_loop3A_238], %parallel_loop3A_152 {strides = array<i32>} : memref<8x4x384xf32, #tpu.memory_space<vmem>>, vector<16xf32>,
        %parallel_loop3A_240 = arith.constant 3 : i32
        %parallel_loop3A_241 = arith.constant 1 : i32
        %parallel_loop3A_242 = arith.index_cast %parallel_loop3A_240 : i32 to index
        %parallel_loop3A_243 = arith.index_cast %parallel_loop3A_241 : i32 to index
        %parallel_loop3A_244 = arith.index_cast %parallel_loop3A_148 : i32 to index
        %parallel_loop3A_245 = tpu.vector_load %arg14[%parallel_loop3A_242, %parallel_loop3A_243, %parallel_loop3A_244] {strides = array<i32>} : memref<8x4x384xf32, #tpu.memory_space<vmem>>, vector<16xf32>,
        tpu.vector_store %arg14[%parallel_loop3A_242, %parallel_loop3A_243, %parallel_loop3A_244], %parallel_loop3A_152 {strides = array<i32>} : memref<8x4x384xf32, #tpu.memory_space<vmem>>, vector<16xf32>,
        %parallel_loop3A_246 = arith.constant 3 : i32
        %parallel_loop3A_247 = arith.constant 2 : i32
        %parallel_loop3A_248 = arith.index_cast %parallel_loop3A_246 : i32 to index
        %parallel_loop3A_249 = arith.index_cast %parallel_loop3A_247 : i32 to index
        %parallel_loop3A_250 = arith.index_cast %parallel_loop3A_148 : i32 to index
        %parallel_loop3A_251 = tpu.vector_load %arg14[%parallel_loop3A_248, %parallel_loop3A_249, %parallel_loop3A_250] {strides = array<i32>} : memref<8x4x384xf32, #tpu.memory_space<vmem>>, vector<16xf32>,
        tpu.vector_store %arg14[%parallel_loop3A_248, %parallel_loop3A_249, %parallel_loop3A_250], %parallel_loop3A_152 {strides = array<i32>} : memref<8x4x384xf32, #tpu.memory_space<vmem>>, vector<16xf32>,
        %parallel_loop3A_252 = arith.constant 0.000000e+00 : f32
        %parallel_loop3A_253 = vector.broadcast %parallel_loop3A_252 : f32 to vector<16xf32>
        %parallel_loop3A_254 = arith.mulf %parallel_loop3A_152, %parallel_loop3A_253 : vector<16xf32>
        %parallel_loop3A_255 = arith.constant 3 : i32
        %parallel_loop3A_256 = arith.constant 3 : i32
        %parallel_loop3A_257 = arith.index_cast %parallel_loop3A_255 : i32 to index
        %parallel_loop3A_258 = arith.index_cast %parallel_loop3A_256 : i32 to index
        %parallel_loop3A_259 = arith.index_cast %parallel_loop3A_148 : i32 to index
        %parallel_loop3A_260 = tpu.vector_load %arg14[%parallel_loop3A_257, %parallel_loop3A_258, %parallel_loop3A_259] {strides = array<i32>} : memref<8x4x384xf32, #tpu.memory_space<vmem>>, vector<16xf32>,
        tpu.vector_store %arg14[%parallel_loop3A_257, %parallel_loop3A_258, %parallel_loop3A_259], %parallel_loop3A_254 {strides = array<i32>} : memref<8x4x384xf32, #tpu.memory_space<vmem>>, vector<16xf32>,
        %parallel_loop3A_261 = arith.constant 4 : i32
        %parallel_loop3A_262 = arith.constant 0 : i32
        %parallel_loop3A_263 = arith.index_cast %parallel_loop3A_261 : i32 to index
        %parallel_loop3A_264 = arith.index_cast %parallel_loop3A_262 : i32 to index
        %parallel_loop3A_265 = arith.index_cast %parallel_loop3A_148 : i32 to index
        %parallel_loop3A_266 = tpu.vector_load %arg14[%parallel_loop3A_263, %parallel_loop3A_264, %parallel_loop3A_265] {strides = array<i32>} : memref<8x4x384xf32, #tpu.memory_space<vmem>>, vector<16xf32>,
        tpu.vector_store %arg14[%parallel_loop3A_263, %parallel_loop3A_264, %parallel_loop3A_265], %parallel_loop3A_152 {strides = array<i32>} : memref<8x4x384xf32, #tpu.memory_space<vmem>>, vector<16xf32>,
        %parallel_loop3A_267 = arith.constant 4 : i32
        %parallel_loop3A_268 = arith.constant 1 : i32
        %parallel_loop3A_269 = arith.index_cast %parallel_loop3A_267 : i32 to index
        %parallel_loop3A_270 = arith.index_cast %parallel_loop3A_268 : i32 to index
        %parallel_loop3A_271 = arith.index_cast %parallel_loop3A_148 : i32 to index
        %parallel_loop3A_272 = tpu.vector_load %arg14[%parallel_loop3A_269, %parallel_loop3A_270, %parallel_loop3A_271] {strides = array<i32>} : memref<8x4x384xf32, #tpu.memory_space<vmem>>, vector<16xf32>,
        tpu.vector_store %arg14[%parallel_loop3A_269, %parallel_loop3A_270, %parallel_loop3A_271], %parallel_loop3A_152 {strides = array<i32>} : memref<8x4x384xf32, #tpu.memory_space<vmem>>, vector<16xf32>,
        %parallel_loop3A_273 = arith.constant 4 : i32
        %parallel_loop3A_274 = arith.constant 2 : i32
        %parallel_loop3A_275 = arith.index_cast %parallel_loop3A_273 : i32 to index
        %parallel_loop3A_276 = arith.index_cast %parallel_loop3A_274 : i32 to index
        %parallel_loop3A_277 = arith.index_cast %parallel_loop3A_148 : i32 to index
        %parallel_loop3A_278 = tpu.vector_load %arg14[%parallel_loop3A_275, %parallel_loop3A_276, %parallel_loop3A_277] {strides = array<i32>} : memref<8x4x384xf32, #tpu.memory_space<vmem>>, vector<16xf32>,
        tpu.vector_store %arg14[%parallel_loop3A_275, %parallel_loop3A_276, %parallel_loop3A_277], %parallel_loop3A_152 {strides = array<i32>} : memref<8x4x384xf32, #tpu.memory_space<vmem>>, vector<16xf32>,
        %parallel_loop3A_279 = arith.constant 0.000000e+00 : f32
        %parallel_loop3A_280 = vector.broadcast %parallel_loop3A_279 : f32 to vector<16xf32>
        %parallel_loop3A_281 = arith.mulf %parallel_loop3A_152, %parallel_loop3A_280 : vector<16xf32>
        %parallel_loop3A_282 = arith.constant 4 : i32
        %parallel_loop3A_283 = arith.constant 3 : i32
        %parallel_loop3A_284 = arith.index_cast %parallel_loop3A_282 : i32 to index
        %parallel_loop3A_285 = arith.index_cast %parallel_loop3A_283 : i32 to index
        %parallel_loop3A_286 = arith.index_cast %parallel_loop3A_148 : i32 to index
        %parallel_loop3A_287 = tpu.vector_load %arg14[%parallel_loop3A_284, %parallel_loop3A_285, %parallel_loop3A_286] {strides = array<i32>} : memref<8x4x384xf32, #tpu.memory_space<vmem>>, vector<16xf32>,
        tpu.vector_store %arg14[%parallel_loop3A_284, %parallel_loop3A_285, %parallel_loop3A_286], %parallel_loop3A_281 {strides = array<i32>} : memref<8x4x384xf32, #tpu.memory_space<vmem>>, vector<16xf32>,
        %parallel_loop3A_288 = arith.constant 5 : i32
        %parallel_loop3A_289 = arith.constant 0 : i32
        %parallel_loop3A_290 = arith.index_cast %parallel_loop3A_288 : i32 to index
        %parallel_loop3A_291 = arith.index_cast %parallel_loop3A_289 : i32 to index
        %parallel_loop3A_292 = arith.index_cast %parallel_loop3A_148 : i32 to index
        %parallel_loop3A_293 = tpu.vector_load %arg14[%parallel_loop3A_290, %parallel_loop3A_291, %parallel_loop3A_292] {strides = array<i32>} : memref<8x4x384xf32, #tpu.memory_space<vmem>>, vector<16xf32>,
        tpu.vector_store %arg14[%parallel_loop3A_290, %parallel_loop3A_291, %parallel_loop3A_292], %parallel_loop3A_152 {strides = array<i32>} : memref<8x4x384xf32, #tpu.memory_space<vmem>>, vector<16xf32>,
        %parallel_loop3A_294 = arith.constant 5 : i32
        %parallel_loop3A_295 = arith.constant 1 : i32
        %parallel_loop3A_296 = arith.index_cast %parallel_loop3A_294 : i32 to index
        %parallel_loop3A_297 = arith.index_cast %parallel_loop3A_295 : i32 to index
        %parallel_loop3A_298 = arith.index_cast %parallel_loop3A_148 : i32 to index
        %parallel_loop3A_299 = tpu.vector_load %arg14[%parallel_loop3A_296, %parallel_loop3A_297, %parallel_loop3A_298] {strides = array<i32>} : memref<8x4x384xf32, #tpu.memory_space<vmem>>, vector<16xf32>,
        tpu.vector_store %arg14[%parallel_loop3A_296, %parallel_loop3A_297, %parallel_loop3A_298], %parallel_loop3A_152 {strides = array<i32>} : memref<8x4x384xf32, #tpu.memory_space<vmem>>, vector<16xf32>,
        %parallel_loop3A_300 = arith.constant 5 : i32
        %parallel_loop3A_301 = arith.constant 2 : i32
        %parallel_loop3A_302 = arith.index_cast %parallel_loop3A_300 : i32 to index
        %parallel_loop3A_303 = arith.index_cast %parallel_loop3A_301 : i32 to index
        %parallel_loop3A_304 = arith.index_cast %parallel_loop3A_148 : i32 to index
        %parallel_loop3A_305 = tpu.vector_load %arg14[%parallel_loop3A_302, %parallel_loop3A_303, %parallel_loop3A_304] {strides = array<i32>} : memref<8x4x384xf32, #tpu.memory_space<vmem>>, vector<16xf32>,
        tpu.vector_store %arg14[%parallel_loop3A_302, %parallel_loop3A_303, %parallel_loop3A_304], %parallel_loop3A_152 {strides = array<i32>} : memref<8x4x384xf32, #tpu.memory_space<vmem>>, vector<16xf32>,
        %parallel_loop3A_306 = arith.constant 0.000000e+00 : f32
        %parallel_loop3A_307 = vector.broadcast %parallel_loop3A_306 : f32 to vector<16xf32>
        %parallel_loop3A_308 = arith.mulf %parallel_loop3A_152, %parallel_loop3A_307 : vector<16xf32>
        %parallel_loop3A_309 = arith.constant 5 : i32
        %parallel_loop3A_310 = arith.constant 3 : i32
        %parallel_loop3A_311 = arith.index_cast %parallel_loop3A_309 : i32 to index
        %parallel_loop3A_312 = arith.index_cast %parallel_loop3A_310 : i32 to index
        %parallel_loop3A_313 = arith.index_cast %parallel_loop3A_148 : i32 to index
        %parallel_loop3A_314 = tpu.vector_load %arg14[%parallel_loop3A_311, %parallel_loop3A_312, %parallel_loop3A_313] {strides = array<i32>} : memref<8x4x384xf32, #tpu.memory_space<vmem>>, vector<16xf32>,
        tpu.vector_store %arg14[%parallel_loop3A_311, %parallel_loop3A_312, %parallel_loop3A_313], %parallel_loop3A_308 {strides = array<i32>} : memref<8x4x384xf32, #tpu.memory_space<vmem>>, vector<16xf32>,
        %parallel_loop3A_315 = arith.constant 6 : i32
        %parallel_loop3A_316 = arith.constant 0 : i32
        %parallel_loop3A_317 = arith.index_cast %parallel_loop3A_315 : i32 to index
        %parallel_loop3A_318 = arith.index_cast %parallel_loop3A_316 : i32 to index
        %parallel_loop3A_319 = arith.index_cast %parallel_loop3A_148 : i32 to index
        %parallel_loop3A_320 = tpu.vector_load %arg14[%parallel_loop3A_317, %parallel_loop3A_318, %parallel_loop3A_319] {strides = array<i32>} : memref<8x4x384xf32, #tpu.memory_space<vmem>>, vector<16xf32>,
        tpu.vector_store %arg14[%parallel_loop3A_317, %parallel_loop3A_318, %parallel_loop3A_319], %parallel_loop3A_152 {strides = array<i32>} : memref<8x4x384xf32, #tpu.memory_space<vmem>>, vector<16xf32>,
        %parallel_loop3A_321 = arith.constant 6 : i32
        %parallel_loop3A_322 = arith.constant 1 : i32
        %parallel_loop3A_323 = arith.index_cast %parallel_loop3A_321 : i32 to index
        %parallel_loop3A_324 = arith.index_cast %parallel_loop3A_322 : i32 to index
        %parallel_loop3A_325 = arith.index_cast %parallel_loop3A_148 : i32 to index
        %parallel_loop3A_326 = tpu.vector_load %arg14[%parallel_loop3A_323, %parallel_loop3A_324, %parallel_loop3A_325] {strides = array<i32>} : memref<8x4x384xf32, #tpu.memory_space<vmem>>, vector<16xf32>,
        tpu.vector_store %arg14[%parallel_loop3A_323, %parallel_loop3A_324, %parallel_loop3A_325], %parallel_loop3A_152 {strides = array<i32>} : memref<8x4x384xf32, #tpu.memory_space<vmem>>, vector<16xf32>,
        %parallel_loop3A_327 = arith.constant 6 : i32
        %parallel_loop3A_328 = arith.constant 2 : i32
        %parallel_loop3A_329 = arith.index_cast %parallel_loop3A_327 : i32 to index
        %parallel_loop3A_330 = arith.index_cast %parallel_loop3A_328 : i32 to index
        %parallel_loop3A_331 = arith.index_cast %parallel_loop3A_148 : i32 to index
        %parallel_loop3A_332 = tpu.vector_load %arg14[%parallel_loop3A_329, %parallel_loop3A_330, %parallel_loop3A_331] {strides = array<i32>} : memref<8x4x384xf32, #tpu.memory_space<vmem>>, vector<16xf32>,
        tpu.vector_store %arg14[%parallel_loop3A_329, %parallel_loop3A_330, %parallel_loop3A_331], %parallel_loop3A_152 {strides = array<i32>} : memref<8x4x384xf32, #tpu.memory_space<vmem>>, vector<16xf32>,
        %parallel_loop3A_333 = arith.constant 0.000000e+00 : f32
        %parallel_loop3A_334 = vector.broadcast %parallel_loop3A_333 : f32 to vector<16xf32>
        %parallel_loop3A_335 = arith.mulf %parallel_loop3A_152, %parallel_loop3A_334 : vector<16xf32>
        %parallel_loop3A_336 = arith.constant 6 : i32
        %parallel_loop3A_337 = arith.constant 3 : i32
        %parallel_loop3A_338 = arith.index_cast %parallel_loop3A_336 : i32 to index
        %parallel_loop3A_339 = arith.index_cast %parallel_loop3A_337 : i32 to index
        %parallel_loop3A_340 = arith.index_cast %parallel_loop3A_148 : i32 to index
        %parallel_loop3A_341 = tpu.vector_load %arg14[%parallel_loop3A_338, %parallel_loop3A_339, %parallel_loop3A_340] {strides = array<i32>} : memref<8x4x384xf32, #tpu.memory_space<vmem>>, vector<16xf32>,
        tpu.vector_store %arg14[%parallel_loop3A_338, %parallel_loop3A_339, %parallel_loop3A_340], %parallel_loop3A_335 {strides = array<i32>} : memref<8x4x384xf32, #tpu.memory_space<vmem>>, vector<16xf32>,
        %parallel_loop3A_342 = arith.constant 7 : i32
        %parallel_loop3A_343 = arith.constant 0 : i32
        %parallel_loop3A_344 = arith.index_cast %parallel_loop3A_342 : i32 to index
        %parallel_loop3A_345 = arith.index_cast %parallel_loop3A_343 : i32 to index
        %parallel_loop3A_346 = arith.index_cast %parallel_loop3A_148 : i32 to index
        %parallel_loop3A_347 = tpu.vector_load %arg14[%parallel_loop3A_344, %parallel_loop3A_345, %parallel_loop3A_346] {strides = array<i32>} : memref<8x4x384xf32, #tpu.memory_space<vmem>>, vector<16xf32>,
        tpu.vector_store %arg14[%parallel_loop3A_344, %parallel_loop3A_345, %parallel_loop3A_346], %parallel_loop3A_152 {strides = array<i32>} : memref<8x4x384xf32, #tpu.memory_space<vmem>>, vector<16xf32>,
        %parallel_loop3A_348 = arith.constant 7 : i32
        %parallel_loop3A_349 = arith.constant 1 : i32
        %parallel_loop3A_350 = arith.index_cast %parallel_loop3A_348 : i32 to index
        %parallel_loop3A_351 = arith.index_cast %parallel_loop3A_349 : i32 to index
        %parallel_loop3A_352 = arith.index_cast %parallel_loop3A_148 : i32 to index
        %parallel_loop3A_353 = tpu.vector_load %arg14[%parallel_loop3A_350, %parallel_loop3A_351, %parallel_loop3A_352] {strides = array<i32>} : memref<8x4x384xf32, #tpu.memory_space<vmem>>, vector<16xf32>,
        tpu.vector_store %arg14[%parallel_loop3A_350, %parallel_loop3A_351, %parallel_loop3A_352], %parallel_loop3A_152 {strides = array<i32>} : memref<8x4x384xf32, #tpu.memory_space<vmem>>, vector<16xf32>,
        %parallel_loop3A_354 = arith.constant 7 : i32
        %parallel_loop3A_355 = arith.constant 2 : i32
        %parallel_loop3A_356 = arith.index_cast %parallel_loop3A_354 : i32 to index
        %parallel_loop3A_357 = arith.index_cast %parallel_loop3A_355 : i32 to index
        %parallel_loop3A_358 = arith.index_cast %parallel_loop3A_148 : i32 to index
        %parallel_loop3A_359 = tpu.vector_load %arg14[%parallel_loop3A_356, %parallel_loop3A_357, %parallel_loop3A_358] {strides = array<i32>} : memref<8x4x384xf32, #tpu.memory_space<vmem>>, vector<16xf32>,
        tpu.vector_store %arg14[%parallel_loop3A_356, %parallel_loop3A_357, %parallel_loop3A_358], %parallel_loop3A_152 {strides = array<i32>} : memref<8x4x384xf32, #tpu.memory_space<vmem>>, vector<16xf32>,
        %parallel_loop3A_360 = arith.constant 0.000000e+00 : f32
        %parallel_loop3A_361 = vector.broadcast %parallel_loop3A_360 : f32 to vector<16xf32>
        %parallel_loop3A_362 = arith.mulf %parallel_loop3A_152, %parallel_loop3A_361 : vector<16xf32>
        %parallel_loop3A_363 = arith.constant 7 : i32
        %parallel_loop3A_364 = arith.constant 3 : i32
        %parallel_loop3A_365 = arith.index_cast %parallel_loop3A_363 : i32 to index
        %parallel_loop3A_366 = arith.index_cast %parallel_loop3A_364 : i32 to index
        %parallel_loop3A_367 = arith.index_cast %parallel_loop3A_148 : i32 to index
        %parallel_loop3A_368 = tpu.vector_load %arg14[%parallel_loop3A_365, %parallel_loop3A_366, %parallel_loop3A_367] {strides = array<i32>} : memref<8x4x384xf32, #tpu.memory_space<vmem>>, vector<16xf32>,
        tpu.vector_store %arg14[%parallel_loop3A_365, %parallel_loop3A_366, %parallel_loop3A_367], %parallel_loop3A_362 {strides = array<i32>} : memref<8x4x384xf32, #tpu.memory_space<vmem>>, vector<16xf32>,
        %parallel_loop3A_369 = arith.constant 0.000000e+00 : f32
        %parallel_loop3A_370 = vector.broadcast %parallel_loop3A_369 : f32 to vector<16xf32>
        %parallel_loop3A_371 = arith.constant 1.000000e+02 : f32
        %parallel_loop3A_372 = vector.broadcast %parallel_loop3A_371 : f32 to vector<16xf32>
        %parallel_loop3A_373 = arith.constant 8.000000e+00 : f32
        %parallel_loop3A_374 = vector.broadcast %parallel_loop3A_373 : f32 to vector<16xf32>
        %parallel_loop3A_375 = arith.constant 0 : i32
        %parallel_loop3A_376 = vector.broadcast %parallel_loop3A_375 : i32 to vector<16xi32>
        %parallel_loop3A_377 = arith.muli %iota3A, %parallel_loop3A_376 : vector<16xi32>
        %parallel_loop3A_378 = arith.constant 7 : i32
        %parallel_loop3A_379 = arith.index_cast %parallel_loop3A_378 : i32 to index
        %parallel_loop3A_380 = arith.index_cast %parallel_loop3A_148 : i32 to index
        %parallel_loop3A_381 = tpu.vector_load %arg8[%parallel_loop3A_379, %parallel_loop3A_380] {strides = array<i32>} : memref<40x384xf32, #tpu.memory_space<vmem>>, vector<16xf32>,
        %parallel_loop3A_382 = arith.constant 15 : i32
        %parallel_loop3A_383 = arith.index_cast %parallel_loop3A_382 : i32 to index
        %parallel_loop3A_384 = arith.index_cast %parallel_loop3A_148 : i32 to index
        %parallel_loop3A_385 = tpu.vector_load %arg8[%parallel_loop3A_383, %parallel_loop3A_384] {strides = array<i32>} : memref<40x384xf32, #tpu.memory_space<vmem>>, vector<16xf32>,
        %parallel_loop3A_386 = arith.constant 23 : i32
        %parallel_loop3A_387 = arith.index_cast %parallel_loop3A_386 : i32 to index
        %parallel_loop3A_388 = arith.index_cast %parallel_loop3A_148 : i32 to index
        %parallel_loop3A_389 = tpu.vector_load %arg8[%parallel_loop3A_387, %parallel_loop3A_388] {strides = array<i32>} : memref<40x384xf32, #tpu.memory_space<vmem>>, vector<16xf32>,
        %parallel_loop3A_390 = arith.constant 31 : i32
        %parallel_loop3A_391 = arith.index_cast %parallel_loop3A_390 : i32 to index
        %parallel_loop3A_392 = arith.index_cast %parallel_loop3A_148 : i32 to index
        %parallel_loop3A_393 = tpu.vector_load %arg8[%parallel_loop3A_391, %parallel_loop3A_392] {strides = array<i32>} : memref<40x384xf32, #tpu.memory_space<vmem>>, vector<16xf32>,
        %parallel_loop3A_394 = arith.constant 39 : i32
        %parallel_loop3A_395 = arith.index_cast %parallel_loop3A_394 : i32 to index
        %parallel_loop3A_396 = arith.index_cast %parallel_loop3A_148 : i32 to index
        %parallel_loop3A_397 = tpu.vector_load %arg8[%parallel_loop3A_395, %parallel_loop3A_396] {strides = array<i32>} : memref<40x384xf32, #tpu.memory_space<vmem>>, vector<16xf32>,
        %parallel_loop3A_398 = arith.constant 7 : i32
        %parallel_loop3A_399 = arith.index_cast %parallel_loop3A_398 : i32 to index
        %parallel_loop3A_400 = arith.index_cast %parallel_loop3A_148 : i32 to index
        %parallel_loop3A_401 = tpu.vector_load %arg10[%parallel_loop3A_399, %parallel_loop3A_400] {strides = array<i32>} : memref<8x384xf32, #tpu.memory_space<vmem>>, vector<16xf32>,
        %parallel_loop3A_402 = arith.constant 1.000000e+00 : f32
        %parallel_loop3A_403 = vector.broadcast %parallel_loop3A_402 : f32 to vector<16xf32>
        %parallel_loop3A_404 = arith.subf %parallel_loop3A_403, %parallel_loop3A_393 : vector<16xf32>
        %parallel_loop3A_405 = arith.mulf %parallel_loop3A_381, %parallel_loop3A_393 : vector<16xf32>
        %parallel_loop3A_406 = arith.mulf %parallel_loop3A_152, %parallel_loop3A_404 : vector<16xf32>
        %parallel_loop3A_407 = arith.addf %parallel_loop3A_405, %parallel_loop3A_406 : vector<16xf32>
        %parallel_loop3A_408 = arith.mulf %parallel_loop3A_385, %parallel_loop3A_393 : vector<16xf32>
        %parallel_loop3A_409 = arith.mulf %parallel_loop3A_152, %parallel_loop3A_404 : vector<16xf32>
        %parallel_loop3A_410 = arith.addf %parallel_loop3A_408, %parallel_loop3A_409 : vector<16xf32>
        %parallel_loop3A_411 = arith.mulf %parallel_loop3A_389, %parallel_loop3A_393 : vector<16xf32>
        %parallel_loop3A_412 = arith.mulf %parallel_loop3A_152, %parallel_loop3A_404 : vector<16xf32>
        %parallel_loop3A_413 = arith.addf %parallel_loop3A_411, %parallel_loop3A_412 : vector<16xf32>
        %parallel_loop3A_414 = arith.maximumf %parallel_loop3A_393, %parallel_loop3A_370 : vector<16xf32>
        %parallel_loop3A_415 = arith.constant 0.000000e+00 : f32
        %parallel_loop3A_416 = vector.broadcast %parallel_loop3A_415 : f32 to vector<16xf32>
        %parallel_loop3A_417 = arith.cmpf oge, %parallel_loop3A_401, %parallel_loop3A_416 : vector<16xf32>
        %parallel_loop3A_418 = arith.constant 0.000000e+00 : f32
        %parallel_loop3A_419 = vector.broadcast %parallel_loop3A_418 : f32 to vector<16xf32>
        %parallel_loop3A_420 = arith.cmpf ogt, %parallel_loop3A_401, %parallel_loop3A_419 : vector<16xf32>
        %parallel_loop3A_421 = arith.mulf %parallel_loop3A_401, %parallel_loop3A_393 : vector<16xf32>
        %parallel_loop3A_422 = arith.mulf %parallel_loop3A_372, %parallel_loop3A_404 : vector<16xf32>
        %parallel_loop3A_423 = arith.addf %parallel_loop3A_421, %parallel_loop3A_422 : vector<16xf32>
        %parallel_loop3A_424 = arith.select %parallel_loop3A_420, %parallel_loop3A_423, %parallel_loop3A_372 : vector<16xi1>, vector<16xf32>
        %parallel_loop3A_425 = arith.constant 5.000000e-01 : f32
        %parallel_loop3A_426 = vector.broadcast %parallel_loop3A_425 : f32 to vector<16xf32>
        %parallel_loop3A_427 = arith.cmpf ogt, %parallel_loop3A_393, %parallel_loop3A_426 : vector<16xf32>
        %parallel_loop3A_428 = arith.andi %parallel_loop3A_417, %parallel_loop3A_427 : vector<16xi1>
        %parallel_loop3A_429 = arith.select %parallel_loop3A_428, %parallel_loop3A_397, %parallel_loop3A_374 : vector<16xi1>, vector<16xf32>
        %parallel_loop3A_430 = arith.constant 0x4B000000 : f32
        %parallel_loop3A_431 = vector.broadcast %parallel_loop3A_430 : f32 to vector<16xf32>
        %parallel_loop3A_432 = arith.addf %parallel_loop3A_397, %parallel_loop3A_431 : vector<16xf32>
        %parallel_loop3A_433 = arith.constant 0x4B000000 : f32
        %parallel_loop3A_434 = vector.broadcast %parallel_loop3A_433 : f32 to vector<16xf32>
        %parallel_loop3A_435 = arith.subf %parallel_loop3A_432, %parallel_loop3A_434 : vector<16xf32>
        %parallel_loop3A_436 = arith.fptosi %parallel_loop3A_435 : vector<16xf32> to vector<16xi32>
        %parallel_loop3A_437 = arith.mulf %parallel_loop3A_381, %parallel_loop3A_393 : vector<16xf32>
        %parallel_loop3A_438 = arith.addf %parallel_loop3A_437, %parallel_loop3A_404 : vector<16xf32>
        tpu.vector_store_idx %arg14[%parallel_loop3A_436, %parallel_loop3A_377, %parallel_loop3A_150], %parallel_loop3A_438 masked %parallel_loop3A_417 : memref<8x4x384xf32, #tpu.memory_space<vmem>>[vector<16xi32>, vector<16xi32>, vector<16xi32>], vector<16xf32>, vector<16xi1>
        %parallel_loop3A_439 = arith.constant 1 : i32
        %parallel_loop3A_440 = vector.broadcast %parallel_loop3A_439 : i32 to vector<16xi32>
        %parallel_loop3A_441 = arith.addi %parallel_loop3A_377, %parallel_loop3A_440 : vector<16xi32>
        %parallel_loop3A_442 = arith.mulf %parallel_loop3A_385, %parallel_loop3A_393 : vector<16xf32>
        %parallel_loop3A_443 = arith.addf %parallel_loop3A_442, %parallel_loop3A_404 : vector<16xf32>
        tpu.vector_store_idx %arg14[%parallel_loop3A_436, %parallel_loop3A_441, %parallel_loop3A_150], %parallel_loop3A_443 masked %parallel_loop3A_417 : memref<8x4x384xf32, #tpu.memory_space<vmem>>[vector<16xi32>, vector<16xi32>, vector<16xi32>], vector<16xf32>, vector<16xi1>
        %parallel_loop3A_444 = arith.constant 2 : i32
        %parallel_loop3A_445 = vector.broadcast %parallel_loop3A_444 : i32 to vector<16xi32>
        %parallel_loop3A_446 = arith.addi %parallel_loop3A_377, %parallel_loop3A_445 : vector<16xi32>
        %parallel_loop3A_447 = arith.mulf %parallel_loop3A_389, %parallel_loop3A_393 : vector<16xf32>
        %parallel_loop3A_448 = arith.addf %parallel_loop3A_447, %parallel_loop3A_404 : vector<16xf32>
        tpu.vector_store_idx %arg14[%parallel_loop3A_436, %parallel_loop3A_446, %parallel_loop3A_150], %parallel_loop3A_448 masked %parallel_loop3A_417 : memref<8x4x384xf32, #tpu.memory_space<vmem>>[vector<16xi32>, vector<16xi32>, vector<16xi32>], vector<16xf32>, vector<16xi1>
        %parallel_loop3A_449 = arith.constant 3 : i32
        %parallel_loop3A_450 = vector.broadcast %parallel_loop3A_449 : i32 to vector<16xi32>
        %parallel_loop3A_451 = arith.addi %parallel_loop3A_377, %parallel_loop3A_450 : vector<16xi32>
        tpu.vector_store_idx %arg14[%parallel_loop3A_436, %parallel_loop3A_451, %parallel_loop3A_150], %parallel_loop3A_393 masked %parallel_loop3A_417 : memref<8x4x384xf32, #tpu.memory_space<vmem>>[vector<16xi32>, vector<16xi32>, vector<16xi32>], vector<16xf32>, vector<16xi1>
        %parallel_loop3A_452 = arith.constant 6 : i32
        %parallel_loop3A_453 = arith.index_cast %parallel_loop3A_452 : i32 to index
        %parallel_loop3A_454 = arith.index_cast %parallel_loop3A_148 : i32 to index
        %parallel_loop3A_455 = tpu.vector_load %arg8[%parallel_loop3A_453, %parallel_loop3A_454] {strides = array<i32>} : memref<40x384xf32, #tpu.memory_space<vmem>>, vector<16xf32>,
        %parallel_loop3A_456 = arith.constant 14 : i32
        %parallel_loop3A_457 = arith.index_cast %parallel_loop3A_456 : i32 to index
        %parallel_loop3A_458 = arith.index_cast %parallel_loop3A_148 : i32 to index
        %parallel_loop3A_459 = tpu.vector_load %arg8[%parallel_loop3A_457, %parallel_loop3A_458] {strides = array<i32>} : memref<40x384xf32, #tpu.memory_space<vmem>>, vector<16xf32>,
        %parallel_loop3A_460 = arith.constant 22 : i32
        %parallel_loop3A_461 = arith.index_cast %parallel_loop3A_460 : i32 to index
        %parallel_loop3A_462 = arith.index_cast %parallel_loop3A_148 : i32 to index
        %parallel_loop3A_463 = tpu.vector_load %arg8[%parallel_loop3A_461, %parallel_loop3A_462] {strides = array<i32>} : memref<40x384xf32, #tpu.memory_space<vmem>>, vector<16xf32>,
        %parallel_loop3A_464 = arith.constant 30 : i32
        %parallel_loop3A_465 = arith.index_cast %parallel_loop3A_464 : i32 to index
        %parallel_loop3A_466 = arith.index_cast %parallel_loop3A_148 : i32 to index
        %parallel_loop3A_467 = tpu.vector_load %arg8[%parallel_loop3A_465, %parallel_loop3A_466] {strides = array<i32>} : memref<40x384xf32, #tpu.memory_space<vmem>>, vector<16xf32>,
        %parallel_loop3A_468 = arith.constant 38 : i32
        %parallel_loop3A_469 = arith.index_cast %parallel_loop3A_468 : i32 to index
        %parallel_loop3A_470 = arith.index_cast %parallel_loop3A_148 : i32 to index
        %parallel_loop3A_471 = tpu.vector_load %arg8[%parallel_loop3A_469, %parallel_loop3A_470] {strides = array<i32>} : memref<40x384xf32, #tpu.memory_space<vmem>>, vector<16xf32>,
        %parallel_loop3A_472 = arith.constant 6 : i32
        %parallel_loop3A_473 = arith.index_cast %parallel_loop3A_472 : i32 to index
        %parallel_loop3A_474 = arith.index_cast %parallel_loop3A_148 : i32 to index
        %parallel_loop3A_475 = tpu.vector_load %arg10[%parallel_loop3A_473, %parallel_loop3A_474] {strides = array<i32>} : memref<8x384xf32, #tpu.memory_space<vmem>>, vector<16xf32>,
        %parallel_loop3A_476 = arith.constant 1.000000e+00 : f32
        %parallel_loop3A_477 = vector.broadcast %parallel_loop3A_476 : f32 to vector<16xf32>
        %parallel_loop3A_478 = arith.subf %parallel_loop3A_477, %parallel_loop3A_467 : vector<16xf32>
        %parallel_loop3A_479 = arith.mulf %parallel_loop3A_455, %parallel_loop3A_467 : vector<16xf32>
        %parallel_loop3A_480 = arith.mulf %parallel_loop3A_407, %parallel_loop3A_478 : vector<16xf32>
        %parallel_loop3A_481 = arith.addf %parallel_loop3A_479, %parallel_loop3A_480 : vector<16xf32>
        %parallel_loop3A_482 = arith.mulf %parallel_loop3A_459, %parallel_loop3A_467 : vector<16xf32>
        %parallel_loop3A_483 = arith.mulf %parallel_loop3A_410, %parallel_loop3A_478 : vector<16xf32>
        %parallel_loop3A_484 = arith.addf %parallel_loop3A_482, %parallel_loop3A_483 : vector<16xf32>
        %parallel_loop3A_485 = arith.mulf %parallel_loop3A_463, %parallel_loop3A_467 : vector<16xf32>
        %parallel_loop3A_486 = arith.mulf %parallel_loop3A_413, %parallel_loop3A_478 : vector<16xf32>
        %parallel_loop3A_487 = arith.addf %parallel_loop3A_485, %parallel_loop3A_486 : vector<16xf32>
        %parallel_loop3A_488 = arith.maximumf %parallel_loop3A_467, %parallel_loop3A_414 : vector<16xf32>
        %parallel_loop3A_489 = arith.constant 0.000000e+00 : f32
        %parallel_loop3A_490 = vector.broadcast %parallel_loop3A_489 : f32 to vector<16xf32>
        %parallel_loop3A_491 = arith.cmpf oge, %parallel_loop3A_475, %parallel_loop3A_490 : vector<16xf32>
        %parallel_loop3A_492 = arith.constant 0.000000e+00 : f32
        %parallel_loop3A_493 = vector.broadcast %parallel_loop3A_492 : f32 to vector<16xf32>
        %parallel_loop3A_494 = arith.cmpf ogt, %parallel_loop3A_475, %parallel_loop3A_493 : vector<16xf32>
        %parallel_loop3A_495 = arith.mulf %parallel_loop3A_475, %parallel_loop3A_467 : vector<16xf32>
        %parallel_loop3A_496 = arith.mulf %parallel_loop3A_424, %parallel_loop3A_478 : vector<16xf32>
        %parallel_loop3A_497 = arith.addf %parallel_loop3A_495, %parallel_loop3A_496 : vector<16xf32>
        %parallel_loop3A_498 = arith.select %parallel_loop3A_494, %parallel_loop3A_497, %parallel_loop3A_424 : vector<16xi1>, vector<16xf32>
        %parallel_loop3A_499 = arith.constant 5.000000e-01 : f32
        %parallel_loop3A_500 = vector.broadcast %parallel_loop3A_499 : f32 to vector<16xf32>
        %parallel_loop3A_501 = arith.cmpf ogt, %parallel_loop3A_467, %parallel_loop3A_500 : vector<16xf32>
        %parallel_loop3A_502 = arith.andi %parallel_loop3A_491, %parallel_loop3A_501 : vector<16xi1>
        %parallel_loop3A_503 = arith.select %parallel_loop3A_502, %parallel_loop3A_471, %parallel_loop3A_429 : vector<16xi1>, vector<16xf32>
        %parallel_loop3A_504 = arith.constant 0x4B000000 : f32
        %parallel_loop3A_505 = vector.broadcast %parallel_loop3A_504 : f32 to vector<16xf32>
        %parallel_loop3A_506 = arith.addf %parallel_loop3A_471, %parallel_loop3A_505 : vector<16xf32>
        %parallel_loop3A_507 = arith.constant 0x4B000000 : f32
        %parallel_loop3A_508 = vector.broadcast %parallel_loop3A_507 : f32 to vector<16xf32>
        %parallel_loop3A_509 = arith.subf %parallel_loop3A_506, %parallel_loop3A_508 : vector<16xf32>
        %parallel_loop3A_510 = arith.fptosi %parallel_loop3A_509 : vector<16xf32> to vector<16xi32>
        %parallel_loop3A_511 = arith.mulf %parallel_loop3A_455, %parallel_loop3A_467 : vector<16xf32>
        %parallel_loop3A_512 = arith.addf %parallel_loop3A_511, %parallel_loop3A_478 : vector<16xf32>
        tpu.vector_store_idx %arg14[%parallel_loop3A_510, %parallel_loop3A_377, %parallel_loop3A_150], %parallel_loop3A_512 masked %parallel_loop3A_491 : memref<8x4x384xf32, #tpu.memory_space<vmem>>[vector<16xi32>, vector<16xi32>, vector<16xi32>], vector<16xf32>, vector<16xi1>
        %parallel_loop3A_513 = arith.constant 1 : i32
        %parallel_loop3A_514 = vector.broadcast %parallel_loop3A_513 : i32 to vector<16xi32>
        %parallel_loop3A_515 = arith.addi %parallel_loop3A_377, %parallel_loop3A_514 : vector<16xi32>
        %parallel_loop3A_516 = arith.mulf %parallel_loop3A_459, %parallel_loop3A_467 : vector<16xf32>
        %parallel_loop3A_517 = arith.addf %parallel_loop3A_516, %parallel_loop3A_478 : vector<16xf32>
        tpu.vector_store_idx %arg14[%parallel_loop3A_510, %parallel_loop3A_515, %parallel_loop3A_150], %parallel_loop3A_517 masked %parallel_loop3A_491 : memref<8x4x384xf32, #tpu.memory_space<vmem>>[vector<16xi32>, vector<16xi32>, vector<16xi32>], vector<16xf32>, vector<16xi1>
        %parallel_loop3A_518 = arith.constant 2 : i32
        %parallel_loop3A_519 = vector.broadcast %parallel_loop3A_518 : i32 to vector<16xi32>
        %parallel_loop3A_520 = arith.addi %parallel_loop3A_377, %parallel_loop3A_519 : vector<16xi32>
        %parallel_loop3A_521 = arith.mulf %parallel_loop3A_463, %parallel_loop3A_467 : vector<16xf32>
        %parallel_loop3A_522 = arith.addf %parallel_loop3A_521, %parallel_loop3A_478 : vector<16xf32>
        tpu.vector_store_idx %arg14[%parallel_loop3A_510, %parallel_loop3A_520, %parallel_loop3A_150], %parallel_loop3A_522 masked %parallel_loop3A_491 : memref<8x4x384xf32, #tpu.memory_space<vmem>>[vector<16xi32>, vector<16xi32>, vector<16xi32>], vector<16xf32>, vector<16xi1>
        %parallel_loop3A_523 = arith.constant 3 : i32
        %parallel_loop3A_524 = vector.broadcast %parallel_loop3A_523 : i32 to vector<16xi32>
        %parallel_loop3A_525 = arith.addi %parallel_loop3A_377, %parallel_loop3A_524 : vector<16xi32>
        tpu.vector_store_idx %arg14[%parallel_loop3A_510, %parallel_loop3A_525, %parallel_loop3A_150], %parallel_loop3A_467 masked %parallel_loop3A_491 : memref<8x4x384xf32, #tpu.memory_space<vmem>>[vector<16xi32>, vector<16xi32>, vector<16xi32>], vector<16xf32>, vector<16xi1>
        %parallel_loop3A_526 = arith.constant 5 : i32
        %parallel_loop3A_527 = arith.index_cast %parallel_loop3A_526 : i32 to index
        %parallel_loop3A_528 = arith.index_cast %parallel_loop3A_148 : i32 to index
        %parallel_loop3A_529 = tpu.vector_load %arg8[%parallel_loop3A_527, %parallel_loop3A_528] {strides = array<i32>} : memref<40x384xf32, #tpu.memory_space<vmem>>, vector<16xf32>,
        %parallel_loop3A_530 = arith.constant 13 : i32
        %parallel_loop3A_531 = arith.index_cast %parallel_loop3A_530 : i32 to index
        %parallel_loop3A_532 = arith.index_cast %parallel_loop3A_148 : i32 to index
        %parallel_loop3A_533 = tpu.vector_load %arg8[%parallel_loop3A_531, %parallel_loop3A_532] {strides = array<i32>} : memref<40x384xf32, #tpu.memory_space<vmem>>, vector<16xf32>,
        %parallel_loop3A_534 = arith.constant 21 : i32
        %parallel_loop3A_535 = arith.index_cast %parallel_loop3A_534 : i32 to index
        %parallel_loop3A_536 = arith.index_cast %parallel_loop3A_148 : i32 to index
        %parallel_loop3A_537 = tpu.vector_load %arg8[%parallel_loop3A_535, %parallel_loop3A_536] {strides = array<i32>} : memref<40x384xf32, #tpu.memory_space<vmem>>, vector<16xf32>,
        %parallel_loop3A_538 = arith.constant 29 : i32
        %parallel_loop3A_539 = arith.index_cast %parallel_loop3A_538 : i32 to index
        %parallel_loop3A_540 = arith.index_cast %parallel_loop3A_148 : i32 to index
        %parallel_loop3A_541 = tpu.vector_load %arg8[%parallel_loop3A_539, %parallel_loop3A_540] {strides = array<i32>} : memref<40x384xf32, #tpu.memory_space<vmem>>, vector<16xf32>,
        %parallel_loop3A_542 = arith.constant 37 : i32
        %parallel_loop3A_543 = arith.index_cast %parallel_loop3A_542 : i32 to index
        %parallel_loop3A_544 = arith.index_cast %parallel_loop3A_148 : i32 to index
        %parallel_loop3A_545 = tpu.vector_load %arg8[%parallel_loop3A_543, %parallel_loop3A_544] {strides = array<i32>} : memref<40x384xf32, #tpu.memory_space<vmem>>, vector<16xf32>,
        %parallel_loop3A_546 = arith.constant 5 : i32
        %parallel_loop3A_547 = arith.index_cast %parallel_loop3A_546 : i32 to index
        %parallel_loop3A_548 = arith.index_cast %parallel_loop3A_148 : i32 to index
        %parallel_loop3A_549 = tpu.vector_load %arg10[%parallel_loop3A_547, %parallel_loop3A_548] {strides = array<i32>} : memref<8x384xf32, #tpu.memory_space<vmem>>, vector<16xf32>,
        %parallel_loop3A_550 = arith.constant 1.000000e+00 : f32
        %parallel_loop3A_551 = vector.broadcast %parallel_loop3A_550 : f32 to vector<16xf32>
        %parallel_loop3A_552 = arith.subf %parallel_loop3A_551, %parallel_loop3A_541 : vector<16xf32>
        %parallel_loop3A_553 = arith.mulf %parallel_loop3A_529, %parallel_loop3A_541 : vector<16xf32>
        %parallel_loop3A_554 = arith.mulf %parallel_loop3A_481, %parallel_loop3A_552 : vector<16xf32>
        %parallel_loop3A_555 = arith.addf %parallel_loop3A_553, %parallel_loop3A_554 : vector<16xf32>
        %parallel_loop3A_556 = arith.mulf %parallel_loop3A_533, %parallel_loop3A_541 : vector<16xf32>
        %parallel_loop3A_557 = arith.mulf %parallel_loop3A_484, %parallel_loop3A_552 : vector<16xf32>
        %parallel_loop3A_558 = arith.addf %parallel_loop3A_556, %parallel_loop3A_557 : vector<16xf32>
        %parallel_loop3A_559 = arith.mulf %parallel_loop3A_537, %parallel_loop3A_541 : vector<16xf32>
        %parallel_loop3A_560 = arith.mulf %parallel_loop3A_487, %parallel_loop3A_552 : vector<16xf32>
        %parallel_loop3A_561 = arith.addf %parallel_loop3A_559, %parallel_loop3A_560 : vector<16xf32>
        %parallel_loop3A_562 = arith.maximumf %parallel_loop3A_541, %parallel_loop3A_488 : vector<16xf32>
        %parallel_loop3A_563 = arith.constant 0.000000e+00 : f32
        %parallel_loop3A_564 = vector.broadcast %parallel_loop3A_563 : f32 to vector<16xf32>
        %parallel_loop3A_565 = arith.cmpf oge, %parallel_loop3A_549, %parallel_loop3A_564 : vector<16xf32>
        %parallel_loop3A_566 = arith.constant 0.000000e+00 : f32
        %parallel_loop3A_567 = vector.broadcast %parallel_loop3A_566 : f32 to vector<16xf32>
        %parallel_loop3A_568 = arith.cmpf ogt, %parallel_loop3A_549, %parallel_loop3A_567 : vector<16xf32>
        %parallel_loop3A_569 = arith.mulf %parallel_loop3A_549, %parallel_loop3A_541 : vector<16xf32>
        %parallel_loop3A_570 = arith.mulf %parallel_loop3A_498, %parallel_loop3A_552 : vector<16xf32>
        %parallel_loop3A_571 = arith.addf %parallel_loop3A_569, %parallel_loop3A_570 : vector<16xf32>
        %parallel_loop3A_572 = arith.select %parallel_loop3A_568, %parallel_loop3A_571, %parallel_loop3A_498 : vector<16xi1>, vector<16xf32>
        %parallel_loop3A_573 = arith.constant 5.000000e-01 : f32
        %parallel_loop3A_574 = vector.broadcast %parallel_loop3A_573 : f32 to vector<16xf32>
        %parallel_loop3A_575 = arith.cmpf ogt, %parallel_loop3A_541, %parallel_loop3A_574 : vector<16xf32>
        %parallel_loop3A_576 = arith.andi %parallel_loop3A_565, %parallel_loop3A_575 : vector<16xi1>
        %parallel_loop3A_577 = arith.select %parallel_loop3A_576, %parallel_loop3A_545, %parallel_loop3A_503 : vector<16xi1>, vector<16xf32>
        %parallel_loop3A_578 = arith.constant 0x4B000000 : f32
        %parallel_loop3A_579 = vector.broadcast %parallel_loop3A_578 : f32 to vector<16xf32>
        %parallel_loop3A_580 = arith.addf %parallel_loop3A_545, %parallel_loop3A_579 : vector<16xf32>
        %parallel_loop3A_581 = arith.constant 0x4B000000 : f32
        %parallel_loop3A_582 = vector.broadcast %parallel_loop3A_581 : f32 to vector<16xf32>
        %parallel_loop3A_583 = arith.subf %parallel_loop3A_580, %parallel_loop3A_582 : vector<16xf32>
        %parallel_loop3A_584 = arith.fptosi %parallel_loop3A_583 : vector<16xf32> to vector<16xi32>
        %parallel_loop3A_585 = arith.mulf %parallel_loop3A_529, %parallel_loop3A_541 : vector<16xf32>
        %parallel_loop3A_586 = arith.addf %parallel_loop3A_585, %parallel_loop3A_552 : vector<16xf32>
        tpu.vector_store_idx %arg14[%parallel_loop3A_584, %parallel_loop3A_377, %parallel_loop3A_150], %parallel_loop3A_586 masked %parallel_loop3A_565 : memref<8x4x384xf32, #tpu.memory_space<vmem>>[vector<16xi32>, vector<16xi32>, vector<16xi32>], vector<16xf32>, vector<16xi1>
        %parallel_loop3A_587 = arith.constant 1 : i32
        %parallel_loop3A_588 = vector.broadcast %parallel_loop3A_587 : i32 to vector<16xi32>
        %parallel_loop3A_589 = arith.addi %parallel_loop3A_377, %parallel_loop3A_588 : vector<16xi32>
        %parallel_loop3A_590 = arith.mulf %parallel_loop3A_533, %parallel_loop3A_541 : vector<16xf32>
        %parallel_loop3A_591 = arith.addf %parallel_loop3A_590, %parallel_loop3A_552 : vector<16xf32>
        tpu.vector_store_idx %arg14[%parallel_loop3A_584, %parallel_loop3A_589, %parallel_loop3A_150], %parallel_loop3A_591 masked %parallel_loop3A_565 : memref<8x4x384xf32, #tpu.memory_space<vmem>>[vector<16xi32>, vector<16xi32>, vector<16xi32>], vector<16xf32>, vector<16xi1>
        %parallel_loop3A_592 = arith.constant 2 : i32
        %parallel_loop3A_593 = vector.broadcast %parallel_loop3A_592 : i32 to vector<16xi32>
        %parallel_loop3A_594 = arith.addi %parallel_loop3A_377, %parallel_loop3A_593 : vector<16xi32>
        %parallel_loop3A_595 = arith.mulf %parallel_loop3A_537, %parallel_loop3A_541 : vector<16xf32>
        %parallel_loop3A_596 = arith.addf %parallel_loop3A_595, %parallel_loop3A_552 : vector<16xf32>
        tpu.vector_store_idx %arg14[%parallel_loop3A_584, %parallel_loop3A_594, %parallel_loop3A_150], %parallel_loop3A_596 masked %parallel_loop3A_565 : memref<8x4x384xf32, #tpu.memory_space<vmem>>[vector<16xi32>, vector<16xi32>, vector<16xi32>], vector<16xf32>, vector<16xi1>
        %parallel_loop3A_597 = arith.constant 3 : i32
        %parallel_loop3A_598 = vector.broadcast %parallel_loop3A_597 : i32 to vector<16xi32>
        %parallel_loop3A_599 = arith.addi %parallel_loop3A_377, %parallel_loop3A_598 : vector<16xi32>
        tpu.vector_store_idx %arg14[%parallel_loop3A_584, %parallel_loop3A_599, %parallel_loop3A_150], %parallel_loop3A_541 masked %parallel_loop3A_565 : memref<8x4x384xf32, #tpu.memory_space<vmem>>[vector<16xi32>, vector<16xi32>, vector<16xi32>], vector<16xf32>, vector<16xi1>
        %parallel_loop3A_600 = arith.constant 4 : i32
        %parallel_loop3A_601 = arith.index_cast %parallel_loop3A_600 : i32 to index
        %parallel_loop3A_602 = arith.index_cast %parallel_loop3A_148 : i32 to index
        %parallel_loop3A_603 = tpu.vector_load %arg8[%parallel_loop3A_601, %parallel_loop3A_602] {strides = array<i32>} : memref<40x384xf32, #tpu.memory_space<vmem>>, vector<16xf32>,
        %parallel_loop3A_604 = arith.constant 12 : i32
        %parallel_loop3A_605 = arith.index_cast %parallel_loop3A_604 : i32 to index
        %parallel_loop3A_606 = arith.index_cast %parallel_loop3A_148 : i32 to index
        %parallel_loop3A_607 = tpu.vector_load %arg8[%parallel_loop3A_605, %parallel_loop3A_606] {strides = array<i32>} : memref<40x384xf32, #tpu.memory_space<vmem>>, vector<16xf32>,
        %parallel_loop3A_608 = arith.constant 20 : i32
        %parallel_loop3A_609 = arith.index_cast %parallel_loop3A_608 : i32 to index
        %parallel_loop3A_610 = arith.index_cast %parallel_loop3A_148 : i32 to index
        %parallel_loop3A_611 = tpu.vector_load %arg8[%parallel_loop3A_609, %parallel_loop3A_610] {strides = array<i32>} : memref<40x384xf32, #tpu.memory_space<vmem>>, vector<16xf32>,
        %parallel_loop3A_612 = arith.constant 28 : i32
        %parallel_loop3A_613 = arith.index_cast %parallel_loop3A_612 : i32 to index
        %parallel_loop3A_614 = arith.index_cast %parallel_loop3A_148 : i32 to index
        %parallel_loop3A_615 = tpu.vector_load %arg8[%parallel_loop3A_613, %parallel_loop3A_614] {strides = array<i32>} : memref<40x384xf32, #tpu.memory_space<vmem>>, vector<16xf32>,
        %parallel_loop3A_616 = arith.constant 36 : i32
        %parallel_loop3A_617 = arith.index_cast %parallel_loop3A_616 : i32 to index
        %parallel_loop3A_618 = arith.index_cast %parallel_loop3A_148 : i32 to index
        %parallel_loop3A_619 = tpu.vector_load %arg8[%parallel_loop3A_617, %parallel_loop3A_618] {strides = array<i32>} : memref<40x384xf32, #tpu.memory_space<vmem>>, vector<16xf32>,
        %parallel_loop3A_620 = arith.constant 4 : i32
        %parallel_loop3A_621 = arith.index_cast %parallel_loop3A_620 : i32 to index
        %parallel_loop3A_622 = arith.index_cast %parallel_loop3A_148 : i32 to index
        %parallel_loop3A_623 = tpu.vector_load %arg10[%parallel_loop3A_621, %parallel_loop3A_622] {strides = array<i32>} : memref<8x384xf32, #tpu.memory_space<vmem>>, vector<16xf32>,
        %parallel_loop3A_624 = arith.constant 1.000000e+00 : f32
        %parallel_loop3A_625 = vector.broadcast %parallel_loop3A_624 : f32 to vector<16xf32>
        %parallel_loop3A_626 = arith.subf %parallel_loop3A_625, %parallel_loop3A_615 : vector<16xf32>
        %parallel_loop3A_627 = arith.mulf %parallel_loop3A_603, %parallel_loop3A_615 : vector<16xf32>
        %parallel_loop3A_628 = arith.mulf %parallel_loop3A_555, %parallel_loop3A_626 : vector<16xf32>
        %parallel_loop3A_629 = arith.addf %parallel_loop3A_627, %parallel_loop3A_628 : vector<16xf32>
        %parallel_loop3A_630 = arith.mulf %parallel_loop3A_607, %parallel_loop3A_615 : vector<16xf32>
        %parallel_loop3A_631 = arith.mulf %parallel_loop3A_558, %parallel_loop3A_626 : vector<16xf32>
        %parallel_loop3A_632 = arith.addf %parallel_loop3A_630, %parallel_loop3A_631 : vector<16xf32>
        %parallel_loop3A_633 = arith.mulf %parallel_loop3A_611, %parallel_loop3A_615 : vector<16xf32>
        %parallel_loop3A_634 = arith.mulf %parallel_loop3A_561, %parallel_loop3A_626 : vector<16xf32>
        %parallel_loop3A_635 = arith.addf %parallel_loop3A_633, %parallel_loop3A_634 : vector<16xf32>
        %parallel_loop3A_636 = arith.maximumf %parallel_loop3A_615, %parallel_loop3A_562 : vector<16xf32>
        %parallel_loop3A_637 = arith.constant 0.000000e+00 : f32
        %parallel_loop3A_638 = vector.broadcast %parallel_loop3A_637 : f32 to vector<16xf32>
        %parallel_loop3A_639 = arith.cmpf oge, %parallel_loop3A_623, %parallel_loop3A_638 : vector<16xf32>
        %parallel_loop3A_640 = arith.constant 0.000000e+00 : f32
        %parallel_loop3A_641 = vector.broadcast %parallel_loop3A_640 : f32 to vector<16xf32>
        %parallel_loop3A_642 = arith.cmpf ogt, %parallel_loop3A_623, %parallel_loop3A_641 : vector<16xf32>
        %parallel_loop3A_643 = arith.mulf %parallel_loop3A_623, %parallel_loop3A_615 : vector<16xf32>
        %parallel_loop3A_644 = arith.mulf %parallel_loop3A_572, %parallel_loop3A_626 : vector<16xf32>
        %parallel_loop3A_645 = arith.addf %parallel_loop3A_643, %parallel_loop3A_644 : vector<16xf32>
        %parallel_loop3A_646 = arith.select %parallel_loop3A_642, %parallel_loop3A_645, %parallel_loop3A_572 : vector<16xi1>, vector<16xf32>
        %parallel_loop3A_647 = arith.constant 5.000000e-01 : f32
        %parallel_loop3A_648 = vector.broadcast %parallel_loop3A_647 : f32 to vector<16xf32>
        %parallel_loop3A_649 = arith.cmpf ogt, %parallel_loop3A_615, %parallel_loop3A_648 : vector<16xf32>
        %parallel_loop3A_650 = arith.andi %parallel_loop3A_639, %parallel_loop3A_649 : vector<16xi1>
        %parallel_loop3A_651 = arith.select %parallel_loop3A_650, %parallel_loop3A_619, %parallel_loop3A_577 : vector<16xi1>, vector<16xf32>
        %parallel_loop3A_652 = arith.constant 0x4B000000 : f32
        %parallel_loop3A_653 = vector.broadcast %parallel_loop3A_652 : f32 to vector<16xf32>
        %parallel_loop3A_654 = arith.addf %parallel_loop3A_619, %parallel_loop3A_653 : vector<16xf32>
        %parallel_loop3A_655 = arith.constant 0x4B000000 : f32
        %parallel_loop3A_656 = vector.broadcast %parallel_loop3A_655 : f32 to vector<16xf32>
        %parallel_loop3A_657 = arith.subf %parallel_loop3A_654, %parallel_loop3A_656 : vector<16xf32>
        %parallel_loop3A_658 = arith.fptosi %parallel_loop3A_657 : vector<16xf32> to vector<16xi32>
        %parallel_loop3A_659 = arith.mulf %parallel_loop3A_603, %parallel_loop3A_615 : vector<16xf32>
        %parallel_loop3A_660 = arith.addf %parallel_loop3A_659, %parallel_loop3A_626 : vector<16xf32>
        tpu.vector_store_idx %arg14[%parallel_loop3A_658, %parallel_loop3A_377, %parallel_loop3A_150], %parallel_loop3A_660 masked %parallel_loop3A_639 : memref<8x4x384xf32, #tpu.memory_space<vmem>>[vector<16xi32>, vector<16xi32>, vector<16xi32>], vector<16xf32>, vector<16xi1>
        %parallel_loop3A_661 = arith.constant 1 : i32
        %parallel_loop3A_662 = vector.broadcast %parallel_loop3A_661 : i32 to vector<16xi32>
        %parallel_loop3A_663 = arith.addi %parallel_loop3A_377, %parallel_loop3A_662 : vector<16xi32>
        %parallel_loop3A_664 = arith.mulf %parallel_loop3A_607, %parallel_loop3A_615 : vector<16xf32>
        %parallel_loop3A_665 = arith.addf %parallel_loop3A_664, %parallel_loop3A_626 : vector<16xf32>
        tpu.vector_store_idx %arg14[%parallel_loop3A_658, %parallel_loop3A_663, %parallel_loop3A_150], %parallel_loop3A_665 masked %parallel_loop3A_639 : memref<8x4x384xf32, #tpu.memory_space<vmem>>[vector<16xi32>, vector<16xi32>, vector<16xi32>], vector<16xf32>, vector<16xi1>
        %parallel_loop3A_666 = arith.constant 2 : i32
        %parallel_loop3A_667 = vector.broadcast %parallel_loop3A_666 : i32 to vector<16xi32>
        %parallel_loop3A_668 = arith.addi %parallel_loop3A_377, %parallel_loop3A_667 : vector<16xi32>
        %parallel_loop3A_669 = arith.mulf %parallel_loop3A_611, %parallel_loop3A_615 : vector<16xf32>
        %parallel_loop3A_670 = arith.addf %parallel_loop3A_669, %parallel_loop3A_626 : vector<16xf32>
        tpu.vector_store_idx %arg14[%parallel_loop3A_658, %parallel_loop3A_668, %parallel_loop3A_150], %parallel_loop3A_670 masked %parallel_loop3A_639 : memref<8x4x384xf32, #tpu.memory_space<vmem>>[vector<16xi32>, vector<16xi32>, vector<16xi32>], vector<16xf32>, vector<16xi1>
        %parallel_loop3A_671 = arith.constant 3 : i32
        %parallel_loop3A_672 = vector.broadcast %parallel_loop3A_671 : i32 to vector<16xi32>
        %parallel_loop3A_673 = arith.addi %parallel_loop3A_377, %parallel_loop3A_672 : vector<16xi32>
        tpu.vector_store_idx %arg14[%parallel_loop3A_658, %parallel_loop3A_673, %parallel_loop3A_150], %parallel_loop3A_615 masked %parallel_loop3A_639 : memref<8x4x384xf32, #tpu.memory_space<vmem>>[vector<16xi32>, vector<16xi32>, vector<16xi32>], vector<16xf32>, vector<16xi1>
        %parallel_loop3A_674 = arith.constant 3 : i32
        %parallel_loop3A_675 = arith.index_cast %parallel_loop3A_674 : i32 to index
        %parallel_loop3A_676 = arith.index_cast %parallel_loop3A_148 : i32 to index
        %parallel_loop3A_677 = tpu.vector_load %arg8[%parallel_loop3A_675, %parallel_loop3A_676] {strides = array<i32>} : memref<40x384xf32, #tpu.memory_space<vmem>>, vector<16xf32>,
        %parallel_loop3A_678 = arith.constant 11 : i32
        %parallel_loop3A_679 = arith.index_cast %parallel_loop3A_678 : i32 to index
        %parallel_loop3A_680 = arith.index_cast %parallel_loop3A_148 : i32 to index
        %parallel_loop3A_681 = tpu.vector_load %arg8[%parallel_loop3A_679, %parallel_loop3A_680] {strides = array<i32>} : memref<40x384xf32, #tpu.memory_space<vmem>>, vector<16xf32>,
        %parallel_loop3A_682 = arith.constant 19 : i32
        %parallel_loop3A_683 = arith.index_cast %parallel_loop3A_682 : i32 to index
        %parallel_loop3A_684 = arith.index_cast %parallel_loop3A_148 : i32 to index
        %parallel_loop3A_685 = tpu.vector_load %arg8[%parallel_loop3A_683, %parallel_loop3A_684] {strides = array<i32>} : memref<40x384xf32, #tpu.memory_space<vmem>>, vector<16xf32>,
        %parallel_loop3A_686 = arith.constant 27 : i32
        %parallel_loop3A_687 = arith.index_cast %parallel_loop3A_686 : i32 to index
        %parallel_loop3A_688 = arith.index_cast %parallel_loop3A_148 : i32 to index
        %parallel_loop3A_689 = tpu.vector_load %arg8[%parallel_loop3A_687, %parallel_loop3A_688] {strides = array<i32>} : memref<40x384xf32, #tpu.memory_space<vmem>>, vector<16xf32>,
        %parallel_loop3A_690 = arith.constant 35 : i32
        %parallel_loop3A_691 = arith.index_cast %parallel_loop3A_690 : i32 to index
        %parallel_loop3A_692 = arith.index_cast %parallel_loop3A_148 : i32 to index
        %parallel_loop3A_693 = tpu.vector_load %arg8[%parallel_loop3A_691, %parallel_loop3A_692] {strides = array<i32>} : memref<40x384xf32, #tpu.memory_space<vmem>>, vector<16xf32>,
        %parallel_loop3A_694 = arith.constant 3 : i32
        %parallel_loop3A_695 = arith.index_cast %parallel_loop3A_694 : i32 to index
        %parallel_loop3A_696 = arith.index_cast %parallel_loop3A_148 : i32 to index
        %parallel_loop3A_697 = tpu.vector_load %arg10[%parallel_loop3A_695, %parallel_loop3A_696] {strides = array<i32>} : memref<8x384xf32, #tpu.memory_space<vmem>>, vector<16xf32>,
        %parallel_loop3A_698 = arith.constant 1.000000e+00 : f32
        %parallel_loop3A_699 = vector.broadcast %parallel_loop3A_698 : f32 to vector<16xf32>
        %parallel_loop3A_700 = arith.subf %parallel_loop3A_699, %parallel_loop3A_689 : vector<16xf32>
        %parallel_loop3A_701 = arith.mulf %parallel_loop3A_677, %parallel_loop3A_689 : vector<16xf32>
        %parallel_loop3A_702 = arith.mulf %parallel_loop3A_629, %parallel_loop3A_700 : vector<16xf32>
        %parallel_loop3A_703 = arith.addf %parallel_loop3A_701, %parallel_loop3A_702 : vector<16xf32>
        %parallel_loop3A_704 = arith.mulf %parallel_loop3A_681, %parallel_loop3A_689 : vector<16xf32>
        %parallel_loop3A_705 = arith.mulf %parallel_loop3A_632, %parallel_loop3A_700 : vector<16xf32>
        %parallel_loop3A_706 = arith.addf %parallel_loop3A_704, %parallel_loop3A_705 : vector<16xf32>
        %parallel_loop3A_707 = arith.mulf %parallel_loop3A_685, %parallel_loop3A_689 : vector<16xf32>
        %parallel_loop3A_708 = arith.mulf %parallel_loop3A_635, %parallel_loop3A_700 : vector<16xf32>
        %parallel_loop3A_709 = arith.addf %parallel_loop3A_707, %parallel_loop3A_708 : vector<16xf32>
        %parallel_loop3A_710 = arith.maximumf %parallel_loop3A_689, %parallel_loop3A_636 : vector<16xf32>
        %parallel_loop3A_711 = arith.constant 0.000000e+00 : f32
        %parallel_loop3A_712 = vector.broadcast %parallel_loop3A_711 : f32 to vector<16xf32>
        %parallel_loop3A_713 = arith.cmpf oge, %parallel_loop3A_697, %parallel_loop3A_712 : vector<16xf32>
        %parallel_loop3A_714 = arith.constant 0.000000e+00 : f32
        %parallel_loop3A_715 = vector.broadcast %parallel_loop3A_714 : f32 to vector<16xf32>
        %parallel_loop3A_716 = arith.cmpf ogt, %parallel_loop3A_697, %parallel_loop3A_715 : vector<16xf32>
        %parallel_loop3A_717 = arith.mulf %parallel_loop3A_697, %parallel_loop3A_689 : vector<16xf32>
        %parallel_loop3A_718 = arith.mulf %parallel_loop3A_646, %parallel_loop3A_700 : vector<16xf32>
        %parallel_loop3A_719 = arith.addf %parallel_loop3A_717, %parallel_loop3A_718 : vector<16xf32>
        %parallel_loop3A_720 = arith.select %parallel_loop3A_716, %parallel_loop3A_719, %parallel_loop3A_646 : vector<16xi1>, vector<16xf32>
        %parallel_loop3A_721 = arith.constant 5.000000e-01 : f32
        %parallel_loop3A_722 = vector.broadcast %parallel_loop3A_721 : f32 to vector<16xf32>
        %parallel_loop3A_723 = arith.cmpf ogt, %parallel_loop3A_689, %parallel_loop3A_722 : vector<16xf32>
        %parallel_loop3A_724 = arith.andi %parallel_loop3A_713, %parallel_loop3A_723 : vector<16xi1>
        %parallel_loop3A_725 = arith.select %parallel_loop3A_724, %parallel_loop3A_693, %parallel_loop3A_651 : vector<16xi1>, vector<16xf32>
        %parallel_loop3A_726 = arith.constant 0x4B000000 : f32
        %parallel_loop3A_727 = vector.broadcast %parallel_loop3A_726 : f32 to vector<16xf32>
        %parallel_loop3A_728 = arith.addf %parallel_loop3A_693, %parallel_loop3A_727 : vector<16xf32>
        %parallel_loop3A_729 = arith.constant 0x4B000000 : f32
        %parallel_loop3A_730 = vector.broadcast %parallel_loop3A_729 : f32 to vector<16xf32>
        %parallel_loop3A_731 = arith.subf %parallel_loop3A_728, %parallel_loop3A_730 : vector<16xf32>
        %parallel_loop3A_732 = arith.fptosi %parallel_loop3A_731 : vector<16xf32> to vector<16xi32>
        %parallel_loop3A_733 = arith.mulf %parallel_loop3A_677, %parallel_loop3A_689 : vector<16xf32>
        %parallel_loop3A_734 = arith.addf %parallel_loop3A_733, %parallel_loop3A_700 : vector<16xf32>
        tpu.vector_store_idx %arg14[%parallel_loop3A_732, %parallel_loop3A_377, %parallel_loop3A_150], %parallel_loop3A_734 masked %parallel_loop3A_713 : memref<8x4x384xf32, #tpu.memory_space<vmem>>[vector<16xi32>, vector<16xi32>, vector<16xi32>], vector<16xf32>, vector<16xi1>
        %parallel_loop3A_735 = arith.constant 1 : i32
        %parallel_loop3A_736 = vector.broadcast %parallel_loop3A_735 : i32 to vector<16xi32>
        %parallel_loop3A_737 = arith.addi %parallel_loop3A_377, %parallel_loop3A_736 : vector<16xi32>
        %parallel_loop3A_738 = arith.mulf %parallel_loop3A_681, %parallel_loop3A_689 : vector<16xf32>
        %parallel_loop3A_739 = arith.addf %parallel_loop3A_738, %parallel_loop3A_700 : vector<16xf32>
        tpu.vector_store_idx %arg14[%parallel_loop3A_732, %parallel_loop3A_737, %parallel_loop3A_150], %parallel_loop3A_739 masked %parallel_loop3A_713 : memref<8x4x384xf32, #tpu.memory_space<vmem>>[vector<16xi32>, vector<16xi32>, vector<16xi32>], vector<16xf32>, vector<16xi1>
        %parallel_loop3A_740 = arith.constant 2 : i32
        %parallel_loop3A_741 = vector.broadcast %parallel_loop3A_740 : i32 to vector<16xi32>
        %parallel_loop3A_742 = arith.addi %parallel_loop3A_377, %parallel_loop3A_741 : vector<16xi32>
        %parallel_loop3A_743 = arith.mulf %parallel_loop3A_685, %parallel_loop3A_689 : vector<16xf32>
        %parallel_loop3A_744 = arith.addf %parallel_loop3A_743, %parallel_loop3A_700 : vector<16xf32>
        tpu.vector_store_idx %arg14[%parallel_loop3A_732, %parallel_loop3A_742, %parallel_loop3A_150], %parallel_loop3A_744 masked %parallel_loop3A_713 : memref<8x4x384xf32, #tpu.memory_space<vmem>>[vector<16xi32>, vector<16xi32>, vector<16xi32>], vector<16xf32>, vector<16xi1>
        %parallel_loop3A_745 = arith.constant 3 : i32
        %parallel_loop3A_746 = vector.broadcast %parallel_loop3A_745 : i32 to vector<16xi32>
        %parallel_loop3A_747 = arith.addi %parallel_loop3A_377, %parallel_loop3A_746 : vector<16xi32>
        tpu.vector_store_idx %arg14[%parallel_loop3A_732, %parallel_loop3A_747, %parallel_loop3A_150], %parallel_loop3A_689 masked %parallel_loop3A_713 : memref<8x4x384xf32, #tpu.memory_space<vmem>>[vector<16xi32>, vector<16xi32>, vector<16xi32>], vector<16xf32>, vector<16xi1>
        %parallel_loop3A_748 = arith.constant 2 : i32
        %parallel_loop3A_749 = arith.index_cast %parallel_loop3A_748 : i32 to index
        %parallel_loop3A_750 = arith.index_cast %parallel_loop3A_148 : i32 to index
        %parallel_loop3A_751 = tpu.vector_load %arg8[%parallel_loop3A_749, %parallel_loop3A_750] {strides = array<i32>} : memref<40x384xf32, #tpu.memory_space<vmem>>, vector<16xf32>,
        %parallel_loop3A_752 = arith.constant 10 : i32
        %parallel_loop3A_753 = arith.index_cast %parallel_loop3A_752 : i32 to index
        %parallel_loop3A_754 = arith.index_cast %parallel_loop3A_148 : i32 to index
        %parallel_loop3A_755 = tpu.vector_load %arg8[%parallel_loop3A_753, %parallel_loop3A_754] {strides = array<i32>} : memref<40x384xf32, #tpu.memory_space<vmem>>, vector<16xf32>,
        %parallel_loop3A_756 = arith.constant 18 : i32
        %parallel_loop3A_757 = arith.index_cast %parallel_loop3A_756 : i32 to index
        %parallel_loop3A_758 = arith.index_cast %parallel_loop3A_148 : i32 to index
        %parallel_loop3A_759 = tpu.vector_load %arg8[%parallel_loop3A_757, %parallel_loop3A_758] {strides = array<i32>} : memref<40x384xf32, #tpu.memory_space<vmem>>, vector<16xf32>,
        %parallel_loop3A_760 = arith.constant 26 : i32
        %parallel_loop3A_761 = arith.index_cast %parallel_loop3A_760 : i32 to index
        %parallel_loop3A_762 = arith.index_cast %parallel_loop3A_148 : i32 to index
        %parallel_loop3A_763 = tpu.vector_load %arg8[%parallel_loop3A_761, %parallel_loop3A_762] {strides = array<i32>} : memref<40x384xf32, #tpu.memory_space<vmem>>, vector<16xf32>,
        %parallel_loop3A_764 = arith.constant 34 : i32
        %parallel_loop3A_765 = arith.index_cast %parallel_loop3A_764 : i32 to index
        %parallel_loop3A_766 = arith.index_cast %parallel_loop3A_148 : i32 to index
        %parallel_loop3A_767 = tpu.vector_load %arg8[%parallel_loop3A_765, %parallel_loop3A_766] {strides = array<i32>} : memref<40x384xf32, #tpu.memory_space<vmem>>, vector<16xf32>,
        %parallel_loop3A_768 = arith.constant 2 : i32
        %parallel_loop3A_769 = arith.index_cast %parallel_loop3A_768 : i32 to index
        %parallel_loop3A_770 = arith.index_cast %parallel_loop3A_148 : i32 to index
        %parallel_loop3A_771 = tpu.vector_load %arg10[%parallel_loop3A_769, %parallel_loop3A_770] {strides = array<i32>} : memref<8x384xf32, #tpu.memory_space<vmem>>, vector<16xf32>,
        %parallel_loop3A_772 = arith.constant 1.000000e+00 : f32
        %parallel_loop3A_773 = vector.broadcast %parallel_loop3A_772 : f32 to vector<16xf32>
        %parallel_loop3A_774 = arith.subf %parallel_loop3A_773, %parallel_loop3A_763 : vector<16xf32>
        %parallel_loop3A_775 = arith.mulf %parallel_loop3A_751, %parallel_loop3A_763 : vector<16xf32>
        %parallel_loop3A_776 = arith.mulf %parallel_loop3A_703, %parallel_loop3A_774 : vector<16xf32>
        %parallel_loop3A_777 = arith.addf %parallel_loop3A_775, %parallel_loop3A_776 : vector<16xf32>
        %parallel_loop3A_778 = arith.mulf %parallel_loop3A_755, %parallel_loop3A_763 : vector<16xf32>
        %parallel_loop3A_779 = arith.mulf %parallel_loop3A_706, %parallel_loop3A_774 : vector<16xf32>
        %parallel_loop3A_780 = arith.addf %parallel_loop3A_778, %parallel_loop3A_779 : vector<16xf32>
        %parallel_loop3A_781 = arith.mulf %parallel_loop3A_759, %parallel_loop3A_763 : vector<16xf32>
        %parallel_loop3A_782 = arith.mulf %parallel_loop3A_709, %parallel_loop3A_774 : vector<16xf32>
        %parallel_loop3A_783 = arith.addf %parallel_loop3A_781, %parallel_loop3A_782 : vector<16xf32>
        %parallel_loop3A_784 = arith.maximumf %parallel_loop3A_763, %parallel_loop3A_710 : vector<16xf32>
        %parallel_loop3A_785 = arith.constant 0.000000e+00 : f32
        %parallel_loop3A_786 = vector.broadcast %parallel_loop3A_785 : f32 to vector<16xf32>
        %parallel_loop3A_787 = arith.cmpf oge, %parallel_loop3A_771, %parallel_loop3A_786 : vector<16xf32>
        %parallel_loop3A_788 = arith.constant 0.000000e+00 : f32
        %parallel_loop3A_789 = vector.broadcast %parallel_loop3A_788 : f32 to vector<16xf32>
        %parallel_loop3A_790 = arith.cmpf ogt, %parallel_loop3A_771, %parallel_loop3A_789 : vector<16xf32>
        %parallel_loop3A_791 = arith.mulf %parallel_loop3A_771, %parallel_loop3A_763 : vector<16xf32>
        %parallel_loop3A_792 = arith.mulf %parallel_loop3A_720, %parallel_loop3A_774 : vector<16xf32>
        %parallel_loop3A_793 = arith.addf %parallel_loop3A_791, %parallel_loop3A_792 : vector<16xf32>
        %parallel_loop3A_794 = arith.select %parallel_loop3A_790, %parallel_loop3A_793, %parallel_loop3A_720 : vector<16xi1>, vector<16xf32>
        %parallel_loop3A_795 = arith.constant 5.000000e-01 : f32
        %parallel_loop3A_796 = vector.broadcast %parallel_loop3A_795 : f32 to vector<16xf32>
        %parallel_loop3A_797 = arith.cmpf ogt, %parallel_loop3A_763, %parallel_loop3A_796 : vector<16xf32>
        %parallel_loop3A_798 = arith.andi %parallel_loop3A_787, %parallel_loop3A_797 : vector<16xi1>
        %parallel_loop3A_799 = arith.select %parallel_loop3A_798, %parallel_loop3A_767, %parallel_loop3A_725 : vector<16xi1>, vector<16xf32>
        %parallel_loop3A_800 = arith.constant 0x4B000000 : f32
        %parallel_loop3A_801 = vector.broadcast %parallel_loop3A_800 : f32 to vector<16xf32>
        %parallel_loop3A_802 = arith.addf %parallel_loop3A_767, %parallel_loop3A_801 : vector<16xf32>
        %parallel_loop3A_803 = arith.constant 0x4B000000 : f32
        %parallel_loop3A_804 = vector.broadcast %parallel_loop3A_803 : f32 to vector<16xf32>
        %parallel_loop3A_805 = arith.subf %parallel_loop3A_802, %parallel_loop3A_804 : vector<16xf32>
        %parallel_loop3A_806 = arith.fptosi %parallel_loop3A_805 : vector<16xf32> to vector<16xi32>
        %parallel_loop3A_807 = arith.mulf %parallel_loop3A_751, %parallel_loop3A_763 : vector<16xf32>
        %parallel_loop3A_808 = arith.addf %parallel_loop3A_807, %parallel_loop3A_774 : vector<16xf32>
        tpu.vector_store_idx %arg14[%parallel_loop3A_806, %parallel_loop3A_377, %parallel_loop3A_150], %parallel_loop3A_808 masked %parallel_loop3A_787 : memref<8x4x384xf32, #tpu.memory_space<vmem>>[vector<16xi32>, vector<16xi32>, vector<16xi32>], vector<16xf32>, vector<16xi1>
        %parallel_loop3A_809 = arith.constant 1 : i32
        %parallel_loop3A_810 = vector.broadcast %parallel_loop3A_809 : i32 to vector<16xi32>
        %parallel_loop3A_811 = arith.addi %parallel_loop3A_377, %parallel_loop3A_810 : vector<16xi32>
        %parallel_loop3A_812 = arith.mulf %parallel_loop3A_755, %parallel_loop3A_763 : vector<16xf32>
        %parallel_loop3A_813 = arith.addf %parallel_loop3A_812, %parallel_loop3A_774 : vector<16xf32>
        tpu.vector_store_idx %arg14[%parallel_loop3A_806, %parallel_loop3A_811, %parallel_loop3A_150], %parallel_loop3A_813 masked %parallel_loop3A_787 : memref<8x4x384xf32, #tpu.memory_space<vmem>>[vector<16xi32>, vector<16xi32>, vector<16xi32>], vector<16xf32>, vector<16xi1>
        %parallel_loop3A_814 = arith.constant 2 : i32
        %parallel_loop3A_815 = vector.broadcast %parallel_loop3A_814 : i32 to vector<16xi32>
        %parallel_loop3A_816 = arith.addi %parallel_loop3A_377, %parallel_loop3A_815 : vector<16xi32>
        %parallel_loop3A_817 = arith.mulf %parallel_loop3A_759, %parallel_loop3A_763 : vector<16xf32>
        %parallel_loop3A_818 = arith.addf %parallel_loop3A_817, %parallel_loop3A_774 : vector<16xf32>
        tpu.vector_store_idx %arg14[%parallel_loop3A_806, %parallel_loop3A_816, %parallel_loop3A_150], %parallel_loop3A_818 masked %parallel_loop3A_787 : memref<8x4x384xf32, #tpu.memory_space<vmem>>[vector<16xi32>, vector<16xi32>, vector<16xi32>], vector<16xf32>, vector<16xi1>
        %parallel_loop3A_819 = arith.constant 3 : i32
        %parallel_loop3A_820 = vector.broadcast %parallel_loop3A_819 : i32 to vector<16xi32>
        %parallel_loop3A_821 = arith.addi %parallel_loop3A_377, %parallel_loop3A_820 : vector<16xi32>
        tpu.vector_store_idx %arg14[%parallel_loop3A_806, %parallel_loop3A_821, %parallel_loop3A_150], %parallel_loop3A_763 masked %parallel_loop3A_787 : memref<8x4x384xf32, #tpu.memory_space<vmem>>[vector<16xi32>, vector<16xi32>, vector<16xi32>], vector<16xf32>, vector<16xi1>
        %parallel_loop3A_822 = arith.constant 1 : i32
        %parallel_loop3A_823 = arith.index_cast %parallel_loop3A_822 : i32 to index
        %parallel_loop3A_824 = arith.index_cast %parallel_loop3A_148 : i32 to index
        %parallel_loop3A_825 = tpu.vector_load %arg8[%parallel_loop3A_823, %parallel_loop3A_824] {strides = array<i32>} : memref<40x384xf32, #tpu.memory_space<vmem>>, vector<16xf32>,
        %parallel_loop3A_826 = arith.constant 9 : i32
        %parallel_loop3A_827 = arith.index_cast %parallel_loop3A_826 : i32 to index
        %parallel_loop3A_828 = arith.index_cast %parallel_loop3A_148 : i32 to index
        %parallel_loop3A_829 = tpu.vector_load %arg8[%parallel_loop3A_827, %parallel_loop3A_828] {strides = array<i32>} : memref<40x384xf32, #tpu.memory_space<vmem>>, vector<16xf32>,
        %parallel_loop3A_830 = arith.constant 17 : i32
        %parallel_loop3A_831 = arith.index_cast %parallel_loop3A_830 : i32 to index
        %parallel_loop3A_832 = arith.index_cast %parallel_loop3A_148 : i32 to index
        %parallel_loop3A_833 = tpu.vector_load %arg8[%parallel_loop3A_831, %parallel_loop3A_832] {strides = array<i32>} : memref<40x384xf32, #tpu.memory_space<vmem>>, vector<16xf32>,
        %parallel_loop3A_834 = arith.constant 25 : i32
        %parallel_loop3A_835 = arith.index_cast %parallel_loop3A_834 : i32 to index
        %parallel_loop3A_836 = arith.index_cast %parallel_loop3A_148 : i32 to index
        %parallel_loop3A_837 = tpu.vector_load %arg8[%parallel_loop3A_835, %parallel_loop3A_836] {strides = array<i32>} : memref<40x384xf32, #tpu.memory_space<vmem>>, vector<16xf32>,
        %parallel_loop3A_838 = arith.constant 33 : i32
        %parallel_loop3A_839 = arith.index_cast %parallel_loop3A_838 : i32 to index
        %parallel_loop3A_840 = arith.index_cast %parallel_loop3A_148 : i32 to index
        %parallel_loop3A_841 = tpu.vector_load %arg8[%parallel_loop3A_839, %parallel_loop3A_840] {strides = array<i32>} : memref<40x384xf32, #tpu.memory_space<vmem>>, vector<16xf32>,
        %parallel_loop3A_842 = arith.constant 1 : i32
        %parallel_loop3A_843 = arith.index_cast %parallel_loop3A_842 : i32 to index
        %parallel_loop3A_844 = arith.index_cast %parallel_loop3A_148 : i32 to index
        %parallel_loop3A_845 = tpu.vector_load %arg10[%parallel_loop3A_843, %parallel_loop3A_844] {strides = array<i32>} : memref<8x384xf32, #tpu.memory_space<vmem>>, vector<16xf32>,
        %parallel_loop3A_846 = arith.constant 1.000000e+00 : f32
        %parallel_loop3A_847 = vector.broadcast %parallel_loop3A_846 : f32 to vector<16xf32>
        %parallel_loop3A_848 = arith.subf %parallel_loop3A_847, %parallel_loop3A_837 : vector<16xf32>
        %parallel_loop3A_849 = arith.mulf %parallel_loop3A_825, %parallel_loop3A_837 : vector<16xf32>
        %parallel_loop3A_850 = arith.mulf %parallel_loop3A_777, %parallel_loop3A_848 : vector<16xf32>
        %parallel_loop3A_851 = arith.addf %parallel_loop3A_849, %parallel_loop3A_850 : vector<16xf32>
        %parallel_loop3A_852 = arith.mulf %parallel_loop3A_829, %parallel_loop3A_837 : vector<16xf32>
        %parallel_loop3A_853 = arith.mulf %parallel_loop3A_780, %parallel_loop3A_848 : vector<16xf32>
        %parallel_loop3A_854 = arith.addf %parallel_loop3A_852, %parallel_loop3A_853 : vector<16xf32>
        %parallel_loop3A_855 = arith.mulf %parallel_loop3A_833, %parallel_loop3A_837 : vector<16xf32>
        %parallel_loop3A_856 = arith.mulf %parallel_loop3A_783, %parallel_loop3A_848 : vector<16xf32>
        %parallel_loop3A_857 = arith.addf %parallel_loop3A_855, %parallel_loop3A_856 : vector<16xf32>
        %parallel_loop3A_858 = arith.maximumf %parallel_loop3A_837, %parallel_loop3A_784 : vector<16xf32>
        %parallel_loop3A_859 = arith.constant 0.000000e+00 : f32
        %parallel_loop3A_860 = vector.broadcast %parallel_loop3A_859 : f32 to vector<16xf32>
        %parallel_loop3A_861 = arith.cmpf oge, %parallel_loop3A_845, %parallel_loop3A_860 : vector<16xf32>
        %parallel_loop3A_862 = arith.constant 0.000000e+00 : f32
        %parallel_loop3A_863 = vector.broadcast %parallel_loop3A_862 : f32 to vector<16xf32>
        %parallel_loop3A_864 = arith.cmpf ogt, %parallel_loop3A_845, %parallel_loop3A_863 : vector<16xf32>
        %parallel_loop3A_865 = arith.mulf %parallel_loop3A_845, %parallel_loop3A_837 : vector<16xf32>
        %parallel_loop3A_866 = arith.mulf %parallel_loop3A_794, %parallel_loop3A_848 : vector<16xf32>
        %parallel_loop3A_867 = arith.addf %parallel_loop3A_865, %parallel_loop3A_866 : vector<16xf32>
        %parallel_loop3A_868 = arith.select %parallel_loop3A_864, %parallel_loop3A_867, %parallel_loop3A_794 : vector<16xi1>, vector<16xf32>
        %parallel_loop3A_869 = arith.constant 5.000000e-01 : f32
        %parallel_loop3A_870 = vector.broadcast %parallel_loop3A_869 : f32 to vector<16xf32>
        %parallel_loop3A_871 = arith.cmpf ogt, %parallel_loop3A_837, %parallel_loop3A_870 : vector<16xf32>
        %parallel_loop3A_872 = arith.andi %parallel_loop3A_861, %parallel_loop3A_871 : vector<16xi1>
        %parallel_loop3A_873 = arith.select %parallel_loop3A_872, %parallel_loop3A_841, %parallel_loop3A_799 : vector<16xi1>, vector<16xf32>
        %parallel_loop3A_874 = arith.constant 0x4B000000 : f32
        %parallel_loop3A_875 = vector.broadcast %parallel_loop3A_874 : f32 to vector<16xf32>
        %parallel_loop3A_876 = arith.addf %parallel_loop3A_841, %parallel_loop3A_875 : vector<16xf32>
        %parallel_loop3A_877 = arith.constant 0x4B000000 : f32
        %parallel_loop3A_878 = vector.broadcast %parallel_loop3A_877 : f32 to vector<16xf32>
        %parallel_loop3A_879 = arith.subf %parallel_loop3A_876, %parallel_loop3A_878 : vector<16xf32>
        %parallel_loop3A_880 = arith.fptosi %parallel_loop3A_879 : vector<16xf32> to vector<16xi32>
        %parallel_loop3A_881 = arith.mulf %parallel_loop3A_825, %parallel_loop3A_837 : vector<16xf32>
        %parallel_loop3A_882 = arith.addf %parallel_loop3A_881, %parallel_loop3A_848 : vector<16xf32>
        tpu.vector_store_idx %arg14[%parallel_loop3A_880, %parallel_loop3A_377, %parallel_loop3A_150], %parallel_loop3A_882 masked %parallel_loop3A_861 : memref<8x4x384xf32, #tpu.memory_space<vmem>>[vector<16xi32>, vector<16xi32>, vector<16xi32>], vector<16xf32>, vector<16xi1>
        %parallel_loop3A_883 = arith.constant 1 : i32
        %parallel_loop3A_884 = vector.broadcast %parallel_loop3A_883 : i32 to vector<16xi32>
        %parallel_loop3A_885 = arith.addi %parallel_loop3A_377, %parallel_loop3A_884 : vector<16xi32>
        %parallel_loop3A_886 = arith.mulf %parallel_loop3A_829, %parallel_loop3A_837 : vector<16xf32>
        %parallel_loop3A_887 = arith.addf %parallel_loop3A_886, %parallel_loop3A_848 : vector<16xf32>
        tpu.vector_store_idx %arg14[%parallel_loop3A_880, %parallel_loop3A_885, %parallel_loop3A_150], %parallel_loop3A_887 masked %parallel_loop3A_861 : memref<8x4x384xf32, #tpu.memory_space<vmem>>[vector<16xi32>, vector<16xi32>, vector<16xi32>], vector<16xf32>, vector<16xi1>
        %parallel_loop3A_888 = arith.constant 2 : i32
        %parallel_loop3A_889 = vector.broadcast %parallel_loop3A_888 : i32 to vector<16xi32>
        %parallel_loop3A_890 = arith.addi %parallel_loop3A_377, %parallel_loop3A_889 : vector<16xi32>
        %parallel_loop3A_891 = arith.mulf %parallel_loop3A_833, %parallel_loop3A_837 : vector<16xf32>
        %parallel_loop3A_892 = arith.addf %parallel_loop3A_891, %parallel_loop3A_848 : vector<16xf32>
        tpu.vector_store_idx %arg14[%parallel_loop3A_880, %parallel_loop3A_890, %parallel_loop3A_150], %parallel_loop3A_892 masked %parallel_loop3A_861 : memref<8x4x384xf32, #tpu.memory_space<vmem>>[vector<16xi32>, vector<16xi32>, vector<16xi32>], vector<16xf32>, vector<16xi1>
        %parallel_loop3A_893 = arith.constant 3 : i32
        %parallel_loop3A_894 = vector.broadcast %parallel_loop3A_893 : i32 to vector<16xi32>
        %parallel_loop3A_895 = arith.addi %parallel_loop3A_377, %parallel_loop3A_894 : vector<16xi32>
        tpu.vector_store_idx %arg14[%parallel_loop3A_880, %parallel_loop3A_895, %parallel_loop3A_150], %parallel_loop3A_837 masked %parallel_loop3A_861 : memref<8x4x384xf32, #tpu.memory_space<vmem>>[vector<16xi32>, vector<16xi32>, vector<16xi32>], vector<16xf32>, vector<16xi1>
        %parallel_loop3A_896 = arith.constant 0 : i32
        %parallel_loop3A_897 = arith.index_cast %parallel_loop3A_896 : i32 to index
        %parallel_loop3A_898 = arith.index_cast %parallel_loop3A_148 : i32 to index
        %parallel_loop3A_899 = tpu.vector_load %arg8[%parallel_loop3A_897, %parallel_loop3A_898] {strides = array<i32>} : memref<40x384xf32, #tpu.memory_space<vmem>>, vector<16xf32>,
        %parallel_loop3A_900 = arith.constant 8 : i32
        %parallel_loop3A_901 = arith.index_cast %parallel_loop3A_900 : i32 to index
        %parallel_loop3A_902 = arith.index_cast %parallel_loop3A_148 : i32 to index
        %parallel_loop3A_903 = tpu.vector_load %arg8[%parallel_loop3A_901, %parallel_loop3A_902] {strides = array<i32>} : memref<40x384xf32, #tpu.memory_space<vmem>>, vector<16xf32>,
        %parallel_loop3A_904 = arith.constant 16 : i32
        %parallel_loop3A_905 = arith.index_cast %parallel_loop3A_904 : i32 to index
        %parallel_loop3A_906 = arith.index_cast %parallel_loop3A_148 : i32 to index
        %parallel_loop3A_907 = tpu.vector_load %arg8[%parallel_loop3A_905, %parallel_loop3A_906] {strides = array<i32>} : memref<40x384xf32, #tpu.memory_space<vmem>>, vector<16xf32>,
        %parallel_loop3A_908 = arith.constant 24 : i32
        %parallel_loop3A_909 = arith.index_cast %parallel_loop3A_908 : i32 to index
        %parallel_loop3A_910 = arith.index_cast %parallel_loop3A_148 : i32 to index
        %parallel_loop3A_911 = tpu.vector_load %arg8[%parallel_loop3A_909, %parallel_loop3A_910] {strides = array<i32>} : memref<40x384xf32, #tpu.memory_space<vmem>>, vector<16xf32>,
        %parallel_loop3A_912 = arith.constant 32 : i32
        %parallel_loop3A_913 = arith.index_cast %parallel_loop3A_912 : i32 to index
        %parallel_loop3A_914 = arith.index_cast %parallel_loop3A_148 : i32 to index
        %parallel_loop3A_915 = tpu.vector_load %arg8[%parallel_loop3A_913, %parallel_loop3A_914] {strides = array<i32>} : memref<40x384xf32, #tpu.memory_space<vmem>>, vector<16xf32>,
        %parallel_loop3A_916 = arith.constant 0 : i32
        %parallel_loop3A_917 = arith.index_cast %parallel_loop3A_916 : i32 to index
        %parallel_loop3A_918 = arith.index_cast %parallel_loop3A_148 : i32 to index
        %parallel_loop3A_919 = tpu.vector_load %arg10[%parallel_loop3A_917, %parallel_loop3A_918] {strides = array<i32>} : memref<8x384xf32, #tpu.memory_space<vmem>>, vector<16xf32>,
        %parallel_loop3A_920 = arith.constant 1.000000e+00 : f32
        %parallel_loop3A_921 = vector.broadcast %parallel_loop3A_920 : f32 to vector<16xf32>
        %parallel_loop3A_922 = arith.subf %parallel_loop3A_921, %parallel_loop3A_911 : vector<16xf32>
        %parallel_loop3A_923 = arith.mulf %parallel_loop3A_899, %parallel_loop3A_911 : vector<16xf32>
        %parallel_loop3A_924 = arith.mulf %parallel_loop3A_851, %parallel_loop3A_922 : vector<16xf32>
        %parallel_loop3A_925 = arith.addf %parallel_loop3A_923, %parallel_loop3A_924 : vector<16xf32>
        %parallel_loop3A_926 = arith.mulf %parallel_loop3A_903, %parallel_loop3A_911 : vector<16xf32>
        %parallel_loop3A_927 = arith.mulf %parallel_loop3A_854, %parallel_loop3A_922 : vector<16xf32>
        %parallel_loop3A_928 = arith.addf %parallel_loop3A_926, %parallel_loop3A_927 : vector<16xf32>
        %parallel_loop3A_929 = arith.mulf %parallel_loop3A_907, %parallel_loop3A_911 : vector<16xf32>
        %parallel_loop3A_930 = arith.mulf %parallel_loop3A_857, %parallel_loop3A_922 : vector<16xf32>
        %parallel_loop3A_931 = arith.addf %parallel_loop3A_929, %parallel_loop3A_930 : vector<16xf32>
        %parallel_loop3A_932 = arith.maximumf %parallel_loop3A_911, %parallel_loop3A_858 : vector<16xf32>
        %parallel_loop3A_933 = arith.constant 0.000000e+00 : f32
        %parallel_loop3A_934 = vector.broadcast %parallel_loop3A_933 : f32 to vector<16xf32>
        %parallel_loop3A_935 = arith.cmpf oge, %parallel_loop3A_919, %parallel_loop3A_934 : vector<16xf32>
        %parallel_loop3A_936 = arith.constant 0.000000e+00 : f32
        %parallel_loop3A_937 = vector.broadcast %parallel_loop3A_936 : f32 to vector<16xf32>
        %parallel_loop3A_938 = arith.cmpf ogt, %parallel_loop3A_919, %parallel_loop3A_937 : vector<16xf32>
        %parallel_loop3A_939 = arith.mulf %parallel_loop3A_919, %parallel_loop3A_911 : vector<16xf32>
        %parallel_loop3A_940 = arith.mulf %parallel_loop3A_868, %parallel_loop3A_922 : vector<16xf32>
        %parallel_loop3A_941 = arith.addf %parallel_loop3A_939, %parallel_loop3A_940 : vector<16xf32>
        %parallel_loop3A_942 = arith.select %parallel_loop3A_938, %parallel_loop3A_941, %parallel_loop3A_868 : vector<16xi1>, vector<16xf32>
        %parallel_loop3A_943 = arith.constant 5.000000e-01 : f32
        %parallel_loop3A_944 = vector.broadcast %parallel_loop3A_943 : f32 to vector<16xf32>
        %parallel_loop3A_945 = arith.cmpf ogt, %parallel_loop3A_911, %parallel_loop3A_944 : vector<16xf32>
        %parallel_loop3A_946 = arith.andi %parallel_loop3A_935, %parallel_loop3A_945 : vector<16xi1>
        %parallel_loop3A_947 = arith.select %parallel_loop3A_946, %parallel_loop3A_915, %parallel_loop3A_873 : vector<16xi1>, vector<16xf32>
        %parallel_loop3A_948 = arith.constant 0x4B000000 : f32
        %parallel_loop3A_949 = vector.broadcast %parallel_loop3A_948 : f32 to vector<16xf32>
        %parallel_loop3A_950 = arith.addf %parallel_loop3A_915, %parallel_loop3A_949 : vector<16xf32>
        %parallel_loop3A_951 = arith.constant 0x4B000000 : f32
        %parallel_loop3A_952 = vector.broadcast %parallel_loop3A_951 : f32 to vector<16xf32>
        %parallel_loop3A_953 = arith.subf %parallel_loop3A_950, %parallel_loop3A_952 : vector<16xf32>
        %parallel_loop3A_954 = arith.fptosi %parallel_loop3A_953 : vector<16xf32> to vector<16xi32>
        %parallel_loop3A_955 = arith.mulf %parallel_loop3A_899, %parallel_loop3A_911 : vector<16xf32>
        %parallel_loop3A_956 = arith.addf %parallel_loop3A_955, %parallel_loop3A_922 : vector<16xf32>
        tpu.vector_store_idx %arg14[%parallel_loop3A_954, %parallel_loop3A_377, %parallel_loop3A_150], %parallel_loop3A_956 masked %parallel_loop3A_935 : memref<8x4x384xf32, #tpu.memory_space<vmem>>[vector<16xi32>, vector<16xi32>, vector<16xi32>], vector<16xf32>, vector<16xi1>
        %parallel_loop3A_957 = arith.constant 1 : i32
        %parallel_loop3A_958 = vector.broadcast %parallel_loop3A_957 : i32 to vector<16xi32>
        %parallel_loop3A_959 = arith.addi %parallel_loop3A_377, %parallel_loop3A_958 : vector<16xi32>
        %parallel_loop3A_960 = arith.mulf %parallel_loop3A_903, %parallel_loop3A_911 : vector<16xf32>
        %parallel_loop3A_961 = arith.addf %parallel_loop3A_960, %parallel_loop3A_922 : vector<16xf32>
        tpu.vector_store_idx %arg14[%parallel_loop3A_954, %parallel_loop3A_959, %parallel_loop3A_150], %parallel_loop3A_961 masked %parallel_loop3A_935 : memref<8x4x384xf32, #tpu.memory_space<vmem>>[vector<16xi32>, vector<16xi32>, vector<16xi32>], vector<16xf32>, vector<16xi1>
        %parallel_loop3A_962 = arith.constant 2 : i32
        %parallel_loop3A_963 = vector.broadcast %parallel_loop3A_962 : i32 to vector<16xi32>
        %parallel_loop3A_964 = arith.addi %parallel_loop3A_377, %parallel_loop3A_963 : vector<16xi32>
        %parallel_loop3A_965 = arith.mulf %parallel_loop3A_907, %parallel_loop3A_911 : vector<16xf32>
        %parallel_loop3A_966 = arith.addf %parallel_loop3A_965, %parallel_loop3A_922 : vector<16xf32>
        tpu.vector_store_idx %arg14[%parallel_loop3A_954, %parallel_loop3A_964, %parallel_loop3A_150], %parallel_loop3A_966 masked %parallel_loop3A_935 : memref<8x4x384xf32, #tpu.memory_space<vmem>>[vector<16xi32>, vector<16xi32>, vector<16xi32>], vector<16xf32>, vector<16xi1>
        %parallel_loop3A_967 = arith.constant 3 : i32
        %parallel_loop3A_968 = vector.broadcast %parallel_loop3A_967 : i32 to vector<16xi32>
        %parallel_loop3A_969 = arith.addi %parallel_loop3A_377, %parallel_loop3A_968 : vector<16xi32>
        tpu.vector_store_idx %arg14[%parallel_loop3A_954, %parallel_loop3A_969, %parallel_loop3A_150], %parallel_loop3A_911 masked %parallel_loop3A_935 : memref<8x4x384xf32, #tpu.memory_space<vmem>>[vector<16xi32>, vector<16xi32>, vector<16xi32>], vector<16xf32>, vector<16xi1>
        %parallel_loop3A_970 = arith.constant 0 : i32
        %parallel_loop3A_971 = arith.index_cast %parallel_loop3A_970 : i32 to index
        %parallel_loop3A_972 = arith.index_cast %parallel_loop3A_148 : i32 to index
        %parallel_loop3A_973 = tpu.vector_load %arg12[%parallel_loop3A_971, %parallel_loop3A_972] {strides = array<i32>} : memref<4x384xf32, #tpu.memory_space<vmem>>, vector<16xf32>,
        tpu.vector_store %arg12[%parallel_loop3A_971, %parallel_loop3A_972], %parallel_loop3A_925 {strides = array<i32>} : memref<4x384xf32, #tpu.memory_space<vmem>>, vector<16xf32>,
        %parallel_loop3A_974 = arith.constant 1 : i32
        %parallel_loop3A_975 = arith.index_cast %parallel_loop3A_974 : i32 to index
        %parallel_loop3A_976 = arith.index_cast %parallel_loop3A_148 : i32 to index
        %parallel_loop3A_977 = tpu.vector_load %arg12[%parallel_loop3A_975, %parallel_loop3A_976] {strides = array<i32>} : memref<4x384xf32, #tpu.memory_space<vmem>>, vector<16xf32>,
        tpu.vector_store %arg12[%parallel_loop3A_975, %parallel_loop3A_976], %parallel_loop3A_928 {strides = array<i32>} : memref<4x384xf32, #tpu.memory_space<vmem>>, vector<16xf32>,
        %parallel_loop3A_978 = arith.constant 2 : i32
        %parallel_loop3A_979 = arith.index_cast %parallel_loop3A_978 : i32 to index
        %parallel_loop3A_980 = arith.index_cast %parallel_loop3A_148 : i32 to index
        %parallel_loop3A_981 = tpu.vector_load %arg12[%parallel_loop3A_979, %parallel_loop3A_980] {strides = array<i32>} : memref<4x384xf32, #tpu.memory_space<vmem>>, vector<16xf32>,
        tpu.vector_store %arg12[%parallel_loop3A_979, %parallel_loop3A_980], %parallel_loop3A_931 {strides = array<i32>} : memref<4x384xf32, #tpu.memory_space<vmem>>, vector<16xf32>,
        %parallel_loop3A_982 = arith.constant 3 : i32
        %parallel_loop3A_983 = arith.index_cast %parallel_loop3A_982 : i32 to index
        %parallel_loop3A_984 = arith.index_cast %parallel_loop3A_148 : i32 to index
        %parallel_loop3A_985 = tpu.vector_load %arg12[%parallel_loop3A_983, %parallel_loop3A_984] {strides = array<i32>} : memref<4x384xf32, #tpu.memory_space<vmem>>, vector<16xf32>,
        tpu.vector_store %arg12[%parallel_loop3A_983, %parallel_loop3A_984], %parallel_loop3A_932 {strides = array<i32>} : memref<4x384xf32, #tpu.memory_space<vmem>>, vector<16xf32>,
        %parallel_loop3A_986 = arith.index_cast %mul3A_83 : i32 to index
        %parallel_loop3A_987 = arith.index_cast %parallel_loop3A_148 : i32 to index
        %parallel_loop3A_988 = tpu.vector_load %arg16[%parallel_loop3A_986, %parallel_loop3A_987] {strides = array<i32>} : memref<48x384xf32, #tpu.memory_space<vmem>>, vector<16xf32>,
        tpu.vector_store %arg16[%parallel_loop3A_986, %parallel_loop3A_987], %parallel_loop3A_942 {strides = array<i32>} : memref<48x384xf32, #tpu.memory_space<vmem>>, vector<16xf32>,
        %parallel_loop3A_989 = arith.constant 7.500000e+00 : f32
        %parallel_loop3A_990 = vector.broadcast %parallel_loop3A_989 : f32 to vector<16xf32>
        %parallel_loop3A_991 = arith.cmpf ogt, %parallel_loop3A_947, %parallel_loop3A_990 : vector<16xf32>
        %parallel_loop3A_992 = arith.constant -1.000000e+00 : f32
        %parallel_loop3A_993 = vector.broadcast %parallel_loop3A_992 : f32 to vector<16xf32>
        %parallel_loop3A_994 = arith.select %parallel_loop3A_991, %parallel_loop3A_993, %parallel_loop3A_947 : vector<16xi1>, vector<16xf32>
        %parallel_loop3A_995 = arith.constant 0x4B000000 : f32
        %parallel_loop3A_996 = vector.broadcast %parallel_loop3A_995 : f32 to vector<16xf32>
        %parallel_loop3A_997 = arith.addf %parallel_loop3A_994, %parallel_loop3A_996 : vector<16xf32>
        %parallel_loop3A_998 = arith.constant 0x4B000000 : f32
        %parallel_loop3A_999 = vector.broadcast %parallel_loop3A_998 : f32 to vector<16xf32>
        %parallel_loop3A_1000 = arith.subf %parallel_loop3A_997, %parallel_loop3A_999 : vector<16xf32>
        %parallel_loop3A_1001 = arith.fptosi %parallel_loop3A_1000 : vector<16xf32> to vector<16xi32>
        %parallel_loop3A_1002 = arith.index_cast %mul3A_83 : i32 to index
        %parallel_loop3A_1003 = arith.index_cast %parallel_loop3A_148 : i32 to index
        %parallel_loop3A_1004 = tpu.vector_load %arg17[%parallel_loop3A_1002, %parallel_loop3A_1003] {strides = array<i32>} : memref<48x384xi32, #tpu.memory_space<vmem>>, vector<16xi32>,
        tpu.vector_store %arg17[%parallel_loop3A_1002, %parallel_loop3A_1003], %parallel_loop3A_1001 {strides = array<i32>} : memref<48x384xi32, #tpu.memory_space<vmem>>, vector<16xi32>,
      } {sc.loop_unroll_factor = 4 : i64, sc.parallel_access}
      %mul3A_86 = arith.constant 384 : i32
      %mul3A_87 = arith.muli %add3A_51, %mul3A_86 : i32
      %multiple_of3A_88 = tpu.assume_multiple %mul3A_87, 128 : i32
      %dma_start3A_89 = arith.constant 0 : i32
      %dma_start3A_90 = tpu.memref_slice %arg4[%dma_start3A_89, %multiple_of3A_88] : memref<4x589824xf32, #tpu.memory_space<hbm>> -> memref<4x384xf32, #tpu.memory_space<hbm>>
      %dma_start3A_91 = arith.constant 0 : i32
      %dma_start3A_92 = tpu.memref_slice %arg4[%dma_start3A_91, %multiple_of3A_88] : memref<4x589824xf32, #tpu.memory_space<hbm>> -> memref<4x384xf32, #tpu.memory_space<hbm>>
      tpu.enqueue_dma source(%arg12 : memref<4x384xf32, #tpu.memory_space<vmem>>) target(%dma_start3A_92 : memref<4x384xf32, #tpu.memory_space<hbm>>) target_semaphore(%arg22 : memref<!tpu.dma_semaphore, #tpu.memory_space<semaphore_mem>>)
      %mul3A_93 = arith.constant 8 : i32
      %mul3A_94 = arith.muli %add3A_51, %mul3A_93 : i32
      %multiple_of3A_95 = tpu.assume_multiple %mul3A_94, 8 : i32
      %dma_start3A_96 = arith.constant 0 : i32
      %dma_start3A_97 = arith.constant 0 : i32
      %dma_start3A_98 = tpu.memref_slice %arg7[%multiple_of3A_95, %dma_start3A_96, %dma_start3A_97] : memref<12288x4x384xf32, #tpu.memory_space<hbm>> -> memref<8x4x384xf32, #tpu.memory_space<hbm>>
      %dma_start3A_99 = arith.constant 0 : i32
      %dma_start3A_100 = arith.constant 0 : i32
      %dma_start3A_101 = tpu.memref_slice %arg7[%multiple_of3A_95, %dma_start3A_99, %dma_start3A_100] : memref<12288x4x384xf32, #tpu.memory_space<hbm>> -> memref<8x4x384xf32, #tpu.memory_space<hbm>>
      tpu.enqueue_dma source(%arg14 : memref<8x4x384xf32, #tpu.memory_space<vmem>>) target(%dma_start3A_101 : memref<8x4x384xf32, #tpu.memory_space<hbm>>) target_semaphore(%arg24 : memref<!tpu.dma_semaphore, #tpu.memory_space<semaphore_mem>>)
      %lt3A = arith.constant 23 : i32
      %lt3A_102 = arith.cmpi slt, %scan3A_48, %lt3A : i32
      %convert_element_type3A_103 = arith.extui %lt3A_102 : i1 to i32
      %cond3A_104 = arith.constant 0 : i32
      %cond3A_105 = arith.cmpi ne, %convert_element_type3A_103, %cond3A_104 : i32
      scf.if %cond3A_105 {
        %add3A_146 = arith.constant 2 : i32
        %add3A_147 = arith.addi %add3A_51, %add3A_146 : i32
        %mul3A_148 = arith.constant 40 : i32
        %mul3A_149 = arith.muli %add3A_147, %mul3A_148 : i32
        %multiple_of3A_150 = tpu.assume_multiple %mul3A_149, 8 : i32
        %dma_start3A_151 = arith.constant 0 : i32
        %dma_start3A_152 = tpu.memref_slice %arg2[%multiple_of3A_150, %dma_start3A_151] : memref<61440x384xf32, #tpu.memory_space<hbm>> -> memref<40x384xf32, #tpu.memory_space<hbm>>
        %dma_start3A_153 = arith.constant 0 : i32
        %dma_start3A_154 = tpu.memref_slice %arg2[%multiple_of3A_150, %dma_start3A_153] : memref<61440x384xf32, #tpu.memory_space<hbm>> -> memref<40x384xf32, #tpu.memory_space<hbm>>
        tpu.enqueue_dma source(%dma_start3A_154 : memref<40x384xf32, #tpu.memory_space<hbm>>) target(%arg8 : memref<40x384xf32, #tpu.memory_space<vmem>>) target_semaphore(%arg18 : memref<!tpu.dma_semaphore, #tpu.memory_space<semaphore_mem>>)
        %mul3A_155 = arith.constant 8 : i32
        %mul3A_156 = arith.muli %add3A_147, %mul3A_155 : i32
        %multiple_of3A_157 = tpu.assume_multiple %mul3A_156, 8 : i32
        %dma_start3A_158 = arith.constant 0 : i32
        %dma_start3A_159 = tpu.memref_slice %arg3[%multiple_of3A_157, %dma_start3A_158] : memref<12288x384xf32, #tpu.memory_space<hbm>> -> memref<8x384xf32, #tpu.memory_space<hbm>>
        %dma_start3A_160 = arith.constant 0 : i32
        %dma_start3A_161 = tpu.memref_slice %arg3[%multiple_of3A_157, %dma_start3A_160] : memref<12288x384xf32, #tpu.memory_space<hbm>> -> memref<8x384xf32, #tpu.memory_space<hbm>>
        tpu.enqueue_dma source(%dma_start3A_161 : memref<8x384xf32, #tpu.memory_space<hbm>>) target(%arg10 : memref<8x384xf32, #tpu.memory_space<vmem>>) target_semaphore(%arg20 : memref<!tpu.dma_semaphore, #tpu.memory_space<semaphore_mem>>)
      } else {
      }
      %dma_wait3A_106 = arith.constant 0 : i32
      %dma_wait3A_107 = arith.constant 0 : i32
      %dma_wait3A_108 = tpu.memref_slice %arg2[%dma_wait3A_106, %dma_wait3A_107] : memref<61440x384xf32, #tpu.memory_space<hbm>> -> memref<40x384xf32, #tpu.memory_space<hbm>>
      %dma_wait3A_109 = arith.constant 0 : i32
      %dma_wait3A_110 = arith.constant 0 : i32
      %dma_wait3A_111 = tpu.memref_slice %arg2[%dma_wait3A_109, %dma_wait3A_110] : memref<61440x384xf32, #tpu.memory_space<hbm>> -> memref<40x384xf32, #tpu.memory_space<hbm>>
      tpu.wait_dma2 semaphore(%arg19 : memref<!tpu.dma_semaphore, #tpu.memory_space<semaphore_mem>>) src(%dma_wait3A_111 : memref<40x384xf32, #tpu.memory_space<hbm>>) dst(%arg9 : memref<40x384xf32, #tpu.memory_space<vmem>>)
      %dma_wait3A_112 = arith.constant 0 : i32
      %dma_wait3A_113 = arith.constant 0 : i32
      %dma_wait3A_114 = tpu.memref_slice %arg3[%dma_wait3A_112, %dma_wait3A_113] : memref<12288x384xf32, #tpu.memory_space<hbm>> -> memref<8x384xf32, #tpu.memory_space<hbm>>
      %dma_wait3A_115 = arith.constant 0 : i32
      %dma_wait3A_116 = arith.constant 0 : i32
      %dma_wait3A_117 = tpu.memref_slice %arg3[%dma_wait3A_115, %dma_wait3A_116] : memref<12288x384xf32, #tpu.memory_space<hbm>> -> memref<8x384xf32, #tpu.memory_space<hbm>>
      tpu.wait_dma2 semaphore(%arg21 : memref<!tpu.dma_semaphore, #tpu.memory_space<semaphore_mem>>) src(%dma_wait3A_117 : memref<8x384xf32, #tpu.memory_space<hbm>>) dst(%arg11 : memref<8x384xf32, #tpu.memory_space<vmem>>)
      %gt3A_118 = arith.constant 0 : i32
      %gt3A_119 = arith.cmpi sgt, %scan3A_48, %gt3A_118 : i32
      %convert_element_type3A_120 = arith.extui %gt3A_119 : i1 to i32
      %cond3A_121 = arith.constant 0 : i32
      %cond3A_122 = arith.cmpi ne, %convert_element_type3A_120, %cond3A_121 : i32
      scf.if %cond3A_122 {
        %dma_wait3A_146 = arith.constant 0 : i32
        %dma_wait3A_147 = arith.constant 0 : i32
        %dma_wait3A_148 = tpu.memref_slice %arg4[%dma_wait3A_146, %dma_wait3A_147] : memref<4x589824xf32, #tpu.memory_space<hbm>> -> memref<4x384xf32, #tpu.memory_space<hbm>>
        %dma_wait3A_149 = arith.constant 0 : i32
        %dma_wait3A_150 = arith.constant 0 : i32
        %dma_wait3A_151 = tpu.memref_slice %arg4[%dma_wait3A_149, %dma_wait3A_150] : memref<4x589824xf32, #tpu.memory_space<hbm>> -> memref<4x384xf32, #tpu.memory_space<hbm>>
        tpu.wait_dma2 semaphore(%arg23 : memref<!tpu.dma_semaphore, #tpu.memory_space<semaphore_mem>>) src(%arg13 : memref<4x384xf32, #tpu.memory_space<vmem>>) dst(%dma_wait3A_151 : memref<4x384xf32, #tpu.memory_space<hbm>>)
        %dma_wait3A_152 = arith.constant 0 : i32
        %dma_wait3A_153 = arith.constant 0 : i32
        %dma_wait3A_154 = arith.constant 0 : i32
        %dma_wait3A_155 = tpu.memref_slice %arg7[%dma_wait3A_152, %dma_wait3A_153, %dma_wait3A_154] : memref<12288x4x384xf32, #tpu.memory_space<hbm>> -> memref<8x4x384xf32, #tpu.memory_space<hbm>>
        %dma_wait3A_156 = arith.constant 0 : i32
        %dma_wait3A_157 = arith.constant 0 : i32
        %dma_wait3A_158 = arith.constant 0 : i32
        %dma_wait3A_159 = tpu.memref_slice %arg7[%dma_wait3A_156, %dma_wait3A_157, %dma_wait3A_158] : memref<12288x4x384xf32, #tpu.memory_space<hbm>> -> memref<8x4x384xf32, #tpu.memory_space<hbm>>
        tpu.wait_dma2 semaphore(%arg25 : memref<!tpu.dma_semaphore, #tpu.memory_space<semaphore_mem>>) src(%arg15 : memref<8x4x384xf32, #tpu.memory_space<vmem>>) dst(%dma_wait3A_159 : memref<8x4x384xf32, #tpu.memory_space<hbm>>)
      } else {
      }
      %mul3A_123 = arith.constant 2 : i32
      %mul3A_124 = arith.muli %mul3A_123, %scan3A_48 : i32
      %add3A_125 = arith.constant 1 : i32
      %add3A_126 = arith.addi %mul3A_124, %add3A_125 : i32
      %parallel_loop3A_127 = arith.constant 0 : i32
      %parallel_loop3A_128 = arith.constant 24 : i32
      %parallel_loop3A_129 = arith.constant 1 : i32
      scf.for %parallel_loop3A_146 = %parallel_loop3A_127 to %parallel_loop3A_128 step %parallel_loop3A_129  : i32 {
        %parallel_loop3A_147 = arith.constant 16 : i32
        %parallel_loop3A_148 = arith.muli %parallel_loop3A_146, %parallel_loop3A_147 : i32
        %parallel_loop3A_149 = vector.broadcast %parallel_loop3A_148 : i32 to vector<16xi32>
        %parallel_loop3A_150 = arith.addi %iota3A, %parallel_loop3A_149 : vector<16xi32>
        %parallel_loop3A_151 = arith.constant 1.000000e+00 : f32
        %parallel_loop3A_152 = vector.broadcast %parallel_loop3A_151 : f32 to vector<16xf32>
        %parallel_loop3A_153 = arith.constant 0 : i32
        %parallel_loop3A_154 = arith.constant 0 : i32
        %parallel_loop3A_155 = arith.index_cast %parallel_loop3A_153 : i32 to index
        %parallel_loop3A_156 = arith.index_cast %parallel_loop3A_154 : i32 to index
        %parallel_loop3A_157 = arith.index_cast %parallel_loop3A_148 : i32 to index
        %parallel_loop3A_158 = tpu.vector_load %arg15[%parallel_loop3A_155, %parallel_loop3A_156, %parallel_loop3A_157] {strides = array<i32>} : memref<8x4x384xf32, #tpu.memory_space<vmem>>, vector<16xf32>,
        tpu.vector_store %arg15[%parallel_loop3A_155, %parallel_loop3A_156, %parallel_loop3A_157], %parallel_loop3A_152 {strides = array<i32>} : memref<8x4x384xf32, #tpu.memory_space<vmem>>, vector<16xf32>,
        %parallel_loop3A_159 = arith.constant 0 : i32
        %parallel_loop3A_160 = arith.constant 1 : i32
        %parallel_loop3A_161 = arith.index_cast %parallel_loop3A_159 : i32 to index
        %parallel_loop3A_162 = arith.index_cast %parallel_loop3A_160 : i32 to index
        %parallel_loop3A_163 = arith.index_cast %parallel_loop3A_148 : i32 to index
        %parallel_loop3A_164 = tpu.vector_load %arg15[%parallel_loop3A_161, %parallel_loop3A_162, %parallel_loop3A_163] {strides = array<i32>} : memref<8x4x384xf32, #tpu.memory_space<vmem>>, vector<16xf32>,
        tpu.vector_store %arg15[%parallel_loop3A_161, %parallel_loop3A_162, %parallel_loop3A_163], %parallel_loop3A_152 {strides = array<i32>} : memref<8x4x384xf32, #tpu.memory_space<vmem>>, vector<16xf32>,
        %parallel_loop3A_165 = arith.constant 0 : i32
        %parallel_loop3A_166 = arith.constant 2 : i32
        %parallel_loop3A_167 = arith.index_cast %parallel_loop3A_165 : i32 to index
        %parallel_loop3A_168 = arith.index_cast %parallel_loop3A_166 : i32 to index
        %parallel_loop3A_169 = arith.index_cast %parallel_loop3A_148 : i32 to index
        %parallel_loop3A_170 = tpu.vector_load %arg15[%parallel_loop3A_167, %parallel_loop3A_168, %parallel_loop3A_169] {strides = array<i32>} : memref<8x4x384xf32, #tpu.memory_space<vmem>>, vector<16xf32>,
        tpu.vector_store %arg15[%parallel_loop3A_167, %parallel_loop3A_168, %parallel_loop3A_169], %parallel_loop3A_152 {strides = array<i32>} : memref<8x4x384xf32, #tpu.memory_space<vmem>>, vector<16xf32>,
        %parallel_loop3A_171 = arith.constant 0.000000e+00 : f32
        %parallel_loop3A_172 = vector.broadcast %parallel_loop3A_171 : f32 to vector<16xf32>
        %parallel_loop3A_173 = arith.mulf %parallel_loop3A_152, %parallel_loop3A_172 : vector<16xf32>
        %parallel_loop3A_174 = arith.constant 0 : i32
        %parallel_loop3A_175 = arith.constant 3 : i32
        %parallel_loop3A_176 = arith.index_cast %parallel_loop3A_174 : i32 to index
        %parallel_loop3A_177 = arith.index_cast %parallel_loop3A_175 : i32 to index
        %parallel_loop3A_178 = arith.index_cast %parallel_loop3A_148 : i32 to index
        %parallel_loop3A_179 = tpu.vector_load %arg15[%parallel_loop3A_176, %parallel_loop3A_177, %parallel_loop3A_178] {strides = array<i32>} : memref<8x4x384xf32, #tpu.memory_space<vmem>>, vector<16xf32>,
        tpu.vector_store %arg15[%parallel_loop3A_176, %parallel_loop3A_177, %parallel_loop3A_178], %parallel_loop3A_173 {strides = array<i32>} : memref<8x4x384xf32, #tpu.memory_space<vmem>>, vector<16xf32>,
        %parallel_loop3A_180 = arith.constant 1 : i32
        %parallel_loop3A_181 = arith.constant 0 : i32
        %parallel_loop3A_182 = arith.index_cast %parallel_loop3A_180 : i32 to index
        %parallel_loop3A_183 = arith.index_cast %parallel_loop3A_181 : i32 to index
        %parallel_loop3A_184 = arith.index_cast %parallel_loop3A_148 : i32 to index
        %parallel_loop3A_185 = tpu.vector_load %arg15[%parallel_loop3A_182, %parallel_loop3A_183, %parallel_loop3A_184] {strides = array<i32>} : memref<8x4x384xf32, #tpu.memory_space<vmem>>, vector<16xf32>,
        tpu.vector_store %arg15[%parallel_loop3A_182, %parallel_loop3A_183, %parallel_loop3A_184], %parallel_loop3A_152 {strides = array<i32>} : memref<8x4x384xf32, #tpu.memory_space<vmem>>, vector<16xf32>,
        %parallel_loop3A_186 = arith.constant 1 : i32
        %parallel_loop3A_187 = arith.constant 1 : i32
        %parallel_loop3A_188 = arith.index_cast %parallel_loop3A_186 : i32 to index
        %parallel_loop3A_189 = arith.index_cast %parallel_loop3A_187 : i32 to index
        %parallel_loop3A_190 = arith.index_cast %parallel_loop3A_148 : i32 to index
        %parallel_loop3A_191 = tpu.vector_load %arg15[%parallel_loop3A_188, %parallel_loop3A_189, %parallel_loop3A_190] {strides = array<i32>} : memref<8x4x384xf32, #tpu.memory_space<vmem>>, vector<16xf32>,
        tpu.vector_store %arg15[%parallel_loop3A_188, %parallel_loop3A_189, %parallel_loop3A_190], %parallel_loop3A_152 {strides = array<i32>} : memref<8x4x384xf32, #tpu.memory_space<vmem>>, vector<16xf32>,
        %parallel_loop3A_192 = arith.constant 1 : i32
        %parallel_loop3A_193 = arith.constant 2 : i32
        %parallel_loop3A_194 = arith.index_cast %parallel_loop3A_192 : i32 to index
        %parallel_loop3A_195 = arith.index_cast %parallel_loop3A_193 : i32 to index
        %parallel_loop3A_196 = arith.index_cast %parallel_loop3A_148 : i32 to index
        %parallel_loop3A_197 = tpu.vector_load %arg15[%parallel_loop3A_194, %parallel_loop3A_195, %parallel_loop3A_196] {strides = array<i32>} : memref<8x4x384xf32, #tpu.memory_space<vmem>>, vector<16xf32>,
        tpu.vector_store %arg15[%parallel_loop3A_194, %parallel_loop3A_195, %parallel_loop3A_196], %parallel_loop3A_152 {strides = array<i32>} : memref<8x4x384xf32, #tpu.memory_space<vmem>>, vector<16xf32>,
        %parallel_loop3A_198 = arith.constant 0.000000e+00 : f32
        %parallel_loop3A_199 = vector.broadcast %parallel_loop3A_198 : f32 to vector<16xf32>
        %parallel_loop3A_200 = arith.mulf %parallel_loop3A_152, %parallel_loop3A_199 : vector<16xf32>
        %parallel_loop3A_201 = arith.constant 1 : i32
        %parallel_loop3A_202 = arith.constant 3 : i32
        %parallel_loop3A_203 = arith.index_cast %parallel_loop3A_201 : i32 to index
        %parallel_loop3A_204 = arith.index_cast %parallel_loop3A_202 : i32 to index
        %parallel_loop3A_205 = arith.index_cast %parallel_loop3A_148 : i32 to index
        %parallel_loop3A_206 = tpu.vector_load %arg15[%parallel_loop3A_203, %parallel_loop3A_204, %parallel_loop3A_205] {strides = array<i32>} : memref<8x4x384xf32, #tpu.memory_space<vmem>>, vector<16xf32>,
        tpu.vector_store %arg15[%parallel_loop3A_203, %parallel_loop3A_204, %parallel_loop3A_205], %parallel_loop3A_200 {strides = array<i32>} : memref<8x4x384xf32, #tpu.memory_space<vmem>>, vector<16xf32>,
        %parallel_loop3A_207 = arith.constant 2 : i32
        %parallel_loop3A_208 = arith.constant 0 : i32
        %parallel_loop3A_209 = arith.index_cast %parallel_loop3A_207 : i32 to index
        %parallel_loop3A_210 = arith.index_cast %parallel_loop3A_208 : i32 to index
        %parallel_loop3A_211 = arith.index_cast %parallel_loop3A_148 : i32 to index
        %parallel_loop3A_212 = tpu.vector_load %arg15[%parallel_loop3A_209, %parallel_loop3A_210, %parallel_loop3A_211] {strides = array<i32>} : memref<8x4x384xf32, #tpu.memory_space<vmem>>, vector<16xf32>,
        tpu.vector_store %arg15[%parallel_loop3A_209, %parallel_loop3A_210, %parallel_loop3A_211], %parallel_loop3A_152 {strides = array<i32>} : memref<8x4x384xf32, #tpu.memory_space<vmem>>, vector<16xf32>,
        %parallel_loop3A_213 = arith.constant 2 : i32
        %parallel_loop3A_214 = arith.constant 1 : i32
        %parallel_loop3A_215 = arith.index_cast %parallel_loop3A_213 : i32 to index
        %parallel_loop3A_216 = arith.index_cast %parallel_loop3A_214 : i32 to index
        %parallel_loop3A_217 = arith.index_cast %parallel_loop3A_148 : i32 to index
        %parallel_loop3A_218 = tpu.vector_load %arg15[%parallel_loop3A_215, %parallel_loop3A_216, %parallel_loop3A_217] {strides = array<i32>} : memref<8x4x384xf32, #tpu.memory_space<vmem>>, vector<16xf32>,
        tpu.vector_store %arg15[%parallel_loop3A_215, %parallel_loop3A_216, %parallel_loop3A_217], %parallel_loop3A_152 {strides = array<i32>} : memref<8x4x384xf32, #tpu.memory_space<vmem>>, vector<16xf32>,
        %parallel_loop3A_219 = arith.constant 2 : i32
        %parallel_loop3A_220 = arith.constant 2 : i32
        %parallel_loop3A_221 = arith.index_cast %parallel_loop3A_219 : i32 to index
        %parallel_loop3A_222 = arith.index_cast %parallel_loop3A_220 : i32 to index
        %parallel_loop3A_223 = arith.index_cast %parallel_loop3A_148 : i32 to index
        %parallel_loop3A_224 = tpu.vector_load %arg15[%parallel_loop3A_221, %parallel_loop3A_222, %parallel_loop3A_223] {strides = array<i32>} : memref<8x4x384xf32, #tpu.memory_space<vmem>>, vector<16xf32>,
        tpu.vector_store %arg15[%parallel_loop3A_221, %parallel_loop3A_222, %parallel_loop3A_223], %parallel_loop3A_152 {strides = array<i32>} : memref<8x4x384xf32, #tpu.memory_space<vmem>>, vector<16xf32>,
        %parallel_loop3A_225 = arith.constant 0.000000e+00 : f32
        %parallel_loop3A_226 = vector.broadcast %parallel_loop3A_225 : f32 to vector<16xf32>
        %parallel_loop3A_227 = arith.mulf %parallel_loop3A_152, %parallel_loop3A_226 : vector<16xf32>
        %parallel_loop3A_228 = arith.constant 2 : i32
        %parallel_loop3A_229 = arith.constant 3 : i32
        %parallel_loop3A_230 = arith.index_cast %parallel_loop3A_228 : i32 to index
        %parallel_loop3A_231 = arith.index_cast %parallel_loop3A_229 : i32 to index
        %parallel_loop3A_232 = arith.index_cast %parallel_loop3A_148 : i32 to index
        %parallel_loop3A_233 = tpu.vector_load %arg15[%parallel_loop3A_230, %parallel_loop3A_231, %parallel_loop3A_232] {strides = array<i32>} : memref<8x4x384xf32, #tpu.memory_space<vmem>>, vector<16xf32>,
        tpu.vector_store %arg15[%parallel_loop3A_230, %parallel_loop3A_231, %parallel_loop3A_232], %parallel_loop3A_227 {strides = array<i32>} : memref<8x4x384xf32, #tpu.memory_space<vmem>>, vector<16xf32>,
        %parallel_loop3A_234 = arith.constant 3 : i32
        %parallel_loop3A_235 = arith.constant 0 : i32
        %parallel_loop3A_236 = arith.index_cast %parallel_loop3A_234 : i32 to index
        %parallel_loop3A_237 = arith.index_cast %parallel_loop3A_235 : i32 to index
        %parallel_loop3A_238 = arith.index_cast %parallel_loop3A_148 : i32 to index
        %parallel_loop3A_239 = tpu.vector_load %arg15[%parallel_loop3A_236, %parallel_loop3A_237, %parallel_loop3A_238] {strides = array<i32>} : memref<8x4x384xf32, #tpu.memory_space<vmem>>, vector<16xf32>,
        tpu.vector_store %arg15[%parallel_loop3A_236, %parallel_loop3A_237, %parallel_loop3A_238], %parallel_loop3A_152 {strides = array<i32>} : memref<8x4x384xf32, #tpu.memory_space<vmem>>, vector<16xf32>,
        %parallel_loop3A_240 = arith.constant 3 : i32
        %parallel_loop3A_241 = arith.constant 1 : i32
        %parallel_loop3A_242 = arith.index_cast %parallel_loop3A_240 : i32 to index
        %parallel_loop3A_243 = arith.index_cast %parallel_loop3A_241 : i32 to index
        %parallel_loop3A_244 = arith.index_cast %parallel_loop3A_148 : i32 to index
        %parallel_loop3A_245 = tpu.vector_load %arg15[%parallel_loop3A_242, %parallel_loop3A_243, %parallel_loop3A_244] {strides = array<i32>} : memref<8x4x384xf32, #tpu.memory_space<vmem>>, vector<16xf32>,
        tpu.vector_store %arg15[%parallel_loop3A_242, %parallel_loop3A_243, %parallel_loop3A_244], %parallel_loop3A_152 {strides = array<i32>} : memref<8x4x384xf32, #tpu.memory_space<vmem>>, vector<16xf32>,
        %parallel_loop3A_246 = arith.constant 3 : i32
        %parallel_loop3A_247 = arith.constant 2 : i32
        %parallel_loop3A_248 = arith.index_cast %parallel_loop3A_246 : i32 to index
        %parallel_loop3A_249 = arith.index_cast %parallel_loop3A_247 : i32 to index
        %parallel_loop3A_250 = arith.index_cast %parallel_loop3A_148 : i32 to index
        %parallel_loop3A_251 = tpu.vector_load %arg15[%parallel_loop3A_248, %parallel_loop3A_249, %parallel_loop3A_250] {strides = array<i32>} : memref<8x4x384xf32, #tpu.memory_space<vmem>>, vector<16xf32>,
        tpu.vector_store %arg15[%parallel_loop3A_248, %parallel_loop3A_249, %parallel_loop3A_250], %parallel_loop3A_152 {strides = array<i32>} : memref<8x4x384xf32, #tpu.memory_space<vmem>>, vector<16xf32>,
        %parallel_loop3A_252 = arith.constant 0.000000e+00 : f32
        %parallel_loop3A_253 = vector.broadcast %parallel_loop3A_252 : f32 to vector<16xf32>
        %parallel_loop3A_254 = arith.mulf %parallel_loop3A_152, %parallel_loop3A_253 : vector<16xf32>
        %parallel_loop3A_255 = arith.constant 3 : i32
        %parallel_loop3A_256 = arith.constant 3 : i32
        %parallel_loop3A_257 = arith.index_cast %parallel_loop3A_255 : i32 to index
        %parallel_loop3A_258 = arith.index_cast %parallel_loop3A_256 : i32 to index
        %parallel_loop3A_259 = arith.index_cast %parallel_loop3A_148 : i32 to index
        %parallel_loop3A_260 = tpu.vector_load %arg15[%parallel_loop3A_257, %parallel_loop3A_258, %parallel_loop3A_259] {strides = array<i32>} : memref<8x4x384xf32, #tpu.memory_space<vmem>>, vector<16xf32>,
        tpu.vector_store %arg15[%parallel_loop3A_257, %parallel_loop3A_258, %parallel_loop3A_259], %parallel_loop3A_254 {strides = array<i32>} : memref<8x4x384xf32, #tpu.memory_space<vmem>>, vector<16xf32>,
        %parallel_loop3A_261 = arith.constant 4 : i32
        %parallel_loop3A_262 = arith.constant 0 : i32
        %parallel_loop3A_263 = arith.index_cast %parallel_loop3A_261 : i32 to index
        %parallel_loop3A_264 = arith.index_cast %parallel_loop3A_262 : i32 to index
        %parallel_loop3A_265 = arith.index_cast %parallel_loop3A_148 : i32 to index
        %parallel_loop3A_266 = tpu.vector_load %arg15[%parallel_loop3A_263, %parallel_loop3A_264, %parallel_loop3A_265] {strides = array<i32>} : memref<8x4x384xf32, #tpu.memory_space<vmem>>, vector<16xf32>,
        tpu.vector_store %arg15[%parallel_loop3A_263, %parallel_loop3A_264, %parallel_loop3A_265], %parallel_loop3A_152 {strides = array<i32>} : memref<8x4x384xf32, #tpu.memory_space<vmem>>, vector<16xf32>,
        %parallel_loop3A_267 = arith.constant 4 : i32
        %parallel_loop3A_268 = arith.constant 1 : i32
        %parallel_loop3A_269 = arith.index_cast %parallel_loop3A_267 : i32 to index
        %parallel_loop3A_270 = arith.index_cast %parallel_loop3A_268 : i32 to index
        %parallel_loop3A_271 = arith.index_cast %parallel_loop3A_148 : i32 to index
        %parallel_loop3A_272 = tpu.vector_load %arg15[%parallel_loop3A_269, %parallel_loop3A_270, %parallel_loop3A_271] {strides = array<i32>} : memref<8x4x384xf32, #tpu.memory_space<vmem>>, vector<16xf32>,
        tpu.vector_store %arg15[%parallel_loop3A_269, %parallel_loop3A_270, %parallel_loop3A_271], %parallel_loop3A_152 {strides = array<i32>} : memref<8x4x384xf32, #tpu.memory_space<vmem>>, vector<16xf32>,
        %parallel_loop3A_273 = arith.constant 4 : i32
        %parallel_loop3A_274 = arith.constant 2 : i32
        %parallel_loop3A_275 = arith.index_cast %parallel_loop3A_273 : i32 to index
        %parallel_loop3A_276 = arith.index_cast %parallel_loop3A_274 : i32 to index
        %parallel_loop3A_277 = arith.index_cast %parallel_loop3A_148 : i32 to index
        %parallel_loop3A_278 = tpu.vector_load %arg15[%parallel_loop3A_275, %parallel_loop3A_276, %parallel_loop3A_277] {strides = array<i32>} : memref<8x4x384xf32, #tpu.memory_space<vmem>>, vector<16xf32>,
        tpu.vector_store %arg15[%parallel_loop3A_275, %parallel_loop3A_276, %parallel_loop3A_277], %parallel_loop3A_152 {strides = array<i32>} : memref<8x4x384xf32, #tpu.memory_space<vmem>>, vector<16xf32>,
        %parallel_loop3A_279 = arith.constant 0.000000e+00 : f32
        %parallel_loop3A_280 = vector.broadcast %parallel_loop3A_279 : f32 to vector<16xf32>
        %parallel_loop3A_281 = arith.mulf %parallel_loop3A_152, %parallel_loop3A_280 : vector<16xf32>
        %parallel_loop3A_282 = arith.constant 4 : i32
        %parallel_loop3A_283 = arith.constant 3 : i32
        %parallel_loop3A_284 = arith.index_cast %parallel_loop3A_282 : i32 to index
        %parallel_loop3A_285 = arith.index_cast %parallel_loop3A_283 : i32 to index
        %parallel_loop3A_286 = arith.index_cast %parallel_loop3A_148 : i32 to index
        %parallel_loop3A_287 = tpu.vector_load %arg15[%parallel_loop3A_284, %parallel_loop3A_285, %parallel_loop3A_286] {strides = array<i32>} : memref<8x4x384xf32, #tpu.memory_space<vmem>>, vector<16xf32>,
        tpu.vector_store %arg15[%parallel_loop3A_284, %parallel_loop3A_285, %parallel_loop3A_286], %parallel_loop3A_281 {strides = array<i32>} : memref<8x4x384xf32, #tpu.memory_space<vmem>>, vector<16xf32>,
        %parallel_loop3A_288 = arith.constant 5 : i32
        %parallel_loop3A_289 = arith.constant 0 : i32
        %parallel_loop3A_290 = arith.index_cast %parallel_loop3A_288 : i32 to index
        %parallel_loop3A_291 = arith.index_cast %parallel_loop3A_289 : i32 to index
        %parallel_loop3A_292 = arith.index_cast %parallel_loop3A_148 : i32 to index
        %parallel_loop3A_293 = tpu.vector_load %arg15[%parallel_loop3A_290, %parallel_loop3A_291, %parallel_loop3A_292] {strides = array<i32>} : memref<8x4x384xf32, #tpu.memory_space<vmem>>, vector<16xf32>,
        tpu.vector_store %arg15[%parallel_loop3A_290, %parallel_loop3A_291, %parallel_loop3A_292], %parallel_loop3A_152 {strides = array<i32>} : memref<8x4x384xf32, #tpu.memory_space<vmem>>, vector<16xf32>,
        %parallel_loop3A_294 = arith.constant 5 : i32
        %parallel_loop3A_295 = arith.constant 1 : i32
        %parallel_loop3A_296 = arith.index_cast %parallel_loop3A_294 : i32 to index
        %parallel_loop3A_297 = arith.index_cast %parallel_loop3A_295 : i32 to index
        %parallel_loop3A_298 = arith.index_cast %parallel_loop3A_148 : i32 to index
        %parallel_loop3A_299 = tpu.vector_load %arg15[%parallel_loop3A_296, %parallel_loop3A_297, %parallel_loop3A_298] {strides = array<i32>} : memref<8x4x384xf32, #tpu.memory_space<vmem>>, vector<16xf32>,
        tpu.vector_store %arg15[%parallel_loop3A_296, %parallel_loop3A_297, %parallel_loop3A_298], %parallel_loop3A_152 {strides = array<i32>} : memref<8x4x384xf32, #tpu.memory_space<vmem>>, vector<16xf32>,
        %parallel_loop3A_300 = arith.constant 5 : i32
        %parallel_loop3A_301 = arith.constant 2 : i32
        %parallel_loop3A_302 = arith.index_cast %parallel_loop3A_300 : i32 to index
        %parallel_loop3A_303 = arith.index_cast %parallel_loop3A_301 : i32 to index
        %parallel_loop3A_304 = arith.index_cast %parallel_loop3A_148 : i32 to index
        %parallel_loop3A_305 = tpu.vector_load %arg15[%parallel_loop3A_302, %parallel_loop3A_303, %parallel_loop3A_304] {strides = array<i32>} : memref<8x4x384xf32, #tpu.memory_space<vmem>>, vector<16xf32>,
        tpu.vector_store %arg15[%parallel_loop3A_302, %parallel_loop3A_303, %parallel_loop3A_304], %parallel_loop3A_152 {strides = array<i32>} : memref<8x4x384xf32, #tpu.memory_space<vmem>>, vector<16xf32>,
        %parallel_loop3A_306 = arith.constant 0.000000e+00 : f32
        %parallel_loop3A_307 = vector.broadcast %parallel_loop3A_306 : f32 to vector<16xf32>
        %parallel_loop3A_308 = arith.mulf %parallel_loop3A_152, %parallel_loop3A_307 : vector<16xf32>
        %parallel_loop3A_309 = arith.constant 5 : i32
        %parallel_loop3A_310 = arith.constant 3 : i32
        %parallel_loop3A_311 = arith.index_cast %parallel_loop3A_309 : i32 to index
        %parallel_loop3A_312 = arith.index_cast %parallel_loop3A_310 : i32 to index
        %parallel_loop3A_313 = arith.index_cast %parallel_loop3A_148 : i32 to index
        %parallel_loop3A_314 = tpu.vector_load %arg15[%parallel_loop3A_311, %parallel_loop3A_312, %parallel_loop3A_313] {strides = array<i32>} : memref<8x4x384xf32, #tpu.memory_space<vmem>>, vector<16xf32>,
        tpu.vector_store %arg15[%parallel_loop3A_311, %parallel_loop3A_312, %parallel_loop3A_313], %parallel_loop3A_308 {strides = array<i32>} : memref<8x4x384xf32, #tpu.memory_space<vmem>>, vector<16xf32>,
        %parallel_loop3A_315 = arith.constant 6 : i32
        %parallel_loop3A_316 = arith.constant 0 : i32
        %parallel_loop3A_317 = arith.index_cast %parallel_loop3A_315 : i32 to index
        %parallel_loop3A_318 = arith.index_cast %parallel_loop3A_316 : i32 to index
        %parallel_loop3A_319 = arith.index_cast %parallel_loop3A_148 : i32 to index
        %parallel_loop3A_320 = tpu.vector_load %arg15[%parallel_loop3A_317, %parallel_loop3A_318, %parallel_loop3A_319] {strides = array<i32>} : memref<8x4x384xf32, #tpu.memory_space<vmem>>, vector<16xf32>,
        tpu.vector_store %arg15[%parallel_loop3A_317, %parallel_loop3A_318, %parallel_loop3A_319], %parallel_loop3A_152 {strides = array<i32>} : memref<8x4x384xf32, #tpu.memory_space<vmem>>, vector<16xf32>,
        %parallel_loop3A_321 = arith.constant 6 : i32
        %parallel_loop3A_322 = arith.constant 1 : i32
        %parallel_loop3A_323 = arith.index_cast %parallel_loop3A_321 : i32 to index
        %parallel_loop3A_324 = arith.index_cast %parallel_loop3A_322 : i32 to index
        %parallel_loop3A_325 = arith.index_cast %parallel_loop3A_148 : i32 to index
        %parallel_loop3A_326 = tpu.vector_load %arg15[%parallel_loop3A_323, %parallel_loop3A_324, %parallel_loop3A_325] {strides = array<i32>} : memref<8x4x384xf32, #tpu.memory_space<vmem>>, vector<16xf32>,
        tpu.vector_store %arg15[%parallel_loop3A_323, %parallel_loop3A_324, %parallel_loop3A_325], %parallel_loop3A_152 {strides = array<i32>} : memref<8x4x384xf32, #tpu.memory_space<vmem>>, vector<16xf32>,
        %parallel_loop3A_327 = arith.constant 6 : i32
        %parallel_loop3A_328 = arith.constant 2 : i32
        %parallel_loop3A_329 = arith.index_cast %parallel_loop3A_327 : i32 to index
        %parallel_loop3A_330 = arith.index_cast %parallel_loop3A_328 : i32 to index
        %parallel_loop3A_331 = arith.index_cast %parallel_loop3A_148 : i32 to index
        %parallel_loop3A_332 = tpu.vector_load %arg15[%parallel_loop3A_329, %parallel_loop3A_330, %parallel_loop3A_331] {strides = array<i32>} : memref<8x4x384xf32, #tpu.memory_space<vmem>>, vector<16xf32>,
        tpu.vector_store %arg15[%parallel_loop3A_329, %parallel_loop3A_330, %parallel_loop3A_331], %parallel_loop3A_152 {strides = array<i32>} : memref<8x4x384xf32, #tpu.memory_space<vmem>>, vector<16xf32>,
        %parallel_loop3A_333 = arith.constant 0.000000e+00 : f32
        %parallel_loop3A_334 = vector.broadcast %parallel_loop3A_333 : f32 to vector<16xf32>
        %parallel_loop3A_335 = arith.mulf %parallel_loop3A_152, %parallel_loop3A_334 : vector<16xf32>
        %parallel_loop3A_336 = arith.constant 6 : i32
        %parallel_loop3A_337 = arith.constant 3 : i32
        %parallel_loop3A_338 = arith.index_cast %parallel_loop3A_336 : i32 to index
        %parallel_loop3A_339 = arith.index_cast %parallel_loop3A_337 : i32 to index
        %parallel_loop3A_340 = arith.index_cast %parallel_loop3A_148 : i32 to index
        %parallel_loop3A_341 = tpu.vector_load %arg15[%parallel_loop3A_338, %parallel_loop3A_339, %parallel_loop3A_340] {strides = array<i32>} : memref<8x4x384xf32, #tpu.memory_space<vmem>>, vector<16xf32>,
        tpu.vector_store %arg15[%parallel_loop3A_338, %parallel_loop3A_339, %parallel_loop3A_340], %parallel_loop3A_335 {strides = array<i32>} : memref<8x4x384xf32, #tpu.memory_space<vmem>>, vector<16xf32>,
        %parallel_loop3A_342 = arith.constant 7 : i32
        %parallel_loop3A_343 = arith.constant 0 : i32
        %parallel_loop3A_344 = arith.index_cast %parallel_loop3A_342 : i32 to index
        %parallel_loop3A_345 = arith.index_cast %parallel_loop3A_343 : i32 to index
        %parallel_loop3A_346 = arith.index_cast %parallel_loop3A_148 : i32 to index
        %parallel_loop3A_347 = tpu.vector_load %arg15[%parallel_loop3A_344, %parallel_loop3A_345, %parallel_loop3A_346] {strides = array<i32>} : memref<8x4x384xf32, #tpu.memory_space<vmem>>, vector<16xf32>,
        tpu.vector_store %arg15[%parallel_loop3A_344, %parallel_loop3A_345, %parallel_loop3A_346], %parallel_loop3A_152 {strides = array<i32>} : memref<8x4x384xf32, #tpu.memory_space<vmem>>, vector<16xf32>,
        %parallel_loop3A_348 = arith.constant 7 : i32
        %parallel_loop3A_349 = arith.constant 1 : i32
        %parallel_loop3A_350 = arith.index_cast %parallel_loop3A_348 : i32 to index
        %parallel_loop3A_351 = arith.index_cast %parallel_loop3A_349 : i32 to index
        %parallel_loop3A_352 = arith.index_cast %parallel_loop3A_148 : i32 to index
        %parallel_loop3A_353 = tpu.vector_load %arg15[%parallel_loop3A_350, %parallel_loop3A_351, %parallel_loop3A_352] {strides = array<i32>} : memref<8x4x384xf32, #tpu.memory_space<vmem>>, vector<16xf32>,
        tpu.vector_store %arg15[%parallel_loop3A_350, %parallel_loop3A_351, %parallel_loop3A_352], %parallel_loop3A_152 {strides = array<i32>} : memref<8x4x384xf32, #tpu.memory_space<vmem>>, vector<16xf32>,
        %parallel_loop3A_354 = arith.constant 7 : i32
        %parallel_loop3A_355 = arith.constant 2 : i32
        %parallel_loop3A_356 = arith.index_cast %parallel_loop3A_354 : i32 to index
        %parallel_loop3A_357 = arith.index_cast %parallel_loop3A_355 : i32 to index
        %parallel_loop3A_358 = arith.index_cast %parallel_loop3A_148 : i32 to index
        %parallel_loop3A_359 = tpu.vector_load %arg15[%parallel_loop3A_356, %parallel_loop3A_357, %parallel_loop3A_358] {strides = array<i32>} : memref<8x4x384xf32, #tpu.memory_space<vmem>>, vector<16xf32>,
        tpu.vector_store %arg15[%parallel_loop3A_356, %parallel_loop3A_357, %parallel_loop3A_358], %parallel_loop3A_152 {strides = array<i32>} : memref<8x4x384xf32, #tpu.memory_space<vmem>>, vector<16xf32>,
        %parallel_loop3A_360 = arith.constant 0.000000e+00 : f32
        %parallel_loop3A_361 = vector.broadcast %parallel_loop3A_360 : f32 to vector<16xf32>
        %parallel_loop3A_362 = arith.mulf %parallel_loop3A_152, %parallel_loop3A_361 : vector<16xf32>
        %parallel_loop3A_363 = arith.constant 7 : i32
        %parallel_loop3A_364 = arith.constant 3 : i32
        %parallel_loop3A_365 = arith.index_cast %parallel_loop3A_363 : i32 to index
        %parallel_loop3A_366 = arith.index_cast %parallel_loop3A_364 : i32 to index
        %parallel_loop3A_367 = arith.index_cast %parallel_loop3A_148 : i32 to index
        %parallel_loop3A_368 = tpu.vector_load %arg15[%parallel_loop3A_365, %parallel_loop3A_366, %parallel_loop3A_367] {strides = array<i32>} : memref<8x4x384xf32, #tpu.memory_space<vmem>>, vector<16xf32>,
        tpu.vector_store %arg15[%parallel_loop3A_365, %parallel_loop3A_366, %parallel_loop3A_367], %parallel_loop3A_362 {strides = array<i32>} : memref<8x4x384xf32, #tpu.memory_space<vmem>>, vector<16xf32>,
        %parallel_loop3A_369 = arith.constant 0.000000e+00 : f32
        %parallel_loop3A_370 = vector.broadcast %parallel_loop3A_369 : f32 to vector<16xf32>
        %parallel_loop3A_371 = arith.constant 1.000000e+02 : f32
        %parallel_loop3A_372 = vector.broadcast %parallel_loop3A_371 : f32 to vector<16xf32>
        %parallel_loop3A_373 = arith.constant 8.000000e+00 : f32
        %parallel_loop3A_374 = vector.broadcast %parallel_loop3A_373 : f32 to vector<16xf32>
        %parallel_loop3A_375 = arith.constant 0 : i32
        %parallel_loop3A_376 = vector.broadcast %parallel_loop3A_375 : i32 to vector<16xi32>
        %parallel_loop3A_377 = arith.muli %iota3A, %parallel_loop3A_376 : vector<16xi32>
        %parallel_loop3A_378 = arith.constant 7 : i32
        %parallel_loop3A_379 = arith.index_cast %parallel_loop3A_378 : i32 to index
        %parallel_loop3A_380 = arith.index_cast %parallel_loop3A_148 : i32 to index
        %parallel_loop3A_381 = tpu.vector_load %arg9[%parallel_loop3A_379, %parallel_loop3A_380] {strides = array<i32>} : memref<40x384xf32, #tpu.memory_space<vmem>>, vector<16xf32>,
        %parallel_loop3A_382 = arith.constant 15 : i32
        %parallel_loop3A_383 = arith.index_cast %parallel_loop3A_382 : i32 to index
        %parallel_loop3A_384 = arith.index_cast %parallel_loop3A_148 : i32 to index
        %parallel_loop3A_385 = tpu.vector_load %arg9[%parallel_loop3A_383, %parallel_loop3A_384] {strides = array<i32>} : memref<40x384xf32, #tpu.memory_space<vmem>>, vector<16xf32>,
        %parallel_loop3A_386 = arith.constant 23 : i32
        %parallel_loop3A_387 = arith.index_cast %parallel_loop3A_386 : i32 to index
        %parallel_loop3A_388 = arith.index_cast %parallel_loop3A_148 : i32 to index
        %parallel_loop3A_389 = tpu.vector_load %arg9[%parallel_loop3A_387, %parallel_loop3A_388] {strides = array<i32>} : memref<40x384xf32, #tpu.memory_space<vmem>>, vector<16xf32>,
        %parallel_loop3A_390 = arith.constant 31 : i32
        %parallel_loop3A_391 = arith.index_cast %parallel_loop3A_390 : i32 to index
        %parallel_loop3A_392 = arith.index_cast %parallel_loop3A_148 : i32 to index
        %parallel_loop3A_393 = tpu.vector_load %arg9[%parallel_loop3A_391, %parallel_loop3A_392] {strides = array<i32>} : memref<40x384xf32, #tpu.memory_space<vmem>>, vector<16xf32>,
        %parallel_loop3A_394 = arith.constant 39 : i32
        %parallel_loop3A_395 = arith.index_cast %parallel_loop3A_394 : i32 to index
        %parallel_loop3A_396 = arith.index_cast %parallel_loop3A_148 : i32 to index
        %parallel_loop3A_397 = tpu.vector_load %arg9[%parallel_loop3A_395, %parallel_loop3A_396] {strides = array<i32>} : memref<40x384xf32, #tpu.memory_space<vmem>>, vector<16xf32>,
        %parallel_loop3A_398 = arith.constant 7 : i32
        %parallel_loop3A_399 = arith.index_cast %parallel_loop3A_398 : i32 to index
        %parallel_loop3A_400 = arith.index_cast %parallel_loop3A_148 : i32 to index
        %parallel_loop3A_401 = tpu.vector_load %arg11[%parallel_loop3A_399, %parallel_loop3A_400] {strides = array<i32>} : memref<8x384xf32, #tpu.memory_space<vmem>>, vector<16xf32>,
        %parallel_loop3A_402 = arith.constant 1.000000e+00 : f32
        %parallel_loop3A_403 = vector.broadcast %parallel_loop3A_402 : f32 to vector<16xf32>
        %parallel_loop3A_404 = arith.subf %parallel_loop3A_403, %parallel_loop3A_393 : vector<16xf32>
        %parallel_loop3A_405 = arith.mulf %parallel_loop3A_381, %parallel_loop3A_393 : vector<16xf32>
        %parallel_loop3A_406 = arith.mulf %parallel_loop3A_152, %parallel_loop3A_404 : vector<16xf32>
        %parallel_loop3A_407 = arith.addf %parallel_loop3A_405, %parallel_loop3A_406 : vector<16xf32>
        %parallel_loop3A_408 = arith.mulf %parallel_loop3A_385, %parallel_loop3A_393 : vector<16xf32>
        %parallel_loop3A_409 = arith.mulf %parallel_loop3A_152, %parallel_loop3A_404 : vector<16xf32>
        %parallel_loop3A_410 = arith.addf %parallel_loop3A_408, %parallel_loop3A_409 : vector<16xf32>
        %parallel_loop3A_411 = arith.mulf %parallel_loop3A_389, %parallel_loop3A_393 : vector<16xf32>
        %parallel_loop3A_412 = arith.mulf %parallel_loop3A_152, %parallel_loop3A_404 : vector<16xf32>
        %parallel_loop3A_413 = arith.addf %parallel_loop3A_411, %parallel_loop3A_412 : vector<16xf32>
        %parallel_loop3A_414 = arith.maximumf %parallel_loop3A_393, %parallel_loop3A_370 : vector<16xf32>
        %parallel_loop3A_415 = arith.constant 0.000000e+00 : f32
        %parallel_loop3A_416 = vector.broadcast %parallel_loop3A_415 : f32 to vector<16xf32>
        %parallel_loop3A_417 = arith.cmpf oge, %parallel_loop3A_401, %parallel_loop3A_416 : vector<16xf32>
        %parallel_loop3A_418 = arith.constant 0.000000e+00 : f32
        %parallel_loop3A_419 = vector.broadcast %parallel_loop3A_418 : f32 to vector<16xf32>
        %parallel_loop3A_420 = arith.cmpf ogt, %parallel_loop3A_401, %parallel_loop3A_419 : vector<16xf32>
        %parallel_loop3A_421 = arith.mulf %parallel_loop3A_401, %parallel_loop3A_393 : vector<16xf32>
        %parallel_loop3A_422 = arith.mulf %parallel_loop3A_372, %parallel_loop3A_404 : vector<16xf32>
        %parallel_loop3A_423 = arith.addf %parallel_loop3A_421, %parallel_loop3A_422 : vector<16xf32>
        %parallel_loop3A_424 = arith.select %parallel_loop3A_420, %parallel_loop3A_423, %parallel_loop3A_372 : vector<16xi1>, vector<16xf32>
        %parallel_loop3A_425 = arith.constant 5.000000e-01 : f32
        %parallel_loop3A_426 = vector.broadcast %parallel_loop3A_425 : f32 to vector<16xf32>
        %parallel_loop3A_427 = arith.cmpf ogt, %parallel_loop3A_393, %parallel_loop3A_426 : vector<16xf32>
        %parallel_loop3A_428 = arith.andi %parallel_loop3A_417, %parallel_loop3A_427 : vector<16xi1>
        %parallel_loop3A_429 = arith.select %parallel_loop3A_428, %parallel_loop3A_397, %parallel_loop3A_374 : vector<16xi1>, vector<16xf32>
        %parallel_loop3A_430 = arith.constant 0x4B000000 : f32
        %parallel_loop3A_431 = vector.broadcast %parallel_loop3A_430 : f32 to vector<16xf32>
        %parallel_loop3A_432 = arith.addf %parallel_loop3A_397, %parallel_loop3A_431 : vector<16xf32>
        %parallel_loop3A_433 = arith.constant 0x4B000000 : f32
        %parallel_loop3A_434 = vector.broadcast %parallel_loop3A_433 : f32 to vector<16xf32>
        %parallel_loop3A_435 = arith.subf %parallel_loop3A_432, %parallel_loop3A_434 : vector<16xf32>
        %parallel_loop3A_436 = arith.fptosi %parallel_loop3A_435 : vector<16xf32> to vector<16xi32>
        %parallel_loop3A_437 = arith.mulf %parallel_loop3A_381, %parallel_loop3A_393 : vector<16xf32>
        %parallel_loop3A_438 = arith.addf %parallel_loop3A_437, %parallel_loop3A_404 : vector<16xf32>
        tpu.vector_store_idx %arg15[%parallel_loop3A_436, %parallel_loop3A_377, %parallel_loop3A_150], %parallel_loop3A_438 masked %parallel_loop3A_417 : memref<8x4x384xf32, #tpu.memory_space<vmem>>[vector<16xi32>, vector<16xi32>, vector<16xi32>], vector<16xf32>, vector<16xi1>
        %parallel_loop3A_439 = arith.constant 1 : i32
        %parallel_loop3A_440 = vector.broadcast %parallel_loop3A_439 : i32 to vector<16xi32>
        %parallel_loop3A_441 = arith.addi %parallel_loop3A_377, %parallel_loop3A_440 : vector<16xi32>
        %parallel_loop3A_442 = arith.mulf %parallel_loop3A_385, %parallel_loop3A_393 : vector<16xf32>
        %parallel_loop3A_443 = arith.addf %parallel_loop3A_442, %parallel_loop3A_404 : vector<16xf32>
        tpu.vector_store_idx %arg15[%parallel_loop3A_436, %parallel_loop3A_441, %parallel_loop3A_150], %parallel_loop3A_443 masked %parallel_loop3A_417 : memref<8x4x384xf32, #tpu.memory_space<vmem>>[vector<16xi32>, vector<16xi32>, vector<16xi32>], vector<16xf32>, vector<16xi1>
        %parallel_loop3A_444 = arith.constant 2 : i32
        %parallel_loop3A_445 = vector.broadcast %parallel_loop3A_444 : i32 to vector<16xi32>
        %parallel_loop3A_446 = arith.addi %parallel_loop3A_377, %parallel_loop3A_445 : vector<16xi32>
        %parallel_loop3A_447 = arith.mulf %parallel_loop3A_389, %parallel_loop3A_393 : vector<16xf32>
        %parallel_loop3A_448 = arith.addf %parallel_loop3A_447, %parallel_loop3A_404 : vector<16xf32>
        tpu.vector_store_idx %arg15[%parallel_loop3A_436, %parallel_loop3A_446, %parallel_loop3A_150], %parallel_loop3A_448 masked %parallel_loop3A_417 : memref<8x4x384xf32, #tpu.memory_space<vmem>>[vector<16xi32>, vector<16xi32>, vector<16xi32>], vector<16xf32>, vector<16xi1>
        %parallel_loop3A_449 = arith.constant 3 : i32
        %parallel_loop3A_450 = vector.broadcast %parallel_loop3A_449 : i32 to vector<16xi32>
        %parallel_loop3A_451 = arith.addi %parallel_loop3A_377, %parallel_loop3A_450 : vector<16xi32>
        tpu.vector_store_idx %arg15[%parallel_loop3A_436, %parallel_loop3A_451, %parallel_loop3A_150], %parallel_loop3A_393 masked %parallel_loop3A_417 : memref<8x4x384xf32, #tpu.memory_space<vmem>>[vector<16xi32>, vector<16xi32>, vector<16xi32>], vector<16xf32>, vector<16xi1>
        %parallel_loop3A_452 = arith.constant 6 : i32
        %parallel_loop3A_453 = arith.index_cast %parallel_loop3A_452 : i32 to index
        %parallel_loop3A_454 = arith.index_cast %parallel_loop3A_148 : i32 to index
        %parallel_loop3A_455 = tpu.vector_load %arg9[%parallel_loop3A_453, %parallel_loop3A_454] {strides = array<i32>} : memref<40x384xf32, #tpu.memory_space<vmem>>, vector<16xf32>,
        %parallel_loop3A_456 = arith.constant 14 : i32
        %parallel_loop3A_457 = arith.index_cast %parallel_loop3A_456 : i32 to index
        %parallel_loop3A_458 = arith.index_cast %parallel_loop3A_148 : i32 to index
        %parallel_loop3A_459 = tpu.vector_load %arg9[%parallel_loop3A_457, %parallel_loop3A_458] {strides = array<i32>} : memref<40x384xf32, #tpu.memory_space<vmem>>, vector<16xf32>,
        %parallel_loop3A_460 = arith.constant 22 : i32
        %parallel_loop3A_461 = arith.index_cast %parallel_loop3A_460 : i32 to index
        %parallel_loop3A_462 = arith.index_cast %parallel_loop3A_148 : i32 to index
        %parallel_loop3A_463 = tpu.vector_load %arg9[%parallel_loop3A_461, %parallel_loop3A_462] {strides = array<i32>} : memref<40x384xf32, #tpu.memory_space<vmem>>, vector<16xf32>,
        %parallel_loop3A_464 = arith.constant 30 : i32
        %parallel_loop3A_465 = arith.index_cast %parallel_loop3A_464 : i32 to index
        %parallel_loop3A_466 = arith.index_cast %parallel_loop3A_148 : i32 to index
        %parallel_loop3A_467 = tpu.vector_load %arg9[%parallel_loop3A_465, %parallel_loop3A_466] {strides = array<i32>} : memref<40x384xf32, #tpu.memory_space<vmem>>, vector<16xf32>,
        %parallel_loop3A_468 = arith.constant 38 : i32
        %parallel_loop3A_469 = arith.index_cast %parallel_loop3A_468 : i32 to index
        %parallel_loop3A_470 = arith.index_cast %parallel_loop3A_148 : i32 to index
        %parallel_loop3A_471 = tpu.vector_load %arg9[%parallel_loop3A_469, %parallel_loop3A_470] {strides = array<i32>} : memref<40x384xf32, #tpu.memory_space<vmem>>, vector<16xf32>,
        %parallel_loop3A_472 = arith.constant 6 : i32
        %parallel_loop3A_473 = arith.index_cast %parallel_loop3A_472 : i32 to index
        %parallel_loop3A_474 = arith.index_cast %parallel_loop3A_148 : i32 to index
        %parallel_loop3A_475 = tpu.vector_load %arg11[%parallel_loop3A_473, %parallel_loop3A_474] {strides = array<i32>} : memref<8x384xf32, #tpu.memory_space<vmem>>, vector<16xf32>,
        %parallel_loop3A_476 = arith.constant 1.000000e+00 : f32
        %parallel_loop3A_477 = vector.broadcast %parallel_loop3A_476 : f32 to vector<16xf32>
        %parallel_loop3A_478 = arith.subf %parallel_loop3A_477, %parallel_loop3A_467 : vector<16xf32>
        %parallel_loop3A_479 = arith.mulf %parallel_loop3A_455, %parallel_loop3A_467 : vector<16xf32>
        %parallel_loop3A_480 = arith.mulf %parallel_loop3A_407, %parallel_loop3A_478 : vector<16xf32>
        %parallel_loop3A_481 = arith.addf %parallel_loop3A_479, %parallel_loop3A_480 : vector<16xf32>
        %parallel_loop3A_482 = arith.mulf %parallel_loop3A_459, %parallel_loop3A_467 : vector<16xf32>
        %parallel_loop3A_483 = arith.mulf %parallel_loop3A_410, %parallel_loop3A_478 : vector<16xf32>
        %parallel_loop3A_484 = arith.addf %parallel_loop3A_482, %parallel_loop3A_483 : vector<16xf32>
        %parallel_loop3A_485 = arith.mulf %parallel_loop3A_463, %parallel_loop3A_467 : vector<16xf32>
        %parallel_loop3A_486 = arith.mulf %parallel_loop3A_413, %parallel_loop3A_478 : vector<16xf32>
        %parallel_loop3A_487 = arith.addf %parallel_loop3A_485, %parallel_loop3A_486 : vector<16xf32>
        %parallel_loop3A_488 = arith.maximumf %parallel_loop3A_467, %parallel_loop3A_414 : vector<16xf32>
        %parallel_loop3A_489 = arith.constant 0.000000e+00 : f32
        %parallel_loop3A_490 = vector.broadcast %parallel_loop3A_489 : f32 to vector<16xf32>
        %parallel_loop3A_491 = arith.cmpf oge, %parallel_loop3A_475, %parallel_loop3A_490 : vector<16xf32>
        %parallel_loop3A_492 = arith.constant 0.000000e+00 : f32
        %parallel_loop3A_493 = vector.broadcast %parallel_loop3A_492 : f32 to vector<16xf32>
        %parallel_loop3A_494 = arith.cmpf ogt, %parallel_loop3A_475, %parallel_loop3A_493 : vector<16xf32>
        %parallel_loop3A_495 = arith.mulf %parallel_loop3A_475, %parallel_loop3A_467 : vector<16xf32>
        %parallel_loop3A_496 = arith.mulf %parallel_loop3A_424, %parallel_loop3A_478 : vector<16xf32>
        %parallel_loop3A_497 = arith.addf %parallel_loop3A_495, %parallel_loop3A_496 : vector<16xf32>
        %parallel_loop3A_498 = arith.select %parallel_loop3A_494, %parallel_loop3A_497, %parallel_loop3A_424 : vector<16xi1>, vector<16xf32>
        %parallel_loop3A_499 = arith.constant 5.000000e-01 : f32
        %parallel_loop3A_500 = vector.broadcast %parallel_loop3A_499 : f32 to vector<16xf32>
        %parallel_loop3A_501 = arith.cmpf ogt, %parallel_loop3A_467, %parallel_loop3A_500 : vector<16xf32>
        %parallel_loop3A_502 = arith.andi %parallel_loop3A_491, %parallel_loop3A_501 : vector<16xi1>
        %parallel_loop3A_503 = arith.select %parallel_loop3A_502, %parallel_loop3A_471, %parallel_loop3A_429 : vector<16xi1>, vector<16xf32>
        %parallel_loop3A_504 = arith.constant 0x4B000000 : f32
        %parallel_loop3A_505 = vector.broadcast %parallel_loop3A_504 : f32 to vector<16xf32>
        %parallel_loop3A_506 = arith.addf %parallel_loop3A_471, %parallel_loop3A_505 : vector<16xf32>
        %parallel_loop3A_507 = arith.constant 0x4B000000 : f32
        %parallel_loop3A_508 = vector.broadcast %parallel_loop3A_507 : f32 to vector<16xf32>
        %parallel_loop3A_509 = arith.subf %parallel_loop3A_506, %parallel_loop3A_508 : vector<16xf32>
        %parallel_loop3A_510 = arith.fptosi %parallel_loop3A_509 : vector<16xf32> to vector<16xi32>
        %parallel_loop3A_511 = arith.mulf %parallel_loop3A_455, %parallel_loop3A_467 : vector<16xf32>
        %parallel_loop3A_512 = arith.addf %parallel_loop3A_511, %parallel_loop3A_478 : vector<16xf32>
        tpu.vector_store_idx %arg15[%parallel_loop3A_510, %parallel_loop3A_377, %parallel_loop3A_150], %parallel_loop3A_512 masked %parallel_loop3A_491 : memref<8x4x384xf32, #tpu.memory_space<vmem>>[vector<16xi32>, vector<16xi32>, vector<16xi32>], vector<16xf32>, vector<16xi1>
        %parallel_loop3A_513 = arith.constant 1 : i32
        %parallel_loop3A_514 = vector.broadcast %parallel_loop3A_513 : i32 to vector<16xi32>
        %parallel_loop3A_515 = arith.addi %parallel_loop3A_377, %parallel_loop3A_514 : vector<16xi32>
        %parallel_loop3A_516 = arith.mulf %parallel_loop3A_459, %parallel_loop3A_467 : vector<16xf32>
        %parallel_loop3A_517 = arith.addf %parallel_loop3A_516, %parallel_loop3A_478 : vector<16xf32>
        tpu.vector_store_idx %arg15[%parallel_loop3A_510, %parallel_loop3A_515, %parallel_loop3A_150], %parallel_loop3A_517 masked %parallel_loop3A_491 : memref<8x4x384xf32, #tpu.memory_space<vmem>>[vector<16xi32>, vector<16xi32>, vector<16xi32>], vector<16xf32>, vector<16xi1>
        %parallel_loop3A_518 = arith.constant 2 : i32
        %parallel_loop3A_519 = vector.broadcast %parallel_loop3A_518 : i32 to vector<16xi32>
        %parallel_loop3A_520 = arith.addi %parallel_loop3A_377, %parallel_loop3A_519 : vector<16xi32>
        %parallel_loop3A_521 = arith.mulf %parallel_loop3A_463, %parallel_loop3A_467 : vector<16xf32>
        %parallel_loop3A_522 = arith.addf %parallel_loop3A_521, %parallel_loop3A_478 : vector<16xf32>
        tpu.vector_store_idx %arg15[%parallel_loop3A_510, %parallel_loop3A_520, %parallel_loop3A_150], %parallel_loop3A_522 masked %parallel_loop3A_491 : memref<8x4x384xf32, #tpu.memory_space<vmem>>[vector<16xi32>, vector<16xi32>, vector<16xi32>], vector<16xf32>, vector<16xi1>
        %parallel_loop3A_523 = arith.constant 3 : i32
        %parallel_loop3A_524 = vector.broadcast %parallel_loop3A_523 : i32 to vector<16xi32>
        %parallel_loop3A_525 = arith.addi %parallel_loop3A_377, %parallel_loop3A_524 : vector<16xi32>
        tpu.vector_store_idx %arg15[%parallel_loop3A_510, %parallel_loop3A_525, %parallel_loop3A_150], %parallel_loop3A_467 masked %parallel_loop3A_491 : memref<8x4x384xf32, #tpu.memory_space<vmem>>[vector<16xi32>, vector<16xi32>, vector<16xi32>], vector<16xf32>, vector<16xi1>
        %parallel_loop3A_526 = arith.constant 5 : i32
        %parallel_loop3A_527 = arith.index_cast %parallel_loop3A_526 : i32 to index
        %parallel_loop3A_528 = arith.index_cast %parallel_loop3A_148 : i32 to index
        %parallel_loop3A_529 = tpu.vector_load %arg9[%parallel_loop3A_527, %parallel_loop3A_528] {strides = array<i32>} : memref<40x384xf32, #tpu.memory_space<vmem>>, vector<16xf32>,
        %parallel_loop3A_530 = arith.constant 13 : i32
        %parallel_loop3A_531 = arith.index_cast %parallel_loop3A_530 : i32 to index
        %parallel_loop3A_532 = arith.index_cast %parallel_loop3A_148 : i32 to index
        %parallel_loop3A_533 = tpu.vector_load %arg9[%parallel_loop3A_531, %parallel_loop3A_532] {strides = array<i32>} : memref<40x384xf32, #tpu.memory_space<vmem>>, vector<16xf32>,
        %parallel_loop3A_534 = arith.constant 21 : i32
        %parallel_loop3A_535 = arith.index_cast %parallel_loop3A_534 : i32 to index
        %parallel_loop3A_536 = arith.index_cast %parallel_loop3A_148 : i32 to index
        %parallel_loop3A_537 = tpu.vector_load %arg9[%parallel_loop3A_535, %parallel_loop3A_536] {strides = array<i32>} : memref<40x384xf32, #tpu.memory_space<vmem>>, vector<16xf32>,
        %parallel_loop3A_538 = arith.constant 29 : i32
        %parallel_loop3A_539 = arith.index_cast %parallel_loop3A_538 : i32 to index
        %parallel_loop3A_540 = arith.index_cast %parallel_loop3A_148 : i32 to index
        %parallel_loop3A_541 = tpu.vector_load %arg9[%parallel_loop3A_539, %parallel_loop3A_540] {strides = array<i32>} : memref<40x384xf32, #tpu.memory_space<vmem>>, vector<16xf32>,
        %parallel_loop3A_542 = arith.constant 37 : i32
        %parallel_loop3A_543 = arith.index_cast %parallel_loop3A_542 : i32 to index
        %parallel_loop3A_544 = arith.index_cast %parallel_loop3A_148 : i32 to index
        %parallel_loop3A_545 = tpu.vector_load %arg9[%parallel_loop3A_543, %parallel_loop3A_544] {strides = array<i32>} : memref<40x384xf32, #tpu.memory_space<vmem>>, vector<16xf32>,
        %parallel_loop3A_546 = arith.constant 5 : i32
        %parallel_loop3A_547 = arith.index_cast %parallel_loop3A_546 : i32 to index
        %parallel_loop3A_548 = arith.index_cast %parallel_loop3A_148 : i32 to index
        %parallel_loop3A_549 = tpu.vector_load %arg11[%parallel_loop3A_547, %parallel_loop3A_548] {strides = array<i32>} : memref<8x384xf32, #tpu.memory_space<vmem>>, vector<16xf32>,
        %parallel_loop3A_550 = arith.constant 1.000000e+00 : f32
        %parallel_loop3A_551 = vector.broadcast %parallel_loop3A_550 : f32 to vector<16xf32>
        %parallel_loop3A_552 = arith.subf %parallel_loop3A_551, %parallel_loop3A_541 : vector<16xf32>
        %parallel_loop3A_553 = arith.mulf %parallel_loop3A_529, %parallel_loop3A_541 : vector<16xf32>
        %parallel_loop3A_554 = arith.mulf %parallel_loop3A_481, %parallel_loop3A_552 : vector<16xf32>
        %parallel_loop3A_555 = arith.addf %parallel_loop3A_553, %parallel_loop3A_554 : vector<16xf32>
        %parallel_loop3A_556 = arith.mulf %parallel_loop3A_533, %parallel_loop3A_541 : vector<16xf32>
        %parallel_loop3A_557 = arith.mulf %parallel_loop3A_484, %parallel_loop3A_552 : vector<16xf32>
        %parallel_loop3A_558 = arith.addf %parallel_loop3A_556, %parallel_loop3A_557 : vector<16xf32>
        %parallel_loop3A_559 = arith.mulf %parallel_loop3A_537, %parallel_loop3A_541 : vector<16xf32>
        %parallel_loop3A_560 = arith.mulf %parallel_loop3A_487, %parallel_loop3A_552 : vector<16xf32>
        %parallel_loop3A_561 = arith.addf %parallel_loop3A_559, %parallel_loop3A_560 : vector<16xf32>
        %parallel_loop3A_562 = arith.maximumf %parallel_loop3A_541, %parallel_loop3A_488 : vector<16xf32>
        %parallel_loop3A_563 = arith.constant 0.000000e+00 : f32
        %parallel_loop3A_564 = vector.broadcast %parallel_loop3A_563 : f32 to vector<16xf32>
        %parallel_loop3A_565 = arith.cmpf oge, %parallel_loop3A_549, %parallel_loop3A_564 : vector<16xf32>
        %parallel_loop3A_566 = arith.constant 0.000000e+00 : f32
        %parallel_loop3A_567 = vector.broadcast %parallel_loop3A_566 : f32 to vector<16xf32>
        %parallel_loop3A_568 = arith.cmpf ogt, %parallel_loop3A_549, %parallel_loop3A_567 : vector<16xf32>
        %parallel_loop3A_569 = arith.mulf %parallel_loop3A_549, %parallel_loop3A_541 : vector<16xf32>
        %parallel_loop3A_570 = arith.mulf %parallel_loop3A_498, %parallel_loop3A_552 : vector<16xf32>
        %parallel_loop3A_571 = arith.addf %parallel_loop3A_569, %parallel_loop3A_570 : vector<16xf32>
        %parallel_loop3A_572 = arith.select %parallel_loop3A_568, %parallel_loop3A_571, %parallel_loop3A_498 : vector<16xi1>, vector<16xf32>
        %parallel_loop3A_573 = arith.constant 5.000000e-01 : f32
        %parallel_loop3A_574 = vector.broadcast %parallel_loop3A_573 : f32 to vector<16xf32>
        %parallel_loop3A_575 = arith.cmpf ogt, %parallel_loop3A_541, %parallel_loop3A_574 : vector<16xf32>
        %parallel_loop3A_576 = arith.andi %parallel_loop3A_565, %parallel_loop3A_575 : vector<16xi1>
        %parallel_loop3A_577 = arith.select %parallel_loop3A_576, %parallel_loop3A_545, %parallel_loop3A_503 : vector<16xi1>, vector<16xf32>
        %parallel_loop3A_578 = arith.constant 0x4B000000 : f32
        %parallel_loop3A_579 = vector.broadcast %parallel_loop3A_578 : f32 to vector<16xf32>
        %parallel_loop3A_580 = arith.addf %parallel_loop3A_545, %parallel_loop3A_579 : vector<16xf32>
        %parallel_loop3A_581 = arith.constant 0x4B000000 : f32
        %parallel_loop3A_582 = vector.broadcast %parallel_loop3A_581 : f32 to vector<16xf32>
        %parallel_loop3A_583 = arith.subf %parallel_loop3A_580, %parallel_loop3A_582 : vector<16xf32>
        %parallel_loop3A_584 = arith.fptosi %parallel_loop3A_583 : vector<16xf32> to vector<16xi32>
        %parallel_loop3A_585 = arith.mulf %parallel_loop3A_529, %parallel_loop3A_541 : vector<16xf32>
        %parallel_loop3A_586 = arith.addf %parallel_loop3A_585, %parallel_loop3A_552 : vector<16xf32>
        tpu.vector_store_idx %arg15[%parallel_loop3A_584, %parallel_loop3A_377, %parallel_loop3A_150], %parallel_loop3A_586 masked %parallel_loop3A_565 : memref<8x4x384xf32, #tpu.memory_space<vmem>>[vector<16xi32>, vector<16xi32>, vector<16xi32>], vector<16xf32>, vector<16xi1>
        %parallel_loop3A_587 = arith.constant 1 : i32
        %parallel_loop3A_588 = vector.broadcast %parallel_loop3A_587 : i32 to vector<16xi32>
        %parallel_loop3A_589 = arith.addi %parallel_loop3A_377, %parallel_loop3A_588 : vector<16xi32>
        %parallel_loop3A_590 = arith.mulf %parallel_loop3A_533, %parallel_loop3A_541 : vector<16xf32>
        %parallel_loop3A_591 = arith.addf %parallel_loop3A_590, %parallel_loop3A_552 : vector<16xf32>
        tpu.vector_store_idx %arg15[%parallel_loop3A_584, %parallel_loop3A_589, %parallel_loop3A_150], %parallel_loop3A_591 masked %parallel_loop3A_565 : memref<8x4x384xf32, #tpu.memory_space<vmem>>[vector<16xi32>, vector<16xi32>, vector<16xi32>], vector<16xf32>, vector<16xi1>
        %parallel_loop3A_592 = arith.constant 2 : i32
        %parallel_loop3A_593 = vector.broadcast %parallel_loop3A_592 : i32 to vector<16xi32>
        %parallel_loop3A_594 = arith.addi %parallel_loop3A_377, %parallel_loop3A_593 : vector<16xi32>
        %parallel_loop3A_595 = arith.mulf %parallel_loop3A_537, %parallel_loop3A_541 : vector<16xf32>
        %parallel_loop3A_596 = arith.addf %parallel_loop3A_595, %parallel_loop3A_552 : vector<16xf32>
        tpu.vector_store_idx %arg15[%parallel_loop3A_584, %parallel_loop3A_594, %parallel_loop3A_150], %parallel_loop3A_596 masked %parallel_loop3A_565 : memref<8x4x384xf32, #tpu.memory_space<vmem>>[vector<16xi32>, vector<16xi32>, vector<16xi32>], vector<16xf32>, vector<16xi1>
        %parallel_loop3A_597 = arith.constant 3 : i32
        %parallel_loop3A_598 = vector.broadcast %parallel_loop3A_597 : i32 to vector<16xi32>
        %parallel_loop3A_599 = arith.addi %parallel_loop3A_377, %parallel_loop3A_598 : vector<16xi32>
        tpu.vector_store_idx %arg15[%parallel_loop3A_584, %parallel_loop3A_599, %parallel_loop3A_150], %parallel_loop3A_541 masked %parallel_loop3A_565 : memref<8x4x384xf32, #tpu.memory_space<vmem>>[vector<16xi32>, vector<16xi32>, vector<16xi32>], vector<16xf32>, vector<16xi1>
        %parallel_loop3A_600 = arith.constant 4 : i32
        %parallel_loop3A_601 = arith.index_cast %parallel_loop3A_600 : i32 to index
        %parallel_loop3A_602 = arith.index_cast %parallel_loop3A_148 : i32 to index
        %parallel_loop3A_603 = tpu.vector_load %arg9[%parallel_loop3A_601, %parallel_loop3A_602] {strides = array<i32>} : memref<40x384xf32, #tpu.memory_space<vmem>>, vector<16xf32>,
        %parallel_loop3A_604 = arith.constant 12 : i32
        %parallel_loop3A_605 = arith.index_cast %parallel_loop3A_604 : i32 to index
        %parallel_loop3A_606 = arith.index_cast %parallel_loop3A_148 : i32 to index
        %parallel_loop3A_607 = tpu.vector_load %arg9[%parallel_loop3A_605, %parallel_loop3A_606] {strides = array<i32>} : memref<40x384xf32, #tpu.memory_space<vmem>>, vector<16xf32>,
        %parallel_loop3A_608 = arith.constant 20 : i32
        %parallel_loop3A_609 = arith.index_cast %parallel_loop3A_608 : i32 to index
        %parallel_loop3A_610 = arith.index_cast %parallel_loop3A_148 : i32 to index
        %parallel_loop3A_611 = tpu.vector_load %arg9[%parallel_loop3A_609, %parallel_loop3A_610] {strides = array<i32>} : memref<40x384xf32, #tpu.memory_space<vmem>>, vector<16xf32>,
        %parallel_loop3A_612 = arith.constant 28 : i32
        %parallel_loop3A_613 = arith.index_cast %parallel_loop3A_612 : i32 to index
        %parallel_loop3A_614 = arith.index_cast %parallel_loop3A_148 : i32 to index
        %parallel_loop3A_615 = tpu.vector_load %arg9[%parallel_loop3A_613, %parallel_loop3A_614] {strides = array<i32>} : memref<40x384xf32, #tpu.memory_space<vmem>>, vector<16xf32>,
        %parallel_loop3A_616 = arith.constant 36 : i32
        %parallel_loop3A_617 = arith.index_cast %parallel_loop3A_616 : i32 to index
        %parallel_loop3A_618 = arith.index_cast %parallel_loop3A_148 : i32 to index
        %parallel_loop3A_619 = tpu.vector_load %arg9[%parallel_loop3A_617, %parallel_loop3A_618] {strides = array<i32>} : memref<40x384xf32, #tpu.memory_space<vmem>>, vector<16xf32>,
        %parallel_loop3A_620 = arith.constant 4 : i32
        %parallel_loop3A_621 = arith.index_cast %parallel_loop3A_620 : i32 to index
        %parallel_loop3A_622 = arith.index_cast %parallel_loop3A_148 : i32 to index
        %parallel_loop3A_623 = tpu.vector_load %arg11[%parallel_loop3A_621, %parallel_loop3A_622] {strides = array<i32>} : memref<8x384xf32, #tpu.memory_space<vmem>>, vector<16xf32>,
        %parallel_loop3A_624 = arith.constant 1.000000e+00 : f32
        %parallel_loop3A_625 = vector.broadcast %parallel_loop3A_624 : f32 to vector<16xf32>
        %parallel_loop3A_626 = arith.subf %parallel_loop3A_625, %parallel_loop3A_615 : vector<16xf32>
        %parallel_loop3A_627 = arith.mulf %parallel_loop3A_603, %parallel_loop3A_615 : vector<16xf32>
        %parallel_loop3A_628 = arith.mulf %parallel_loop3A_555, %parallel_loop3A_626 : vector<16xf32>
        %parallel_loop3A_629 = arith.addf %parallel_loop3A_627, %parallel_loop3A_628 : vector<16xf32>
        %parallel_loop3A_630 = arith.mulf %parallel_loop3A_607, %parallel_loop3A_615 : vector<16xf32>
        %parallel_loop3A_631 = arith.mulf %parallel_loop3A_558, %parallel_loop3A_626 : vector<16xf32>
        %parallel_loop3A_632 = arith.addf %parallel_loop3A_630, %parallel_loop3A_631 : vector<16xf32>
        %parallel_loop3A_633 = arith.mulf %parallel_loop3A_611, %parallel_loop3A_615 : vector<16xf32>
        %parallel_loop3A_634 = arith.mulf %parallel_loop3A_561, %parallel_loop3A_626 : vector<16xf32>
        %parallel_loop3A_635 = arith.addf %parallel_loop3A_633, %parallel_loop3A_634 : vector<16xf32>
        %parallel_loop3A_636 = arith.maximumf %parallel_loop3A_615, %parallel_loop3A_562 : vector<16xf32>
        %parallel_loop3A_637 = arith.constant 0.000000e+00 : f32
        %parallel_loop3A_638 = vector.broadcast %parallel_loop3A_637 : f32 to vector<16xf32>
        %parallel_loop3A_639 = arith.cmpf oge, %parallel_loop3A_623, %parallel_loop3A_638 : vector<16xf32>
        %parallel_loop3A_640 = arith.constant 0.000000e+00 : f32
        %parallel_loop3A_641 = vector.broadcast %parallel_loop3A_640 : f32 to vector<16xf32>
        %parallel_loop3A_642 = arith.cmpf ogt, %parallel_loop3A_623, %parallel_loop3A_641 : vector<16xf32>
        %parallel_loop3A_643 = arith.mulf %parallel_loop3A_623, %parallel_loop3A_615 : vector<16xf32>
        %parallel_loop3A_644 = arith.mulf %parallel_loop3A_572, %parallel_loop3A_626 : vector<16xf32>
        %parallel_loop3A_645 = arith.addf %parallel_loop3A_643, %parallel_loop3A_644 : vector<16xf32>
        %parallel_loop3A_646 = arith.select %parallel_loop3A_642, %parallel_loop3A_645, %parallel_loop3A_572 : vector<16xi1>, vector<16xf32>
        %parallel_loop3A_647 = arith.constant 5.000000e-01 : f32
        %parallel_loop3A_648 = vector.broadcast %parallel_loop3A_647 : f32 to vector<16xf32>
        %parallel_loop3A_649 = arith.cmpf ogt, %parallel_loop3A_615, %parallel_loop3A_648 : vector<16xf32>
        %parallel_loop3A_650 = arith.andi %parallel_loop3A_639, %parallel_loop3A_649 : vector<16xi1>
        %parallel_loop3A_651 = arith.select %parallel_loop3A_650, %parallel_loop3A_619, %parallel_loop3A_577 : vector<16xi1>, vector<16xf32>
        %parallel_loop3A_652 = arith.constant 0x4B000000 : f32
        %parallel_loop3A_653 = vector.broadcast %parallel_loop3A_652 : f32 to vector<16xf32>
        %parallel_loop3A_654 = arith.addf %parallel_loop3A_619, %parallel_loop3A_653 : vector<16xf32>
        %parallel_loop3A_655 = arith.constant 0x4B000000 : f32
        %parallel_loop3A_656 = vector.broadcast %parallel_loop3A_655 : f32 to vector<16xf32>
        %parallel_loop3A_657 = arith.subf %parallel_loop3A_654, %parallel_loop3A_656 : vector<16xf32>
        %parallel_loop3A_658 = arith.fptosi %parallel_loop3A_657 : vector<16xf32> to vector<16xi32>
        %parallel_loop3A_659 = arith.mulf %parallel_loop3A_603, %parallel_loop3A_615 : vector<16xf32>
        %parallel_loop3A_660 = arith.addf %parallel_loop3A_659, %parallel_loop3A_626 : vector<16xf32>
        tpu.vector_store_idx %arg15[%parallel_loop3A_658, %parallel_loop3A_377, %parallel_loop3A_150], %parallel_loop3A_660 masked %parallel_loop3A_639 : memref<8x4x384xf32, #tpu.memory_space<vmem>>[vector<16xi32>, vector<16xi32>, vector<16xi32>], vector<16xf32>, vector<16xi1>
        %parallel_loop3A_661 = arith.constant 1 : i32
        %parallel_loop3A_662 = vector.broadcast %parallel_loop3A_661 : i32 to vector<16xi32>
        %parallel_loop3A_663 = arith.addi %parallel_loop3A_377, %parallel_loop3A_662 : vector<16xi32>
        %parallel_loop3A_664 = arith.mulf %parallel_loop3A_607, %parallel_loop3A_615 : vector<16xf32>
        %parallel_loop3A_665 = arith.addf %parallel_loop3A_664, %parallel_loop3A_626 : vector<16xf32>
        tpu.vector_store_idx %arg15[%parallel_loop3A_658, %parallel_loop3A_663, %parallel_loop3A_150], %parallel_loop3A_665 masked %parallel_loop3A_639 : memref<8x4x384xf32, #tpu.memory_space<vmem>>[vector<16xi32>, vector<16xi32>, vector<16xi32>], vector<16xf32>, vector<16xi1>
        %parallel_loop3A_666 = arith.constant 2 : i32
        %parallel_loop3A_667 = vector.broadcast %parallel_loop3A_666 : i32 to vector<16xi32>
        %parallel_loop3A_668 = arith.addi %parallel_loop3A_377, %parallel_loop3A_667 : vector<16xi32>
        %parallel_loop3A_669 = arith.mulf %parallel_loop3A_611, %parallel_loop3A_615 : vector<16xf32>
        %parallel_loop3A_670 = arith.addf %parallel_loop3A_669, %parallel_loop3A_626 : vector<16xf32>
        tpu.vector_store_idx %arg15[%parallel_loop3A_658, %parallel_loop3A_668, %parallel_loop3A_150], %parallel_loop3A_670 masked %parallel_loop3A_639 : memref<8x4x384xf32, #tpu.memory_space<vmem>>[vector<16xi32>, vector<16xi32>, vector<16xi32>], vector<16xf32>, vector<16xi1>
        %parallel_loop3A_671 = arith.constant 3 : i32
        %parallel_loop3A_672 = vector.broadcast %parallel_loop3A_671 : i32 to vector<16xi32>
        %parallel_loop3A_673 = arith.addi %parallel_loop3A_377, %parallel_loop3A_672 : vector<16xi32>
        tpu.vector_store_idx %arg15[%parallel_loop3A_658, %parallel_loop3A_673, %parallel_loop3A_150], %parallel_loop3A_615 masked %parallel_loop3A_639 : memref<8x4x384xf32, #tpu.memory_space<vmem>>[vector<16xi32>, vector<16xi32>, vector<16xi32>], vector<16xf32>, vector<16xi1>
        %parallel_loop3A_674 = arith.constant 3 : i32
        %parallel_loop3A_675 = arith.index_cast %parallel_loop3A_674 : i32 to index
        %parallel_loop3A_676 = arith.index_cast %parallel_loop3A_148 : i32 to index
        %parallel_loop3A_677 = tpu.vector_load %arg9[%parallel_loop3A_675, %parallel_loop3A_676] {strides = array<i32>} : memref<40x384xf32, #tpu.memory_space<vmem>>, vector<16xf32>,
        %parallel_loop3A_678 = arith.constant 11 : i32
        %parallel_loop3A_679 = arith.index_cast %parallel_loop3A_678 : i32 to index
        %parallel_loop3A_680 = arith.index_cast %parallel_loop3A_148 : i32 to index
        %parallel_loop3A_681 = tpu.vector_load %arg9[%parallel_loop3A_679, %parallel_loop3A_680] {strides = array<i32>} : memref<40x384xf32, #tpu.memory_space<vmem>>, vector<16xf32>,
        %parallel_loop3A_682 = arith.constant 19 : i32
        %parallel_loop3A_683 = arith.index_cast %parallel_loop3A_682 : i32 to index
        %parallel_loop3A_684 = arith.index_cast %parallel_loop3A_148 : i32 to index
        %parallel_loop3A_685 = tpu.vector_load %arg9[%parallel_loop3A_683, %parallel_loop3A_684] {strides = array<i32>} : memref<40x384xf32, #tpu.memory_space<vmem>>, vector<16xf32>,
        %parallel_loop3A_686 = arith.constant 27 : i32
        %parallel_loop3A_687 = arith.index_cast %parallel_loop3A_686 : i32 to index
        %parallel_loop3A_688 = arith.index_cast %parallel_loop3A_148 : i32 to index
        %parallel_loop3A_689 = tpu.vector_load %arg9[%parallel_loop3A_687, %parallel_loop3A_688] {strides = array<i32>} : memref<40x384xf32, #tpu.memory_space<vmem>>, vector<16xf32>,
        %parallel_loop3A_690 = arith.constant 35 : i32
        %parallel_loop3A_691 = arith.index_cast %parallel_loop3A_690 : i32 to index
        %parallel_loop3A_692 = arith.index_cast %parallel_loop3A_148 : i32 to index
        %parallel_loop3A_693 = tpu.vector_load %arg9[%parallel_loop3A_691, %parallel_loop3A_692] {strides = array<i32>} : memref<40x384xf32, #tpu.memory_space<vmem>>, vector<16xf32>,
        %parallel_loop3A_694 = arith.constant 3 : i32
        %parallel_loop3A_695 = arith.index_cast %parallel_loop3A_694 : i32 to index
        %parallel_loop3A_696 = arith.index_cast %parallel_loop3A_148 : i32 to index
        %parallel_loop3A_697 = tpu.vector_load %arg11[%parallel_loop3A_695, %parallel_loop3A_696] {strides = array<i32>} : memref<8x384xf32, #tpu.memory_space<vmem>>, vector<16xf32>,
        %parallel_loop3A_698 = arith.constant 1.000000e+00 : f32
        %parallel_loop3A_699 = vector.broadcast %parallel_loop3A_698 : f32 to vector<16xf32>
        %parallel_loop3A_700 = arith.subf %parallel_loop3A_699, %parallel_loop3A_689 : vector<16xf32>
        %parallel_loop3A_701 = arith.mulf %parallel_loop3A_677, %parallel_loop3A_689 : vector<16xf32>
        %parallel_loop3A_702 = arith.mulf %parallel_loop3A_629, %parallel_loop3A_700 : vector<16xf32>
        %parallel_loop3A_703 = arith.addf %parallel_loop3A_701, %parallel_loop3A_702 : vector<16xf32>
        %parallel_loop3A_704 = arith.mulf %parallel_loop3A_681, %parallel_loop3A_689 : vector<16xf32>
        %parallel_loop3A_705 = arith.mulf %parallel_loop3A_632, %parallel_loop3A_700 : vector<16xf32>
        %parallel_loop3A_706 = arith.addf %parallel_loop3A_704, %parallel_loop3A_705 : vector<16xf32>
        %parallel_loop3A_707 = arith.mulf %parallel_loop3A_685, %parallel_loop3A_689 : vector<16xf32>
        %parallel_loop3A_708 = arith.mulf %parallel_loop3A_635, %parallel_loop3A_700 : vector<16xf32>
        %parallel_loop3A_709 = arith.addf %parallel_loop3A_707, %parallel_loop3A_708 : vector<16xf32>
        %parallel_loop3A_710 = arith.maximumf %parallel_loop3A_689, %parallel_loop3A_636 : vector<16xf32>
        %parallel_loop3A_711 = arith.constant 0.000000e+00 : f32
        %parallel_loop3A_712 = vector.broadcast %parallel_loop3A_711 : f32 to vector<16xf32>
        %parallel_loop3A_713 = arith.cmpf oge, %parallel_loop3A_697, %parallel_loop3A_712 : vector<16xf32>
        %parallel_loop3A_714 = arith.constant 0.000000e+00 : f32
        %parallel_loop3A_715 = vector.broadcast %parallel_loop3A_714 : f32 to vector<16xf32>
        %parallel_loop3A_716 = arith.cmpf ogt, %parallel_loop3A_697, %parallel_loop3A_715 : vector<16xf32>
        %parallel_loop3A_717 = arith.mulf %parallel_loop3A_697, %parallel_loop3A_689 : vector<16xf32>
        %parallel_loop3A_718 = arith.mulf %parallel_loop3A_646, %parallel_loop3A_700 : vector<16xf32>
        %parallel_loop3A_719 = arith.addf %parallel_loop3A_717, %parallel_loop3A_718 : vector<16xf32>
        %parallel_loop3A_720 = arith.select %parallel_loop3A_716, %parallel_loop3A_719, %parallel_loop3A_646 : vector<16xi1>, vector<16xf32>
        %parallel_loop3A_721 = arith.constant 5.000000e-01 : f32
        %parallel_loop3A_722 = vector.broadcast %parallel_loop3A_721 : f32 to vector<16xf32>
        %parallel_loop3A_723 = arith.cmpf ogt, %parallel_loop3A_689, %parallel_loop3A_722 : vector<16xf32>
        %parallel_loop3A_724 = arith.andi %parallel_loop3A_713, %parallel_loop3A_723 : vector<16xi1>
        %parallel_loop3A_725 = arith.select %parallel_loop3A_724, %parallel_loop3A_693, %parallel_loop3A_651 : vector<16xi1>, vector<16xf32>
        %parallel_loop3A_726 = arith.constant 0x4B000000 : f32
        %parallel_loop3A_727 = vector.broadcast %parallel_loop3A_726 : f32 to vector<16xf32>
        %parallel_loop3A_728 = arith.addf %parallel_loop3A_693, %parallel_loop3A_727 : vector<16xf32>
        %parallel_loop3A_729 = arith.constant 0x4B000000 : f32
        %parallel_loop3A_730 = vector.broadcast %parallel_loop3A_729 : f32 to vector<16xf32>
        %parallel_loop3A_731 = arith.subf %parallel_loop3A_728, %parallel_loop3A_730 : vector<16xf32>
        %parallel_loop3A_732 = arith.fptosi %parallel_loop3A_731 : vector<16xf32> to vector<16xi32>
        %parallel_loop3A_733 = arith.mulf %parallel_loop3A_677, %parallel_loop3A_689 : vector<16xf32>
        %parallel_loop3A_734 = arith.addf %parallel_loop3A_733, %parallel_loop3A_700 : vector<16xf32>
        tpu.vector_store_idx %arg15[%parallel_loop3A_732, %parallel_loop3A_377, %parallel_loop3A_150], %parallel_loop3A_734 masked %parallel_loop3A_713 : memref<8x4x384xf32, #tpu.memory_space<vmem>>[vector<16xi32>, vector<16xi32>, vector<16xi32>], vector<16xf32>, vector<16xi1>
        %parallel_loop3A_735 = arith.constant 1 : i32
        %parallel_loop3A_736 = vector.broadcast %parallel_loop3A_735 : i32 to vector<16xi32>
        %parallel_loop3A_737 = arith.addi %parallel_loop3A_377, %parallel_loop3A_736 : vector<16xi32>
        %parallel_loop3A_738 = arith.mulf %parallel_loop3A_681, %parallel_loop3A_689 : vector<16xf32>
        %parallel_loop3A_739 = arith.addf %parallel_loop3A_738, %parallel_loop3A_700 : vector<16xf32>
        tpu.vector_store_idx %arg15[%parallel_loop3A_732, %parallel_loop3A_737, %parallel_loop3A_150], %parallel_loop3A_739 masked %parallel_loop3A_713 : memref<8x4x384xf32, #tpu.memory_space<vmem>>[vector<16xi32>, vector<16xi32>, vector<16xi32>], vector<16xf32>, vector<16xi1>
        %parallel_loop3A_740 = arith.constant 2 : i32
        %parallel_loop3A_741 = vector.broadcast %parallel_loop3A_740 : i32 to vector<16xi32>
        %parallel_loop3A_742 = arith.addi %parallel_loop3A_377, %parallel_loop3A_741 : vector<16xi32>
        %parallel_loop3A_743 = arith.mulf %parallel_loop3A_685, %parallel_loop3A_689 : vector<16xf32>
        %parallel_loop3A_744 = arith.addf %parallel_loop3A_743, %parallel_loop3A_700 : vector<16xf32>
        tpu.vector_store_idx %arg15[%parallel_loop3A_732, %parallel_loop3A_742, %parallel_loop3A_150], %parallel_loop3A_744 masked %parallel_loop3A_713 : memref<8x4x384xf32, #tpu.memory_space<vmem>>[vector<16xi32>, vector<16xi32>, vector<16xi32>], vector<16xf32>, vector<16xi1>
        %parallel_loop3A_745 = arith.constant 3 : i32
        %parallel_loop3A_746 = vector.broadcast %parallel_loop3A_745 : i32 to vector<16xi32>
        %parallel_loop3A_747 = arith.addi %parallel_loop3A_377, %parallel_loop3A_746 : vector<16xi32>
        tpu.vector_store_idx %arg15[%parallel_loop3A_732, %parallel_loop3A_747, %parallel_loop3A_150], %parallel_loop3A_689 masked %parallel_loop3A_713 : memref<8x4x384xf32, #tpu.memory_space<vmem>>[vector<16xi32>, vector<16xi32>, vector<16xi32>], vector<16xf32>, vector<16xi1>
        %parallel_loop3A_748 = arith.constant 2 : i32
        %parallel_loop3A_749 = arith.index_cast %parallel_loop3A_748 : i32 to index
        %parallel_loop3A_750 = arith.index_cast %parallel_loop3A_148 : i32 to index
        %parallel_loop3A_751 = tpu.vector_load %arg9[%parallel_loop3A_749, %parallel_loop3A_750] {strides = array<i32>} : memref<40x384xf32, #tpu.memory_space<vmem>>, vector<16xf32>,
        %parallel_loop3A_752 = arith.constant 10 : i32
        %parallel_loop3A_753 = arith.index_cast %parallel_loop3A_752 : i32 to index
        %parallel_loop3A_754 = arith.index_cast %parallel_loop3A_148 : i32 to index
        %parallel_loop3A_755 = tpu.vector_load %arg9[%parallel_loop3A_753, %parallel_loop3A_754] {strides = array<i32>} : memref<40x384xf32, #tpu.memory_space<vmem>>, vector<16xf32>,
        %parallel_loop3A_756 = arith.constant 18 : i32
        %parallel_loop3A_757 = arith.index_cast %parallel_loop3A_756 : i32 to index
        %parallel_loop3A_758 = arith.index_cast %parallel_loop3A_148 : i32 to index
        %parallel_loop3A_759 = tpu.vector_load %arg9[%parallel_loop3A_757, %parallel_loop3A_758] {strides = array<i32>} : memref<40x384xf32, #tpu.memory_space<vmem>>, vector<16xf32>,
        %parallel_loop3A_760 = arith.constant 26 : i32
        %parallel_loop3A_761 = arith.index_cast %parallel_loop3A_760 : i32 to index
        %parallel_loop3A_762 = arith.index_cast %parallel_loop3A_148 : i32 to index
        %parallel_loop3A_763 = tpu.vector_load %arg9[%parallel_loop3A_761, %parallel_loop3A_762] {strides = array<i32>} : memref<40x384xf32, #tpu.memory_space<vmem>>, vector<16xf32>,
        %parallel_loop3A_764 = arith.constant 34 : i32
        %parallel_loop3A_765 = arith.index_cast %parallel_loop3A_764 : i32 to index
        %parallel_loop3A_766 = arith.index_cast %parallel_loop3A_148 : i32 to index
        %parallel_loop3A_767 = tpu.vector_load %arg9[%parallel_loop3A_765, %parallel_loop3A_766] {strides = array<i32>} : memref<40x384xf32, #tpu.memory_space<vmem>>, vector<16xf32>,
        %parallel_loop3A_768 = arith.constant 2 : i32
        %parallel_loop3A_769 = arith.index_cast %parallel_loop3A_768 : i32 to index
        %parallel_loop3A_770 = arith.index_cast %parallel_loop3A_148 : i32 to index
        %parallel_loop3A_771 = tpu.vector_load %arg11[%parallel_loop3A_769, %parallel_loop3A_770] {strides = array<i32>} : memref<8x384xf32, #tpu.memory_space<vmem>>, vector<16xf32>,
        %parallel_loop3A_772 = arith.constant 1.000000e+00 : f32
        %parallel_loop3A_773 = vector.broadcast %parallel_loop3A_772 : f32 to vector<16xf32>
        %parallel_loop3A_774 = arith.subf %parallel_loop3A_773, %parallel_loop3A_763 : vector<16xf32>
        %parallel_loop3A_775 = arith.mulf %parallel_loop3A_751, %parallel_loop3A_763 : vector<16xf32>
        %parallel_loop3A_776 = arith.mulf %parallel_loop3A_703, %parallel_loop3A_774 : vector<16xf32>
        %parallel_loop3A_777 = arith.addf %parallel_loop3A_775, %parallel_loop3A_776 : vector<16xf32>
        %parallel_loop3A_778 = arith.mulf %parallel_loop3A_755, %parallel_loop3A_763 : vector<16xf32>
        %parallel_loop3A_779 = arith.mulf %parallel_loop3A_706, %parallel_loop3A_774 : vector<16xf32>
        %parallel_loop3A_780 = arith.addf %parallel_loop3A_778, %parallel_loop3A_779 : vector<16xf32>
        %parallel_loop3A_781 = arith.mulf %parallel_loop3A_759, %parallel_loop3A_763 : vector<16xf32>
        %parallel_loop3A_782 = arith.mulf %parallel_loop3A_709, %parallel_loop3A_774 : vector<16xf32>
        %parallel_loop3A_783 = arith.addf %parallel_loop3A_781, %parallel_loop3A_782 : vector<16xf32>
        %parallel_loop3A_784 = arith.maximumf %parallel_loop3A_763, %parallel_loop3A_710 : vector<16xf32>
        %parallel_loop3A_785 = arith.constant 0.000000e+00 : f32
        %parallel_loop3A_786 = vector.broadcast %parallel_loop3A_785 : f32 to vector<16xf32>
        %parallel_loop3A_787 = arith.cmpf oge, %parallel_loop3A_771, %parallel_loop3A_786 : vector<16xf32>
        %parallel_loop3A_788 = arith.constant 0.000000e+00 : f32
        %parallel_loop3A_789 = vector.broadcast %parallel_loop3A_788 : f32 to vector<16xf32>
        %parallel_loop3A_790 = arith.cmpf ogt, %parallel_loop3A_771, %parallel_loop3A_789 : vector<16xf32>
        %parallel_loop3A_791 = arith.mulf %parallel_loop3A_771, %parallel_loop3A_763 : vector<16xf32>
        %parallel_loop3A_792 = arith.mulf %parallel_loop3A_720, %parallel_loop3A_774 : vector<16xf32>
        %parallel_loop3A_793 = arith.addf %parallel_loop3A_791, %parallel_loop3A_792 : vector<16xf32>
        %parallel_loop3A_794 = arith.select %parallel_loop3A_790, %parallel_loop3A_793, %parallel_loop3A_720 : vector<16xi1>, vector<16xf32>
        %parallel_loop3A_795 = arith.constant 5.000000e-01 : f32
        %parallel_loop3A_796 = vector.broadcast %parallel_loop3A_795 : f32 to vector<16xf32>
        %parallel_loop3A_797 = arith.cmpf ogt, %parallel_loop3A_763, %parallel_loop3A_796 : vector<16xf32>
        %parallel_loop3A_798 = arith.andi %parallel_loop3A_787, %parallel_loop3A_797 : vector<16xi1>
        %parallel_loop3A_799 = arith.select %parallel_loop3A_798, %parallel_loop3A_767, %parallel_loop3A_725 : vector<16xi1>, vector<16xf32>
        %parallel_loop3A_800 = arith.constant 0x4B000000 : f32
        %parallel_loop3A_801 = vector.broadcast %parallel_loop3A_800 : f32 to vector<16xf32>
        %parallel_loop3A_802 = arith.addf %parallel_loop3A_767, %parallel_loop3A_801 : vector<16xf32>
        %parallel_loop3A_803 = arith.constant 0x4B000000 : f32
        %parallel_loop3A_804 = vector.broadcast %parallel_loop3A_803 : f32 to vector<16xf32>
        %parallel_loop3A_805 = arith.subf %parallel_loop3A_802, %parallel_loop3A_804 : vector<16xf32>
        %parallel_loop3A_806 = arith.fptosi %parallel_loop3A_805 : vector<16xf32> to vector<16xi32>
        %parallel_loop3A_807 = arith.mulf %parallel_loop3A_751, %parallel_loop3A_763 : vector<16xf32>
        %parallel_loop3A_808 = arith.addf %parallel_loop3A_807, %parallel_loop3A_774 : vector<16xf32>
        tpu.vector_store_idx %arg15[%parallel_loop3A_806, %parallel_loop3A_377, %parallel_loop3A_150], %parallel_loop3A_808 masked %parallel_loop3A_787 : memref<8x4x384xf32, #tpu.memory_space<vmem>>[vector<16xi32>, vector<16xi32>, vector<16xi32>], vector<16xf32>, vector<16xi1>
        %parallel_loop3A_809 = arith.constant 1 : i32
        %parallel_loop3A_810 = vector.broadcast %parallel_loop3A_809 : i32 to vector<16xi32>
        %parallel_loop3A_811 = arith.addi %parallel_loop3A_377, %parallel_loop3A_810 : vector<16xi32>
        %parallel_loop3A_812 = arith.mulf %parallel_loop3A_755, %parallel_loop3A_763 : vector<16xf32>
        %parallel_loop3A_813 = arith.addf %parallel_loop3A_812, %parallel_loop3A_774 : vector<16xf32>
        tpu.vector_store_idx %arg15[%parallel_loop3A_806, %parallel_loop3A_811, %parallel_loop3A_150], %parallel_loop3A_813 masked %parallel_loop3A_787 : memref<8x4x384xf32, #tpu.memory_space<vmem>>[vector<16xi32>, vector<16xi32>, vector<16xi32>], vector<16xf32>, vector<16xi1>
        %parallel_loop3A_814 = arith.constant 2 : i32
        %parallel_loop3A_815 = vector.broadcast %parallel_loop3A_814 : i32 to vector<16xi32>
        %parallel_loop3A_816 = arith.addi %parallel_loop3A_377, %parallel_loop3A_815 : vector<16xi32>
        %parallel_loop3A_817 = arith.mulf %parallel_loop3A_759, %parallel_loop3A_763 : vector<16xf32>
        %parallel_loop3A_818 = arith.addf %parallel_loop3A_817, %parallel_loop3A_774 : vector<16xf32>
        tpu.vector_store_idx %arg15[%parallel_loop3A_806, %parallel_loop3A_816, %parallel_loop3A_150], %parallel_loop3A_818 masked %parallel_loop3A_787 : memref<8x4x384xf32, #tpu.memory_space<vmem>>[vector<16xi32>, vector<16xi32>, vector<16xi32>], vector<16xf32>, vector<16xi1>
        %parallel_loop3A_819 = arith.constant 3 : i32
        %parallel_loop3A_820 = vector.broadcast %parallel_loop3A_819 : i32 to vector<16xi32>
        %parallel_loop3A_821 = arith.addi %parallel_loop3A_377, %parallel_loop3A_820 : vector<16xi32>
        tpu.vector_store_idx %arg15[%parallel_loop3A_806, %parallel_loop3A_821, %parallel_loop3A_150], %parallel_loop3A_763 masked %parallel_loop3A_787 : memref<8x4x384xf32, #tpu.memory_space<vmem>>[vector<16xi32>, vector<16xi32>, vector<16xi32>], vector<16xf32>, vector<16xi1>
        %parallel_loop3A_822 = arith.constant 1 : i32
        %parallel_loop3A_823 = arith.index_cast %parallel_loop3A_822 : i32 to index
        %parallel_loop3A_824 = arith.index_cast %parallel_loop3A_148 : i32 to index
        %parallel_loop3A_825 = tpu.vector_load %arg9[%parallel_loop3A_823, %parallel_loop3A_824] {strides = array<i32>} : memref<40x384xf32, #tpu.memory_space<vmem>>, vector<16xf32>,
        %parallel_loop3A_826 = arith.constant 9 : i32
        %parallel_loop3A_827 = arith.index_cast %parallel_loop3A_826 : i32 to index
        %parallel_loop3A_828 = arith.index_cast %parallel_loop3A_148 : i32 to index
        %parallel_loop3A_829 = tpu.vector_load %arg9[%parallel_loop3A_827, %parallel_loop3A_828] {strides = array<i32>} : memref<40x384xf32, #tpu.memory_space<vmem>>, vector<16xf32>,
        %parallel_loop3A_830 = arith.constant 17 : i32
        %parallel_loop3A_831 = arith.index_cast %parallel_loop3A_830 : i32 to index
        %parallel_loop3A_832 = arith.index_cast %parallel_loop3A_148 : i32 to index
        %parallel_loop3A_833 = tpu.vector_load %arg9[%parallel_loop3A_831, %parallel_loop3A_832] {strides = array<i32>} : memref<40x384xf32, #tpu.memory_space<vmem>>, vector<16xf32>,
        %parallel_loop3A_834 = arith.constant 25 : i32
        %parallel_loop3A_835 = arith.index_cast %parallel_loop3A_834 : i32 to index
        %parallel_loop3A_836 = arith.index_cast %parallel_loop3A_148 : i32 to index
        %parallel_loop3A_837 = tpu.vector_load %arg9[%parallel_loop3A_835, %parallel_loop3A_836] {strides = array<i32>} : memref<40x384xf32, #tpu.memory_space<vmem>>, vector<16xf32>,
        %parallel_loop3A_838 = arith.constant 33 : i32
        %parallel_loop3A_839 = arith.index_cast %parallel_loop3A_838 : i32 to index
        %parallel_loop3A_840 = arith.index_cast %parallel_loop3A_148 : i32 to index
        %parallel_loop3A_841 = tpu.vector_load %arg9[%parallel_loop3A_839, %parallel_loop3A_840] {strides = array<i32>} : memref<40x384xf32, #tpu.memory_space<vmem>>, vector<16xf32>,
        %parallel_loop3A_842 = arith.constant 1 : i32
        %parallel_loop3A_843 = arith.index_cast %parallel_loop3A_842 : i32 to index
        %parallel_loop3A_844 = arith.index_cast %parallel_loop3A_148 : i32 to index
        %parallel_loop3A_845 = tpu.vector_load %arg11[%parallel_loop3A_843, %parallel_loop3A_844] {strides = array<i32>} : memref<8x384xf32, #tpu.memory_space<vmem>>, vector<16xf32>,
        %parallel_loop3A_846 = arith.constant 1.000000e+00 : f32
        %parallel_loop3A_847 = vector.broadcast %parallel_loop3A_846 : f32 to vector<16xf32>
        %parallel_loop3A_848 = arith.subf %parallel_loop3A_847, %parallel_loop3A_837 : vector<16xf32>
        %parallel_loop3A_849 = arith.mulf %parallel_loop3A_825, %parallel_loop3A_837 : vector<16xf32>
        %parallel_loop3A_850 = arith.mulf %parallel_loop3A_777, %parallel_loop3A_848 : vector<16xf32>
        %parallel_loop3A_851 = arith.addf %parallel_loop3A_849, %parallel_loop3A_850 : vector<16xf32>
        %parallel_loop3A_852 = arith.mulf %parallel_loop3A_829, %parallel_loop3A_837 : vector<16xf32>
        %parallel_loop3A_853 = arith.mulf %parallel_loop3A_780, %parallel_loop3A_848 : vector<16xf32>
        %parallel_loop3A_854 = arith.addf %parallel_loop3A_852, %parallel_loop3A_853 : vector<16xf32>
        %parallel_loop3A_855 = arith.mulf %parallel_loop3A_833, %parallel_loop3A_837 : vector<16xf32>
        %parallel_loop3A_856 = arith.mulf %parallel_loop3A_783, %parallel_loop3A_848 : vector<16xf32>
        %parallel_loop3A_857 = arith.addf %parallel_loop3A_855, %parallel_loop3A_856 : vector<16xf32>
        %parallel_loop3A_858 = arith.maximumf %parallel_loop3A_837, %parallel_loop3A_784 : vector<16xf32>
        %parallel_loop3A_859 = arith.constant 0.000000e+00 : f32
        %parallel_loop3A_860 = vector.broadcast %parallel_loop3A_859 : f32 to vector<16xf32>
        %parallel_loop3A_861 = arith.cmpf oge, %parallel_loop3A_845, %parallel_loop3A_860 : vector<16xf32>
        %parallel_loop3A_862 = arith.constant 0.000000e+00 : f32
        %parallel_loop3A_863 = vector.broadcast %parallel_loop3A_862 : f32 to vector<16xf32>
        %parallel_loop3A_864 = arith.cmpf ogt, %parallel_loop3A_845, %parallel_loop3A_863 : vector<16xf32>
        %parallel_loop3A_865 = arith.mulf %parallel_loop3A_845, %parallel_loop3A_837 : vector<16xf32>
        %parallel_loop3A_866 = arith.mulf %parallel_loop3A_794, %parallel_loop3A_848 : vector<16xf32>
        %parallel_loop3A_867 = arith.addf %parallel_loop3A_865, %parallel_loop3A_866 : vector<16xf32>
        %parallel_loop3A_868 = arith.select %parallel_loop3A_864, %parallel_loop3A_867, %parallel_loop3A_794 : vector<16xi1>, vector<16xf32>
        %parallel_loop3A_869 = arith.constant 5.000000e-01 : f32
        %parallel_loop3A_870 = vector.broadcast %parallel_loop3A_869 : f32 to vector<16xf32>
        %parallel_loop3A_871 = arith.cmpf ogt, %parallel_loop3A_837, %parallel_loop3A_870 : vector<16xf32>
        %parallel_loop3A_872 = arith.andi %parallel_loop3A_861, %parallel_loop3A_871 : vector<16xi1>
        %parallel_loop3A_873 = arith.select %parallel_loop3A_872, %parallel_loop3A_841, %parallel_loop3A_799 : vector<16xi1>, vector<16xf32>
        %parallel_loop3A_874 = arith.constant 0x4B000000 : f32
        %parallel_loop3A_875 = vector.broadcast %parallel_loop3A_874 : f32 to vector<16xf32>
        %parallel_loop3A_876 = arith.addf %parallel_loop3A_841, %parallel_loop3A_875 : vector<16xf32>
        %parallel_loop3A_877 = arith.constant 0x4B000000 : f32
        %parallel_loop3A_878 = vector.broadcast %parallel_loop3A_877 : f32 to vector<16xf32>
        %parallel_loop3A_879 = arith.subf %parallel_loop3A_876, %parallel_loop3A_878 : vector<16xf32>
        %parallel_loop3A_880 = arith.fptosi %parallel_loop3A_879 : vector<16xf32> to vector<16xi32>
        %parallel_loop3A_881 = arith.mulf %parallel_loop3A_825, %parallel_loop3A_837 : vector<16xf32>
        %parallel_loop3A_882 = arith.addf %parallel_loop3A_881, %parallel_loop3A_848 : vector<16xf32>
        tpu.vector_store_idx %arg15[%parallel_loop3A_880, %parallel_loop3A_377, %parallel_loop3A_150], %parallel_loop3A_882 masked %parallel_loop3A_861 : memref<8x4x384xf32, #tpu.memory_space<vmem>>[vector<16xi32>, vector<16xi32>, vector<16xi32>], vector<16xf32>, vector<16xi1>
        %parallel_loop3A_883 = arith.constant 1 : i32
        %parallel_loop3A_884 = vector.broadcast %parallel_loop3A_883 : i32 to vector<16xi32>
        %parallel_loop3A_885 = arith.addi %parallel_loop3A_377, %parallel_loop3A_884 : vector<16xi32>
        %parallel_loop3A_886 = arith.mulf %parallel_loop3A_829, %parallel_loop3A_837 : vector<16xf32>
        %parallel_loop3A_887 = arith.addf %parallel_loop3A_886, %parallel_loop3A_848 : vector<16xf32>
        tpu.vector_store_idx %arg15[%parallel_loop3A_880, %parallel_loop3A_885, %parallel_loop3A_150], %parallel_loop3A_887 masked %parallel_loop3A_861 : memref<8x4x384xf32, #tpu.memory_space<vmem>>[vector<16xi32>, vector<16xi32>, vector<16xi32>], vector<16xf32>, vector<16xi1>
        %parallel_loop3A_888 = arith.constant 2 : i32
        %parallel_loop3A_889 = vector.broadcast %parallel_loop3A_888 : i32 to vector<16xi32>
        %parallel_loop3A_890 = arith.addi %parallel_loop3A_377, %parallel_loop3A_889 : vector<16xi32>
        %parallel_loop3A_891 = arith.mulf %parallel_loop3A_833, %parallel_loop3A_837 : vector<16xf32>
        %parallel_loop3A_892 = arith.addf %parallel_loop3A_891, %parallel_loop3A_848 : vector<16xf32>
        tpu.vector_store_idx %arg15[%parallel_loop3A_880, %parallel_loop3A_890, %parallel_loop3A_150], %parallel_loop3A_892 masked %parallel_loop3A_861 : memref<8x4x384xf32, #tpu.memory_space<vmem>>[vector<16xi32>, vector<16xi32>, vector<16xi32>], vector<16xf32>, vector<16xi1>
        %parallel_loop3A_893 = arith.constant 3 : i32
        %parallel_loop3A_894 = vector.broadcast %parallel_loop3A_893 : i32 to vector<16xi32>
        %parallel_loop3A_895 = arith.addi %parallel_loop3A_377, %parallel_loop3A_894 : vector<16xi32>
        tpu.vector_store_idx %arg15[%parallel_loop3A_880, %parallel_loop3A_895, %parallel_loop3A_150], %parallel_loop3A_837 masked %parallel_loop3A_861 : memref<8x4x384xf32, #tpu.memory_space<vmem>>[vector<16xi32>, vector<16xi32>, vector<16xi32>], vector<16xf32>, vector<16xi1>
        %parallel_loop3A_896 = arith.constant 0 : i32
        %parallel_loop3A_897 = arith.index_cast %parallel_loop3A_896 : i32 to index
        %parallel_loop3A_898 = arith.index_cast %parallel_loop3A_148 : i32 to index
        %parallel_loop3A_899 = tpu.vector_load %arg9[%parallel_loop3A_897, %parallel_loop3A_898] {strides = array<i32>} : memref<40x384xf32, #tpu.memory_space<vmem>>, vector<16xf32>,
        %parallel_loop3A_900 = arith.constant 8 : i32
        %parallel_loop3A_901 = arith.index_cast %parallel_loop3A_900 : i32 to index
        %parallel_loop3A_902 = arith.index_cast %parallel_loop3A_148 : i32 to index
        %parallel_loop3A_903 = tpu.vector_load %arg9[%parallel_loop3A_901, %parallel_loop3A_902] {strides = array<i32>} : memref<40x384xf32, #tpu.memory_space<vmem>>, vector<16xf32>,
        %parallel_loop3A_904 = arith.constant 16 : i32
        %parallel_loop3A_905 = arith.index_cast %parallel_loop3A_904 : i32 to index
        %parallel_loop3A_906 = arith.index_cast %parallel_loop3A_148 : i32 to index
        %parallel_loop3A_907 = tpu.vector_load %arg9[%parallel_loop3A_905, %parallel_loop3A_906] {strides = array<i32>} : memref<40x384xf32, #tpu.memory_space<vmem>>, vector<16xf32>,
        %parallel_loop3A_908 = arith.constant 24 : i32
        %parallel_loop3A_909 = arith.index_cast %parallel_loop3A_908 : i32 to index
        %parallel_loop3A_910 = arith.index_cast %parallel_loop3A_148 : i32 to index
        %parallel_loop3A_911 = tpu.vector_load %arg9[%parallel_loop3A_909, %parallel_loop3A_910] {strides = array<i32>} : memref<40x384xf32, #tpu.memory_space<vmem>>, vector<16xf32>,
        %parallel_loop3A_912 = arith.constant 32 : i32
        %parallel_loop3A_913 = arith.index_cast %parallel_loop3A_912 : i32 to index
        %parallel_loop3A_914 = arith.index_cast %parallel_loop3A_148 : i32 to index
        %parallel_loop3A_915 = tpu.vector_load %arg9[%parallel_loop3A_913, %parallel_loop3A_914] {strides = array<i32>} : memref<40x384xf32, #tpu.memory_space<vmem>>, vector<16xf32>,
        %parallel_loop3A_916 = arith.constant 0 : i32
        %parallel_loop3A_917 = arith.index_cast %parallel_loop3A_916 : i32 to index
        %parallel_loop3A_918 = arith.index_cast %parallel_loop3A_148 : i32 to index
        %parallel_loop3A_919 = tpu.vector_load %arg11[%parallel_loop3A_917, %parallel_loop3A_918] {strides = array<i32>} : memref<8x384xf32, #tpu.memory_space<vmem>>, vector<16xf32>,
        %parallel_loop3A_920 = arith.constant 1.000000e+00 : f32
        %parallel_loop3A_921 = vector.broadcast %parallel_loop3A_920 : f32 to vector<16xf32>
        %parallel_loop3A_922 = arith.subf %parallel_loop3A_921, %parallel_loop3A_911 : vector<16xf32>
        %parallel_loop3A_923 = arith.mulf %parallel_loop3A_899, %parallel_loop3A_911 : vector<16xf32>
        %parallel_loop3A_924 = arith.mulf %parallel_loop3A_851, %parallel_loop3A_922 : vector<16xf32>
        %parallel_loop3A_925 = arith.addf %parallel_loop3A_923, %parallel_loop3A_924 : vector<16xf32>
        %parallel_loop3A_926 = arith.mulf %parallel_loop3A_903, %parallel_loop3A_911 : vector<16xf32>
        %parallel_loop3A_927 = arith.mulf %parallel_loop3A_854, %parallel_loop3A_922 : vector<16xf32>
        %parallel_loop3A_928 = arith.addf %parallel_loop3A_926, %parallel_loop3A_927 : vector<16xf32>
        %parallel_loop3A_929 = arith.mulf %parallel_loop3A_907, %parallel_loop3A_911 : vector<16xf32>
        %parallel_loop3A_930 = arith.mulf %parallel_loop3A_857, %parallel_loop3A_922 : vector<16xf32>
        %parallel_loop3A_931 = arith.addf %parallel_loop3A_929, %parallel_loop3A_930 : vector<16xf32>
        %parallel_loop3A_932 = arith.maximumf %parallel_loop3A_911, %parallel_loop3A_858 : vector<16xf32>
        %parallel_loop3A_933 = arith.constant 0.000000e+00 : f32
        %parallel_loop3A_934 = vector.broadcast %parallel_loop3A_933 : f32 to vector<16xf32>
        %parallel_loop3A_935 = arith.cmpf oge, %parallel_loop3A_919, %parallel_loop3A_934 : vector<16xf32>
        %parallel_loop3A_936 = arith.constant 0.000000e+00 : f32
        %parallel_loop3A_937 = vector.broadcast %parallel_loop3A_936 : f32 to vector<16xf32>
        %parallel_loop3A_938 = arith.cmpf ogt, %parallel_loop3A_919, %parallel_loop3A_937 : vector<16xf32>
        %parallel_loop3A_939 = arith.mulf %parallel_loop3A_919, %parallel_loop3A_911 : vector<16xf32>
        %parallel_loop3A_940 = arith.mulf %parallel_loop3A_868, %parallel_loop3A_922 : vector<16xf32>
        %parallel_loop3A_941 = arith.addf %parallel_loop3A_939, %parallel_loop3A_940 : vector<16xf32>
        %parallel_loop3A_942 = arith.select %parallel_loop3A_938, %parallel_loop3A_941, %parallel_loop3A_868 : vector<16xi1>, vector<16xf32>
        %parallel_loop3A_943 = arith.constant 5.000000e-01 : f32
        %parallel_loop3A_944 = vector.broadcast %parallel_loop3A_943 : f32 to vector<16xf32>
        %parallel_loop3A_945 = arith.cmpf ogt, %parallel_loop3A_911, %parallel_loop3A_944 : vector<16xf32>
        %parallel_loop3A_946 = arith.andi %parallel_loop3A_935, %parallel_loop3A_945 : vector<16xi1>
        %parallel_loop3A_947 = arith.select %parallel_loop3A_946, %parallel_loop3A_915, %parallel_loop3A_873 : vector<16xi1>, vector<16xf32>
        %parallel_loop3A_948 = arith.constant 0x4B000000 : f32
        %parallel_loop3A_949 = vector.broadcast %parallel_loop3A_948 : f32 to vector<16xf32>
        %parallel_loop3A_950 = arith.addf %parallel_loop3A_915, %parallel_loop3A_949 : vector<16xf32>
        %parallel_loop3A_951 = arith.constant 0x4B000000 : f32
        %parallel_loop3A_952 = vector.broadcast %parallel_loop3A_951 : f32 to vector<16xf32>
        %parallel_loop3A_953 = arith.subf %parallel_loop3A_950, %parallel_loop3A_952 : vector<16xf32>
        %parallel_loop3A_954 = arith.fptosi %parallel_loop3A_953 : vector<16xf32> to vector<16xi32>
        %parallel_loop3A_955 = arith.mulf %parallel_loop3A_899, %parallel_loop3A_911 : vector<16xf32>
        %parallel_loop3A_956 = arith.addf %parallel_loop3A_955, %parallel_loop3A_922 : vector<16xf32>
        tpu.vector_store_idx %arg15[%parallel_loop3A_954, %parallel_loop3A_377, %parallel_loop3A_150], %parallel_loop3A_956 masked %parallel_loop3A_935 : memref<8x4x384xf32, #tpu.memory_space<vmem>>[vector<16xi32>, vector<16xi32>, vector<16xi32>], vector<16xf32>, vector<16xi1>
        %parallel_loop3A_957 = arith.constant 1 : i32
        %parallel_loop3A_958 = vector.broadcast %parallel_loop3A_957 : i32 to vector<16xi32>
        %parallel_loop3A_959 = arith.addi %parallel_loop3A_377, %parallel_loop3A_958 : vector<16xi32>
        %parallel_loop3A_960 = arith.mulf %parallel_loop3A_903, %parallel_loop3A_911 : vector<16xf32>
        %parallel_loop3A_961 = arith.addf %parallel_loop3A_960, %parallel_loop3A_922 : vector<16xf32>
        tpu.vector_store_idx %arg15[%parallel_loop3A_954, %parallel_loop3A_959, %parallel_loop3A_150], %parallel_loop3A_961 masked %parallel_loop3A_935 : memref<8x4x384xf32, #tpu.memory_space<vmem>>[vector<16xi32>, vector<16xi32>, vector<16xi32>], vector<16xf32>, vector<16xi1>
        %parallel_loop3A_962 = arith.constant 2 : i32
        %parallel_loop3A_963 = vector.broadcast %parallel_loop3A_962 : i32 to vector<16xi32>
        %parallel_loop3A_964 = arith.addi %parallel_loop3A_377, %parallel_loop3A_963 : vector<16xi32>
        %parallel_loop3A_965 = arith.mulf %parallel_loop3A_907, %parallel_loop3A_911 : vector<16xf32>
        %parallel_loop3A_966 = arith.addf %parallel_loop3A_965, %parallel_loop3A_922 : vector<16xf32>
        tpu.vector_store_idx %arg15[%parallel_loop3A_954, %parallel_loop3A_964, %parallel_loop3A_150], %parallel_loop3A_966 masked %parallel_loop3A_935 : memref<8x4x384xf32, #tpu.memory_space<vmem>>[vector<16xi32>, vector<16xi32>, vector<16xi32>], vector<16xf32>, vector<16xi1>
        %parallel_loop3A_967 = arith.constant 3 : i32
        %parallel_loop3A_968 = vector.broadcast %parallel_loop3A_967 : i32 to vector<16xi32>
        %parallel_loop3A_969 = arith.addi %parallel_loop3A_377, %parallel_loop3A_968 : vector<16xi32>
        tpu.vector_store_idx %arg15[%parallel_loop3A_954, %parallel_loop3A_969, %parallel_loop3A_150], %parallel_loop3A_911 masked %parallel_loop3A_935 : memref<8x4x384xf32, #tpu.memory_space<vmem>>[vector<16xi32>, vector<16xi32>, vector<16xi32>], vector<16xf32>, vector<16xi1>
        %parallel_loop3A_970 = arith.constant 0 : i32
        %parallel_loop3A_971 = arith.index_cast %parallel_loop3A_970 : i32 to index
        %parallel_loop3A_972 = arith.index_cast %parallel_loop3A_148 : i32 to index
        %parallel_loop3A_973 = tpu.vector_load %arg13[%parallel_loop3A_971, %parallel_loop3A_972] {strides = array<i32>} : memref<4x384xf32, #tpu.memory_space<vmem>>, vector<16xf32>,
        tpu.vector_store %arg13[%parallel_loop3A_971, %parallel_loop3A_972], %parallel_loop3A_925 {strides = array<i32>} : memref<4x384xf32, #tpu.memory_space<vmem>>, vector<16xf32>,
        %parallel_loop3A_974 = arith.constant 1 : i32
        %parallel_loop3A_975 = arith.index_cast %parallel_loop3A_974 : i32 to index
        %parallel_loop3A_976 = arith.index_cast %parallel_loop3A_148 : i32 to index
        %parallel_loop3A_977 = tpu.vector_load %arg13[%parallel_loop3A_975, %parallel_loop3A_976] {strides = array<i32>} : memref<4x384xf32, #tpu.memory_space<vmem>>, vector<16xf32>,
        tpu.vector_store %arg13[%parallel_loop3A_975, %parallel_loop3A_976], %parallel_loop3A_928 {strides = array<i32>} : memref<4x384xf32, #tpu.memory_space<vmem>>, vector<16xf32>,
        %parallel_loop3A_978 = arith.constant 2 : i32
        %parallel_loop3A_979 = arith.index_cast %parallel_loop3A_978 : i32 to index
        %parallel_loop3A_980 = arith.index_cast %parallel_loop3A_148 : i32 to index
        %parallel_loop3A_981 = tpu.vector_load %arg13[%parallel_loop3A_979, %parallel_loop3A_980] {strides = array<i32>} : memref<4x384xf32, #tpu.memory_space<vmem>>, vector<16xf32>,
        tpu.vector_store %arg13[%parallel_loop3A_979, %parallel_loop3A_980], %parallel_loop3A_931 {strides = array<i32>} : memref<4x384xf32, #tpu.memory_space<vmem>>, vector<16xf32>,
        %parallel_loop3A_982 = arith.constant 3 : i32
        %parallel_loop3A_983 = arith.index_cast %parallel_loop3A_982 : i32 to index
        %parallel_loop3A_984 = arith.index_cast %parallel_loop3A_148 : i32 to index
        %parallel_loop3A_985 = tpu.vector_load %arg13[%parallel_loop3A_983, %parallel_loop3A_984] {strides = array<i32>} : memref<4x384xf32, #tpu.memory_space<vmem>>, vector<16xf32>,
        tpu.vector_store %arg13[%parallel_loop3A_983, %parallel_loop3A_984], %parallel_loop3A_932 {strides = array<i32>} : memref<4x384xf32, #tpu.memory_space<vmem>>, vector<16xf32>,
        %parallel_loop3A_986 = arith.index_cast %add3A_126 : i32 to index
        %parallel_loop3A_987 = arith.index_cast %parallel_loop3A_148 : i32 to index
        %parallel_loop3A_988 = tpu.vector_load %arg16[%parallel_loop3A_986, %parallel_loop3A_987] {strides = array<i32>} : memref<48x384xf32, #tpu.memory_space<vmem>>, vector<16xf32>,
        tpu.vector_store %arg16[%parallel_loop3A_986, %parallel_loop3A_987], %parallel_loop3A_942 {strides = array<i32>} : memref<48x384xf32, #tpu.memory_space<vmem>>, vector<16xf32>,
        %parallel_loop3A_989 = arith.constant 7.500000e+00 : f32
        %parallel_loop3A_990 = vector.broadcast %parallel_loop3A_989 : f32 to vector<16xf32>
        %parallel_loop3A_991 = arith.cmpf ogt, %parallel_loop3A_947, %parallel_loop3A_990 : vector<16xf32>
        %parallel_loop3A_992 = arith.constant -1.000000e+00 : f32
        %parallel_loop3A_993 = vector.broadcast %parallel_loop3A_992 : f32 to vector<16xf32>
        %parallel_loop3A_994 = arith.select %parallel_loop3A_991, %parallel_loop3A_993, %parallel_loop3A_947 : vector<16xi1>, vector<16xf32>
        %parallel_loop3A_995 = arith.constant 0x4B000000 : f32
        %parallel_loop3A_996 = vector.broadcast %parallel_loop3A_995 : f32 to vector<16xf32>
        %parallel_loop3A_997 = arith.addf %parallel_loop3A_994, %parallel_loop3A_996 : vector<16xf32>
        %parallel_loop3A_998 = arith.constant 0x4B000000 : f32
        %parallel_loop3A_999 = vector.broadcast %parallel_loop3A_998 : f32 to vector<16xf32>
        %parallel_loop3A_1000 = arith.subf %parallel_loop3A_997, %parallel_loop3A_999 : vector<16xf32>
        %parallel_loop3A_1001 = arith.fptosi %parallel_loop3A_1000 : vector<16xf32> to vector<16xi32>
        %parallel_loop3A_1002 = arith.index_cast %add3A_126 : i32 to index
        %parallel_loop3A_1003 = arith.index_cast %parallel_loop3A_148 : i32 to index
        %parallel_loop3A_1004 = tpu.vector_load %arg17[%parallel_loop3A_1002, %parallel_loop3A_1003] {strides = array<i32>} : memref<48x384xi32, #tpu.memory_space<vmem>>, vector<16xi32>,
        tpu.vector_store %arg17[%parallel_loop3A_1002, %parallel_loop3A_1003], %parallel_loop3A_1001 {strides = array<i32>} : memref<48x384xi32, #tpu.memory_space<vmem>>, vector<16xi32>,
      } {sc.loop_unroll_factor = 4 : i64, sc.parallel_access}
      %mul3A_130 = arith.constant 384 : i32
      %mul3A_131 = arith.muli %add3A_53, %mul3A_130 : i32
      %multiple_of3A_132 = tpu.assume_multiple %mul3A_131, 128 : i32
      %dma_start3A_133 = arith.constant 0 : i32
      %dma_start3A_134 = tpu.memref_slice %arg4[%dma_start3A_133, %multiple_of3A_132] : memref<4x589824xf32, #tpu.memory_space<hbm>> -> memref<4x384xf32, #tpu.memory_space<hbm>>
      %dma_start3A_135 = arith.constant 0 : i32
      %dma_start3A_136 = tpu.memref_slice %arg4[%dma_start3A_135, %multiple_of3A_132] : memref<4x589824xf32, #tpu.memory_space<hbm>> -> memref<4x384xf32, #tpu.memory_space<hbm>>
      tpu.enqueue_dma source(%arg13 : memref<4x384xf32, #tpu.memory_space<vmem>>) target(%dma_start3A_136 : memref<4x384xf32, #tpu.memory_space<hbm>>) target_semaphore(%arg23 : memref<!tpu.dma_semaphore, #tpu.memory_space<semaphore_mem>>)
      %mul3A_137 = arith.constant 8 : i32
      %mul3A_138 = arith.muli %add3A_53, %mul3A_137 : i32
      %multiple_of3A_139 = tpu.assume_multiple %mul3A_138, 8 : i32
      %dma_start3A_140 = arith.constant 0 : i32
      %dma_start3A_141 = arith.constant 0 : i32
      %dma_start3A_142 = tpu.memref_slice %arg7[%multiple_of3A_139, %dma_start3A_140, %dma_start3A_141] : memref<12288x4x384xf32, #tpu.memory_space<hbm>> -> memref<8x4x384xf32, #tpu.memory_space<hbm>>
      %dma_start3A_143 = arith.constant 0 : i32
      %dma_start3A_144 = arith.constant 0 : i32
      %dma_start3A_145 = tpu.memref_slice %arg7[%multiple_of3A_139, %dma_start3A_143, %dma_start3A_144] : memref<12288x4x384xf32, #tpu.memory_space<hbm>> -> memref<8x4x384xf32, #tpu.memory_space<hbm>>
      tpu.enqueue_dma source(%arg15 : memref<8x4x384xf32, #tpu.memory_space<vmem>>) target(%dma_start3A_145 : memref<8x4x384xf32, #tpu.memory_space<hbm>>) target_semaphore(%arg25 : memref<!tpu.dma_semaphore, #tpu.memory_space<semaphore_mem>>)
    }
    %scan3A_20 = arith.constant 24 : i32
    %dma_wait3A = arith.constant 0 : i32
    %dma_wait3A_21 = arith.constant 0 : i32
    %dma_wait3A_22 = tpu.memref_slice %arg4[%dma_wait3A, %dma_wait3A_21] : memref<4x589824xf32, #tpu.memory_space<hbm>> -> memref<4x384xf32, #tpu.memory_space<hbm>>
    %dma_wait3A_23 = arith.constant 0 : i32
    %dma_wait3A_24 = arith.constant 0 : i32
    %dma_wait3A_25 = tpu.memref_slice %arg4[%dma_wait3A_23, %dma_wait3A_24] : memref<4x589824xf32, #tpu.memory_space<hbm>> -> memref<4x384xf32, #tpu.memory_space<hbm>>
    tpu.wait_dma2 semaphore(%arg22 : memref<!tpu.dma_semaphore, #tpu.memory_space<semaphore_mem>>) src(%arg12 : memref<4x384xf32, #tpu.memory_space<vmem>>) dst(%dma_wait3A_25 : memref<4x384xf32, #tpu.memory_space<hbm>>)
    %dma_wait3A_26 = arith.constant 0 : i32
    %dma_wait3A_27 = arith.constant 0 : i32
    %dma_wait3A_28 = arith.constant 0 : i32
    %dma_wait3A_29 = tpu.memref_slice %arg7[%dma_wait3A_26, %dma_wait3A_27, %dma_wait3A_28] : memref<12288x4x384xf32, #tpu.memory_space<hbm>> -> memref<8x4x384xf32, #tpu.memory_space<hbm>>
    %dma_wait3A_30 = arith.constant 0 : i32
    %dma_wait3A_31 = arith.constant 0 : i32
    %dma_wait3A_32 = arith.constant 0 : i32
    %dma_wait3A_33 = tpu.memref_slice %arg7[%dma_wait3A_30, %dma_wait3A_31, %dma_wait3A_32] : memref<12288x4x384xf32, #tpu.memory_space<hbm>> -> memref<8x4x384xf32, #tpu.memory_space<hbm>>
    tpu.wait_dma2 semaphore(%arg24 : memref<!tpu.dma_semaphore, #tpu.memory_space<semaphore_mem>>) src(%arg14 : memref<8x4x384xf32, #tpu.memory_space<vmem>>) dst(%dma_wait3A_33 : memref<8x4x384xf32, #tpu.memory_space<hbm>>)
    %dma_wait3A_34 = arith.constant 0 : i32
    %dma_wait3A_35 = arith.constant 0 : i32
    %dma_wait3A_36 = tpu.memref_slice %arg4[%dma_wait3A_34, %dma_wait3A_35] : memref<4x589824xf32, #tpu.memory_space<hbm>> -> memref<4x384xf32, #tpu.memory_space<hbm>>
    %dma_wait3A_37 = arith.constant 0 : i32
    %dma_wait3A_38 = arith.constant 0 : i32
    %dma_wait3A_39 = tpu.memref_slice %arg4[%dma_wait3A_37, %dma_wait3A_38] : memref<4x589824xf32, #tpu.memory_space<hbm>> -> memref<4x384xf32, #tpu.memory_space<hbm>>
    tpu.wait_dma2 semaphore(%arg23 : memref<!tpu.dma_semaphore, #tpu.memory_space<semaphore_mem>>) src(%arg13 : memref<4x384xf32, #tpu.memory_space<vmem>>) dst(%dma_wait3A_39 : memref<4x384xf32, #tpu.memory_space<hbm>>)
    %dma_wait3A_40 = arith.constant 0 : i32
    %dma_wait3A_41 = arith.constant 0 : i32
    %dma_wait3A_42 = arith.constant 0 : i32
    %dma_wait3A_43 = tpu.memref_slice %arg7[%dma_wait3A_40, %dma_wait3A_41, %dma_wait3A_42] : memref<12288x4x384xf32, #tpu.memory_space<hbm>> -> memref<8x4x384xf32, #tpu.memory_space<hbm>>
    %dma_wait3A_44 = arith.constant 0 : i32
    %dma_wait3A_45 = arith.constant 0 : i32
    %dma_wait3A_46 = arith.constant 0 : i32
    %dma_wait3A_47 = tpu.memref_slice %arg7[%dma_wait3A_44, %dma_wait3A_45, %dma_wait3A_46] : memref<12288x4x384xf32, #tpu.memory_space<hbm>> -> memref<8x4x384xf32, #tpu.memory_space<hbm>>
    tpu.wait_dma2 semaphore(%arg25 : memref<!tpu.dma_semaphore, #tpu.memory_space<semaphore_mem>>) src(%arg15 : memref<8x4x384xf32, #tpu.memory_space<vmem>>) dst(%dma_wait3A_47 : memref<8x4x384xf32, #tpu.memory_space<hbm>>)
    "tpu.region"() ({
      %run_scoped3A = tpu.sem_alloc : memref<!tpu.dma_semaphore, #tpu.memory_space<semaphore_mem>>
      %dma_start3A_48 = arith.constant 0 : i32
      %dma_start3A_49 = tpu.memref_slice %arg5[%multiple_of3A, %dma_start3A_48] : memref<1536x384xf32, #tpu.memory_space<hbm>> -> memref<48x384xf32, #tpu.memory_space<hbm>>
      %dma_start3A_50 = arith.constant 0 : i32
      %dma_start3A_51 = tpu.memref_slice %arg5[%multiple_of3A, %dma_start3A_50] : memref<1536x384xf32, #tpu.memory_space<hbm>> -> memref<48x384xf32, #tpu.memory_space<hbm>>
      tpu.enqueue_dma source(%arg16 : memref<48x384xf32, #tpu.memory_space<vmem>>) target(%dma_start3A_51 : memref<48x384xf32, #tpu.memory_space<hbm>>) target_semaphore(%run_scoped3A : memref<!tpu.dma_semaphore, #tpu.memory_space<semaphore_mem>>)
      %dma_wait3A_52 = arith.constant 0 : i32
      %dma_wait3A_53 = tpu.memref_slice %arg5[%multiple_of3A, %dma_wait3A_52] : memref<1536x384xf32, #tpu.memory_space<hbm>> -> memref<48x384xf32, #tpu.memory_space<hbm>>
      %dma_wait3A_54 = arith.constant 0 : i32
      %dma_wait3A_55 = tpu.memref_slice %arg5[%multiple_of3A, %dma_wait3A_54] : memref<1536x384xf32, #tpu.memory_space<hbm>> -> memref<48x384xf32, #tpu.memory_space<hbm>>
      tpu.wait_dma2 semaphore(%run_scoped3A : memref<!tpu.dma_semaphore, #tpu.memory_space<semaphore_mem>>) src(%arg16 : memref<48x384xf32, #tpu.memory_space<vmem>>) dst(%dma_wait3A_55 : memref<48x384xf32, #tpu.memory_space<hbm>>)
      tpu.yield
    }) : () -> ()
    "tpu.region"() ({
      %run_scoped3A = tpu.sem_alloc : memref<!tpu.dma_semaphore, #tpu.memory_space<semaphore_mem>>
      %dma_start3A_48 = arith.constant 0 : i32
      %dma_start3A_49 = tpu.memref_slice %arg6[%multiple_of3A, %dma_start3A_48] : memref<1536x384xi32, #tpu.memory_space<hbm>> -> memref<48x384xi32, #tpu.memory_space<hbm>>
      %dma_start3A_50 = arith.constant 0 : i32
      %dma_start3A_51 = tpu.memref_slice %arg6[%multiple_of3A, %dma_start3A_50] : memref<1536x384xi32, #tpu.memory_space<hbm>> -> memref<48x384xi32, #tpu.memory_space<hbm>>
      tpu.enqueue_dma source(%arg17 : memref<48x384xi32, #tpu.memory_space<vmem>>) target(%dma_start3A_51 : memref<48x384xi32, #tpu.memory_space<hbm>>) target_semaphore(%run_scoped3A : memref<!tpu.dma_semaphore, #tpu.memory_space<semaphore_mem>>)
      %dma_wait3A_52 = arith.constant 0 : i32
      %dma_wait3A_53 = tpu.memref_slice %arg6[%multiple_of3A, %dma_wait3A_52] : memref<1536x384xi32, #tpu.memory_space<hbm>> -> memref<48x384xi32, #tpu.memory_space<hbm>>
      %dma_wait3A_54 = arith.constant 0 : i32
      %dma_wait3A_55 = tpu.memref_slice %arg6[%multiple_of3A, %dma_wait3A_54] : memref<1536x384xi32, #tpu.memory_space<hbm>> -> memref<48x384xi32, #tpu.memory_space<hbm>>
      tpu.wait_dma2 semaphore(%run_scoped3A : memref<!tpu.dma_semaphore, #tpu.memory_space<semaphore_mem>>) src(%arg17 : memref<48x384xi32, #tpu.memory_space<vmem>>) dst(%dma_wait3A_55 : memref<48x384xi32, #tpu.memory_space<hbm>>)
      tpu.yield
    }) : () -> ()
    return
  }
}

</mosaic_0001>

<sc_bundles>
// kernel: kernel.3.cloned.1.call-start
scs
__scs_entry_jumppad:
0x0: {  	(pc) =	sbr.rel $0x88, $3  }
0x1: {  	(tag) =	ssettag $0x0;
	lr =	simm.s32 $0x1  }
0x2: {  	[smem:$0x3F9F] =	sst lr;
	_ =	strace $0xD0000000  }
0x3: {  	_ = 	snop  }
0x4: {  	_ = 	snop  }
0x5: {  	_ = 	snop  }
0x6: {  	_ = 	snop  }
0x7: {  	_ = 	snop  }
__scs_overlays_trampoline_lowered:
0x8: {  	[smem:$0x3FAE] =	sst s0  }
0x9: {  	[smem:$0x3FAF] =	sst s1  }
0xa: {  	[smem:$0x3FB0] =	sst s2  }
0xb: {  	[smem:$0x3FB1] =	sst s3  }
0xc: {  	[smem:$0x3FB2] =	sst s4  }
0xd: {  	[smem:$0x3FB3] =	sst s5  }
0xe: {  	[smem:$0x3FB4] =	sst s6  }
0xf: {  	[smem:$0x3FB5] =	sst s7  }
0x10: {  	[smem:$0x3FB6] =	sst s8  }
0x11: {  	[smem:$0x3FB7] =	sst s9;
	s0 =	simm.s32 @!p0 $0x0  }
0x12: {  	s1 =	sld [smem:$0x3F9D];
	s0 =	simm.s32 @p0 $0x1  }
0x13: {  	[smem:$0x3FB8] =	sst s0;
	s0 =	simm.s32 @!p1 $0x0  }
0x14: {  	s2 =	sld [smem:$0x3F9C];
	s0 =	simm.s32 @p1 $0x1  }
0x15: {  	[smem:$0x3FB9] =	sst s0;
	s0 =	simm.s32 @!p2 $0x0  }
0x16: {  	s3 =	sld [smem:$0x3FDB];
	s0 =	simm.s32 @p2 $0x1  }
0x17: {  	s4 =	simm.s32 $0x1BF5;
	[smem:$0x3FBB] =	sst s0  }
0x18: {  	s0 =	sld [smem:$0x3F9E];
	_ =	swait.ge [sflag:s4], $0x0  }
0x19: {  	s7 =	sld [smem:$0x3F9F]  }
0x1a: {  	s8 =	sadd.s32 $0xFFFFE003, lr  }
0x1b: {  	s9 =	sadd.s32 $0xFFFFFEF7, lr;
	s5 =	simm.s32 $0xFFFFFFFF;
	p2 =	slt.u32 s8, $0xFFFFF086  }
0x1c: {  	p1 =	slt.u32 s9, $0xF7A;
	s5 =	simm.s32 @!p2 $0x0  }
0x1d: {  	s5 =	simm.s32 @p1 $0x1;
	p0 =	seq.s32 s7, s2  }
0x1e: {  	s7 =	smul.u32 @!p0 $0xF7A, s2;
	p2 =	seq.s32 @!p0 s5, $0x0  }
0x1f: {  	s9 =	smul.u32 $0xF7A, s1;
	s8 =	simm.s32 @!p0 $0x1BF5;
	p2 =	por !p2, p0  }
0x20: {  	[sflag:s8] =	ssyncset.s32 @!p0 $0xFFFFF086;
	s6 =	sadd.s32 @!p0 s3, s7;
	s7 =	simm.s32 @!p0 $0x108  }
0x21: {  	s3 =	sadd.s32 s3, s9;
	s6 =	sadd.s32 @!p0 $0x88, s6;
	s7 =	simm.s32 @p2 $0x1082  }
0x22: {  	[simem:s7], [sflag:s8] =	dma.local @!p0 [hbm:s6], $0xF7A  }
0x23: {  	s9 =	sor.u32 $0xD0000000, s2;
	s6 =	simm.s32 $0x108;
	_ =	swait.ge @!p0 [sflag:s8], $0x0  }
0x24: {  	s3 =	sadd.s32 $0x88, s3;
	s6 =	simm.s32 @!p1 $0x1082;
	[sflag:s4] =	ssyncset.s32 $0xFFFFF086  }
0x25: {  	[simem:s6], [sflag:s4] =	dma.local [hbm:s3], $0xF7A  }
0x26: {  	[smem:$0x3F9F] =	sst s1;
	(tag) =	ssettag s2;
	_ =	strace s9  }
0x27: {  	s1 =	sld [smem:$0x3FAF]  }
0x28: {  	s2 =	sld [smem:$0x3FB0]  }
0x29: {  	s4 =	sld [smem:$0x3FB2]  }
0x2a: {  	p0 =	seq.s32 s5, $0x0;
	s5 =	sld [smem:$0x3FB3]  }
0x2b: {  	s6 =	sld [smem:$0x3FB4]  }
0x2c: {  	s7 =	sld [smem:$0x3FB5]  }
0x2d: {  	s3 =	simm.s32 $0x108;
	s8 =	sld [smem:$0x3FB6]  }
0x2e: {  	s3 =	simm.s32 @!p0 $0x1082;
	s9 =	sld [smem:$0x3FB7]  }
0x2f: {  	lr =	sadd.s32 s0, s3;
	s0 =	sld [smem:$0x3FAE]  }
0x30: {  	s3 =	sld [smem:$0x3FB1]  }
0x31: {  	[smem:$0x3FBA] =	sst s10  }
0x32: {  	s10 =	sld [smem:$0x3FB8];
	_ =	sdelay $0x3  }
0x33: {  	p0 =	seq.s32 s10, $0x1;
	s10 =	sld [smem:$0x3FBA];
	_ =	sdelay $0x3  }
0x34: {  	[smem:$0x3FBA] =	sst s10  }
0x35: {  	s10 =	sld [smem:$0x3FB9];
	_ =	sdelay $0x3  }
0x36: {  	p1 =	seq.s32 s10, $0x1;
	s10 =	sld [smem:$0x3FBA];
	_ =	sdelay $0x3  }
0x37: {  	[smem:$0x3FBA] =	sst s10  }
0x38: {  	s10 =	sld [smem:$0x3FBB]  }
0x39: {  	_ = 	snop;
	(pc) =	sbr.ind lr, $3  }
0x3a: {  	_ = 	snop  }
0x3b: {  	_ = 	snop  }
0x3c: {  	p2 =	seq.s32 s10, $0x1;
	s10 =	sld [smem:$0x3FBA]  }
0x3d: {  	_ =	shalt  }
0x3e: {  	_ =	shalt  }
0x3f: {  	_ =	shalt  }
0x40: {  	_ =	shalt  }
0x41: {  	_ =	shalt  }
0x42: {  	_ =	shalt  }
0x43: {  	_ =	shalt  }
0x44: {  	_ =	shalt  }
0x45: {  	_ =	shalt  }
0x46: {  	_ =	shalt  }
0x47: {  	_ =	shalt  }
0x48: {  	_ =	shalt  }
0x49: {  	_ =	shalt  }
0x4a: {  	_ =	shalt  }
0x4b: {  	_ =	shalt  }
0x4c: {  	_ =	shalt  }
0x4d: {  	_ =	shalt  }
0x4e: {  	_ =	shalt  }
0x4f: {  	_ =	shalt  }
0x50: {  	_ =	shalt  }
0x51: {  	_ =	shalt  }
0x52: {  	_ =	shalt  }
0x53: {  	_ =	shalt  }
0x54: {  	_ =	shalt  }
0x55: {  	_ =	shalt  }
0x56: {  	_ =	shalt  }
0x57: {  	_ =	shalt  }
0x58: {  	_ =	shalt  }
0x59: {  	_ =	shalt  }
0x5a: {  	_ =	shalt  }
0x5b: {  	_ =	shalt  }
0x5c: {  	_ =	shalt  }
0x5d: {  	_ =	shalt  }
0x5e: {  	_ =	shalt  }
0x5f: {  	_ =	shalt  }
0x60: {  	_ =	shalt  }
0x61: {  	_ =	shalt  }
0x62: {  	_ =	shalt  }
0x63: {  	_ =	shalt  }
0x64: {  	_ =	shalt  }
0x65: {  	_ =	shalt  }
0x66: {  	_ =	shalt  }
0x67: {  	_ =	shalt  }
0x68: {  	_ =	shalt  }
0x69: {  	_ =	shalt  }
0x6a: {  	_ =	shalt  }
0x6b: {  	_ =	shalt  }
0x6c: {  	_ =	shalt  }
0x6d: {  	_ =	shalt  }
0x6e: {  	_ =	shalt  }
0x6f: {  	_ =	shalt  }
0x70: {  	_ =	shalt  }
0x71: {  	_ =	shalt  }
0x72: {  	_ =	shalt  }
0x73: {  	_ =	shalt  }
0x74: {  	_ =	shalt  }
0x75: {  	_ =	shalt  }
0x76: {  	_ =	shalt  }
0x77: {  	_ =	shalt  }
0x78: {  	_ =	shalt  }
0x79: {  	_ =	shalt  }
0x7a: {  	_ =	shalt  }
0x7b: {  	_ =	shalt  }
0x7c: {  	_ =	shalt  }
0x7d: {  	_ =	shalt  }
0x7e: {  	_ =	shalt  }
0x7f: {  	_ =	shalt  }
0x80: {  	_ =	shalt  }
0x81: {  	_ =	shalt  }
0x82: {  	_ =	shalt  }
0x83: {  	_ =	shalt  }
0x84: {  	_ =	shalt  }
0x85: {  	_ =	shalt  }
0x86: {  	_ =	shalt  }
0x87: {  	_ =	shalt  }
.Lfunc_end0:
.L_simem_size_0:
called_computation_lowered:
.L_overlay_start_0:
0x88: {  	s2 =	sld [smem:$0x3FD9]  }
0x89: {  	s3 =	sld [smem:$0x3FFE];
	_ =	sdelay $0x1  }
0x8a: {  	s1 =	srdreg.scid  }
0x8b: {  	s0 =	sand.u32 $0x1, s1  }
0x8c: {  	s15 =	sshll.u32 s0, $0xA;
	s2 =	sadd.s32 s3, s2  }
0x8d: {  	s2 =	sadd.s32 s2, s15  }
0x8e: {  	[smem:$0x3FC6] =	sst s2  }
0x8f: {  	_ = 	snop  }
0x90: {  	s2 =	sld [smem:$0x3FD0];
	_ =	sdelay $0x1  }
0x91: {  	s16 =	sld [smem:$0x3FC9]  }
0x92: {  	s5 =	simm.s32 $0xA;
	s6 =	simm.s32 $0x10;
	s4 =	sld [smem:$0x3FC8]  }
0x93: {  	[smem:s6], [sflag:s5] =	dma.local [hbm:s2], $0x1  }
0x94: {  	_ =	swait.eq [sflag:s5], $0x1  }
0x95: {  	s17 =	sld [smem:$0x10]  }
0x96: {  	s18 =	sld [smem:$0x11];
	[sflag:s5] =	ssyncset.done $0x0  }
0x97: {  	s7 =	sld [smem:$0x12];
	[sflag:s5] =	ssyncadd.s32 $0xFFFFFFFF  }
0x98: {  	s19 =	sld [smem:$0x13];
	(tm) =	ssettm $0x1  }
0x99: {  	s8 =	sld [smem:$0x3FFB];
	_ =	sdelay $0x3  }
0x9a: {  	_ =	strace s8  }
0x9b: {  	s8 =	sld [smem:$0x3FFC];
	_ =	sdelay $0x3  }
0x9c: {  	_ =	strace s8  }
0x9d: {  	s8 =	sld [smem:$0x3FFD];
	_ =	sdelay $0x3  }
0x9e: {  	_ =	strace s8  }
0x9f: {  	_ =	strace $0x8FFFFFFF  }
0xa0: {  	s20 =	sld [smem:$0x3FDB];
	_ =	sdelay $0x1  }
0xa1: {  	s9 =	simm.s32 $_scs_section_size  }
0xa2: {  	s10 =	simm.s32 $_size__tile_overlayer_lowered;
	s11 =	simm.s32 $_tile_overlayer_lowered  }
0xa3: {  	s23 =	simm.s32 $0x1BFF;
	s22 =	sshll.u32 s11, $0x1;
	s8 =	sadd.s32 s9, s20  }
0xa4: {  	s12 =	simm.s32 $0x0;
	s21 =	sshll.u32 s10, $0x1;
	s10 =	sadd.s32 s22, s8  }
0xa5: {  	[timem:s12], [sflag:s23] =	dma.local [hbm:s10], s21  }
0xa6: {  	_ =	swait.ge [sflag:s23], s21  }
0xa7: {  	s9 =	ssub.s32 $0x0, s21;
	[sflag:s23] =	ssyncset.done $0x0  }
0xa8: {  	[sflag:s23] =	ssyncadd.s32 s9;
	_ =	sdelay $0x1  }
0xa9: {  	s24 =	simm.s32 $0x1B8B  }
0xaa: {  	_ =	swait.ge [sflag:s24], $0x1  }
0xab: {  	[sflag:s24] =	ssyncset.done $0x0  }
0xac: {  	s25 =	simm.s32 $0x1B8E;
	[sflag:s24] =	ssyncadd.s32 $0xFFFFFFFF  }
0xad: {  	s26 =	simm.s32 $execute0_lowered;
	[smem:$0x3FD2] =	sst s25  }
0xae: {  	s9 =	sshll.u32 s26, $0x1;
	_ =	strace $0x80000046;
	[dreg:$0x1] =	wrdreg $0xFFFFFFFF  }
0xaf: {  	s28 =	simm.s32 $_size_execute0_lowered;
	s8 =	sadd.s32 s8, s9;
	[dreg:$0x0] =	wrdreg $0x0  }
0xb0: {  	s9 =	sshll.u32 s28, $0x1;
	[dreg:$0x2] =	wrdreg s8  }
0xb1: {  	[dreg:$0x3] =	wrdreg s9  }
0xb2: {  	[dreg:$0x4] =	wrdreg $0xC0  }
0xb3: {  	_ =	task [dreg:s12], $0x5FFFF  }
0xb4: {  	[dreg:$0x1] =	wrdreg $0xFFFFFFFF  }
0xb5: {  	[dreg:$0x0] =	wrdreg $0x60  }
0xb6: {  	[dreg:$0x2] =	wrdreg s16  }
0xb7: {  	[dreg:$0x3] =	wrdreg s4  }
0xb8: {  	[dreg:$0x4] =	wrdreg s17  }
0xb9: {  	[dreg:$0x5] =	wrdreg s18  }
0xba: {  	[dreg:$0x6] =	wrdreg s7  }
0xbb: {  	[dreg:$0x7] =	wrdreg s19  }
0xbc: {  	[dreg:$0x8] =	wrdreg $0x9  }
0xbd: {  	_ =	task.clear_ibuf [dreg:s12], $0x9FFFF;
	_ =	strace $0x90000046  }
0xbe: {  	s29 =	simm.s32 $0x9;
	_ =	strace $0x80000048  }
0xbf: {  	_ =	swait.ge [sflag:s29], $0x1  }
0xc0: {  	[sflag:s29] =	ssyncadd.s32 $0xFFFFFFFF  }
0xc1: {  	_ =	strace $0x90000048  }
0xc2: {  	_ =	sfence  }
0xc3: {  	s30 =	sld [smem:$0x0];
	_ =	sdelay $0x2  }
0xc4: {  	s31 =	sshll.u32 s1, $0xD;
	s1 =	sshrl.u32 s1, $0x2  }
0xc5: {  	s3 =	sand.u32 $0x4000, s31;
	s1 =	sadd.s32 s1, s30  }
0xc6: {  	s0 =	sor.u32 s3, s0;
	s1 =	sshll.u32 s1, $0x11  }
0xc7: {  	s0 =	sor.u32 s1, s0  }
0xc8: {  	s0 =	sadd.s32 $0x8F2B, s0  }
0xc9: {  	[sflag:s0] =	ssyncadd.remote.s32 $0x1  }
0xca: {  	_ =	sfence.sel $0xFFFF  }
0xcb: {  	[dreg:$0x0] =	wrdreg $0xFFFFFFFF;
	(pc) =	sbr.abs _section_cstart, $3  }
0xcc: {  	[dreg:$0x1] =	wrdreg $0xFFFFFFFF  }
0xcd: {  	_ =	task.clear_ibuf [dreg:s12], $0x2FFFF;
	_ =	strace $0x9FFFFFFF  }
0xce: {  	(tm) =	ssettm $0x7FFFFFFF  }
0xcf: {  	_ =	shalt  }
tec
execute0_lowered:
.L_overlay_start_1:
0x0: {  	(tag) =	ssettag $0x1  }
0x1: {  	s7 =	rddreg [dreg:$0x0]  }
0x2: {  	s0 =	srdreg.scid;
	s2 =	stileid.u32  }
0x3: {  	s8 =	rddreg [dreg:$0x1];
	s0 =	sand.u32 $0x1, s0;
	s2 =	sshll.u32 s2, $0x1  }
0x4: {  	s1 =	rddreg [dreg:$0x3];
	s2 =	sor.u32 s0, s2  }
0x5: {  	s3 =	rddreg [dreg:$0x4];
	s5 =	smul.u32 $0x30, s2  }
0x6: {  	s9 =	simm.s32 $0x0;
	s0 =	ssub.s32 $0x2, s0;
	s4 =	smul.u32 $0x16800, s2  }
0x7: {  	[smem:$0x7FF] =	sst s9;
	s2 =	smul.u32 $0x4800, s2;
	s6 =	sshrl.u32 s0, $0x1  }
0x8: {  	s0 =	ssub.s32 s0, s6;
	[dreg:$0x9] =	wrdreg s5  }
0x9: {  	s5 =	sshrl.u32 s5, $0x3;
	s4 =	sadd.s32 s7, s4;
	s2 =	sadd.s32 s8, s2  }
0xa: {  	s5 =	smul.u32 $0x180, s5;
	_ =	strace $0x80000047;
	[dreg:$0xa] =	wrdreg s4  }
0xb: {  	s0 =	smax.u32 s0, $0x1;
	[dreg:$0xb] =	wrdreg s2  }
0xc: {  	[dreg:$0xe] =	wrdreg s0;
	s1 =	sadd.s32 s1, s5  }
0xd: {  	s16 =	simm.s32 $0x9C00;
	s31 =	sadd.s32 s3, s5;
	[dreg:$0xc] =	wrdreg s1  }
0xe: {  	s22 =	simm.s32 $0xCC00;
	v25 =	vlaneseq.u32;
	v42 =	vimm.f32 $1.000000000e+00;
	v48 =	vimm.f32 $0.0e+00;
	s2 =	simm.s32 $0x0;
	[dreg:$0xd] =	wrdreg s31  }
.LBB2_1:
0xf: {  	[dreg:$0xf] =	wrdreg s2  }
0x10: {  	s0 =	rddreg [dreg:$0xa]  }
0x11: {  	[tilespmem:s9], [sflag:$0x1] =	stream.linear.gather [hbm4b:s0+s9], $0x3C00, $0x38;
	[tilespmem:$0x18C00] =	vst v63  }
0x12: {  	s31 =	rddreg [dreg:$0xb];
	s1 =	simm.s32 $0x7800;
	s3 =	simm.s32 $0x0  }
0x13: {  	[tilespmem:s1], [sflag:$0x3] =	stream.linear.gather [hbm4b:s31+s9], $0xC00, $0x38;
	[tilespmem:$0x18C00] =	vst v63  }
.LBB2_2:
0x14: {  	s0 =	sshll.u32 s3, $0x1;
	s1 =	rddreg [dreg:$0x9]  }
0x15: {  	s0 =	sadd.s32 s1, s0  }
0x16: {  	s20 =	rddreg [dreg:$0x0];
	s2 =	sor.u32 $0x1, s0  }
0x17: {  	[dreg:$0x13] =	wrdreg s0;
	s0 =	smul.u32 $0x780, s2  }
0x18: {  	s23 =	simm.s32 $0x3C00;
	s24 =	rddreg [dreg:$0x1]  }
0x19: {  	s25 =	simm.s32 $0x8400;
	s21 =	smul.u32 $0x180, s2;
	s0 =	sadd.s32 s20, s0  }
0x1a: {  	[tilespmem:s23], [sflag:$0x2] =	stream.linear.gather [hbm4b:s0+s9], $0x3C00, $0x38;
	[tilespmem:$0x18C00] =	vst v63  }
0x1b: {  	s26 =	simm.s32 $0x1;
	[dreg:$0x11] =	wrdreg s2;
	s0 =	sadd.s32 s24, s21  }
0x1c: {  	[tilespmem:s25], [sflag:$0x4] =	stream.linear.gather [hbm4b:s0+s9], $0xC00, $0x38;
	[tilespmem:$0x18C00] =	vst v63  }
0x1d: {  	_ =	swait.ge [sflag:s26], $0x3C00  }
0x1e: {  	[sflag:s26] =	ssyncset.done $0x0  }
0x1f: {  	s28 =	simm.s32 $0x3;
	[sflag:s26] =	ssyncadd.s32 $0xFFFFC400  }
0x20: {  	_ =	swait.ge [sflag:s28], $0xC00  }
0x21: {  	p0 =	seq.s32 s3, $0x0;
	[sflag:s28] =	ssyncset.done $0x0  }
0x22: {  	s29 =	sshrl.u32 s3, $0x2;
	s0 =	simm.s32 @!p0 $0x5;
	[sflag:s28] =	ssyncadd.s32 $0xFFFFF400  }
0x23: {  	s31 =	sshll.u32 s3, $0x8;
	s1 =	simm.s32 @!p0 $0x7;
	_ =	swait.ge @!p0 [sflag:s0], $0x600  }
0x24: {  	s30 =	smul.u32 $0xC00, s29;
	s2 =	simm.s32 $0x0;
	[sflag:s0] =	ssyncset.done @!p0 $0x0  }
0x25: {  	s23 =	simm.s32 $0x0;
	[dreg:$0x10] =	wrdreg s3;
	[sflag:s0] =	ssyncadd.s32 @!p0 $0xFFFFFA00  }
0x26: {  	s0 =	sand.u32 $0x300, s31;
	_ =	swait.ge @!p0 [sflag:s1], $0x3000;
	[dreg:$0x12] =	wrdreg s30  }
0x27: {  	[dreg:$0x14] =	wrdreg s0;
	s0 =	sor.u32 s0, s30;
	[sflag:s1] =	ssyncset.done @!p0 $0x0  }
0x28: {  	[dreg:$0x7] =	wrdreg s0;
	[sflag:s1] =	ssyncadd.s32 @!p0 $0xFFFFD000;
	s1 =	simm.s32 $0xFFFFFFFC  }
.LBB2_3:
0x29: {  	s1 =	sadd.s32 $0x4, s1  }
0x2a: {  	[smem:$0x7FD] =	sst s2;
	s0 =	sshrl.u32 s1, $0x3  }
0x2b: {  	s12 =	sand.u32 $0x40, s2;
	s20 =	sld [smem:$0x7FD];
	s24 =	sshll.u32 s0, $0x9  }
0x2c: {  	s2 =	sor.u32 s12, s24  }
0x2d: {  	[tilespmem:s2+$0x9C00] =	vst v42  }
0x2e: {  	[dreg:$0x15] =	wrdreg s1;
	[tilespmem:s2+$0x9C80] =	vst v42;
	s1 =	sor.u32 s20, s24  }
0x2f: {  	s25 =	sadd.s32 $0xA200, s24;
	[tilespmem:s2+$0x9D00] =	vst v42;
	s21 =	sor.u32 $0x180, s1  }
0x30: {  	s3 =	sor.u32 s12, s25;
	[dreg:$0x19] =	wrdreg s21;
	[tilespmem:s21+$0x9C00] =	vst v48;
	s21 =	sadd.s32 $0xA280, s24  }
0x31: {  	[tilespmem:s3+$0x0] =	vst v42;
	s4 =	sor.u32 s12, s21;
	s3 =	sadd.s32 $0xA300, s24  }
0x32: {  	[tilespmem:s4+$0x0] =	vst v42;
	s5 =	sor.u32 s12, s3;
	s4 =	sadd.s32 $0xA380, s24  }
0x33: {  	s15 =	sadd.s32 $0xA800, s24;
	[tilespmem:s5+$0x0] =	vst v42;
	s6 =	sor.u32 s12, s4  }
0x34: {  	s26 =	sadd.s32 $0xA880, s24;
	s7 =	sor.u32 s12, s15;
	[tilespmem:s6+$0x0] =	vst v48  }
0x35: {  	s18 =	sadd.s32 $0xA900, s24;
	s8 =	sor.u32 s12, s26;
	[tilespmem:s7+$0x0] =	vst v42  }
0x36: {  	s28 =	sadd.s32 $0xA980, s24;
	s9 =	sor.u32 s12, s18;
	[tilespmem:s8+$0x0] =	vst v42  }
0x37: {  	s10 =	sor.u32 s12, s28;
	s5 =	sadd.s32 $0xAE00, s24;
	[tilespmem:s9+$0x0] =	vst v42  }
0x38: {  	s29 =	sadd.s32 $0xAE80, s24;
	s11 =	sor.u32 s12, s5;
	[tilespmem:s10+$0x0] =	vst v48  }
0x39: {  	s13 =	sor.u32 s12, s29;
	s7 =	sadd.s32 $0xAF00, s24;
	[tilespmem:s11+$0x0] =	vst v42  }
0x3a: {  	s14 =	sor.u32 s12, s7;
	s8 =	sadd.s32 $0xAF80, s24;
	[tilespmem:s13+$0x0] =	vst v42  }
0x3b: {  	s30 =	sor.u32 s12, s8;
	s9 =	sadd.s32 $0xB400, s24;
	[tilespmem:s14+$0x0] =	vst v42  }
0x3c: {  	s31 =	sor.u32 s12, s9;
	s10 =	sadd.s32 $0xB480, s24;
	[tilespmem:s30+$0x0] =	vst v48  }
0x3d: {  	s1 =	sor.u32 s12, s10;
	s11 =	sadd.s32 $0xB500, s24;
	[tilespmem:s31+$0x0] =	vst v42  }
0x3e: {  	s6 =	sor.u32 s12, s11;
	s13 =	sadd.s32 $0xB580, s24;
	[tilespmem:s1+$0x0] =	vst v42  }
0x3f: {  	[dreg:$0x1b] =	wrdreg s2;
	s17 =	sor.u32 s12, s13;
	s30 =	sadd.s32 $0xBA00, s24;
	[tilespmem:s6+$0x0] =	vst v42  }
0x40: {  	s2 =	smov.u32 s25;
	s19 =	sor.u32 s12, s30;
	[tilespmem:s17+$0x0] =	vst v48;
	s17 =	sadd.s32 $0xBA80, s24  }
0x41: {  	[smem:$0x7C9] =	sst s26;
	[tilespmem:s19+$0x0] =	vst v42;
	s20 =	sor.u32 s12, s17;
	s19 =	sadd.s32 $0xBB00, s24  }
0x42: {  	[smem:$0x7CB] =	sst s28;
	[tilespmem:s20+$0x0] =	vst v42;
	s25 =	sor.u32 s12, s19;
	s20 =	sadd.s32 $0xBB80, s24  }
0x43: {  	[smem:$0x7CD] =	sst s29;
	s28 =	sadd.s32 $0xC000, s24;
	[tilespmem:s25+$0x0] =	vst v42;
	s26 =	sor.u32 s12, s20  }
0x44: {  	s29 =	sor.u32 s12, s28;
	[smem:$0x7C0] =	sst s28;
	s31 =	sadd.s32 $0xC080, s24;
	[tilespmem:s26+$0x0] =	vst v48  }
0x45: {  	s28 =	sadd.s32 $0xC180, s24;
	s6 =	sor.u32 s12, s31;
	s25 =	sadd.s32 $0xC100, s24;
	[tilespmem:s29+$0x0] =	vst v42  }
0x46: {  	[smem:$0x7DD] =	sst s28;
	s26 =	sor.u32 s12, s25;
	[tilespmem:s6+$0x0] =	vst v42  }
0x47: {  	[smem:$0x7C1] =	sst s31;
	s31 =	sadd.s32 $0xC600, s24;
	s29 =	sor.u32 s12, s28;
	[tilespmem:s26+$0x0] =	vst v42  }
0x48: {  	[smem:$0x7DC] =	sst s25;
	s25 =	sadd.s32 $0xC680, s24;
	s6 =	sor.u32 s12, s31;
	[tilespmem:s29+$0x0] =	vst v48  }
0x49: {  	[smem:$0x7DE] =	sst s31;
	s28 =	sadd.s32 $0xC700, s24;
	s26 =	sor.u32 s12, s25;
	[tilespmem:s6+$0x0] =	vst v42  }
0x4a: {  	s31 =	sadd.s32 $0xC780, s24;
	s29 =	sor.u32 s12, s28;
	[tilespmem:s26+$0x0] =	vst v42;
	s26 =	sshll.u32 s0, $0xA  }
0x4b: {  	s1 =	sor.u32 s12, s31;
	[tilespmem:s29+$0x0] =	vst v42;
	s6 =	sadd.s32 $0x3380, s26  }
0x4c: {  	[tilespmem:s1+$0x0] =	vst v48;
	s14 =	sor.u32 s12, s6  }
0x4d: {  	v0 =	vld [tilespmem:s14+$0x0];
	_ =	sdelay $0x1  }
0x4e: {  	[dreg:$0x17] =	wrdreg s23  }
0x4f: {  	[smem:$0x7BA] =	sst s28  }
0x50: {  	s28 =	sld [smem:$0x7FD]  }
0x51: {  	s23 =	sshll.u32 s23, $0x7;
	[smem:$0x7B9] =	sst s25;
	v2 =	vadd.f32 $8.388608000e+06, v0  }
0x52: {  	[smem:$0x7E1] =	sst s31;
	s25 =	sand.u32 $0xFFFFFC00, s23  }
0x53: {  	s23 =	sld [smem:$0x7FD];
	s0 =	sadd.s32 s25, s28;
	v2 =	vadd.f32 $-8.388608000e+06, v2  }
0x54: {  	s31 =	sadd.s32 $0x2780, s26;
	[smem:$0x7E3] =	sst s6;
	s29 =	sor.u32 $0x380, s0  }
0x55: {  	[smem:$0x7E6] =	sst s31;
	s1 =	sor.u32 s12, s31;
	v14 =	vld [tilespmem:s29+$0x7800];
	v2 =	vtrunc.f32 v2  }
0x56: {  	s6 =	sadd.s32 $0xF80, s26;
	s31 =	sld [smem:$0x7FD];
	v6 =	vld [tilespmem:s1+$0x0];
	v2 =	vcvt.f32.s32 v2  }
0x57: {  	[smem:$0x7C2] =	sst s25;
	v4 =	vmov s23;
	s28 =	sadd.s32 $0x1B80, s26;
	v3 =	vld [tilespmem:s29+$0x0];
	s25 =	sor.u32 s12, s6  }
0x58: {  	v4 =	vshll.u32 v4, $0x2;
	s29 =	sor.u32 s12, s28;
	v5 =	vld [tilespmem:s25+$0x0];
	v2 =	vmul.u32 $0x600, v2  }
0x59: {  	v19 =	vand.u32 $0x600, v4;
	v7 =	vld [tilespmem:s29+$0x0];
	v8 =	vor.u32 s31, v25  }
0x5a: {  	v23 =	vand.u32 $0x4F, v8;
	vm3 =	vge.f32 v14, $0.0e+00;
	v2 =	vadd.s32 v19, v2  }
0x5b: {  	v24 =	vor.u32 $0x80, v23;
	v47 =	vor.u32 $0x100, v23;
	v37 =	vor.u32 v23, v2  }
0x5c: {  	v31 =	vsub.f32 $1.000000000e+00, v6;
	v3 =	vmul.f32 v6, v3;
	v38 =	vor.u32 v2, v24  }
0x5d: {  	v22 =	vor.u32 $0x180, v23;
	v5 =	vmul.f32 v6, v5;
	v9 =	vor.u32 v2, v47  }
0x5e: {  	v39 =	vmul.f32 v6, v7;
	v21 =	vadd.f32 v31, v3;
	v2 =	vor.u32 v2, v22  }
0x5f: {  	v26 =	vadd.f32 v31, v5  }
0x60: {  	v1 =	vadd.f32 v31, v39;
	[tilespmem:v37+s16+$0x0] =	vst.idx.msk vm3, v21  }
0x61: {  	[tilespmem:v38+s16+$0x0] =	vst.idx.msk vm3, v26  }
0x62: {  	[smem:$0x7BB] =	sst s0;
	s0 =	sadd.s32 $0x3300, s26;
	[tilespmem:v9+s16+$0x0] =	vst.idx.msk vm3, v1  }
0x63: {  	s1 =	sor.u32 s12, s0;
	[tilespmem:v2+s16+$0x0] =	vst.idx.msk vm3, v6  }
0x64: {  	v4 =	vld [tilespmem:s1+$0x0];
	_ =	sdelay $0x4  }
0x65: {  	v40 =	vadd.f32 $8.388608000e+06, v4;
	_ =	sdelay $0x1  }
0x66: {  	v2 =	vadd.f32 $-8.388608000e+06, v40  }
0x67: {  	s14 =	sadd.s32 $0x2700, s26;
	s31 =	sor.u32 s12, s26;
	s1 =	sld [smem:$0x7FD]  }
0x68: {  	[smem:$0x7E9] =	sst s28;
	s23 =	sor.u32 s12, s14;
	v16 =	vld [tilespmem:s31+$0x7B00];
	v2 =	vtrunc.f32 v2  }
0x69: {  	[smem:$0x7ED] =	sst s14;
	s25 =	sadd.s32 $0xF00, s26;
	v15 =	vld [tilespmem:s23+$0x0];
	v2 =	vcvt.f32.s32 v2  }
0x6a: {  	s29 =	sadd.s32 $0x1B00, s26;
	s28 =	sor.u32 s12, s25;
	v41 =	vld [tilespmem:s31+$0x300];
	s14 =	sadd.s32 $0x10, s1  }
0x6b: {  	[smem:$0x7C8] =	sst s0;
	s0 =	sor.u32 s12, s29;
	v43 =	vld [tilespmem:s28+$0x0];
	s28 =	sand.u32 $0x50, s14;
	v2 =	vmul.u32 $0x600, v2  }
0x6c: {  	[smem:$0x7D1] =	sst s25;
	v44 =	vld [tilespmem:s0+$0x0];
	s25 =	sor.u32 s24, s28  }
0x6d: {  	vm1 =	vge.f32 v16, $0.0e+00;
	[tilespmem:s25+$0x9C00] =	vst v42;
	v2 =	vadd.s32 v19, v2  }
0x6e: {  	[smem:$0x7E7] =	sst s6;
	s6 =	sor.u32 s14, s24;
	[tilespmem:s25+$0x9C80] =	vst v42;
	v45 =	vor.u32 v23, v2  }
0x6f: {  	v32 =	vsub.f32 $1.000000000e+00, v15;
	v33 =	vmul.f32 v15, v41;
	s23 =	sor.u32 $0x180, s6;
	[tilespmem:s25+$0x9D00] =	vst v42;
	v46 =	vor.u32 v2, v24  }
0x70: {  	[smem:$0x7EE] =	sst s29;
	v35 =	vmul.f32 v15, v43;
	s29 =	sor.u32 s28, s2;
	[tilespmem:s23+$0x9C00] =	vst v48;
	v49 =	vor.u32 v2, v47  }
0x71: {  	v8 =	vmul.f32 v15, v44;
	v50 =	vadd.f32 v32, v33;
	[tilespmem:s29+$0x0] =	vst v42;
	s29 =	sor.u32 s28, s21;
	v2 =	vor.u32 v2, v22  }
0x72: {  	v10 =	vadd.f32 v32, v35;
	[tilespmem:s29+$0x0] =	vst v42  }
0x73: {  	[smem:$0x7C7] =	sst s15;
	v51 =	vadd.f32 v32, v8;
	[tilespmem:v45+s16+$0x0] =	vst.idx.msk vm1, v50  }
0x74: {  	[smem:$0x7BC] =	sst s18;
	[tilespmem:v46+s16+$0x0] =	vst.idx.msk vm1, v10  }
0x75: {  	[smem:$0x7C6] =	sst s4;
	[tilespmem:v49+s16+$0x0] =	vst.idx.msk vm1, v51  }
0x76: {  	s0 =	sor.u32 s28, s3;
	[dreg:$0x1f] =	wrdreg s25;
	[tilespmem:v2+s16+$0x0] =	vst.idx.msk vm1, v15;
	s16 =	sadd.s32 $0x3280, s26  }
0x77: {  	s1 =	sor.u32 s28, s4;
	[tilespmem:s0+$0x0] =	vst v42;
	[smem:$0x7D7] =	sst s16  }
0x78: {  	[tilespmem:s1+$0x0] =	vst v48;
	s25 =	sor.u32 s12, s16;
	s16 =	smov.u32 s4;
	s4 =	sor.u32 s28, s15  }
0x79: {  	v2 =	vld [tilespmem:s25+$0x0];
	[tilespmem:s4+$0x0] =	vst v42;
	s4 =	sld [smem:$0x7C9]  }
0x7a: {  	[smem:$0x7C5] =	sst s21  }
0x7b: {  	s6 =	smov.u32 s21;
	s21 =	sor.u32 s28, s18;
	s18 =	sld [smem:$0x7CB]  }
0x7c: {  	[smem:$0x7CC] =	sst s5;
	s15 =	sor.u32 s28, s4  }
0x7d: {  	s29 =	sor.u32 s28, s5;
	s5 =	sld [smem:$0x7CD];
	[tilespmem:s15+$0x0] =	vst v42  }
0x7e: {  	[smem:$0x7BD] =	sst s7;
	s25 =	sor.u32 s28, s18;
	v52 =	vadd.f32 $8.388608000e+06, v2;
	[tilespmem:s21+$0x0] =	vst v42  }
0x7f: {  	[smem:$0x7BE] =	sst s8;
	[tilespmem:s25+$0x0] =	vst v48  }
0x80: {  	[smem:$0x7D2] =	sst s10;
	s15 =	sor.u32 s28, s5;
	v3 =	vadd.f32 $-8.388608000e+06, v52;
	[tilespmem:s29+$0x0] =	vst v42  }
0x81: {  	[smem:$0x7D3] =	sst s11;
	s1 =	sadd.s32 $0x2680, s26;
	s25 =	sor.u32 s28, s7;
	[tilespmem:s15+$0x0] =	vst v42  }
0x82: {  	[smem:$0x7E2] =	sst s1;
	v13 =	vld [tilespmem:s31+$0x7A80];
	s7 =	sor.u32 s28, s8;
	v3 =	vtrunc.f32 v3;
	[tilespmem:s25+$0x0] =	vst v42  }
0x83: {  	v5 =	vld [tilespmem:s31+$0x280];
	s21 =	sor.u32 s12, s1;
	s1 =	sadd.s32 $0xE80, s26;
	s25 =	sor.u32 s28, s9;
	v3 =	vcvt.f32.s32 v3;
	[tilespmem:s7+$0x0] =	vst v48  }
0x84: {  	[smem:$0x7D4] =	sst s13;
	v12 =	vld [tilespmem:s21+$0x0];
	s8 =	sor.u32 s12, s1;
	s7 =	sor.u32 s28, s10;
	[tilespmem:s25+$0x0] =	vst v42  }
0x85: {  	[smem:$0x7BF] =	sst s30;
	v9 =	vld [tilespmem:s8+$0x0];
	s8 =	sor.u32 s28, s11;
	v3 =	vmul.u32 $0x600, v3;
	[tilespmem:s7+$0x0] =	vst v42  }
0x86: {  	[smem:$0x7E4] =	sst s1;
	s15 =	sadd.s32 $0x1A80, s26;
	s10 =	sor.u32 s28, s13;
	[tilespmem:s8+$0x0] =	vst v42  }
0x87: {  	vm0 =	vge.f32 v13, $0.0e+00;
	s1 =	sor.u32 s12, s15;
	s7 =	smov.u32 s11;
	s11 =	sor.u32 s28, s30;
	v3 =	vadd.s32 v19, v3;
	[tilespmem:s10+$0x0] =	vst v48  }
0x88: {  	s29 =	sld [smem:$0x7C0];
	v10 =	vld [tilespmem:s1+$0x0];
	s13 =	sor.u32 s28, s17;
	v11 =	vor.u32 v23, v3;
	[tilespmem:s11+$0x0] =	vst v42  }
0x89: {  	[smem:$0x7E5] =	sst s15;
	s15 =	sor.u32 s28, s19;
	v17 =	vsub.f32 $1.000000000e+00, v12;
	v7 =	vmul.f32 v12, v5;
	[tilespmem:s13+$0x0] =	vst v42  }
0x8a: {  	s21 =	sor.u32 s28, s20;
	s1 =	sld [smem:$0x7C1];
	v29 =	vmul.f32 v12, v9;
	v53 =	vor.u32 v3, v24;
	[tilespmem:s15+$0x0] =	vst v42  }
0x8b: {  	[smem:$0x7D8] =	sst s19;
	s30 =	sor.u32 s28, s29;
	v55 =	vadd.f32 v17, v7;
	[tilespmem:s21+$0x0] =	vst v48  }
0x8c: {  	s0 =	simm.s32 $0x9C00;
	v25 =	vadd.f32 v17, v29;
	v54 =	vor.u32 v3, v47;
	s13 =	sld [smem:$0x7DC];
	[tilespmem:s30+$0x0] =	vst v42  }
0x8d: {  	[smem:$0x7D9] =	sst s20;
	s8 =	sor.u32 s28, s1;
	v27 =	vmul.f32 v12, v10;
	v3 =	vor.u32 v3, v22;
	[tilespmem:v11+s0+$0x0] =	vst.idx.msk vm0, v55  }
0x8e: {  	[dreg:$0x1d] =	wrdreg s23;
	[tilespmem:s8+$0x0] =	vst v42  }
0x8f: {  	s10 =	smov.u32 s19;
	s19 =	sld [smem:$0x7DD];
	v56 =	vadd.f32 v17, v27;
	s15 =	sor.u32 s28, s13;
	[tilespmem:v53+s0+$0x0] =	vst.idx.msk vm0, v25  }
0x90: {  	s23 =	sadd.s32 $0x3200, s26;
	s13 =	sld [smem:$0x7DE];
	[tilespmem:s15+$0x0] =	vst v42  }
0x91: {  	s25 =	sor.u32 s12, s23;
	s15 =	sld [smem:$0x7B9];
	[tilespmem:v54+s0+$0x0] =	vst.idx.msk vm0, v56  }
0x92: {  	s11 =	smov.u32 s20;
	s20 =	sor.u32 s28, s19;
	s19 =	sld [smem:$0x7BA];
	[tilespmem:v3+s0+$0x0] =	vst.idx.msk vm0, v12  }
0x93: {  	[tilespmem:s20+$0x0] =	vst v48;
	s21 =	sor.u32 s28, s13;
	v5 =	vld [tilespmem:s25+$0x0]  }
0x94: {  	[tilespmem:s21+$0x0] =	vst v42;
	s25 =	sor.u32 s28, s15  }
0x95: {  	s30 =	sor.u32 s28, s19;
	[tilespmem:s25+$0x0] =	vst v42  }
0x96: {  	s29 =	sadd.s32 $0xE00, s26;
	[tilespmem:s30+$0x0] =	vst v42;
	s30 =	sld [smem:$0x7E1]  }
0x97: {  	s1 =	sor.u32 s12, s29;
	s20 =	sld [smem:$0x7E3]  }
0x98: {  	[smem:$0x7C4] =	sst s23;
	v9 =	vld [tilespmem:s1+$0x0];
	s1 =	sadd.s32 $0x1A00, s26;
	v57 =	vadd.f32 $8.388608000e+06, v5  }
0x99: {  	[smem:$0x7CF] =	sst s1;
	s8 =	sor.u32 s28, s30  }
0x9a: {  	v28 =	vld [tilespmem:s31+$0x7A00];
	s21 =	sor.u32 s28, s20;
	[tilespmem:s8+$0x0] =	vst v48;
	s8 =	sor.u32 s12, s1;
	s1 =	sld [smem:$0x7BB];
	v3 =	vadd.f32 $-8.388608000e+06, v57  }
0x9b: {  	s23 =	sld [smem:$0x7E9];
	v18 =	vld [tilespmem:s21+$0x0]  }
0x9c: {  	[smem:$0x7CE] =	sst s29;
	v10 =	vld [tilespmem:s31+$0x200];
	s25 =	sadd.s32 $0x2600, s26;
	v3 =	vtrunc.f32 v3  }
0x9d: {  	s29 =	sor.u32 s12, s25;
	v11 =	vld [tilespmem:s8+$0x0];
	s8 =	sld [smem:$0x7E6];
	s20 =	sadd.s32 $0x10, s1;
	v3 =	vcvt.f32.s32 v3  }
0x9e: {  	v30 =	vld [tilespmem:s29+$0x0];
	[smem:$0x7DB] =	sst s20  }
0x9f: {  	s21 =	sor.u32 $0x380, s20;
	s20 =	sld [smem:$0x7FD];
	v3 =	vmul.u32 $0x600, v3  }
0xa0: {  	v51 =	vmov s14;
	v25 =	vadd.f32 $8.388608000e+06, v18  }
0xa1: {  	v53 =	vlaneseq.u32;
	[smem:$0x7CA] =	sst s25;
	vm4 =	vge.f32 v28, $0.0e+00;
	s25 =	sor.u32 s28, s8;
	v3 =	vadd.s32 v19, v3  }
0xa2: {  	v54 =	vor.u32 s14, v53;
	v44 =	vld [tilespmem:s25+$0x0];
	s25 =	sor.u32 s28, s23;
	s23 =	sadd.s32 $0x20, s20;
	v36 =	vadd.f32 $-8.388608000e+06, v25;
	v34 =	vor.u32 v23, v3  }
0xa3: {  	s29 =	sld [smem:$0x7E7];
	v37 =	vsub.f32 $1.000000000e+00, v30;
	v41 =	vmul.f32 v30, v10;
	v63 =	vld [tilespmem:s21+$0x7800];
	s14 =	sand.u32 $0x60, s23;
	v58 =	vor.u32 v3, v24  }
0xa4: {  	v49 =	vimm.f32 $1.000000000e+00;
	v38 =	vmul.f32 v30, v9;
	[tilespmem:$0x1FA70] =	vst v18;
	v46 =	vld [tilespmem:s25+$0x0];
	s25 =	sor.u32 s24, s14;
	v36 =	vtrunc.f32 v36  }
0xa5: {  	v20 =	vadd.f32 v37, v41;
	[tilespmem:s25+$0x9C00] =	vst v49;
	v36 =	vcvt.f32.s32 v36  }
0xa6: {  	v48 =	vadd.f32 v37, v38;
	v43 =	vld [tilespmem:s21+$0x0];
	s21 =	sor.u32 s28, s29;
	v39 =	vmul.f32 v30, v11;
	v59 =	vor.u32 v3, v47;
	[tilespmem:s25+$0x9C80] =	vst v49  }
0xa7: {  	v45 =	vld [tilespmem:s21+$0x0];
	v3 =	vor.u32 v3, v22;
	v52 =	vmul.u32 $0x600, v36;
	[tilespmem:v34+s0+$0x0] =	vst.idx.msk vm4, v20;
	v34 =	vshll.u32 v51, $0x2  }
0xa8: {  	v62 =	vand.u32 $0x5F, v54;
	v57 =	vimm.f32 $0.0e+00;
	s21 =	sor.u32 s23, s24;
	[tilespmem:v58+s0+$0x0] =	vst.idx.msk vm4, v48;
	v58 =	vand.u32 $0x600, v34  }
0xa9: {  	v50 =	vadd.f32 v37, v39;
	vm2 =	vge.f32 v63, $0.0e+00;
	[smem:$0x7F9] =	sst s25;
	[tilespmem:s25+$0x9D00] =	vst v49;
	s25 =	sor.u32 $0x180, s21;
	v10 =	vadd.s32 v58, v52  }
0xaa: {  	v40 =	vor.u32 $0x100, v62;
	v25 =	vor.u32 $0x80, v62;
	[tilespmem:s25+$0x9C00] =	vst v57;
	v55 =	vor.u32 v62, v10  }
0xab: {  	s20 =	sadd.s32 $0x3180, s26;
	v20 =	vmul.f32 v44, v43;
	[tilespmem:v59+s0+$0x0] =	vst.idx.msk vm4, v50;
	v59 =	vsub.f32 $1.000000000e+00, v44;
	v36 =	vor.u32 v10, v25  }
0xac: {  	v60 =	vor.u32 $0x180, v62;
	s21 =	sor.u32 s12, s20;
	v45 =	vmul.f32 v44, v45;
	[smem:$0x7FA] =	sst s25;
	s25 =	sor.u32 s14, s2;
	[tilespmem:v3+s0+$0x0] =	vst.idx.msk vm4, v30;
	v43 =	vor.u32 v10, v40  }
0xad: {  	[smem:$0x7C3] =	sst s2;
	v46 =	vmul.f32 v44, v46;
	[tilespmem:s25+$0x0] =	vst v49;
	v10 =	vor.u32 v10, v60;
	v3 =	vld [tilespmem:s21+$0x0];
	v34 =	vadd.f32 v59, v20;
	s21 =	sor.u32 s14, s6  }
0xae: {  	s2 =	sld [smem:$0x7C8];
	v20 =	vadd.f32 v59, v45;
	[tilespmem:s21+$0x0] =	vst v49  }
0xaf: {  	v46 =	vadd.f32 v59, v46;
	[tilespmem:v55+s0+$0x0] =	vst.idx.msk vm2, v34  }
0xb0: {  	s29 =	sld [smem:$0x7C7];
	[tilespmem:v36+s0+$0x0] =	vst.idx.msk vm2, v20  }
0xb1: {  	[smem:$0x7D5] =	sst s20;
	s20 =	sor.u32 s28, s2;
	s2 =	smov.u32 s3;
	[tilespmem:v43+s0+$0x0] =	vst.idx.msk vm2, v46  }
0xb2: {  	s6 =	sor.u32 $0x180, s1;
	[tilespmem:v10+s0+$0x0] =	vst.idx.msk vm2, v44;
	s0 =	sor.u32 s14, s3;
	s3 =	sadd.s32 $0xD80, s26  }
0xb3: {  	s1 =	sor.u32 s14, s29;
	v18 =	vld [tilespmem:s20+$0x0];
	[tilespmem:s0+$0x0] =	vst v49;
	s20 =	sor.u32 s14, s16;
	[smem:$0x7DF] =	sst s3  }
0xb4: {  	s21 =	sadd.s32 $0x2580, s26;
	s25 =	sor.u32 s12, s3;
	s3 =	sld [smem:$0x7BC];
	[tilespmem:s20+$0x0] =	vst v57  }
0xb5: {  	vm5 =	vgt.f32 v14, $0.0e+00;
	vm12 =	vgt.f32 v6, $5.000000000e-01;
	[smem:$0x7DA] =	sst s21;
	s20 =	sor.u32 s12, s21;
	s21 =	sor.u32 s14, s4;
	[tilespmem:s1+$0x0] =	vst v49  }
0xb6: {  	v31 =	vmul.f32 $1.000000000e+02, v31;
	vm3 =	vmand vm12, vm3;
	v50 =	vmul.f32 v14, v6;
	[tilespmem:s21+$0x0] =	vst v49;
	s21 =	sld [smem:$0x7CC]  }
0xb7: {  	v0 =	vnsel vm3, $0x41000000, v0;
	v61 =	vmul.f32 v16, v15;
	v53 =	vadd.f32 $8.388608000e+06, v3;
	s4 =	sor.u32 s14, s3  }
0xb8: {  	vm13 =	vgt.f32 v16, $0.0e+00;
	vm14 =	vgt.f32 v15, $5.000000000e-01;
	v51 =	vadd.f32 v50, v31;
	v14 =	vld [tilespmem:s20+$0x0];
	s20 =	sor.u32 s14, s18;
	s18 =	sld [smem:$0x7BD];
	[tilespmem:s4+$0x0] =	vst v49  }
0xb9: {  	v56 =	vmul.f32 v32, v1;
	v52 =	vmax.f32 v6, $0.0e+00;
	v1 =	vld [tilespmem:s6+$0x7800];
	v6 =	vadd.f32 $-8.388608000e+06, v53;
	s4 =	sld [smem:$0x7BE];
	[tilespmem:s20+$0x0] =	vst v57;
	s0 =	sor.u32 s14, s21  }
0xba: {  	vm1 =	vmand vm14, vm1;
	v54 =	vmul.f32 v32, v21;
	s29 =	sadd.s32 $0x1980, s26;
	v11 =	vnsel vm5, $0x42C80000, v51;
	v43 =	vld [tilespmem:s25+$0x0];
	s25 =	sor.u32 s14, s5;
	[tilespmem:s0+$0x0] =	vst v49  }
0xbb: {  	v21 =	vadd.f32 v56, v8;
	[smem:$0x7E0] =	sst s29;
	v42 =	vmul.f32 v32, v11;
	v36 =	vld [tilespmem:s6+$0x0];
	s6 =	sor.u32 s12, s29;
	v6 =	vtrunc.f32 v6;
	s29 =	sor.u32 s14, s18;
	[tilespmem:s25+$0x0] =	vst v49  }
0xbc: {  	v55 =	vmul.f32 v32, v26;
	v10 =	vadd.f32 v54, v33;
	v6 =	vcvt.f32.s32 v6;
	s5 =	sor.u32 s14, s4;
	[tilespmem:s29+$0x0] =	vst v49  }
0xbd: {  	v31 =	vmax.f32 v15, v52;
	v8 =	vadd.f32 v61, v42;
	v48 =	vadd.f32 $8.388608000e+06, v18;
	[tilespmem:s5+$0x0] =	vst v57;
	s5 =	sld [smem:$0x7D2]  }
0xbe: {  	[smem:$0x7D0] =	sst s9;
	v26 =	vadd.f32 v55, v35;
	v50 =	vld [tilespmem:s6+$0x0];
	v10 =	vmul.f32 v17, v10;
	v6 =	vmul.u32 $0x600, v6  }
0xbf: {  	[tilespmem:$0x1FA60] =	vst v46;
	v46 =	vsel vm1, v4, v0;
	vm15 =	vge.f32 v1, $0.0e+00;
	s6 =	sor.u32 s14, s9;
	s20 =	sld [smem:$0x7ED];
	v55 =	vadd.f32 $-8.388608000e+06, v48  }
0xc0: {  	s9 =	sld [smem:$0x7D1];
	v11 =	vsel vm13, v8, v11;
	v7 =	vadd.f32 v10, v7;
	v56 =	vadd.s32 v19, v6;
	s0 =	sor.u32 s26, s28;
	[tilespmem:s6+$0x0] =	vst v49;
	s6 =	sor.u32 s14, s5  }
0xc1: {  	v8 =	vsub.f32 $1.000000000e+00, v14;
	v6 =	vor.u32 v23, v56;
	v45 =	vld [tilespmem:s0+$0x7B00];
	v0 =	vtrunc.f32 v55;
	[tilespmem:s6+$0x0] =	vst v49;
	s6 =	sld [smem:$0x7EE]  }
0xc2: {  	v15 =	vmul.f32 v14, v36;
	v61 =	vor.u32 v56, v24;
	s1 =	sor.u32 s28, s20;
	v42 =	vld [tilespmem:s0+$0x300];
	v0 =	vcvt.f32.s32 v0  }
0xc3: {  	[tilespmem:$0x1FA50] =	vst v20;
	s21 =	sor.u32 s28, s9;
	v16 =	vmul.f32 v14, v43;
	v10 =	vmul.f32 v14, v50;
	v20 =	vor.u32 v56, v47;
	v53 =	vld [tilespmem:s1+$0x0]  }
0xc4: {  	[tilespmem:$0x1FA40] =	vst v34;
	v48 =	vld [tilespmem:s21+$0x0];
	v4 =	vor.u32 v56, v22;
	v32 =	vadd.f32 v8, v15;
	v0 =	vmul.u32 $0x600, v0;
	s9 =	sor.u32 s28, s6  }
0xc5: {  	s16 =	simm.s32 $0x9C00;
	[tilespmem:$0x1FA80] =	vst v18;
	v54 =	vadd.f32 v8, v16;
	v51 =	vld [tilespmem:s9+$0x0]  }
0xc6: {  	v34 =	vadd.f32 v8, v10;
	[tilespmem:v6+s16+$0x0] =	vst.idx.msk vm15, v32;
	vm5 =	vge.f32 v45, $0.0e+00;
	v36 =	vadd.s32 v58, v0  }
0xc7: {  	s21 =	sor.u32 s14, s7;
	s7 =	sld [smem:$0x7D4];
	[tilespmem:v61+s16+$0x0] =	vst.idx.msk vm15, v54;
	v54 =	vor.u32 v62, v36  }
0xc8: {  	[tilespmem:v20+s16+$0x0] =	vst.idx.msk vm15, v34;
	v18 =	vsub.f32 $1.000000000e+00, v53;
	v35 =	vmul.f32 v53, v42;
	v56 =	vor.u32 v36, v25  }
0xc9: {  	v34 =	vmul.f32 v53, v48;
	[tilespmem:v4+s16+$0x0] =	vst.idx.msk vm15, v14;
	v61 =	vor.u32 v36, v40  }
0xca: {  	s29 =	sadd.s32 $0x3100, s26;
	[tilespmem:s21+$0x0] =	vst v49;
	v50 =	vor.u32 v36, v60;
	v9 =	vadd.f32 v18, v35;
	s9 =	sor.u32 s14, s7;
	v42 =	vmul.f32 v53, v51  }
0xcb: {  	v26 =	vmul.f32 v17, v26;
	s5 =	sld [smem:$0x7D7];
	s21 =	sor.u32 s12, s29;
	v32 =	vadd.f32 v18, v34;
	[tilespmem:s9+$0x0] =	vst v57  }
0xcc: {  	v52 =	vmul.f32 v13, v12;
	v0 =	vmov v25;
	v25 =	vld [tilespmem:s21+$0x0];
	[tilespmem:v54+s16+$0x0] =	vst.idx.msk vm5, v9;
	v43 =	vadd.f32 v18, v42  }
0xcd: {  	v26 =	vadd.f32 v26, v29;
	v55 =	vmul.f32 v17, v11;
	s21 =	sadd.s32 $0xD00, s26;
	s7 =	sld [smem:$0x7BF];
	[tilespmem:v56+s16+$0x0] =	vst.idx.msk vm5, v32  }
0xce: {  	[smem:$0x7D6] =	sst s17;
	v17 =	vmul.f32 v17, v21;
	s9 =	sor.u32 s28, s5;
	s5 =	sor.u32 s12, s21;
	[tilespmem:v61+s16+$0x0] =	vst.idx.msk vm5, v43  }
0xcf: {  	[smem:$0x7E8] =	sst s29;
	v36 =	vadd.f32 v52, v55;
	v54 =	vmul.f32 v37, v26;
	v26 =	vld [tilespmem:s5+$0x0];
	[tilespmem:v50+s16+$0x0] =	vst.idx.msk vm5, v53  }
0xd0: {  	vm6 =	vgt.f32 v13, $0.0e+00;
	v17 =	vadd.f32 v17, v27;
	s5 =	sld [smem:$0x7DD];
	s1 =	sor.u32 s14, s7;
	v56 =	vld [tilespmem:s9+$0x0];
	s9 =	sadd.s32 $0x2500, s26  }
0xd1: {  	s17 =	sor.u32 s14, s17;
	v7 =	vmul.f32 v37, v7;
	s29 =	sor.u32 s14, s10;
	v13 =	vsel vm6, v36, v11;
	v36 =	vadd.f32 $8.388608000e+06, v25;
	[tilespmem:s1+$0x0] =	vst v49;
	[smem:$0x7EC] =	sst s9  }
0xd2: {  	vm7 =	vgt.f32 v12, $5.000000000e-01;
	v55 =	vmul.f32 v37, v17;
	s10 =	sor.u32 s14, s11;
	[tilespmem:s17+$0x0] =	vst v49;
	s11 =	sor.u32 s12, s9;
	s9 =	sld [smem:$0x7C0]  }
0xd3: {  	v27 =	vmax.f32 v12, v31;
	[tilespmem:s29+$0x0] =	vst v49;
	v61 =	vadd.f32 v7, v41;
	v41 =	vadd.f32 $-8.388608000e+06, v36;
	v7 =	vld [tilespmem:s11+$0x0];
	s11 =	sld [smem:$0x7C1]  }
0xd4: {  	v12 =	vadd.f32 v55, v39;
	v39 =	vmul.f32 v28, v30;
	v29 =	vmul.f32 v37, v13;
	[tilespmem:s10+$0x0] =	vst v57;
	s10 =	sld [smem:$0x7DC]  }
0xd5: {  	vm0 =	vmand vm7, vm0;
	vm8 =	vgt.f32 v28, $0.0e+00;
	v11 =	vld [tilespmem:s31+$0x7900];
	v43 =	vtrunc.f32 v41  }
0xd6: {  	v33 =	vmax.f32 v30, v27;
	[smem:$0x7EA] =	sst s21;
	v27 =	vadd.f32 v39, v29;
	v28 =	vcvt.f32.s32 v43;
	s17 =	sor.u32 s14, s9;
	s21 =	sor.u32 s14, s11  }
0xd7: {  	v2 =	vsel vm0, v2, v46;
	v46 =	vld [tilespmem:s31+$0x100];
	v38 =	vadd.f32 v54, v38;
	[tilespmem:s17+$0x0] =	vst v49;
	s17 =	sor.u32 s14, s10;
	v54 =	vadd.f32 $8.388608000e+06, v56;
	s10 =	sor.u32 s14, s5;
	s5 =	sld [smem:$0x7E2]  }
0xd8: {  	s29 =	sadd.s32 $0x1900, s26;
	v41 =	vmul.u32 $0x600, v28;
	[tilespmem:s21+$0x0] =	vst v49  }
0xd9: {  	v13 =	vsel vm8, v27, v13;
	v17 =	vmul.f32 v8, v61;
	v61 =	vld [tilespmem:s0+$0x280];
	s21 =	sor.u32 s12, s29;
	[tilespmem:s17+$0x0] =	vst v49;
	s17 =	sld [smem:$0x7E4];
	v27 =	vadd.f32 $-8.388608000e+06, v54  }
0xda: {  	vm10 =	vge.f32 v11, $0.0e+00;
	v39 =	vmul.f32 v8, v38;
	v43 =	vadd.s32 v19, v41;
	v55 =	vld [tilespmem:s21+$0x0];
	[tilespmem:s10+$0x0] =	vst v57;
	s10 =	sor.u32 s28, s5  }
0xdb: {  	s1 =	sor.u32 s14, s13;
	[tilespmem:$0x1FAC0] =	vst v56;
	v37 =	vsub.f32 $1.000000000e+00, v7;
	v32 =	vld [tilespmem:s10+$0x0];
	v56 =	vtrunc.f32 v27;
	v27 =	vor.u32 v23, v43  }
0xdc: {  	s13 =	sor.u32 s14, s15;
	[smem:$0x7EB] =	sst s29;
	v28 =	vmul.f32 v7, v46;
	v38 =	vmul.f32 v7, v26;
	v26 =	vor.u32 v43, v24;
	[tilespmem:s1+$0x0] =	vst v49;
	s21 =	sor.u32 s28, s17  }
0xdd: {  	s29 =	sor.u32 s14, s30;
	s30 =	sld [smem:$0x7E3];
	[tilespmem:s13+$0x0] =	vst v49;
	v21 =	vld [tilespmem:s21+$0x0];
	s21 =	sor.u32 s14, s19  }
0xde: {  	v54 =	vor.u32 v43, v47;
	s10 =	sld [smem:$0x7E5];
	v36 =	vadd.f32 v37, v28;
	[tilespmem:s21+$0x0] =	vst v49  }
0xdf: {  	v41 =	vadd.f32 v37, v38;
	v43 =	vor.u32 v43, v22;
	v31 =	vmul.f32 v7, v55;
	[tilespmem:s29+$0x0] =	vst v57  }
0xe0: {  	v51 =	vld [tilespmem:s0+$0x7A80];
	s5 =	sor.u32 s14, s30;
	[tilespmem:v27+s16+$0x0] =	vst.idx.msk vm10, v36;
	v48 =	vmul.f32 v32, v61  }
0xe1: {  	v15 =	vadd.f32 v17, v15;
	s1 =	sld [smem:$0x7FD];
	v17 =	vcvt.f32.s32 v56;
	s13 =	sor.u32 s28, s10;
	v9 =	vld [tilespmem:s5+$0x0];
	v52 =	vadd.f32 v37, v31;
	[tilespmem:v26+s16+$0x0] =	vst.idx.msk vm10, v41  }
0xe2: {  	vm9 =	vgt.f32 v30, $5.000000000e-01;
	v30 =	vadd.f32 v39, v16;
	v39 =	vld [tilespmem:s13+$0x0];
	s13 =	sld [smem:$0x7C2];
	[tilespmem:$0x1FA90] =	vst v48  }
0xe3: {  	v17 =	vmul.u32 $0x600, v17;
	s29 =	sor.u32 s14, s8;
	v41 =	vlaneseq.u32;
	v56 =	vmul.f32 v32, v21;
	[tilespmem:v54+s16+$0x0] =	vst.idx.msk vm10, v52  }
0xe4: {  	s17 =	smov.u32 s15;
	v52 =	vor.u32 s23, v41;
	v41 =	vld [tilespmem:s29+$0x0];
	s29 =	sadd.s32 $0x30, s1;
	[tilespmem:v43+s16+$0x0] =	vst.idx.msk vm10, v7  }
0xe5: {  	v50 =	vmov s23;
	vm6 =	vge.f32 v51, $0.0e+00;
	s15 =	smov.u32 s19;
	v17 =	vadd.s32 v58, v17;
	s19 =	sadd.s32 s13, s23;
	s23 =	sand.u32 $0x70, s29;
	[tilespmem:$0x1FAA0] =	vst v56  }
0xe6: {  	v27 =	vor.u32 v62, v17;
	s10 =	sor.u32 s24, s23;
	[tilespmem:$0x1FC10] =	vst v9  }
0xe7: {  	v16 =	vsub.f32 $1.000000000e+00, v32;
	[tilespmem:s10+$0x9C00] =	vst v49  }
0xe8: {  	v21 =	vor.u32 v17, v0;
	s21 =	sor.u32 $0x380, s19;
	v4 =	vmul.f32 v32, v39;
	[tilespmem:s10+$0x9C80] =	vst v49  }
0xe9: {  	[smem:$0x7F3] =	sst s19;
	v39 =	vadd.f32 v16, v48;
	v55 =	vld [tilespmem:s21+$0x7800];
	[tilespmem:s10+$0x9D00] =	vst v49  }
0xea: {  	s19 =	sld [smem:$0x7E9];
	v48 =	vor.u32 v17, v40;
	s24 =	sor.u32 s29, s24;
	[tilespmem:$0x1FAB0] =	vst v4  }
0xeb: {  	vm3 =	vmand vm9, vm4;
	v43 =	vadd.f32 v16, v56;
	v54 =	vld [tilespmem:s21+$0x0];
	v9 =	vadd.f32 $8.388608000e+06, v9;
	s24 =	sor.u32 $0x180, s24;
	[tilespmem:v27+s16+$0x0] =	vst.idx.msk vm6, v39  }
0xec: {  	v5 =	vsel vm3, v5, v2;
	v2 =	vmul.f32 v1, v14;
	s25 =	sadd.s32 $0x3080, s26;
	s5 =	sld [smem:$0x7E7];
	v17 =	vor.u32 v17, v60;
	[tilespmem:s24+$0x9C00] =	vst v57  }
0xed: {  	vm12 =	vgt.f32 v14, $5.000000000e-01;
	s30 =	sor.u32 s12, s25;
	v56 =	vadd.f32 v16, v4;
	s21 =	sor.u32 s14, s19;
	s19 =	sld [smem:$0x7C4];
	v29 =	vadd.f32 $-8.388608000e+06, v9;
	[tilespmem:v21+s16+$0x0] =	vst.idx.msk vm6, v43  }
0xee: {  	vm1 =	vmand vm12, vm15;
	v46 =	vmul.f32 v8, v13;
	v9 =	vld [tilespmem:s30+$0x0];
	v4 =	vsub.f32 $1.000000000e+00, v41;
	s30 =	sld [smem:$0x7C3];
	[tilespmem:$0x1FB40] =	vst v55  }
0xef: {  	v8 =	vmul.f32 v8, v12;
	v27 =	vand.u32 $0x6F, v52;
	v52 =	vmovc v41;
	v36 =	vtrunc.f32 v29;
	[tilespmem:v48+s16+$0x0] =	vst.idx.msk vm6, v56  }
0xf0: {  	s8 =	sor.u32 s14, s5;
	v29 =	vsel vm1, v3, v5;
	v5 =	vld [tilespmem:s21+$0x0];
	vm1 =	vge.f32 v55, $0.0e+00;
	v55 =	vmul.f32 v52, v54;
	[tilespmem:$0x1FB30] =	vst v4  }
0xf1: {  	v46 =	vadd.f32 v2, v46;
	s5 =	sor.u32 s28, s19;
	v43 =	vcvt.f32.s32 v36;
	[tilespmem:v17+s16+$0x0] =	vst.idx.msk vm6, v32;
	v17 =	vld [tilespmem:s8+$0x0];
	s1 =	sor.u32 s23, s30;
	s8 =	sld [smem:$0x7C5]  }
0xf2: {  	vm11 =	vgt.f32 v1, $0.0e+00;
	v8 =	vadd.f32 v8, v10;
	v56 =	vmovc v52;
	v10 =	vld [tilespmem:s5+$0x0];
	[tilespmem:s1+$0x0] =	vst v49;
	v2 =	vadd.f32 v4, v55  }
0xf3: {  	v13 =	vsel vm11, v46, v13;
	v48 =	vshll.u32 v50, $0x2;
	[tilespmem:$0x1FB50] =	vst v56;
	v46 =	vmul.u32 $0x600, v43  }
0xf4: {  	v21 =	vmax.f32 v14, v33;
	s21 =	sor.u32 s23, s2;
	s2 =	sld [smem:$0x7C6];
	v12 =	vand.u32 $0x600, v48;
	[tilespmem:$0x1FB90] =	vst v2;
	s1 =	sor.u32 s23, s8  }
0xf5: {  	v50 =	vmul.f32 v37, v15;
	v15 =	vadd.s32 v12, v46;
	[tilespmem:s1+$0x0] =	vst v49;
	v5 =	vmul.f32 v56, v5  }
0xf6: {  	v20 =	vor.u32 $0x80, v27;
	v33 =	vor.u32 v27, v15;
	v17 =	vmul.f32 v52, v17;
	[tilespmem:s21+$0x0] =	vst v49  }
0xf7: {  	[smem:$0x7EF] =	sst s25;
	s25 =	sadd.s32 $0x2480, s26;
	v14 =	vmov v56;
	s1 =	sor.u32 s23, s2;
	v48 =	vor.u32 v15, v20;
	[tilespmem:$0x1FAE0] =	vst v10;
	v56 =	vadd.f32 v4, v5  }
0xf8: {  	[smem:$0x7F0] =	sst s25;
	[tilespmem:s1+$0x0] =	vst v57;
	v43 =	vadd.f32 v4, v17  }
0xf9: {  	v30 =	vmul.f32 v37, v30;
	[smem:$0x7FB] =	sst s10;
	s30 =	sor.u32 s12, s25;
	[tilespmem:$0x1FBE0] =	vst v56  }
0xfa: {  	s10 =	sadd.s32 $0xC80, s26;
	[smem:$0x7FC] =	sst s24;
	v6 =	vor.u32 $0x100, v27;
	v54 =	vmul.f32 v37, v8;
	v39 =	vadd.f32 v50, v28;
	v3 =	vld [tilespmem:s30+$0x0];
	[tilespmem:$0x1FBB0] =	vst v43  }
0xfb: {  	[smem:$0x7F1] =	sst s10;
	s24 =	sor.u32 s12, s10;
	v36 =	vor.u32 $0x180, v27;
	v55 =	vmul.f32 v37, v13;
	v37 =	vld [tilespmem:s31+$0x80];
	s5 =	sadd.s32 $0x1880, s26;
	v50 =	vor.u32 v15, v6;
	[tilespmem:v33+s16+$0x0] =	vst.idx.msk vm1, v2  }
0xfc: {  	[smem:$0x7F2] =	sst s5;
	v46 =	vadd.f32 $8.388608000e+06, v9;
	v52 =	vld [tilespmem:s24+$0x0];
	v15 =	vor.u32 v15, v36;
	[tilespmem:v48+s16+$0x0] =	vst.idx.msk vm1, v43  }
0xfd: {  	s8 =	sld [smem:$0x7C7]  }
0xfe: {  	v46 =	vadd.f32 $-8.388608000e+06, v46;
	s25 =	sld [smem:$0x7C8]  }
0xff: {  	v17 =	vmul.f32 v11, v7;
	s21 =	sld [smem:$0x7C9]  }
0x100: {  	s24 =	sor.u32 s23, s3;
	s1 =	sor.u32 s12, s5;
	v2 =	vtrunc.f32 v46;
	[tilespmem:v50+s16+$0x0] =	vst.idx.msk vm1, v56;
	v8 =	vld [tilespmem:s31+$0x7880];
	s3 =	sld [smem:$0x7CA]  }
0x101: {  	v17 =	vadd.f32 v17, v55;
	v43 =	vld [tilespmem:s1+$0x0];
	v55 =	vcvt.f32.s32 v2;
	[tilespmem:v15+s16+$0x0] =	vst.idx.msk vm1, v14;
	s5 =	sld [smem:$0x7CB];
	s1 =	sor.u32 s23, s8;
	s10 =	sor.u32 s14, s25  }
0x102: {  	v61 =	vmov v0;
	s8 =	sld [smem:$0x7CC];
	v0 =	vld [tilespmem:s10+$0x0];
	[tilespmem:s1+$0x0] =	vst v49;
	s1 =	sor.u32 s23, s21  }
0x103: {  	v2 =	vmul.u32 $0x600, v55;
	[tilespmem:s1+$0x0] =	vst v49  }
0x104: {  	vm13 =	vgt.f32 v11, $0.0e+00;
	vm14 =	vgt.f32 v7, $5.000000000e-01;
	v4 =	vadd.f32 $8.388608000e+06, v10;
	v14 =	vld [tilespmem:s0+$0x200];
	s30 =	sor.u32 s28, s3;
	s10 =	sld [smem:$0x7CD];
	s1 =	sor.u32 s23, s5;
	[tilespmem:s24+$0x0] =	vst v49  }
0x105: {  	v10 =	vmax.f32 v7, v21;
	v33 =	vld [tilespmem:s30+$0x0];
	v7 =	vadd.s32 v19, v2;
	vm15 =	vge.f32 v8, $0.0e+00;
	[tilespmem:s1+$0x0] =	vst v57;
	s1 =	sor.u32 s23, s8  }
0x106: {  	v48 =	vadd.f32 v54, v31;
	v56 =	vadd.f32 $-8.388608000e+06, v4;
	v31 =	vor.u32 v23, v7;
	[tilespmem:s1+$0x0] =	vst v49  }
0x107: {  	v50 =	vsub.f32 $1.000000000e+00, v3;
	v21 =	vsel vm13, v17, v13;
	v13 =	vmul.f32 v3, v37;
	s1 =	sor.u32 s23, s10;
	[tilespmem:$0x1FC20] =	vst v0  }
0x108: {  	s18 =	sor.u32 s23, s18;
	v37 =	vld [tilespmem:s0+$0x7A00];
	v11 =	vtrunc.f32 v56;
	v46 =	vor.u32 v7, v24;
	[tilespmem:s1+$0x0] =	vst v49  }
0x109: {  	v41 =	vmovc v36;
	v15 =	vmul.f32 v3, v52;
	v11 =	vcvt.f32.s32 v11;
	v36 =	vadd.f32 v50, v13;
	s21 =	sor.u32 s23, s4;
	s30 =	sld [smem:$0x7CE];
	[tilespmem:s18+$0x0] =	vst v49  }
0x10a: {  	v54 =	vor.u32 v7, v47;
	s8 =	sld [smem:$0x7D0];
	v5 =	vmul.f32 v33, v14;
	[tilespmem:s21+$0x0] =	vst v57  }
0x10b: {  	v11 =	vmul.u32 $0x600, v11;
	v17 =	vmul.f32 v3, v43;
	v43 =	vadd.f32 v50, v15;
	s10 =	sor.u32 s26, s14;
	[tilespmem:v31+s16+$0x0] =	vst.idx.msk vm15, v36  }
0x10c: {  	v30 =	vadd.f32 v30, v38;
	s4 =	sor.u32 s14, s20;
	s20 =	sld [smem:$0x7D2];
	v7 =	vor.u32 v7, v22;
	v14 =	vld [tilespmem:s10+$0x7B00];
	[tilespmem:$0x1FAD0] =	vst v5  }
0x10d: {  	vm9 =	vge.f32 v37, $0.0e+00;
	v11 =	vadd.s32 v58, v11;
	s24 =	sor.u32 s28, s30;
	v38 =	vadd.f32 v50, v17;
	s1 =	sor.u32 s23, s8;
	[tilespmem:v46+s16+$0x0] =	vst.idx.msk vm15, v43  }
0x10e: {  	s5 =	sld [smem:$0x7CF];
	v2 =	vor.u32 v62, v11;
	v56 =	vld [tilespmem:s24+$0x0];
	[tilespmem:s1+$0x0] =	vst v49  }
0x10f: {  	vm3 =	vmand vm14, vm10;
	s24 =	sld [smem:$0x7D1];
	v31 =	vsub.f32 $1.000000000e+00, v33;
	s1 =	sor.u32 s23, s20;
	[tilespmem:v54+s16+$0x0] =	vst.idx.msk vm15, v38  }
0x110: {  	v4 =	vsel vm3, v25, v29;
	v25 =	vmul.f32 v50, v39;
	s21 =	sadd.s32 $0x2400, s26;
	v43 =	vld [tilespmem:s4+$0x0];
	s4 =	sor.u32 s14, s6;
	s6 =	sld [smem:$0x7D3];
	[tilespmem:s1+$0x0] =	vst v49  }
0x111: {  	v46 =	vmul.f32 v50, v30;
	[smem:$0x7F4] =	sst s21;
	v52 =	vadd.f32 v31, v5;
	[tilespmem:$0x1FBF0] =	vst v14  }
0x112: {  	vm11 =	vgt.f32 v3, $5.000000000e-01;
	v25 =	vadd.f32 v25, v13;
	s2 =	sor.u32 s28, s5;
	v39 =	vld [tilespmem:s10+$0x300];
	s8 =	sor.u32 s12, s21;
	s21 =	sld [smem:$0x7D4];
	v38 =	vor.u32 v11, v61;
	[tilespmem:v7+s16+$0x0] =	vst.idx.msk vm15, v3  }
0x113: {  	v28 =	vadd.f32 $8.388608000e+06, v0;
	v55 =	vld [tilespmem:s2+$0x0];
	s18 =	sor.u32 s14, s24;
	v5 =	vadd.f32 v46, v15;
	v15 =	vmul.f32 v33, v56;
	[tilespmem:v2+s16+$0x0] =	vst.idx.msk vm9, v52;
	s1 =	sor.u32 s23, s6  }
0x114: {  	v29 =	vld [tilespmem:s18+$0x0];
	v54 =	vmul.f32 v50, v48;
	v52 =	vmul.f32 v8, v3;
	v3 =	vmax.f32 v3, v10;
	[tilespmem:s1+$0x0] =	vst v49  }
0x115: {  	v13 =	vmov v60;
	v0 =	vadd.f32 $-8.388608000e+06, v28;
	v46 =	vadd.f32 v31, v15;
	s1 =	sor.u32 s23, s21;
	[tilespmem:$0x1FE20] =	vst v3  }
0x116: {  	v7 =	vmul.f32 v50, v21;
	v48 =	vadd.f32 v54, v17;
	v54 =	vor.u32 v11, v40;
	[tilespmem:s1+$0x0] =	vst v57  }
0x117: {  	s2 =	sor.u32 s23, s7;
	v0 =	vtrunc.f32 v0;
	v11 =	vor.u32 v11, v60;
	v60 =	vmul.f32 v43, v39;
	[tilespmem:v38+s16+$0x0] =	vst.idx.msk vm9, v46  }
0x118: {  	v30 =	vld [tilespmem:s4+$0x0];
	v0 =	vcvt.f32.s32 v0;
	v17 =	vmul.f32 v33, v55;
	v36 =	vsub.f32 $1.000000000e+00, v43;
	[tilespmem:s2+$0x0] =	vst v49  }
0x119: {  	s21 =	sld [smem:$0x7D6];
	v7 =	vadd.f32 v52, v7;
	v52 =	vmul.f32 v43, v29;
	[tilespmem:$0x1FBC0] =	vst v60  }
0x11a: {  	v0 =	vmul.u32 $0x600, v0;
	v46 =	vadd.f32 v31, v17;
	[tilespmem:$0x1FBA0] =	vst v36  }
0x11b: {  	[tilespmem:$0x1FBD0] =	vst v52  }
0x11c: {  	s4 =	sadd.s32 $0xC00, s26;
	vm4 =	vge.f32 v14, $0.0e+00;
	v14 =	vmov v12;
	v0 =	vadd.s32 v12, v0;
	v12 =	vld [tilespmem:s8+$0x0];
	s2 =	sld [smem:$0x7D8];
	s1 =	sor.u32 s23, s21;
	[tilespmem:v54+s16+$0x0] =	vst.idx.msk vm9, v46  }
0x11d: {  	s18 =	sadd.s32 $0x3000, s26;
	[smem:$0x7F5] =	sst s4;
	v46 =	vmul.f32 v43, v30;
	[tilespmem:s1+$0x0] =	vst v49  }
0x11e: {  	s20 =	sor.u32 s12, s18;
	s7 =	sor.u32 s12, s4;
	s4 =	sld [smem:$0x7D9];
	v1 =	vor.u32 v27, v0;
	[tilespmem:v11+s16+$0x0] =	vst.idx.msk vm9, v33  }
0x11f: {  	v2 =	vld [tilespmem:s20+$0x0];
	s8 =	sld [smem:$0x7D5];
	s1 =	sor.u32 s23, s2;
	[tilespmem:$0x1FC00] =	vst v46  }
0x120: {  	v38 =	vld [tilespmem:s31+$0x7800];
	v56 =	vor.u32 v0, v20;
	[tilespmem:s1+$0x0] =	vst v49  }
0x121: {  	v39 =	vld [tilespmem:s7+$0x0];
	v55 =	vadd.f32 v36, v60;
	s1 =	sor.u32 s23, s4;
	[tilespmem:$0x1FE30] =	vst v12  }
0x122: {  	vm10 =	vgt.f32 v8, $0.0e+00;
	v60 =	vor.u32 v0, v6;
	s6 =	sor.u32 s28, s8;
	[tilespmem:s1+$0x0] =	vst v57  }
0x123: {  	vm0 =	vmand vm11, vm15;
	v0 =	vor.u32 v0, v41;
	v50 =	vadd.f32 v36, v52;
	v28 =	vld [tilespmem:s6+$0x0];
	s6 =	sor.u32 s23, s9;
	[tilespmem:v1+s16+$0x0] =	vst.idx.msk vm4, v55  }
0x124: {  	v52 =	vadd.f32 $8.388608000e+06, v2;
	v54 =	vadd.f32 v36, v46;
	v46 =	vsel vm0, v9, v4;
	[tilespmem:s6+$0x0] =	vst v49  }
0x125: {  	s7 =	sor.u32 s23, s11;
	vm0 =	vge.f32 v38, $0.0e+00;
	vm7 =	vgt.f32 v38, $0.0e+00;
	v1 =	vsel vm10, v7, v21;
	[tilespmem:v56+s16+$0x0] =	vst.idx.msk vm4, v50  }
0x126: {  	[smem:$0x7F6] =	sst s18;
	s18 =	sadd.s32 $0x1800, s26;
	v7 =	vsub.f32 $1.000000000e+00, v12;
	v55 =	vmul.f32 v38, v12;
	v38 =	vmul.f32 v12, v39;
	[tilespmem:s7+$0x0] =	vst v49  }
0x127: {  	s20 =	sor.u32 s12, s18;
	s21 =	sld [smem:$0x7D7];
	vm12 =	vgt.f32 v12, $5.000000000e-01;
	v21 =	vld [tilespmem:s31+$0x0];
	[tilespmem:v60+s16+$0x0] =	vst.idx.msk vm4, v54  }
0x128: {  	v50 =	vadd.f32 $-8.388608000e+06, v52;
	v52 =	vld [tilespmem:s20+$0x0];
	s20 =	sld [smem:$0x7DC];
	v56 =	vmul.f32 v7, v1;
	v4 =	vadd.f32 v7, v38;
	[tilespmem:$0x1FB10] =	vst v28  }
0x129: {  	[smem:$0x7F7] =	sst s18;
	vm3 =	vmand vm12, vm0;
	v5 =	vmul.f32 v7, v5;
	[tilespmem:v0+s16+$0x0] =	vst.idx.msk vm4, v43  }
0x12a: {  	s18 =	sld [smem:$0x7DB];
	s31 =	sor.u32 s14, s21;
	v8 =	vadd.f32 v55, v56;
	v56 =	vsel vm3, v2, v46;
	[tilespmem:$0x1FE40] =	vst v4  }
0x12b: {  	v54 =	vld [tilespmem:s31+$0x0];
	s2 =	sor.u32 s23, s20;
	s31 =	sld [smem:$0x7DD];
	v5 =	vadd.f32 v5, v38;
	[tilespmem:$0x1FED0] =	vst v56  }
0x12c: {  	[tilespmem:s2+$0x0] =	vst v49  }
0x12d: {  	v60 =	vmul.f32 v12, v21;
	v21 =	vmul.f32 v7, v25;
	v1 =	vsel vm7, v8, v1;
	[tilespmem:$0x1FF10] =	vst v5  }
0x12e: {  	s1 =	sor.u32 $0x180, s18;
	[tilespmem:$0x1FF90] =	vst v1;
	s2 =	sor.u32 s23, s31  }
0x12f: {  	s11 =	sld [smem:$0x7DA];
	v55 =	vtrunc.f32 v50;
	v39 =	vmul.f32 v12, v52;
	v52 =	vld [tilespmem:s1+$0x7800];
	v2 =	vadd.f32 v21, v60;
	[tilespmem:s2+$0x0] =	vst v57  }
0x130: {  	v36 =	vadd.f32 $8.388608000e+06, v28;
	v0 =	vcvt.f32.s32 v55;
	v1 =	vadd.f32 v7, v60;
	[tilespmem:$0x1FC70] =	vst v54  }
0x131: {  	v46 =	vmul.f32 v7, v48;
	v9 =	vadd.f32 v7, v39;
	[tilespmem:$0x1FF00] =	vst v2  }
0x132: {  	s9 =	sor.u32 s28, s11;
	v3 =	vadd.f32 $-8.388608000e+06, v36;
	v0 =	vmul.u32 $0x600, v0;
	[tilespmem:$0x1FE00] =	vst v1  }
0x133: {  	v30 =	vld [tilespmem:s9+$0x0];
	s7 =	sld [smem:$0x7E0];
	v50 =	vadd.f32 $8.388608000e+06, v54;
	v54 =	vadd.f32 v46, v39;
	[tilespmem:$0x1FE60] =	vst v9  }
0x134: {  	s9 =	sld [smem:$0x7DF];
	v0 =	vadd.s32 v19, v0;
	[tilespmem:$0x1FAF0] =	vst v52  }
0x135: {  	s18 =	sor.u32 s23, s15;
	v3 =	vtrunc.f32 v3;
	s2 =	sld [smem:$0x7DE];
	v12 =	vor.u32 v23, v0;
	[tilespmem:$0x1FF20] =	vst v54  }
0x136: {  	s15 =	sld [smem:$0x7E2];
	s6 =	sor.u32 s23, s17;
	v48 =	vld [tilespmem:s1+$0x0];
	s17 =	sor.u32 s28, s7;
	v56 =	vcvt.f32.s32 v3;
	v19 =	vor.u32 v0, v24;
	[tilespmem:$0x1FE10] =	vst v12  }
0x137: {  	s4 =	sor.u32 s28, s9;
	s20 =	sld [smem:$0x7E1];
	v60 =	vld [tilespmem:s17+$0x0];
	v38 =	vor.u32 v0, v47;
	[tilespmem:$0x1FE50] =	vst v19  }
0x138: {  	v29 =	vsub.f32 $1.000000000e+00, v30;
	v55 =	vld [tilespmem:s4+$0x0];
	v1 =	vmul.u32 $0x600, v56;
	s1 =	sor.u32 s23, s2;
	v2 =	vadd.f32 $-8.388608000e+06, v50;
	[tilespmem:$0x1FE70] =	vst v38  }
0x139: {  	v4 =	vmul.f32 $1.000000000e+02, v59;
	v25 =	vmov s29;
	v0 =	vor.u32 v0, v22;
	s2 =	sld [smem:$0x7E3];
	[tilespmem:s1+$0x0] =	vst v49  }
0x13a: {  	s31 =	sor.u32 s14, s15;
	v23 =	vld [tilespmem:s10+$0x7A80];
	vm11 =	vge.f32 v52, $0.0e+00;
	s1 =	sor.u32 s23, s20;
	v1 =	vadd.s32 v58, v1;
	s20 =	sld [smem:$0x7E5];
	[tilespmem:s6+$0x0] =	vst v49;
	v21 =	vtrunc.f32 v2  }
0x13b: {  	v36 =	vld [tilespmem:s31+$0x0];
	s31 =	sld [smem:$0x7E4];
	v12 =	vmul.f32 v30, v48;
	v47 =	vor.u32 v62, v1;
	[tilespmem:s18+$0x0] =	vst v49;
	v39 =	vcvt.f32.s32 v21  }
0x13c: {  	v56 =	vld [tilespmem:s10+$0x280];
	v48 =	vmul.f32 v63, v44;
	v38 =	vmul.f32 v30, v60;
	[tilespmem:s1+$0x0] =	vst v57;
	s1 =	sor.u32 s23, s2;
	v57 =	vor.u32 v1, v61  }
0x13d: {  	v28 =	vmul.f32 v30, v55;
	[tilespmem:$0x1FE80] =	vst v0;
	v54 =	vlaneseq.u32;
	s18 =	sld [smem:$0x7E6];
	s6 =	sor.u32 s14, s20;
	v46 =	vld [tilespmem:s1+$0x0];
	v0 =	vmul.u32 $0x600, v39  }
0x13e: {  	s17 =	sadd.s32 s13, s29;
	s4 =	sor.u32 s14, s31;
	v60 =	vadd.f32 v29, v12;
	v52 =	vor.u32 v1, v40;
	v4 =	vadd.f32 v48, v4;
	[tilespmem:$0x1FB00] =	vst v38;
	v24 =	vld [tilespmem:s6+$0x0]  }
0x13f: {  	v22 =	vmovc v14;
	v5 =	vld [tilespmem:s4+$0x0];
	[tilespmem:$0x1FC30] =	vst v23;
	s2 =	sld [smem:$0x7E7];
	v39 =	vor.u32 s29, v54;
	s29 =	sor.u32 $0x380, s17;
	v0 =	vadd.s32 v14, v0;
	v14 =	vadd.f32 v29, v28  }
0x140: {  	vm8 =	vgt.f32 v63, $0.0e+00;
	v59 =	vadd.f32 v29, v38;
	v1 =	vor.u32 v1, v13;
	s1 =	sor.u32 s23, s18;
	v2 =	vld [tilespmem:s29+$0x7800];
	[tilespmem:v47+s16+$0x0] =	vst.idx.msk vm11, v60  }
0x141: {  	vm7 =	vge.f32 v23, $0.0e+00;
	v56 =	vmul.f32 v36, v56;
	v4 =	vnsel vm8, $0x42C80000, v4;
	v8 =	vld [tilespmem:s1+$0x0];
	[tilespmem:v57+s16+$0x0] =	vst.idx.msk vm11, v14  }
0x142: {  	v54 =	vmul.f32 v45, v53;
	s18 =	sld [smem:$0x7E8];
	v47 =	vld [tilespmem:s29+$0x0];
	s1 =	sor.u32 s23, s2;
	v23 =	vor.u32 v27, v0;
	[tilespmem:$0x1FDB0] =	vst v46;
	v55 =	vadd.f32 $8.388608000e+06, v46  }
0x143: {  	s6 =	sld [smem:$0x7E9];
	v9 =	vor.u32 v0, v20;
	v46 =	vsub.f32 $1.000000000e+00, v36;
	[tilespmem:v52+s16+$0x0] =	vst.idx.msk vm11, v59;
	v52 =	vmul.f32 v36, v24;
	v24 =	vld [tilespmem:s1+$0x0]  }
0x144: {  	v38 =	vmovc v20;
	[tilespmem:$0x1FC40] =	vst v56;
	v60 =	vmul.f32 v36, v5;
	v49 =	vor.u32 v0, v6;
	v57 =	vadd.f32 $-8.388608000e+06, v55;
	v55 =	vld [tilespmem:$0x1FA40]  }
0x145: {  	v0 =	vor.u32 v0, v41;
	v20 =	vld [tilespmem:$0x1FA50];
	s4 =	sor.u32 s28, s18;
	[tilespmem:v1+s16+$0x0] =	vst.idx.msk vm11, v30;
	vm3 =	vge.f32 v2, $0.0e+00;
	v14 =	vadd.f32 v46, v56  }
0x146: {  	[tilespmem:$0x1FC50] =	vst v60;
	s1 =	sor.u32 s23, s6;
	v56 =	vadd.f32 v46, v60;
	v59 =	vadd.f32 v46, v52;
	v60 =	vld [tilespmem:s4+$0x0];
	v3 =	vtrunc.f32 v57  }
0x147: {  	v10 =	vmul.f32 v8, v47;
	v47 =	vld [tilespmem:s1+$0x0];
	v63 =	vmovc v8;
	[tilespmem:v23+s16+$0x0] =	vst.idx.msk vm7, v14;
	v57 =	vshll.u32 v25, $0x2;
	v3 =	vcvt.f32.s32 v3  }
0x148: {  	v21 =	vmovc v6;
	[tilespmem:v9+s16+$0x0] =	vst.idx.msk vm7, v56;
	v19 =	vand.u32 $0x600, v57;
	v9 =	vsub.f32 $1.000000000e+00, v8;
	v7 =	vmul.f32 v63, v24  }
0x149: {  	s6 =	sld [smem:$0x7EA];
	v57 =	vmul.f32 v18, v4;
	[tilespmem:v49+s16+$0x0] =	vst.idx.msk vm7, v59;
	v5 =	vmul.f32 v18, v55;
	v3 =	vmul.u32 $0x600, v3  }
0x14a: {  	v55 =	vand.u32 $0x7F, v39;
	[tilespmem:v0+s16+$0x0] =	vst.idx.msk vm7, v36;
	v0 =	vmul.f32 v18, v20;
	v6 =	vadd.f32 v9, v10  }
0x14b: {  	s13 =	sor.u32 s14, s19;
	v20 =	vmovc v63;
	v23 =	vadd.f32 $8.388608000e+06, v60;
	v26 =	vor.u32 $0x80, v55;
	v3 =	vadd.s32 v19, v3  }
0x14c: {  	[smem:$0x7F8] =	sst s17;
	[tilespmem:$0x1FD10] =	vst v2;
	s17 =	sor.u32 s28, s6;
	v14 =	vld [tilespmem:s13+$0x0];
	v47 =	vmul.f32 v20, v47;
	v8 =	vadd.f32 v5, v35;
	v5 =	vor.u32 v55, v3  }
0x14d: {  	[tilespmem:$0x1FC60] =	vst v52;
	s4 =	sor.u32 s14, s3;
	v52 =	vadd.f32 v9, v7;
	v56 =	vor.u32 $0x100, v55;
	s13 =	sld [smem:$0x7EC];
	v35 =	vld [tilespmem:s17+$0x0];
	v10 =	vor.u32 v3, v26  }
0x14e: {  	[tilespmem:$0x1FD00] =	vst v9;
	s17 =	sld [smem:$0x7EB];
	v2 =	vadd.f32 v0, v34;
	v34 =	vld [tilespmem:s4+$0x0];
	v59 =	vor.u32 v3, v56;
	v9 =	vadd.f32 v9, v47  }
0x14f: {  	[tilespmem:$0x1FB20] =	vst v60;
	v49 =	vadd.f32 $-8.388608000e+06, v23;
	v23 =	vld [tilespmem:$0x1FA60]  }
0x150: {  	v0 =	vadd.f32 v54, v57;
	v54 =	vld [tilespmem:s10+$0x200];
	s2 =	sor.u32 s28, s13;
	[tilespmem:$0x1FD90] =	vst v9  }
0x151: {  	v48 =	vor.u32 $0x180, v55;
	s29 =	sor.u32 s28, s17;
	v39 =	vld [tilespmem:s2+$0x0];
	[tilespmem:v5+s16+$0x0] =	vst.idx.msk vm3, v6  }
0x152: {  	vm13 =	vgt.f32 v44, $5.000000000e-01;
	v1 =	vor.u32 v3, v48;
	v60 =	vld [tilespmem:s29+$0x0];
	[tilespmem:v10+s16+$0x0] =	vst.idx.msk vm3, v52  }
0x153: {  	vm10 =	vgt.f32 v53, $5.000000000e-01;
	v49 =	vtrunc.f32 v49;
	v47 =	vadd.f32 $8.388608000e+06, v14;
	[tilespmem:v59+s16+$0x0] =	vst.idx.msk vm3, v9;
	v9 =	vld [tilespmem:s0+$0x7900]  }
0x154: {  	[tilespmem:$0x1FB60] =	vst v58;
	vm8 =	vgt.f32 v45, $0.0e+00;
	v18 =	vmul.f32 v18, v23;
	v5 =	vcvt.f32.s32 v49  }
0x155: {  	v63 =	vld [tilespmem:s0+$0x100];
	[tilespmem:$0x1FD60] =	vst v52;
	v7 =	vmul.f32 v34, v54;
	v52 =	vmax.f32 v44, $0.0e+00;
	v10 =	vadd.f32 $-8.388608000e+06, v47  }
0x156: {  	[tilespmem:$0x1FB80] =	vst v61;
	v50 =	vmovc v27;
	v18 =	vadd.f32 v18, v42;
	v47 =	vsel vm8, v0, v4;
	v42 =	vmul.u32 $0x600, v5  }
0x157: {  	s25 =	sor.u32 s23, s25;
	v27 =	vmov v13;
	v49 =	vld [tilespmem:s10+$0x7A00];
	v59 =	vmax.f32 v53, v52;
	v13 =	vmul.f32 v39, v35;
	[tilespmem:v1+s16+$0x0] =	vst.idx.msk vm3, v20  }
0x158: {  	[tilespmem:$0x1FD20] =	vst v20;
	v23 =	vmul.f32 v39, v60;
	v3 =	vld [tilespmem:s25+$0x0];
	v60 =	vadd.s32 v58, v42;
	vm12 =	vge.f32 v9, $0.0e+00  }
0x159: {  	[tilespmem:$0x1FD50] =	vst v6;
	v6 =	vsub.f32 $1.000000000e+00, v39;
	v44 =	vtrunc.f32 v10;
	v11 =	vor.u32 v62, v60  }
0x15a: {  	s4 =	sld [smem:$0x7ED];
	s2 =	smov.u32 s3;
	s3 =	sor.u32 s14, s5;
	[tilespmem:$0x1FCC0] =	vst v14;
	v14 =	vmul.f32 v39, v63;
	v4 =	vcvt.f32.s32 v44;
	v53 =	vor.u32 v60, v61  }
0x15b: {  	s29 =	sor.u32 s14, s30;
	[tilespmem:$0x1FC80] =	vst v7;
	v35 =	vmov v58;
	v58 =	vld [tilespmem:s3+$0x0];
	v52 =	vadd.f32 v6, v13  }
0x15c: {  	v10 =	vld [tilespmem:s29+$0x0];
	[tilespmem:$0x1FC90] =	vst v49;
	vm8 =	vge.f32 v49, $0.0e+00;
	v49 =	vadd.f32 v6, v14;
	v4 =	vmul.u32 $0x600, v4  }
0x15d: {  	v24 =	vmov v22;
	s3 =	sor.u32 s23, s4;
	v57 =	vadd.f32 v6, v23;
	[tilespmem:$0x1FDC0] =	vst v3;
	v63 =	vadd.f32 $8.388608000e+06, v3  }
0x15e: {  	v42 =	vsub.f32 $1.000000000e+00, v34;
	v45 =	vld [tilespmem:s3+$0x0];
	v4 =	vadd.s32 v22, v4;
	v22 =	vor.u32 v60, v40;
	[tilespmem:v11+s16+$0x0] =	vst.idx.msk vm12, v49  }
0x15f: {  	s25 =	sor.u32 s23, s24;
	v3 =	vmov v40;
	v40 =	vor.u32 v50, v4;
	v5 =	vadd.f32 $-8.388608000e+06, v63;
	[tilespmem:v53+s16+$0x0] =	vst.idx.msk vm12, v52;
	v52 =	vld [tilespmem:$0x1FA70]  }
0x160: {  	s1 =	sor.u32 s26, s23;
	v1 =	vmovc v61;
	v61 =	vld [tilespmem:s25+$0x0];
	v20 =	vor.u32 v4, v38;
	v11 =	vadd.f32 v42, v7;
	v7 =	vmul.f32 v34, v58  }
0x161: {  	v0 =	vmul.f32 v34, v10;
	v44 =	vtrunc.f32 v5;
	v5 =	vld [tilespmem:s1+$0x7B00];
	v58 =	vor.u32 v60, v27  }
0x162: {  	vm2 =	vmand vm13, vm2;
	v54 =	vmov v21;
	s29 =	sld [smem:$0x7EE];
	[tilespmem:$0x1FCB0] =	vst v7;
	v63 =	vadd.f32 v42, v7;
	v7 =	vld [tilespmem:$0x1FA80]  }
0x163: {  	v10 =	vld [tilespmem:$0x1FA90];
	v49 =	vor.u32 v4, v21;
	v21 =	vadd.f32 v42, v0;
	[tilespmem:v22+s16+$0x0] =	vst.idx.msk vm12, v57;
	v22 =	vcvt.f32.s32 v44  }
0x164: {  	v25 =	vmov v50;
	v50 =	vld [tilespmem:s1+$0x300];
	[tilespmem:v40+s16+$0x0] =	vst.idx.msk vm8, v11;
	v53 =	vnsel vm2, $0x41000000, v52  }
0x165: {  	v8 =	vmul.f32 v16, v8;
	v2 =	vmul.f32 v16, v2;
	s3 =	sor.u32 s23, s29;
	v11 =	vld [tilespmem:$0x1FAA0];
	[tilespmem:v20+s16+$0x0] =	vst.idx.msk vm8, v21;
	v57 =	vmul.u32 $0x600, v22  }
0x166: {  	vm13 =	vmand vm10, vm5;
	v18 =	vmul.f32 v16, v18;
	v44 =	vld [tilespmem:s3+$0x0];
	[tilespmem:v58+s16+$0x0] =	vst.idx.msk vm12, v39;
	v58 =	vor.u32 v4, v41  }
0x167: {  	s29 =	sld [smem:$0x7EF];
	v20 =	vadd.s32 v19, v57;
	vm2 =	vge.f32 v5, $0.0e+00;
	v40 =	vsel vm13, v7, v53;
	v53 =	vmovc v19;
	v19 =	vld [tilespmem:$0x1FAB0]  }
0x168: {  	v16 =	vmul.f32 v16, v47;
	v8 =	vadd.f32 v8, v10;
	v22 =	vor.u32 v55, v20  }
0x169: {  	v21 =	vmul.f32 v45, v50;
	[tilespmem:v49+s16+$0x0] =	vst.idx.msk vm8, v63;
	v52 =	vsub.f32 $1.000000000e+00, v45;
	v57 =	vmul.f32 v45, v61  }
0x16a: {  	s4 =	sor.u32 s28, s29;
	v2 =	vadd.f32 v2, v11;
	v49 =	vor.u32 v20, v26;
	v7 =	vmul.f32 v51, v32  }
0x16b: {  	v10 =	vld [tilespmem:s4+$0x0];
	v63 =	vor.u32 v20, v56;
	v20 =	vor.u32 v20, v48;
	[tilespmem:$0x1FD80] =	vst v57;
	v11 =	vadd.f32 v52, v21  }
0x16c: {  	[tilespmem:v58+s16+$0x0] =	vst.idx.msk vm8, v34;
	v18 =	vadd.f32 v18, v19;
	v19 =	vmov v41;
	v41 =	vmul.f32 v45, v44  }
0x16d: {  	vm14 =	vgt.f32 v51, $0.0e+00;
	v60 =	vld [tilespmem:$0x1FAC0];
	v57 =	vadd.f32 v52, v57;
	[tilespmem:v22+s16+$0x0] =	vst.idx.msk vm2, v11  }
0x16e: {  	s24 =	sor.u32 s14, s8;
	v51 =	vmax.f32 v32, v59;
	v16 =	vadd.f32 v7, v16;
	[tilespmem:$0x1FDA0] =	vst v41;
	v59 =	vadd.f32 v52, v41;
	v41 =	vld [tilespmem:$0x1FAD0]  }
0x16f: {  	vm15 =	vgt.f32 v32, $5.000000000e-01;
	s4 =	sld [smem:$0x7F0];
	v4 =	vld [tilespmem:s24+$0x0];
	[tilespmem:v49+s16+$0x0] =	vst.idx.msk vm2, v57  }
0x170: {  	v8 =	vmul.f32 v31, v8;
	v16 =	vsel vm14, v16, v47;
	s24 =	sor.u32 s23, s21;
	s21 =	sld [smem:$0x7F1];
	v44 =	vadd.f32 $8.388608000e+06, v10;
	[tilespmem:v63+s16+$0x0] =	vst.idx.msk vm2, v59  }
0x171: {  	vm10 =	vmand vm15, vm6;
	v58 =	vmul.f32 v37, v33;
	v50 =	vmul.f32 v31, v16;
	v63 =	vld [tilespmem:$0x1FAE0];
	[tilespmem:v20+s16+$0x0] =	vst.idx.msk vm2, v45  }
0x172: {  	vm13 =	vgt.f32 v37, $0.0e+00;
	v61 =	vsel vm10, v60, v40;
	s25 =	sor.u32 s28, s4;
	v57 =	vadd.f32 $-8.388608000e+06, v44;
	v49 =	vld [tilespmem:s24+$0x0]  }
0x173: {  	v47 =	vmul.f32 v31, v18;
	v18 =	vadd.f32 v58, v50;
	v8 =	vadd.f32 v8, v41;
	v41 =	vld [tilespmem:s25+$0x0];
	s25 =	sor.u32 s28, s21  }
0x174: {  	vm14 =	vgt.f32 v33, $5.000000000e-01;
	v60 =	vadd.f32 $8.388608000e+06, v4;
	v20 =	vtrunc.f32 v57;
	v40 =	vld [tilespmem:s25+$0x0];
	s25 =	sld [smem:$0x7F2]  }
0x175: {  	vm6 =	vmand vm14, vm9;
	v16 =	vsel vm13, v18, v16;
	v20 =	vcvt.f32.s32 v20  }
0x176: {  	[tilespmem:$0x1FCA0] =	vst v0;
	v8 =	vmul.f32 v29, v8;
	v18 =	vsel vm6, v63, v61;
	v63 =	vadd.f32 $-8.388608000e+06, v60  }
0x177: {  	[tilespmem:$0x1FD30] =	vst v5;
	v59 =	vld [tilespmem:s0+$0x80];
	v61 =	vmul.u32 $0x600, v20;
	s24 =	sor.u32 s28, s25  }
0x178: {  	[tilespmem:$0x1FCF0] =	vst v4;
	v12 =	vadd.f32 v8, v12;
	v4 =	vtrunc.f32 v63;
	v5 =	vld [tilespmem:s24+$0x0];
	s24 =	sld [smem:$0x7F3]  }
0x179: {  	v37 =	vld [tilespmem:s0+$0x7880];
	[tilespmem:$0x1FDF0] =	vst v49;
	v0 =	vadd.f32 $8.388608000e+06, v49;
	v49 =	vadd.s32 v35, v61;
	v8 =	vcvt.f32.s32 v4  }
0x17a: {  	v2 =	vmul.f32 v31, v2;
	v35 =	vmovc v3;
	v60 =	vor.u32 v49, v1;
	v1 =	vor.u32 v49, v3;
	v3 =	vld [tilespmem:s1+$0x7A80]  }
0x17b: {  	v63 =	vmul.u32 $0x600, v8;
	v8 =	vld [tilespmem:s1+$0x280];
	s3 =	sor.u32 $0x180, s24  }
0x17c: {  	v2 =	vadd.f32 v2, v15;
	v15 =	vld [tilespmem:s3+$0x0]  }
0x17d: {  	v17 =	vadd.f32 v47, v17;
	v47 =	vmul.f32 v41, v59;
	s24 =	sor.u32 s14, s9;
	v59 =	vld [tilespmem:s3+$0x7800]  }
0x17e: {  	v2 =	vmul.f32 v29, v2;
	vm6 =	vge.f32 v37, $0.0e+00;
	v20 =	vld [tilespmem:s24+$0x0];
	s24 =	sor.u32 s14, s11  }
0x17f: {  	[tilespmem:$0x1FB70] =	vst v62;
	v44 =	vmax.f32 v33, v51;
	v51 =	vor.u32 v62, v49;
	v58 =	vsub.f32 $1.000000000e+00, v41;
	v62 =	vld [tilespmem:s24+$0x0];
	s24 =	sor.u32 s14, s7  }
0x180: {  	v31 =	vadd.f32 $-8.388608000e+06, v0;
	v40 =	vmul.f32 v41, v40;
	v61 =	vld [tilespmem:s24+$0x0];
	s24 =	sor.u32 s23, s15  }
0x181: {  	v7 =	vadd.f32 v2, v28;
	v11 =	vadd.f32 v58, v47;
	v50 =	vld [tilespmem:s24+$0x0]  }
0x182: {  	v33 =	vadd.f32 v58, v40;
	v32 =	vmul.f32 v41, v5;
	v5 =	vtrunc.f32 v31  }
0x183: {  	[tilespmem:$0x1FD70] =	vst v21;
	v21 =	vmovc v24;
	v63 =	vadd.s32 v24, v63;
	vm5 =	vge.f32 v3, $0.0e+00;
	v31 =	vcvt.f32.s32 v5  }
0x184: {  	v24 =	vmovc v38;
	[tilespmem:v51+s16+$0x0] =	vst.idx.msk vm6, v11;
	vm10 =	vge.f32 v59, $0.0e+00;
	v15 =	vmul.f32 v62, v15;
	v57 =	vsub.f32 $1.000000000e+00, v62  }
0x185: {  	[tilespmem:v60+s16+$0x0] =	vst.idx.msk vm6, v33;
	v22 =	vadd.f32 v58, v32;
	v28 =	vmul.u32 $0x600, v31;
	v31 =	vor.u32 v25, v63  }
0x186: {  	v60 =	vor.u32 v63, v38;
	[tilespmem:$0x1FCD0] =	vst v15;
	v38 =	vadd.f32 v57, v15;
	v15 =	vmul.f32 v50, v8;
	v8 =	vld [tilespmem:$0x1FAF0]  }
0x187: {  	[tilespmem:$0x1FD40] =	vst v3;
	v3 =	vor.u32 v63, v54;
	v33 =	vmul.f32 v62, v20;
	v28 =	vadd.s32 v53, v28  }
0x188: {  	vm15 =	vgt.f32 v9, $0.0e+00;
	[tilespmem:v1+s16+$0x0] =	vst.idx.msk vm6, v22;
	v61 =	vmul.f32 v62, v61;
	v4 =	vor.u32 v55, v28  }
0x189: {  	v2 =	vmul.f32 v29, v17;
	s15 =	sor.u32 s23, s31;
	v22 =	vmovc v54;
	[tilespmem:$0x1FCE0] =	vst v33;
	v54 =	vadd.f32 v57, v33;
	v51 =	vsub.f32 $1.000000000e+00, v50  }
0x18a: {  	vm13 =	vgt.f32 v30, $5.000000000e-01;
	v29 =	vmul.f32 v29, v16;
	v5 =	vld [tilespmem:s15+$0x0];
	v33 =	vadd.f32 v57, v61;
	[tilespmem:v31+s16+$0x0] =	vst.idx.msk vm10, v38  }
0x18b: {  	s20 =	sor.u32 s23, s20;
	vm11 =	vmand vm13, vm11;
	v38 =	vld [tilespmem:$0x1FB00];
	[tilespmem:v60+s16+$0x0] =	vst.idx.msk vm10, v54;
	v54 =	vadd.f32 v51, v15;
	v20 =	vmul.f32 v8, v30  }
0x18c: {  	vm13 =	vgt.f32 v39, $5.000000000e-01;
	v31 =	vmul.f32 v6, v7;
	v60 =	vld [tilespmem:s20+$0x0];
	[tilespmem:v3+s16+$0x0] =	vst.idx.msk vm10, v33;
	v3 =	vmax.f32 v30, v44  }
0x18d: {  	vm9 =	vgt.f32 v8, $0.0e+00;
	v44 =	vld [tilespmem:$0x1FB10];
	[tilespmem:v4+s16+$0x0] =	vst.idx.msk vm5, v54;
	v54 =	vor.u32 v63, v19;
	v29 =	vadd.f32 v20, v29  }
0x18e: {  	v30 =	vmul.f32 v6, v12;
	v4 =	vadd.f32 v31, v13;
	v63 =	vmul.f32 v9, v39  }
0x18f: {  	v3 =	vmax.f32 v39, v3;
	v7 =	vsel vm9, v29, v16;
	v16 =	vor.u32 v49, v27  }
0x190: {  	v39 =	vld [tilespmem:$0x1FB20];
	v0 =	vadd.f32 v2, v38;
	v2 =	vadd.f32 v30, v14;
	v30 =	vor.u32 v28, v26  }
0x191: {  	s15 =	sld [smem:$0x7F4];
	v4 =	vmul.f32 v58, v4;
	v49 =	vor.u32 v28, v56;
	v8 =	vmul.f32 v6, v7  }
0x192: {  	s31 =	sor.u32 s14, s18;
	v31 =	vmov v26;
	v12 =	vsel vm11, v44, v18;
	v44 =	vmul.f32 v50, v5;
	[tilespmem:v54+s16+$0x0] =	vst.idx.msk vm10, v62  }
0x193: {  	s20 =	sor.u32 s23, s19;
	s19 =	sld [smem:$0x7F5];
	v20 =	vmovc v56;
	v60 =	vmul.f32 v50, v60;
	v56 =	vadd.f32 v63, v8;
	v63 =	vor.u32 v28, v48;
	v54 =	vld [tilespmem:s31+$0x0]  }
0x194: {  	s24 =	sor.u32 s28, s15;
	vm9 =	vmand vm13, vm12;
	v0 =	vmul.f32 v6, v0;
	v28 =	vadd.f32 v51, v44;
	v26 =	vld [tilespmem:s10+$0x7900];
	[tilespmem:v16+s16+$0x0] =	vst.idx.msk vm6, v41  }
0x195: {  	v2 =	vmul.f32 v58, v2;
	v29 =	vadd.f32 v51, v60;
	v12 =	vsel vm9, v39, v12;
	v17 =	vld [tilespmem:s24+$0x0]  }
0x196: {  	v0 =	vadd.f32 v0, v23;
	v6 =	vsel vm15, v56, v7;
	[tilespmem:v30+s16+$0x0] =	vst.idx.msk vm5, v28;
	vm15 =	vgt.f32 v41, $5.000000000e-01;
	v13 =	vld [tilespmem:s0+$0x7800];
	s24 =	sor.u32 s28, s19  }
0x197: {  	v30 =	vmul.f32 v37, v41;
	[tilespmem:v49+s16+$0x0] =	vst.idx.msk vm5, v29;
	v38 =	vmul.f32 v58, v6;
	vm6 =	vmand vm15, vm6;
	v56 =	vld [tilespmem:s24+$0x0]  }
0x198: {  	v2 =	vadd.f32 v2, v47;
	v10 =	vsel vm6, v10, v12;
	v12 =	vld [tilespmem:s10+$0x100];
	[tilespmem:v63+s16+$0x0] =	vst.idx.msk vm5, v50  }
0x199: {  	[tilespmem:$0x1FDE0] =	vst v44;
	v0 =	vmul.f32 v58, v0;
	v7 =	vadd.f32 v4, v40;
	s24 =	sor.u32 s14, s13;
	v5 =	vadd.f32 v30, v38;
	v44 =	vld [tilespmem:s20+$0x0]  }
0x19a: {  	vm14 =	vgt.f32 v37, $0.0e+00;
	v11 =	vmovc v25;
	v49 =	vadd.f32 $8.388608000e+06, v54;
	v16 =	vld [tilespmem:s24+$0x0];
	v14 =	vsub.f32 $1.000000000e+00, v17  }
0x19b: {  	v25 =	vmovc v48;
	v29 =	vmax.f32 v41, v3;
	v23 =	vadd.f32 v0, v32;
	s20 =	sld [smem:$0x7F6];
	v48 =	vsel vm14, v5, v6  }
0x19c: {  	s3 =	sor.u32 s14, s6;
	[tilespmem:$0x1FEE0] =	vst v60;
	v47 =	vld [tilespmem:s0+$0x0];
	v30 =	vadd.f32 $-8.388608000e+06, v49;
	v58 =	vmul.f32 v13, v17;
	v60 =	vmul.f32 v14, v48  }
0x19d: {  	v39 =	vld [tilespmem:s3+$0x0];
	vm11 =	vge.f32 v26, $0.0e+00;
	vm6 =	vge.f32 v13, $0.0e+00;
	vm12 =	vgt.f32 v13, $0.0e+00  }
0x19e: {  	[tilespmem:$0x1FDD0] =	vst v15;
	s31 =	sor.u32 s28, s20;
	v40 =	vtrunc.f32 v30;
	v38 =	vadd.f32 $8.388608000e+06, v44;
	v6 =	vadd.f32 v58, v60  }
0x19f: {  	[tilespmem:$0x1FF50] =	vst v29;
	vm13 =	vgt.f32 v17, $5.000000000e-01;
	v63 =	vld [tilespmem:s31+$0x0];
	v41 =	vcvt.f32.s32 v40;
	v29 =	vmul.f32 v16, v12  }
0x1a0: {  	s31 =	sor.u32 s14, s17;
	v15 =	vsub.f32 $1.000000000e+00, v16;
	[tilespmem:$0x1FE90] =	vst v44;
	v44 =	vadd.f32 $-8.388608000e+06, v38;
	v0 =	vsel vm12, v6, v48  }
0x1a1: {  	s24 =	sld [smem:$0x7F7];
	v13 =	vmul.f32 v17, v47;
	vm9 =	vmand vm13, vm6;
	v18 =	vld [tilespmem:s31+$0x0];
	[tilespmem:$0x1FFF0] =	vst v0;
	v0 =	vmul.u32 $0x600, v41  }
0x1a2: {  	s2 =	sor.u32 s23, s2;
	v33 =	vmovc v27;
	v27 =	vmul.f32 v16, v39;
	v58 =	vld [tilespmem:s1+$0x7A00];
	v1 =	vadd.f32 v15, v29;
	v6 =	vtrunc.f32 v44  }
0x1a3: {  	v37 =	vld [tilespmem:s2+$0x0];
	v48 =	vcvt.f32.s32 v6;
	v6 =	vmul.f32 v14, v7;
	v7 =	vadd.s32 v21, v0  }
0x1a4: {  	s3 =	sor.u32 s28, s24;
	v47 =	vsel vm9, v63, v10;
	v49 =	vadd.f32 $8.388608000e+06, v63;
	v63 =	vld [tilespmem:s1+$0x200];
	v60 =	vor.u32 v11, v7  }
0x1a5: {  	[tilespmem:$0x1FF70] =	vst v11;
	v8 =	vadd.f32 v15, v27;
	v10 =	vmul.f32 v17, v56;
	v56 =	vmul.u32 $0x600, v48;
	v0 =	vmovc v11;
	v11 =	vld [tilespmem:s3+$0x0]  }
0x1a6: {  	v30 =	vmovc v21;
	s31 =	sor.u32 s23, s30;
	v38 =	vmul.f32 v16, v18;
	v28 =	vadd.f32 $-8.388608000e+06, v49;
	v21 =	vor.u32 v7, v24  }
0x1a7: {  	[tilespmem:$0x1FF80] =	vst v24;
	v41 =	vld [tilespmem:s31+$0x0];
	vm9 =	vge.f32 v58, $0.0e+00;
	v3 =	vor.u32 v7, v22;
	v32 =	vadd.s32 v53, v56  }
0x1a8: {  	[tilespmem:$0x1FEF0] =	vst v47;
	v48 =	vsub.f32 $1.000000000e+00, v37;
	v39 =	vadd.f32 v6, v10;
	v56 =	vld [tilespmem:$0x1FB30];
	v9 =	vor.u32 v55, v32  }
0x1a9: {  	s2 =	sor.u32 s23, s5;
	v5 =	vld [tilespmem:$0x1FB50];
	v7 =	vor.u32 v7, v19;
	v28 =	vtrunc.f32 v28;
	[tilespmem:v60+s16+$0x0] =	vst.idx.msk vm11, v1;
	v60 =	vmul.f32 v37, v63  }
0x1aa: {  	v47 =	vld [tilespmem:s2+$0x0];
	v28 =	vcvt.f32.s32 v28;
	[tilespmem:$0x1FFD0] =	vst v39;
	v18 =	vmul.f32 v17, v11;
	v11 =	vadd.f32 v15, v38  }
0x1ab: {  	v2 =	vmul.f32 v14, v2;
	v1 =	vld [tilespmem:$0x1FB40];
	[tilespmem:v21+s16+$0x0] =	vst.idx.msk vm11, v8;
	v12 =	vadd.f32 v48, v60  }
0x1ac: {  	v4 =	vmov v24;
	v23 =	vmul.f32 v14, v23;
	v39 =	vld [tilespmem:$0x1FB90];
	v40 =	vmul.u32 $0x600, v28;
	[tilespmem:v3+s16+$0x0] =	vst.idx.msk vm11, v11  }
0x1ad: {  	v28 =	vld [tilespmem:$0x1FB70];
	v21 =	vadd.f32 v2, v13;
	v63 =	vmul.f32 $1.000000000e+02, v56;
	v56 =	vmul.f32 v37, v41;
	[tilespmem:v9+s16+$0x0] =	vst.idx.msk vm9, v12  }
0x1ae: {  	v24 =	vmov v20;
	s3 =	sor.u32 s14, s29;
	v11 =	vld [tilespmem:$0x1FB60];
	v12 =	vadd.f32 v14, v13;
	v13 =	vadd.f32 v14, v10;
	[tilespmem:v7+s16+$0x0] =	vst.idx.msk vm11, v16  }
0x1af: {  	[tilespmem:$0x1FFC0] =	vst v21;
	v21 =	vadd.f32 v14, v18;
	v10 =	vor.u32 v32, v31;
	v7 =	vor.u32 v32, v20;
	v20 =	vld [tilespmem:s3+$0x0]  }
0x1b0: {  	v49 =	vadd.f32 v23, v18;
	v9 =	vmul.f32 v1, v5;
	[tilespmem:$0x1FEC0] =	vst v13;
	v13 =	vor.u32 v32, v25;
	v32 =	vld [tilespmem:$0x1FB80]  }
0x1b1: {  	[tilespmem:$0x1FF30] =	vst v21;
	v21 =	vld [tilespmem:$0x1FBC0]  }
0x1b2: {  	[tilespmem:$0x1FFE0] =	vst v49;
	v49 =	vadd.f32 v48, v56;
	v6 =	vadd.f32 v9, v63;
	v9 =	vld [tilespmem:$0x1FBB0]  }
0x1b3: {  	v2 =	vadd.s32 v11, v40;
	v40 =	vld [tilespmem:$0x1FBA0]  }
0x1b4: {  	[tilespmem:v10+s16+$0x0] =	vst.idx.msk vm9, v49;
	v49 =	vld [tilespmem:$0x1FBF0]  }
0x1b5: {  	v41 =	vmul.f32 v37, v47;
	v47 =	vor.u32 v2, v32;
	v32 =	vld [tilespmem:$0x1FBD0]  }
0x1b6: {  	v3 =	vor.u32 v28, v2;
	v63 =	vor.u32 v2, v35;
	v2 =	vor.u32 v2, v33;
	v33 =	vld [tilespmem:$0x1FBE0]  }
0x1b7: {  	v8 =	vld [tilespmem:$0x1FC00];
	vm12 =	vgt.f32 v1, $0.0e+00;
	[tilespmem:$0x1FEA0] =	vst v12;
	v12 =	vadd.f32 v48, v41  }
0x1b8: {  	v6 =	vnsel vm12, $0x42C80000, v6;
	[tilespmem:$0x1FF40] =	vst v63;
	v44 =	vmul.f32 v40, v39;
	v11 =	vmul.f32 v40, v9;
	v9 =	vld [tilespmem:$0x1FC10]  }
0x1b9: {  	vm12 =	vgt.f32 v5, $5.000000000e-01;
	[tilespmem:v7+s16+$0x0] =	vst.idx.msk vm9, v12;
	v28 =	vadd.f32 $8.388608000e+06, v20;
	v63 =	vmul.f32 v49, v43  }
0x1ba: {  	[tilespmem:$0x1FF60] =	vst v2;
	v2 =	vadd.f32 v44, v21;
	v44 =	vmul.f32 v40, v6;
	v7 =	vadd.f32 v11, v32;
	v32 =	vld [tilespmem:$0x1FC20]  }
0x1bb: {  	vm14 =	vgt.f32 v43, $5.000000000e-01;
	v1 =	vld [tilespmem:$0x1FC30];
	vm1 =	vmand vm12, vm1;
	v35 =	vmul.f32 v40, v33  }
0x1bc: {  	[tilespmem:v13+s16+$0x0] =	vst.idx.msk vm9, v37;
	vm13 =	vgt.f32 v49, $0.0e+00;
	v33 =	vadd.f32 $-8.388608000e+06, v28;
	v13 =	vadd.f32 v63, v44  }
0x1bd: {  	v21 =	vld [tilespmem:$0x1FC40];
	v2 =	vmul.f32 v46, v2;
	v10 =	vadd.f32 v35, v8;
	v11 =	vnsel vm1, $0x41000000, v9  }
0x1be: {  	vm1 =	vmand vm14, vm4;
	v33 =	vtrunc.f32 v33;
	v8 =	vld [tilespmem:$0x1FC50];
	v6 =	vsel vm13, v13, v6  }
0x1bf: {  	s5 =	sor.u32 s23, s8;
	s8 =	sor.u32 s14, s21;
	v13 =	vsel vm1, v32, v11;
	v32 =	vmul.f32 v46, v10;
	v10 =	vcvt.f32.s32 v33  }
0x1c0: {  	v23 =	vld [tilespmem:s8+$0x0];
	v35 =	vmul.f32 v1, v36;
	v49 =	vmul.f32 v46, v6  }
0x1c1: {  	v39 =	vld [tilespmem:s5+$0x0];
	v7 =	vmul.f32 v46, v7;
	v10 =	vmul.u32 $0x600, v10  }
0x1c2: {  	v14 =	vld [tilespmem:s10+$0x7880];
	v12 =	vmax.f32 v5, $0.0e+00;
	v44 =	vadd.f32 v2, v21;
	v35 =	vadd.f32 v35, v49  }
0x1c3: {  	vm15 =	vgt.f32 v1, $0.0e+00;
	v5 =	vld [tilespmem:$0x1FC70];
	v7 =	vadd.f32 v7, v8;
	v10 =	vadd.s32 v30, v10  }
0x1c4: {  	s31 =	sld [smem:$0x7F8];
	v8 =	vsel vm15, v35, v6;
	v35 =	vmul.f32 v42, v44;
	v44 =	vor.u32 v0, v10;
	v0 =	vld [tilespmem:$0x1FC90]  }
0x1c5: {  	s30 =	sor.u32 s14, s4;
	v9 =	vld [tilespmem:$0x1FC60]  }
0x1c6: {  	v63 =	vadd.f32 $8.388608000e+06, v39;
	v46 =	vld [tilespmem:s30+$0x0]  }
0x1c7: {  	s0 =	sor.u32 $0x180, s31;
	v18 =	vmax.f32 v43, v12;
	v49 =	vld [tilespmem:s10+$0x80]  }
0x1c8: {  	s3 =	sor.u32 s23, s9;
	v43 =	vld [tilespmem:s0+$0x7800];
	v28 =	vmax.f32 v36, v18;
	v63 =	vadd.f32 $-8.388608000e+06, v63  }
0x1c9: {  	[tilespmem:$0x1FEB0] =	vst v3;
	vm4 =	vgt.f32 v36, $5.000000000e-01;
	v36 =	vld [tilespmem:s3+$0x0];
	v33 =	vmul.f32 v42, v8;
	v3 =	vmul.f32 v0, v34  }
0x1ca: {  	v21 =	vld [tilespmem:s0+$0x0];
	vm1 =	vmand vm4, vm7;
	vm4 =	vge.f32 v14, $0.0e+00;
	v11 =	vtrunc.f32 v63  }
0x1cb: {  	s2 =	sor.u32 s23, s11;
	v12 =	vcvt.f32.s32 v11;
	v3 =	vadd.f32 v3, v33;
	v33 =	vld [tilespmem:$0x1FCA0]  }
0x1cc: {  	v40 =	vadd.f32 v32, v9;
	v32 =	vld [tilespmem:s2+$0x0];
	v1 =	vsub.f32 $1.000000000e+00, v46;
	v49 =	vmul.f32 v46, v49  }
0x1cd: {  	v13 =	vsel vm1, v5, v13;
	v6 =	vld [tilespmem:$0x1FC80];
	v11 =	vmul.u32 $0x600, v12  }
0x1ce: {  	s5 =	sor.u32 s14, s25;
	vm1 =	vge.f32 v43, $0.0e+00;
	v7 =	vmul.f32 v42, v7;
	v9 =	vadd.f32 v1, v49  }
0x1cf: {  	v12 =	vld [tilespmem:s5+$0x0];
	v23 =	vmul.f32 v46, v23;
	v5 =	vor.u32 v10, v4;
	v11 =	vadd.s32 v53, v11  }
0x1d0: {  	v4 =	vor.u32 v55, v11;
	[tilespmem:v44+s16+$0x0] =	vst.idx.msk vm4, v9;
	v44 =	vadd.f32 v7, v33;
	v7 =	vld [tilespmem:$0x1FCB0]  }
0x1d1: {  	v21 =	vmul.f32 v32, v21;
	v18 =	vsub.f32 $1.000000000e+00, v32;
	v63 =	vmul.f32 v32, v36  }
0x1d2: {  	s7 =	sor.u32 s23, s7;
	v36 =	vadd.f32 v1, v23;
	v35 =	vadd.f32 v35, v6;
	v6 =	vor.u32 v11, v31  }
0x1d3: {  	v40 =	vmul.f32 v42, v40;
	v42 =	vadd.f32 v18, v21;
	v9 =	vld [tilespmem:s7+$0x0]  }
0x1d4: {  	vm14 =	vgt.f32 v59, $0.0e+00;
	[tilespmem:v5+s16+$0x0] =	vst.idx.msk vm4, v36;
	v36 =	vadd.f32 v18, v63;
	v33 =	vmul.f32 v57, v35;
	v35 =	vld [tilespmem:$0x1FCD0]  }
0x1d5: {  	vm13 =	vgt.f32 v34, $5.000000000e-01;
	[tilespmem:v4+s16+$0x0] =	vst.idx.msk vm1, v42;
	v4 =	vadd.f32 v40, v7;
	v7 =	vmax.f32 v34, v28;
	v34 =	vld [tilespmem:$0x1FCC0]  }
0x1d6: {  	vm7 =	vmand vm13, vm8;
	vm13 =	vgt.f32 v16, $5.000000000e-01;
	vm15 =	vgt.f32 v62, $5.000000000e-01  }
0x1d7: {  	vm12 =	vgt.f32 v0, $0.0e+00;
	v5 =	vor.u32 v11, v24;
	v11 =	vor.u32 v11, v25;
	[tilespmem:v6+s16+$0x0] =	vst.idx.msk vm1, v36  }
0x1d8: {  	v6 =	vmul.f32 v59, v62;
	v2 =	vsel vm12, v3, v8;
	v36 =	vmul.f32 v57, v44  }
0x1d9: {  	v3 =	vadd.f32 v33, v35;
	v28 =	vmul.f32 v57, v2;
	v4 =	vmul.f32 v57, v4  }
0x1da: {  	v7 =	vmax.f32 v62, v7;
	v8 =	vsel vm7, v34, v13;
	v13 =	vmul.f32 v32, v9  }
0x1db: {  	v6 =	vadd.f32 v6, v28;
	v57 =	vor.u32 v10, v22;
	v4 =	vadd.f32 v4, v61;
	v34 =	vld [tilespmem:$0x1FCF0]  }
0x1dc: {  	v10 =	vor.u32 v10, v19;
	v3 =	vmul.f32 v15, v3;
	v44 =	vadd.f32 v18, v13  }
0x1dd: {  	[tilespmem:$0x1FFB0] =	vst v19;
	v19 =	vmul.f32 v26, v16;
	v7 =	vmax.f32 v16, v7;
	v9 =	vld [tilespmem:$0x1FCE0];
	v4 =	vmul.f32 v15, v4  }
0x1de: {  	v42 =	vmov v25;
	v6 =	vsel vm14, v6, v2;
	[tilespmem:v5+s16+$0x0] =	vst.idx.msk vm1, v44;
	v5 =	vmul.f32 v46, v12  }
0x1df: {  	s8 =	sor.u32 s23, s18;
	v25 =	vld [tilespmem:$0x1FD20];
	v3 =	vadd.f32 v3, v29;
	vm7 =	vmand vm15, vm10;
	v4 =	vadd.f32 v4, v38;
	[tilespmem:v11+s16+$0x0] =	vst.idx.msk vm1, v32  }
0x1e0: {  	v35 =	vsel vm7, v34, v8;
	vm7 =	vmand vm13, vm11;
	v12 =	vadd.f32 v1, v5;
	v2 =	vld [tilespmem:s8+$0x0]  }
0x1e1: {  	[tilespmem:$0x1FFA0] =	vst v22;
	s13 =	sor.u32 s23, s13;
	v22 =	vmul.f32 v15, v6;
	v38 =	vmul.f32 v14, v46;
	v59 =	vsel vm7, v54, v35;
	v35 =	vld [tilespmem:$0x1FD00]  }
0x1e2: {  	v0 =	vadd.f32 v36, v9;
	[tilespmem:v57+s16+$0x0] =	vst.idx.msk vm4, v12;
	v57 =	vmul.f32 v1, v4;
	v4 =	vld [tilespmem:s13+$0x0]  }
0x1e3: {  	s9 =	sor.u32 s14, s15;
	vm15 =	vgt.f32 v46, $5.000000000e-01;
	v36 =	vadd.f32 v19, v22;
	[tilespmem:v10+s16+$0x0] =	vst.idx.msk vm4, v46;
	v10 =	vmax.f32 v46, v7;
	v46 =	vld [tilespmem:$0x1FD30]  }
0x1e4: {  	vm12 =	vgt.f32 v26, $0.0e+00;
	v8 =	vld [tilespmem:s9+$0x0]  }
0x1e5: {  	v3 =	vmul.f32 v1, v3;
	v0 =	vmul.f32 v15, v0;
	v6 =	vsel vm12, v36, v6;
	v44 =	vld [tilespmem:s10+$0x7800]  }
0x1e6: {  	v9 =	vmul.f32 v1, v6;
	vm4 =	vmand vm15, vm4;
	v12 =	vadd.f32 v57, v5;
	v5 =	vld [tilespmem:s1+$0x7900]  }
0x1e7: {  	v11 =	vadd.f32 v3, v49;
	v0 =	vadd.f32 v0, v27;
	v34 =	vsel vm4, v20, v59;
	v20 =	vld [tilespmem:s1+$0x100]  }
0x1e8: {  	v3 =	vadd.f32 v38, v9;
	v38 =	vld [tilespmem:$0x1FD10];
	v49 =	vadd.f32 $8.388608000e+06, v2  }
0x1e9: {  	s18 =	sor.u32 s14, s19;
	v40 =	vmov v24;
	vm14 =	vgt.f32 v14, $0.0e+00;
	v24 =	vld [tilespmem:s10+$0x0];
	v0 =	vmul.f32 v1, v0  }
0x1ea: {  	v59 =	vld [tilespmem:s18+$0x0];
	v36 =	vmul.f32 $1.000000000e+02, v35;
	v62 =	vsel vm14, v3, v6;
	v61 =	vadd.f32 $-8.388608000e+06, v49  }
0x1eb: {  	s11 =	sor.u32 s14, s20;
	v16 =	vadd.f32 v0, v23;
	v0 =	vsub.f32 $1.000000000e+00, v4;
	vm14 =	vgt.f32 v46, $0.0e+00  }
0x1ec: {  	v19 =	vld [tilespmem:s11+$0x0];
	v14 =	vsub.f32 $1.000000000e+00, v8;
	v28 =	vtrunc.f32 v61;
	v29 =	vmul.f32 v44, v8  }
0x1ed: {  	v49 =	vmul.f32 v38, v25;
	vm4 =	vge.f32 v44, $0.0e+00;
	vm10 =	vgt.f32 v44, $0.0e+00  }
0x1ee: {  	vm11 =	vgt.f32 v8, $5.000000000e-01;
	vm7 =	vge.f32 v5, $0.0e+00;
	v7 =	vmul.f32 v4, v20  }
0x1ef: {  	vm13 =	vgt.f32 v38, $0.0e+00;
	v20 =	vmul.f32 v8, v24;
	v35 =	vmul.f32 v8, v59  }
0x1f0: {  	s30 =	sor.u32 s23, s6;
	v3 =	vcvt.f32.s32 v28;
	vm12 =	vmand vm11, vm4;
	v33 =	vmul.f32 v14, v62  }
0x1f1: {  	s2 =	sor.u32 s14, s24;
	v61 =	vld [tilespmem:s30+$0x0];
	v57 =	vadd.f32 v49, v36;
	v9 =	vsel vm12, v19, v34;
	v11 =	vmul.f32 v14, v11  }
0x1f2: {  	v24 =	vld [tilespmem:s2+$0x0];
	v19 =	vadd.f32 $8.388608000e+06, v19;
	v38 =	vadd.f32 v0, v7;
	v54 =	vmul.u32 $0x600, v3  }
0x1f3: {  	v49 =	vmul.f32 v46, v45;
	v22 =	vmul.f32 v14, v16;
	v6 =	vadd.f32 v29, v33  }
0x1f4: {  	s31 =	sor.u32 s23, s17;
	v27 =	vld [tilespmem:$0x1FD40];
	v33 =	vnsel vm13, $0x42C80000, v57;
	v19 =	vadd.f32 $-8.388608000e+06, v19;
	v15 =	vadd.s32 v53, v54  }
0x1f5: {  	v44 =	vmovc v53;
	v53 =	vmul.f32 v52, v33;
	v3 =	vsel vm10, v6, v62;
	v62 =	vld [tilespmem:s31+$0x0];
	v36 =	vor.u32 v55, v15  }
0x1f6: {  	v26 =	vld [tilespmem:$0x1FDA0];
	v12 =	vmul.f32 v14, v12;
	v54 =	vmul.f32 v4, v61;
	v34 =	vor.u32 v15, v31  }
0x1f7: {  	v16 =	vld [tilespmem:$0x1FE70];
	v24 =	vmul.f32 v8, v24;
	v19 =	vtrunc.f32 v19;
	v28 =	vadd.f32 v49, v53  }
0x1f8: {  	v57 =	vmovc v31;
	v23 =	vor.u32 v15, v40;
	v31 =	vld [tilespmem:$0x1FD50];
	v61 =	vadd.f32 v0, v54;
	v46 =	vcvt.f32.s32 v19  }
0x1f9: {  	v59 =	vmovc v40;
	v40 =	vld [tilespmem:$0x1FD90];
	v1 =	vadd.f32 v12, v24;
	v49 =	vsel vm14, v28, v33;
	v28 =	vmul.f32 v27, v50  }
0x1fa: {  	vm15 =	vgt.f32 v27, $0.0e+00;
	v33 =	vld [tilespmem:$0x1FD60];
	v29 =	vmul.f32 v51, v49;
	[tilespmem:v36+s16+$0x0] =	vst.idx.msk vm7, v38;
	v6 =	vmul.f32 v4, v62  }
0x1fb: {  	v27 =	vld [tilespmem:$0x1FDC0];
	v36 =	vadd.f32 v11, v20;
	v11 =	vmul.u32 $0x600, v46;
	[tilespmem:v34+s16+$0x0] =	vst.idx.msk vm7, v61;
	v34 =	vadd.f32 v22, v35  }
0x1fc: {  	v15 =	vor.u32 v15, v42;
	v61 =	vadd.f32 v14, v35;
	v12 =	vadd.f32 v28, v29;
	v35 =	vld [tilespmem:$0x1FD70]  }
0x1fd: {  	v38 =	vadd.f32 v0, v6;
	v11 =	vadd.s32 v30, v11;
	v30 =	vld [tilespmem:$0x1FE30]  }
0x1fe: {  	vm12 =	vgt.f32 v25, $5.000000000e-01;
	v12 =	vsel vm15, v12, v49;
	v49 =	vmax.f32 v25, $0.0e+00;
	v25 =	vld [tilespmem:$0x1FDD0]  }
0x1ff: {  	[tilespmem:v23+s16+$0x0] =	vst.idx.msk vm7, v38;
	v38 =	vld [tilespmem:$0x1FD80]  }
0x200: {  	vm13 =	vgt.f32 v45, $5.000000000e-01;
	v19 =	vmax.f32 v45, v49;
	v45 =	vld [tilespmem:$0x1FE10]  }
0x201: {  	s3 =	sor.u32 s23, s29;
	v62 =	vmov v42;
	v42 =	vadd.f32 v14, v20;
	v20 =	vmul.f32 v52, v31;
	v49 =	vld [tilespmem:$0x1FE20];
	[tilespmem:v15+s16+$0x0] =	vst.idx.msk vm7, v4  }
0x202: {  	v46 =	vadd.f32 v14, v24;
	v23 =	vmul.f32 v52, v33;
	v24 =	vmul.f32 v48, v12;
	v53 =	vld [tilespmem:s3+$0x0]  }
0x203: {  	v14 =	vadd.f32 v20, v35;
	v20 =	vmul.f32 v52, v40;
	v52 =	vmul.f32 v58, v37;
	v35 =	vld [tilespmem:$0x1FDE0]  }
0x204: {  	v40 =	vld [tilespmem:$0x1FDF0]  }
0x205: {  	v15 =	vadd.f32 v23, v38;
	v23 =	vadd.f32 v52, v24;
	v24 =	vld [tilespmem:$0x1FDB0]  }
0x206: {  	vm8 =	vgt.f32 v43, $0.0e+00;
	vm14 =	vgt.f32 v58, $0.0e+00;
	v52 =	vld [tilespmem:$0x1FE50]  }
0x207: {  	v58 =	vmul.f32 v43, v32;
	v43 =	vld [tilespmem:$0x1FE00];
	v20 =	vadd.f32 v20, v26;
	v23 =	vsel vm14, v23, v12  }
0x208: {  	v14 =	vmul.f32 v51, v14;
	v38 =	vld [tilespmem:s1+$0x80];
	v26 =	vadd.f32 $8.388608000e+06, v53;
	v33 =	vmul.f32 v18, v23  }
0x209: {  	v20 =	vmul.f32 v51, v20;
	v15 =	vmul.f32 v51, v15;
	v51 =	vld [tilespmem:$0x1FE40]  }
0x20a: {  	vm3 =	vmand vm12, vm3;
	v26 =	vadd.f32 $-8.388608000e+06, v26;
	v28 =	vadd.f32 v58, v33;
	v58 =	vld [tilespmem:$0x1FE60]  }
0x20b: {  	vm2 =	vmand vm13, vm2;
	v14 =	vadd.f32 v14, v25;
	v25 =	vld [tilespmem:$0x1FEB0];
	v24 =	vnsel vm3, $0x41000000, v24  }
0x20c: {  	s4 =	sor.u32 s23, s4;
	v24 =	vsel vm2, v27, v24;
	v27 =	vtrunc.f32 v26;
	v26 =	vld [tilespmem:s1+$0x7880]  }
0x20d: {  	s5 =	sor.u32 s23, s21;
	v12 =	vld [tilespmem:s4+$0x0];
	[tilespmem:v45+s16+$0x0] =	vst.idx.msk vm0, v43;
	v27 =	vcvt.f32.s32 v27  }
0x20e: {  	v29 =	vld [tilespmem:s5+$0x0];
	v15 =	vadd.f32 v15, v35;
	[tilespmem:v52+s16+$0x0] =	vst.idx.msk vm0, v51  }
0x20f: {  	vm15 =	vgt.f32 v50, $5.000000000e-01;
	v14 =	vmul.f32 v48, v14;
	v27 =	vmul.u32 $0x600, v27;
	[tilespmem:v16+s16+$0x0] =	vst.idx.msk vm0, v58;
	v58 =	vld [tilespmem:$0x1FEA0]  }
0x210: {  	v45 =	vld [tilespmem:$0x1FEC0];
	v35 =	vmul.f32 v5, v4;
	vm2 =	vmand vm15, vm5;
	v15 =	vmul.f32 v48, v15  }
0x211: {  	v24 =	vsel vm2, v40, v24;
	v52 =	vld [tilespmem:$0x1FE90];
	vm12 =	vge.f32 v26, $0.0e+00;
	v27 =	vadd.s32 v44, v27  }
0x212: {  	s6 =	sor.u32 s23, s25;
	v23 =	vsel vm8, v28, v23;
	v33 =	vmul.f32 v12, v38;
	v51 =	vld [tilespmem:$0x1FE80];
	v38 =	vor.u32 v55, v27  }
0x213: {  	v31 =	vsub.f32 $1.000000000e+00, v12;
	v40 =	vld [tilespmem:s6+$0x0];
	v22 =	vmul.f32 v0, v23;
	v43 =	vor.u32 v27, v57  }
0x214: {  	vm10 =	vgt.f32 v37, $5.000000000e-01;
	v29 =	vmul.f32 v12, v29;
	v15 =	vadd.f32 v15, v56;
	v56 =	vld [tilespmem:$0x1FF20];
	[tilespmem:v25+s16+$0x0] =	vst.idx.msk vm6, v58  }
0x215: {  	vm11 =	vmand vm10, vm9;
	v35 =	vadd.f32 v35, v22;
	v22 =	vadd.f32 v31, v33;
	[tilespmem:v47+s16+$0x0] =	vst.idx.msk vm6, v45;
	v47 =	vld [tilespmem:$0x1FED0]  }
0x216: {  	v28 =	vmax.f32 v30, v49;
	v49 =	vmovc v44;
	v44 =	vld [tilespmem:$0x1FEF0];
	v24 =	vsel vm11, v52, v24;
	v52 =	vadd.f32 v31, v29  }
0x217: {  	v14 =	vadd.f32 v14, v60;
	v25 =	vld [tilespmem:$0x1FEE0];
	[tilespmem:v38+s16+$0x0] =	vst.idx.msk vm12, v22  }
0x218: {  	vm13 =	vgt.f32 v32, $5.000000000e-01;
	[tilespmem:v43+s16+$0x0] =	vst.idx.msk vm12, v52;
	v52 =	vld [tilespmem:$0x1FF10]  }
0x219: {  	v19 =	vmax.f32 v50, v19;
	v14 =	vmul.f32 v18, v14;
	v15 =	vmul.f32 v18, v15;
	v43 =	vld [tilespmem:$0x1FF70]  }
0x21a: {  	vm15 =	vgt.f32 v5, $0.0e+00;
	[tilespmem:v51+s16+$0x0] =	vst.idx.msk vm0, v30;
	vm14 =	vgt.f32 v47, $7.500000000e+00;
	v51 =	vadd.f32 $8.388608000e+06, v47;
	v47 =	vld [tilespmem:$0x1FF00]  }
0x21b: {  	v50 =	vld [tilespmem:$0x1FFC0];
	v14 =	vadd.f32 v14, v21;
	v5 =	vsel vm15, v35, v23;
	v15 =	vadd.f32 v15, v63  }
0x21c: {  	s7 =	rddreg [dreg:$0x1b];
	v16 =	vld [tilespmem:$0x1FF90];
	vm0 =	vmand vm13, vm1;
	v45 =	vor.u32 v27, v59;
	v27 =	vor.u32 v27, v62  }
0x21d: {  	v63 =	vld [tilespmem:$0x1FF80];
	v38 =	vmul.f32 v12, v40;
	[tilespmem:s7+$0x9100] =	vst v56;
	v58 =	vadd.f32 $-8.388608000e+06, v51;
	v51 =	vadd.f32 $8.388608000e+06, v44  }
0x21e: {  	vm5 =	vgt.f32 v44, $7.500000000e+00;
	v20 =	vadd.f32 v20, v25;
	v25 =	vld [tilespmem:$0x1FF40];
	[tilespmem:s7+$0x9080] =	vst v52;
	v44 =	vor.u32 v43, v11  }
0x21f: {  	s8 =	rddreg [dreg:$0x19];
	v40 =	vld [tilespmem:$0x1FF60];
	v23 =	vsel vm14, $0xBF800000, v58;
	v30 =	vadd.f32 $-8.388608000e+06, v51;
	v58 =	vadd.f32 v31, v38;
	[tilespmem:s7+$0x9000] =	vst v47  }
0x220: {  	s9 =	rddreg [dreg:$0x7];
	v14 =	vmul.f32 v0, v14;
	v15 =	vmul.f32 v0, v15;
	v24 =	vsel vm0, v39, v24;
	v39 =	vld [tilespmem:$0x1FF50];
	[tilespmem:s8+$0x9000] =	vst v28  }
0x221: {  	s0 =	sadd.s32 s9, s26;
	v20 =	vmul.f32 v48, v20;
	[tilespmem:v45+s16+$0x0] =	vst.idx.msk vm12, v58;
	v60 =	vsel vm5, $0xBF800000, v30;
	v30 =	vld [tilespmem:$0x1FF30]  }
0x222: {  	s10 =	sor.u32 s23, s20;
	s11 =	sor.u32 s12, s0;
	v7 =	vadd.f32 v14, v7;
	v51 =	vadd.f32 v15, v54;
	v54 =	vld [tilespmem:$0x1FFD0];
	v35 =	vtrunc.f32 v23;
	[tilespmem:v27+s16+$0x0] =	vst.idx.msk vm12, v12  }
0x223: {  	v20 =	vadd.f32 v20, v41;
	v41 =	vcvt.f32.s32 v35;
	v27 =	vor.u32 v11, v63;
	[tilespmem:s11+$0xFC00] =	vst v16;
	v21 =	vld [tilespmem:s10+$0x0]  }
0x224: {  	v35 =	vld [tilespmem:$0x1FFA0];
	[tilespmem:v44+s16+$0x0] =	vst.idx.msk vm4, v42  }
0x225: {  	v10 =	vmax.f32 v8, v10;
	vm8 =	vgt.f32 v4, $5.000000000e-01;
	v7 =	vmul.f32 v31, v7;
	v45 =	vld [tilespmem:$0x1FFB0];
	[tilespmem:s11+$0x14400] =	vst v41  }
0x226: {  	vm10 =	vgt.f32 v9, $7.500000000e+00;
	v9 =	vadd.f32 $8.388608000e+06, v9;
	vm0 =	vmand vm8, vm7;
	v58 =	vld [tilespmem:$0x1FFE0];
	[tilespmem:v25+s16+$0x0] =	vst.idx.msk vm6, v30  }
0x227: {  	vm9 =	vgt.f32 v12, $5.000000000e-01;
	v7 =	vadd.f32 v7, v33;
	v2 =	vsel vm0, v2, v24;
	[tilespmem:v40+s16+$0x0] =	vst.idx.msk vm6, v17  }
0x228: {  	s12 =	rddreg [dreg:$0x1f];
	v18 =	vmul.f32 v18, v20;
	v52 =	vtrunc.f32 v60;
	v60 =	vld [tilespmem:$0x1FFF0];
	[tilespmem:v27+s16+$0x0] =	vst.idx.msk vm4, v61;
	v56 =	vadd.f32 $8.388608000e+06, v21  }
0x229: {  	s15 =	sor.u32 s23, s15;
	vm0 =	vmand vm9, vm12;
	v23 =	vmax.f32 v17, v39;
	v47 =	vmax.f32 v37, v19;
	[tilespmem:s12+$0x9000] =	vst v50  }
0x22a: {  	s21 =	sor.u32 s23, s24;
	s13 =	smov.u32 s12;
	v13 =	vadd.f32 v18, v13;
	v19 =	vld [tilespmem:s15+$0x0];
	v39 =	vor.u32 v11, v35;
	[tilespmem:s12+$0x9080] =	vst v54;
	v18 =	vadd.f32 $-8.388608000e+06, v56  }
0x22b: {  	s17 =	rddreg [dreg:$0x1d];
	v14 =	vmul.f32 v31, v51;
	v15 =	vcvt.f32.s32 v52;
	v37 =	vld [tilespmem:s21+$0x0];
	v11 =	vor.u32 v11, v45;
	[tilespmem:s13+$0x9100] =	vst v58  }
0x22c: {  	s18 =	sor.u32 s28, s0;
	v63 =	vmax.f32 v32, v47;
	v0 =	vmul.f32 v0, v13;
	v13 =	vld [tilespmem:s1+$0x7800];
	[tilespmem:s17+$0x9000] =	vst v23;
	v32 =	vtrunc.f32 v18  }
0x22d: {  	v2 =	vsel vm0, v53, v2;
	v30 =	vadd.f32 $-8.388608000e+06, v9;
	[tilespmem:s18+$0xFC00] =	vst v60;
	v9 =	vcvt.f32.s32 v32  }
0x22e: {  	s24 =	sld [smem:$0x7F9];
	s20 =	sor.u32 s23, s19;
	v14 =	vadd.f32 v14, v29;
	v33 =	vld [tilespmem:s1+$0x0];
	v0 =	vadd.f32 v0, v6;
	v45 =	vmul.f32 v31, v5;
	[tilespmem:s18+$0x14400] =	vst v15  }
0x22f: {  	v35 =	vld [tilespmem:s20+$0x0];
	v40 =	vmul.f32 v26, v12;
	v6 =	vsel vm10, $0xBF800000, v30;
	[tilespmem:v39+s16+$0x0] =	vst.idx.msk vm4, v46;
	v9 =	vmul.u32 $0x600, v9  }
0x230: {  	vm12 =	vgt.f32 v19, $5.000000000e-01;
	v0 =	vmul.f32 v31, v0;
	v43 =	vsub.f32 $1.000000000e+00, v19;
	[tilespmem:v11+s16+$0x0] =	vst.idx.msk vm4, v8  }
0x231: {  	s25 =	sld [smem:$0x7FA];
	v47 =	vmul.f32 v19, v37;
	vm11 =	vge.f32 v13, $0.0e+00;
	[tilespmem:s24+$0x9000] =	vst v36;
	v39 =	vadd.s32 v49, v9  }
0x232: {  	v6 =	vtrunc.f32 v6;
	v50 =	vadd.f32 v40, v45;
	[tilespmem:s24+$0x9080] =	vst v34;
	v41 =	vor.u32 v55, v39  }
0x233: {  	vm1 =	vmand vm12, vm11;
	v15 =	vmul.f32 v19, v33;
	[tilespmem:s24+$0x9100] =	vst v1;
	v44 =	vor.u32 v39, v57  }
0x234: {  	s26 =	sor.u32 s14, s0;
	v6 =	vcvt.f32.s32 v6;
	v17 =	vmul.f32 v19, v35;
	[tilespmem:s25+$0x9000] =	vst v10;
	v46 =	vor.u32 v39, v59  }
0x235: {  	v0 =	vadd.f32 v0, v38;
	[tilespmem:s26+$0xFC00] =	vst v3;
	v49 =	vadd.f32 v43, v15;
	v8 =	vor.u32 v39, v62  }
0x236: {  	v7 =	vmul.f32 v43, v7;
	v52 =	vmul.f32 v43, v14;
	v51 =	vadd.f32 v43, v17;
	[tilespmem:s26+$0x14400] =	vst v6  }
0x237: {  	vm13 =	vgt.f32 v26, $0.0e+00;
	v53 =	vadd.f32 v43, v47;
	v2 =	vsel vm1, v21, v2;
	[tilespmem:v41+s16+$0x0] =	vst.idx.msk vm11, v49  }
0x238: {  	s28 =	sld [smem:$0x7FB];
	v5 =	vsel vm13, v50, v5;
	v54 =	vadd.f32 v7, v15;
	v55 =	vadd.f32 $8.388608000e+06, v2;
	[tilespmem:v44+s16+$0x0] =	vst.idx.msk vm11, v51  }
0x239: {  	v0 =	vmul.f32 v43, v0;
	v56 =	vadd.f32 v52, v17;
	[tilespmem:v46+s16+$0x0] =	vst.idx.msk vm11, v53  }
0x23a: {  	s1 =	rddreg [dreg:$0x15];
	v1 =	vmul.f32 v43, v5;
	v57 =	vmul.f32 v13, v19;
	v7 =	vadd.f32 $-8.388608000e+06, v55;
	[tilespmem:v8+s16+$0x0] =	vst.idx.msk vm11, v19  }
0x23b: {  	s29 =	sld [smem:$0x7FC];
	v4 =	vmax.f32 v4, v63;
	p1 =	slt.u32 s1, $0x14;
	vm14 =	vgt.f32 v2, $7.500000000e+00;
	v0 =	vadd.f32 v0, v47;
	[tilespmem:s28+$0x9000] =	vst v54  }
.Ltmp0:
0x23c: {  	v58 =	vmax.f32 v12, v4;
	v1 =	vadd.f32 v57, v1;
	v59 =	vsel vm14, $0xBF800000, v7;
	[tilespmem:s28+$0x9080] =	vst v56;
	(pc) =	sbr.rel @p1 .LBB2_3-.Ltmp0, $4  }
0x23d: {  	s30 =	sld [smem:$0x7FD];
	vm15 =	vgt.f32 v13, $0.0e+00;
	v60 =	vmax.f32 v19, v58;
	v61 =	vtrunc.f32 v59;
	[tilespmem:s28+$0x9100] =	vst v0  }
0x23e: {  	s0 =	sor.u32 s23, s0;
	v62 =	vsel vm15, v1, v5;
	v63 =	vcvt.f32.s32 v61;
	[tilespmem:s29+$0x9000] =	vst v60  }
0x23f: {  	s31 =	rddreg [dreg:$0x17];
	[tilespmem:s0+$0xFC00] =	vst v62  }
0x240: {  	s2 =	sadd.s32 $0x40, s30;
	s23 =	sadd.s32 $0x4, s31;
	v48 =	vimm.f32 $0.0e+00;
	v42 =	vimm.f32 $1.000000000e+00;
	v25 =	vlaneseq.u32;
	[tilespmem:s0+$0x14400] =	vst v63  }
0x241: {  	s2 =	rddreg [dreg:$0x13]  }
0x242: {  	s1 =	rddreg [dreg:$0x2]  }
0x243: {  	s3 =	simm.s32 $0x0;
	s25 =	rddreg [dreg:$0x10];
	s0 =	smul.u32 $0xC0, s2  }
0x244: {  	s23 =	simm.s32 $0x9000;
	s26 =	rddreg [dreg:$0x5];
	p1 =	seq.s32 s25, $0x17  }
0x245: {  	s24 =	smul.u32 $0x600, s2;
	s0 =	sadd.s32 s1, s0;
	s1 =	sadd.s32 @!p1 $0x2, s2  }
0x246: {  	[hbm4b:s0+s3] =	stream.linear.scatter [tilespmem:s23], [sflag:$0x5], $0x600, $0x38;
	[tilespmem:$0x18C00] =	vst v63  }
0x247: {  	s0 =	sadd.s32 s26, s24;
	s2 =	smul.u32 @!p1 $0x780, s1  }
0x248: {  	[hbm4b:s0+s3] =	stream.linear.scatter [tilespmem:s16], [sflag:$0x7], $0x3000, $0x38;
	[tilespmem:$0x18C00] =	vst v63  }
0x249: {  	s0 =	rddreg [dreg:$0x0]  }
0x24a: {  	s1 =	smul.u32 @!p1 $0x180, s1;
	s0 =	sadd.s32 @!p1 s0, s2;
	s2 =	simm.s32 @!p1 $0x0  }
0x24b: {  	[tilespmem:s2], [sflag:$0x1] =	stream.linear.gather @!p1 [hbm4b:s0+s2], $0x3C00, $0x38;
	[tilespmem:$0x18C00] =	vst v63  }
0x24c: {  	s0 =	rddreg [dreg:$0x1]  }
0x24d: {  	s28 =	simm.s32 $0x2;
	s0 =	sadd.s32 @!p1 s0, s1;
	s1 =	simm.s32 @!p1 $0x7800  }
0x24e: {  	[tilespmem:s1], [sflag:$0x3] =	stream.linear.gather @!p1 [hbm4b:s0+s2], $0xC00, $0x38;
	[tilespmem:$0x18C00] =	vst v63  }
0x24f: {  	_ =	swait.ge [sflag:s28], $0x3C00  }
0x250: {  	[sflag:s28] =	ssyncset.done $0x0  }
0x251: {  	s29 =	simm.s32 $0x4;
	[sflag:s28] =	ssyncadd.s32 $0xFFFFC400  }
0x252: {  	_ =	swait.ge [sflag:s29], $0xC00  }
0x253: {  	[sflag:s29] =	ssyncset.done $0x0  }
0x254: {  	s0 =	simm.s32 @!p0 $0x6;
	[sflag:s29] =	ssyncadd.s32 $0xFFFFF400  }
0x255: {  	_ =	swait.ge @!p0 [sflag:s0], $0x600  }
0x256: {  	[sflag:s0] =	ssyncset.done @!p0 $0x0  }
0x257: {  	[sflag:s0] =	ssyncadd.s32 @!p0 $0xFFFFFA00;
	s0 =	simm.s32 @!p0 $0x8  }
0x258: {  	_ =	swait.ge @!p0 [sflag:s0], $0x3000  }
0x259: {  	s30 =	rddreg [dreg:$0x12]  }
0x25a: {  	s31 =	rddreg [dreg:$0x14]  }
0x25b: {  	s23 =	simm.s32 $0x0;
	s1 =	sor.u32 s30, s31  }
0x25c: {  	s2 =	simm.s32 $0x0;
	[sflag:s0] =	ssyncset.done @!p0 $0x0;
	s1 =	sor.u32 $0x80, s1  }
0x25d: {  	[sflag:s0] =	ssyncadd.s32 @!p0 $0xFFFFD000;
	[dreg:$0x8] =	wrdreg s1;
	s1 =	simm.s32 $0xFFFFFFFC  }
.LBB2_5:
0x25e: {  	s1 =	sadd.s32 $0x4, s1  }
0x25f: {  	[smem:$0x7B8] =	sst s2;
	s0 =	sshrl.u32 s1, $0x3  }
0x260: {  	s11 =	sand.u32 $0x40, s2;
	s20 =	sld [smem:$0x7B8];
	s24 =	sshll.u32 s0, $0x9  }
0x261: {  	s2 =	sor.u32 s11, s24  }
0x262: {  	[tilespmem:s2+$0xCC00] =	vst v42  }
0x263: {  	[dreg:$0x16] =	wrdreg s1;
	[tilespmem:s2+$0xCC80] =	vst v42;
	s1 =	sor.u32 s20, s24  }
0x264: {  	s25 =	sadd.s32 $0xD200, s24;
	[tilespmem:s2+$0xCD00] =	vst v42;
	s21 =	sor.u32 $0x180, s1  }
0x265: {  	s3 =	sor.u32 s11, s25;
	[dreg:$0x1a] =	wrdreg s21;
	[tilespmem:s21+$0xCC00] =	vst v48;
	s21 =	sadd.s32 $0xD280, s24  }
0x266: {  	[tilespmem:s3+$0x0] =	vst v42;
	s4 =	sor.u32 s11, s21;
	s3 =	sadd.s32 $0xD300, s24  }
0x267: {  	[tilespmem:s4+$0x0] =	vst v42;
	s5 =	sor.u32 s11, s3;
	s4 =	sadd.s32 $0xD380, s24  }
0x268: {  	s15 =	sadd.s32 $0xD800, s24;
	[tilespmem:s5+$0x0] =	vst v42;
	s6 =	sor.u32 s11, s4  }
0x269: {  	s26 =	sadd.s32 $0xD880, s24;
	s7 =	sor.u32 s11, s15;
	[tilespmem:s6+$0x0] =	vst v48  }
0x26a: {  	s17 =	sadd.s32 $0xD900, s24;
	s8 =	sor.u32 s11, s26;
	[tilespmem:s7+$0x0] =	vst v42  }
0x26b: {  	s28 =	sadd.s32 $0xD980, s24;
	s9 =	sor.u32 s11, s17;
	[tilespmem:s8+$0x0] =	vst v42  }
0x26c: {  	s10 =	sor.u32 s11, s28;
	s5 =	sadd.s32 $0xDE00, s24;
	[tilespmem:s9+$0x0] =	vst v42  }
0x26d: {  	s29 =	sadd.s32 $0xDE80, s24;
	s12 =	sor.u32 s11, s5;
	[tilespmem:s10+$0x0] =	vst v48  }
0x26e: {  	s13 =	sor.u32 s11, s29;
	s7 =	sadd.s32 $0xDF00, s24;
	[tilespmem:s12+$0x0] =	vst v42  }
0x26f: {  	s14 =	sor.u32 s11, s7;
	s8 =	sadd.s32 $0xDF80, s24;
	[tilespmem:s13+$0x0] =	vst v42  }
0x270: {  	s30 =	sor.u32 s11, s8;
	s9 =	sadd.s32 $0xE400, s24;
	[tilespmem:s14+$0x0] =	vst v42  }
0x271: {  	s31 =	sor.u32 s11, s9;
	s10 =	sadd.s32 $0xE480, s24;
	[tilespmem:s30+$0x0] =	vst v48  }
0x272: {  	[dreg:$0x1c] =	wrdreg s2;
	s1 =	sor.u32 s11, s10;
	s12 =	sadd.s32 $0xE500, s24;
	[tilespmem:s31+$0x0] =	vst v42  }
0x273: {  	s2 =	smov.u32 s25;
	s6 =	sor.u32 s11, s12;
	s13 =	sadd.s32 $0xE580, s24;
	[tilespmem:s1+$0x0] =	vst v42  }
0x274: {  	[smem:$0x783] =	sst s26;
	s18 =	sor.u32 s11, s13;
	s30 =	sadd.s32 $0xEA00, s24;
	[tilespmem:s6+$0x0] =	vst v42  }
0x275: {  	[smem:$0x785] =	sst s28;
	s19 =	sor.u32 s11, s30;
	[tilespmem:s18+$0x0] =	vst v48;
	s18 =	sadd.s32 $0xEA80, s24  }
0x276: {  	[smem:$0x787] =	sst s29;
	[tilespmem:s19+$0x0] =	vst v42;
	s20 =	sor.u32 s11, s18;
	s19 =	sadd.s32 $0xEB00, s24  }
0x277: {  	s28 =	sadd.s32 $0xF000, s24;
	[tilespmem:s20+$0x0] =	vst v42;
	s25 =	sor.u32 s11, s19;
	s20 =	sadd.s32 $0xEB80, s24  }
0x278: {  	[smem:$0x77A] =	sst s28;
	[tilespmem:s25+$0x0] =	vst v42;
	s26 =	sor.u32 s11, s20  }
0x279: {  	s29 =	sor.u32 s11, s28;
	s28 =	sadd.s32 $0xF180, s24;
	s31 =	sadd.s32 $0xF080, s24;
	[tilespmem:s26+$0x0] =	vst v48  }
0x27a: {  	[smem:$0x797] =	sst s28;
	s6 =	sor.u32 s11, s31;
	s25 =	sadd.s32 $0xF100, s24;
	[tilespmem:s29+$0x0] =	vst v42  }
0x27b: {  	[smem:$0x77B] =	sst s31;
	s31 =	sadd.s32 $0xF600, s24;
	s26 =	sor.u32 s11, s25;
	[tilespmem:s6+$0x0] =	vst v42  }
0x27c: {  	[smem:$0x798] =	sst s31;
	s29 =	sor.u32 s11, s28;
	[tilespmem:s26+$0x0] =	vst v42  }
0x27d: {  	[smem:$0x796] =	sst s25;
	s25 =	sadd.s32 $0xF680, s24;
	s6 =	sor.u32 s11, s31;
	[tilespmem:s29+$0x0] =	vst v48  }
0x27e: {  	[smem:$0x773] =	sst s25;
	s28 =	sadd.s32 $0xF700, s24;
	s26 =	sor.u32 s11, s25;
	[tilespmem:s6+$0x0] =	vst v42  }
0x27f: {  	s31 =	sadd.s32 $0xF780, s24;
	s25 =	sshll.u32 s0, $0xA;
	s29 =	sor.u32 s11, s28;
	[tilespmem:s26+$0x0] =	vst v42  }
0x280: {  	s1 =	sor.u32 s11, s31;
	s6 =	sadd.s32 $0x6F80, s25;
	[tilespmem:s29+$0x0] =	vst v42  }
0x281: {  	s14 =	sor.u32 s11, s6;
	[tilespmem:s1+$0x0] =	vst v48  }
0x282: {  	v0 =	vld [tilespmem:s14+$0x0];
	_ =	sdelay $0x2  }
0x283: {  	[smem:$0x774] =	sst s28  }
0x284: {  	s28 =	sld [smem:$0x7B8]  }
0x285: {  	[dreg:$0x18] =	wrdreg s23;
	s23 =	sshll.u32 s23, $0x7;
	v1 =	vadd.f32 $8.388608000e+06, v0  }
0x286: {  	[smem:$0x79B] =	sst s31;
	s31 =	sadd.s32 $0x6380, s25;
	s26 =	sand.u32 $0xFFFFFC00, s23  }
0x287: {  	[smem:$0x7A0] =	sst s31;
	s0 =	sadd.s32 s26, s28;
	v1 =	vadd.f32 $-8.388608000e+06, v1  }
0x288: {  	s23 =	sld [smem:$0x7B8];
	s29 =	sor.u32 $0x380, s0  }
0x289: {  	[smem:$0x79D] =	sst s6;
	s1 =	sor.u32 s11, s31;
	v14 =	vld [tilespmem:s29+$0x8400];
	v1 =	vtrunc.f32 v1  }
0x28a: {  	s6 =	sadd.s32 $0x4B80, s25;
	s31 =	sld [smem:$0x7B8];
	v6 =	vld [tilespmem:s1+$0x0];
	v1 =	vcvt.f32.s32 v1  }
0x28b: {  	[smem:$0x77C] =	sst s26;
	s26 =	sor.u32 s11, s6;
	s28 =	sadd.s32 $0x5780, s25;
	v2 =	vld [tilespmem:s29+$0x3C00];
	v3 =	vmov s23  }
0x28c: {  	v4 =	vld [tilespmem:s26+$0x0];
	s29 =	sor.u32 s11, s28;
	v3 =	vshll.u32 v3, $0x2;
	v1 =	vmul.u32 $0x600, v1  }
0x28d: {  	v5 =	vld [tilespmem:s29+$0x0];
	v7 =	vor.u32 s31, v25;
	v18 =	vand.u32 $0x600, v3  }
0x28e: {  	v23 =	vand.u32 $0x4F, v7;
	vm3 =	vge.f32 v14, $0.0e+00;
	v1 =	vadd.s32 v18, v1  }
0x28f: {  	v24 =	vor.u32 $0x80, v23;
	v19 =	vor.u32 $0x100, v23;
	v43 =	vor.u32 v23, v1  }
0x290: {  	v31 =	vsub.f32 $1.000000000e+00, v6;
	v2 =	vmul.f32 v6, v2;
	v8 =	vor.u32 v1, v24  }
0x291: {  	v50 =	vor.u32 $0x180, v23;
	v4 =	vmul.f32 v6, v4;
	v9 =	vor.u32 v1, v19  }
0x292: {  	v44 =	vmul.f32 v6, v5;
	v21 =	vadd.f32 v31, v2;
	v1 =	vor.u32 v1, v50  }
0x293: {  	v26 =	vadd.f32 v31, v4  }
0x294: {  	v7 =	vadd.f32 v31, v44;
	[tilespmem:v43+s22+$0x0] =	vst.idx.msk vm3, v21  }
0x295: {  	[tilespmem:v8+s22+$0x0] =	vst.idx.msk vm3, v26  }
0x296: {  	[smem:$0x775] =	sst s0;
	s0 =	sadd.s32 $0x6F00, s25;
	[tilespmem:v9+s22+$0x0] =	vst.idx.msk vm3, v7  }
0x297: {  	s1 =	sor.u32 s11, s0;
	[tilespmem:v1+s22+$0x0] =	vst.idx.msk vm3, v6  }
0x298: {  	v4 =	vld [tilespmem:s1+$0x0];
	_ =	sdelay $0x4  }
0x299: {  	v45 =	vadd.f32 $8.388608000e+06, v4;
	_ =	sdelay $0x1  }
0x29a: {  	[smem:$0x7A3] =	sst s28;
	v1 =	vadd.f32 $-8.388608000e+06, v45  }
0x29b: {  	s14 =	sadd.s32 $0x6300, s25;
	s31 =	sor.u32 s11, s25;
	s1 =	sld [smem:$0x7B8]  }
0x29c: {  	[smem:$0x782] =	sst s0;
	s23 =	sor.u32 s11, s14;
	v16 =	vld [tilespmem:s31+$0x8700];
	v1 =	vtrunc.f32 v1  }
0x29d: {  	s26 =	sadd.s32 $0x4B00, s25;
	[smem:$0x7A7] =	sst s14;
	v15 =	vld [tilespmem:s23+$0x0];
	v1 =	vcvt.f32.s32 v1  }
0x29e: {  	s28 =	sor.u32 s11, s26;
	s29 =	sadd.s32 $0x5700, s25;
	v46 =	vld [tilespmem:s31+$0x3F00];
	s14 =	sadd.s32 $0x10, s1  }
0x29f: {  	[smem:$0x78B] =	sst s26;
	s0 =	sor.u32 s11, s29;
	v3 =	vld [tilespmem:s28+$0x0];
	s26 =	sand.u32 $0x50, s14;
	v1 =	vmul.u32 $0x600, v1  }
0x2a0: {  	v47 =	vld [tilespmem:s0+$0x0];
	s28 =	sor.u32 s24, s26  }
0x2a1: {  	vm1 =	vge.f32 v16, $0.0e+00;
	[tilespmem:s28+$0xCC00] =	vst v42;
	v1 =	vadd.s32 v18, v1  }
0x2a2: {  	[smem:$0x7A1] =	sst s6;
	s6 =	sor.u32 s14, s24;
	[tilespmem:s28+$0xCC80] =	vst v42;
	v49 =	vor.u32 v23, v1  }
0x2a3: {  	v32 =	vsub.f32 $1.000000000e+00, v15;
	v34 =	vmul.f32 v15, v46;
	s23 =	sor.u32 $0x180, s6;
	[tilespmem:s28+$0xCD00] =	vst v42;
	v51 =	vor.u32 v1, v24  }
0x2a4: {  	[smem:$0x7A8] =	sst s29;
	v35 =	vmul.f32 v15, v3;
	s29 =	sor.u32 s26, s2;
	[tilespmem:s23+$0xCC00] =	vst v48;
	v52 =	vor.u32 v1, v19  }
0x2a5: {  	v8 =	vmul.f32 v15, v47;
	v53 =	vadd.f32 v32, v34;
	[tilespmem:s29+$0x0] =	vst v42;
	s29 =	sor.u32 s26, s21;
	v1 =	vor.u32 v1, v50  }
0x2a6: {  	v10 =	vadd.f32 v32, v35;
	[tilespmem:s29+$0x0] =	vst v42  }
0x2a7: {  	[smem:$0x781] =	sst s15;
	v54 =	vadd.f32 v32, v8;
	[tilespmem:v49+s22+$0x0] =	vst.idx.msk vm1, v53  }
0x2a8: {  	[smem:$0x776] =	sst s17;
	[tilespmem:v51+s22+$0x0] =	vst.idx.msk vm1, v10  }
0x2a9: {  	[smem:$0x780] =	sst s4;
	[tilespmem:v52+s22+$0x0] =	vst.idx.msk vm1, v54  }
0x2aa: {  	s0 =	sor.u32 s26, s3;
	[smem:$0x7B3] =	sst s28;
	[tilespmem:v1+s22+$0x0] =	vst.idx.msk vm1, v15;
	s22 =	sadd.s32 $0x6E80, s25  }
0x2ab: {  	s1 =	sor.u32 s26, s4;
	[tilespmem:s0+$0x0] =	vst v42;
	[smem:$0x791] =	sst s22  }
0x2ac: {  	[tilespmem:s1+$0x0] =	vst v48;
	s28 =	sor.u32 s11, s22;
	s22 =	smov.u32 s4;
	s4 =	sor.u32 s26, s15  }
0x2ad: {  	v2 =	vld [tilespmem:s28+$0x0];
	[tilespmem:s4+$0x0] =	vst v42;
	s4 =	sld [smem:$0x783]  }
0x2ae: {  	[smem:$0x77F] =	sst s21  }
0x2af: {  	s6 =	smov.u32 s21;
	s21 =	sor.u32 s26, s17;
	s17 =	sld [smem:$0x785]  }
0x2b0: {  	[smem:$0x786] =	sst s5;
	s15 =	sor.u32 s26, s4  }
0x2b1: {  	s29 =	sor.u32 s26, s5;
	s5 =	sld [smem:$0x787];
	[tilespmem:s15+$0x0] =	vst v42  }
0x2b2: {  	s28 =	sor.u32 s26, s17;
	v55 =	vadd.f32 $8.388608000e+06, v2;
	[tilespmem:s21+$0x0] =	vst v42  }
0x2b3: {  	[tilespmem:s28+$0x0] =	vst v48  }
0x2b4: {  	[smem:$0x777] =	sst s7;
	s15 =	sor.u32 s26, s5;
	v1 =	vadd.f32 $-8.388608000e+06, v55;
	[tilespmem:s29+$0x0] =	vst v42  }
0x2b5: {  	[smem:$0x778] =	sst s8;
	s1 =	sadd.s32 $0x6280, s25;
	s28 =	sor.u32 s26, s7;
	[tilespmem:s15+$0x0] =	vst v42  }
0x2b6: {  	[smem:$0x79C] =	sst s1;
	v13 =	vld [tilespmem:s31+$0x8680];
	s21 =	sor.u32 s11, s1;
	s1 =	sor.u32 s26, s8;
	v1 =	vtrunc.f32 v1;
	[tilespmem:s28+$0x0] =	vst v42  }
0x2b7: {  	[smem:$0x78C] =	sst s10;
	v3 =	vld [tilespmem:s31+$0x3E80];
	s15 =	sor.u32 s26, s9;
	v1 =	vcvt.f32.s32 v1;
	[tilespmem:s1+$0x0] =	vst v48  }
0x2b8: {  	[smem:$0x78D] =	sst s12;
	v12 =	vld [tilespmem:s21+$0x0];
	s29 =	sadd.s32 $0x4A80, s25;
	s28 =	sor.u32 s26, s10;
	[tilespmem:s15+$0x0] =	vst v42  }
0x2b9: {  	s8 =	sadd.s32 $0x5680, s25;
	s7 =	sor.u32 s11, s29;
	s1 =	sor.u32 s26, s12;
	v1 =	vmul.u32 $0x600, v1;
	[tilespmem:s28+$0x0] =	vst v42  }
0x2ba: {  	[smem:$0x79F] =	sst s8;
	s21 =	sor.u32 s11, s8;
	s8 =	sor.u32 s26, s13;
	v5 =	vld [tilespmem:s7+$0x0];
	[tilespmem:s1+$0x0] =	vst v42  }
0x2bb: {  	[smem:$0x78E] =	sst s13;
	vm0 =	vge.f32 v13, $0.0e+00;
	v9 =	vld [tilespmem:s21+$0x0];
	s10 =	sor.u32 s26, s30;
	v1 =	vadd.s32 v18, v1;
	[tilespmem:s8+$0x0] =	vst v48  }
0x2bc: {  	s21 =	sld [smem:$0x77A];
	s7 =	smov.u32 s12;
	s12 =	sor.u32 s26, s18;
	v11 =	vor.u32 v23, v1;
	[tilespmem:s10+$0x0] =	vst v42  }
0x2bd: {  	[smem:$0x779] =	sst s30;
	s13 =	sor.u32 s26, s19;
	v17 =	vsub.f32 $1.000000000e+00, v12;
	v10 =	vmul.f32 v12, v3;
	[tilespmem:s12+$0x0] =	vst v42  }
0x2be: {  	s30 =	sld [smem:$0x77B];
	s15 =	sor.u32 s26, s20;
	v56 =	vor.u32 v1, v24;
	[tilespmem:s13+$0x0] =	vst v42  }
0x2bf: {  	s28 =	sor.u32 s26, s21;
	v58 =	vadd.f32 v17, v10;
	v29 =	vmul.f32 v12, v5;
	[tilespmem:s15+$0x0] =	vst v48  }
0x2c0: {  	s0 =	simm.s32 $0xCC00;
	v27 =	vmul.f32 v12, v9;
	v57 =	vor.u32 v1, v19;
	s13 =	sld [smem:$0x796];
	[tilespmem:s28+$0x0] =	vst v42  }
0x2c1: {  	[smem:$0x792] =	sst s19;
	s8 =	sor.u32 s26, s30;
	v1 =	vor.u32 v1, v50;
	v20 =	vadd.f32 v17, v29;
	[tilespmem:v11+s0+$0x0] =	vst.idx.msk vm0, v58  }
0x2c2: {  	[smem:$0x793] =	sst s20;
	s10 =	smov.u32 s19;
	s19 =	sadd.s32 $0x6E00, s25;
	[tilespmem:s8+$0x0] =	vst v42  }
0x2c3: {  	v59 =	vadd.f32 v17, v27;
	[smem:$0x77E] =	sst s19;
	s15 =	sor.u32 s26, s13;
	[tilespmem:v56+s0+$0x0] =	vst.idx.msk vm0, v20  }
0x2c4: {  	s12 =	smov.u32 s20;
	s20 =	sor.u32 s11, s19;
	s19 =	sld [smem:$0x797];
	[tilespmem:s15+$0x0] =	vst v42  }
0x2c5: {  	s13 =	sld [smem:$0x798];
	[tilespmem:v57+s0+$0x0] =	vst.idx.msk vm0, v59  }
0x2c6: {  	s15 =	sld [smem:$0x773];
	[tilespmem:v1+s0+$0x0] =	vst.idx.msk vm0, v12  }
0x2c7: {  	v5 =	vld [tilespmem:s20+$0x0];
	s20 =	sor.u32 s26, s19;
	s19 =	sld [smem:$0x774]  }
0x2c8: {  	s21 =	sor.u32 s26, s13;
	[tilespmem:s20+$0x0] =	vst v48  }
0x2c9: {  	s28 =	sor.u32 s26, s15;
	[tilespmem:s21+$0x0] =	vst v42  }
0x2ca: {  	[smem:$0x79E] =	sst s29;
	[tilespmem:s28+$0x0] =	vst v42;
	s30 =	sor.u32 s26, s19  }
0x2cb: {  	s29 =	sadd.s32 $0x4A00, s25;
	[tilespmem:s30+$0x0] =	vst v42;
	s30 =	sld [smem:$0x79B]  }
0x2cc: {  	s1 =	sor.u32 s11, s29;
	s20 =	sld [smem:$0x79D]  }
0x2cd: {  	[dreg:$0x1e] =	wrdreg s23;
	v3 =	vld [tilespmem:s1+$0x0];
	s1 =	sadd.s32 $0x5600, s25;
	v60 =	vadd.f32 $8.388608000e+06, v5  }
0x2ce: {  	[smem:$0x789] =	sst s1;
	s8 =	sor.u32 s26, s30  }
0x2cf: {  	v28 =	vld [tilespmem:s31+$0x8600];
	s21 =	sor.u32 s26, s20;
	v1 =	vadd.f32 $-8.388608000e+06, v60;
	[tilespmem:s8+$0x0] =	vst v48;
	s8 =	sor.u32 s11, s1;
	s1 =	sld [smem:$0x775]  }
0x2d0: {  	s23 =	sld [smem:$0x7A3];
	v61 =	vld [tilespmem:s21+$0x0]  }
0x2d1: {  	[smem:$0x788] =	sst s29;
	v9 =	vld [tilespmem:s31+$0x3E00];
	s28 =	sadd.s32 $0x6200, s25;
	v1 =	vtrunc.f32 v1  }
0x2d2: {  	s29 =	sor.u32 s11, s28;
	v11 =	vld [tilespmem:s8+$0x0];
	s8 =	sld [smem:$0x7A0];
	v1 =	vcvt.f32.s32 v1;
	s20 =	sadd.s32 $0x10, s1  }
0x2d3: {  	v30 =	vld [tilespmem:s29+$0x0];
	[smem:$0x795] =	sst s20;
	s21 =	sor.u32 $0x380, s20  }
0x2d4: {  	v1 =	vmul.u32 $0x600, v1;
	s20 =	sld [smem:$0x7B8];
	v45 =	vld [tilespmem:s21+$0x8400]  }
0x2d5: {  	v20 =	vadd.f32 $8.388608000e+06, v61  }
0x2d6: {  	[smem:$0x784] =	sst s28;
	vm4 =	vge.f32 v28, $0.0e+00;
	s28 =	sor.u32 s26, s8;
	v1 =	vadd.s32 v18, v1  }
0x2d7: {  	v49 =	vmov s14;
	v44 =	vld [tilespmem:s28+$0x0];
	s28 =	sor.u32 s26, s23;
	v22 =	vor.u32 v23, v1;
	s23 =	sadd.s32 $0x20, s20;
	v20 =	vadd.f32 $-8.388608000e+06, v20  }
0x2d8: {  	v51 =	vor.u32 s14, v25;
	s29 =	sld [smem:$0x7A1];
	v36 =	vsub.f32 $1.000000000e+00, v30;
	v39 =	vmul.f32 v30, v9;
	[tilespmem:$0x1F4F0] =	vst v61;
	s14 =	sand.u32 $0x60, s23  }
0x2d9: {  	v43 =	vld [tilespmem:s28+$0x0];
	s28 =	sor.u32 s24, s14;
	[tilespmem:$0x1F4A0] =	vst v45;
	v20 =	vtrunc.f32 v20  }
0x2da: {  	v63 =	vadd.f32 v36, v39;
	v40 =	vld [tilespmem:s21+$0x3C00];
	v33 =	vor.u32 v1, v24;
	[tilespmem:s28+$0xCC00] =	vst v42;
	v20 =	vcvt.f32.s32 v20  }
0x2db: {  	v9 =	vmul.f32 v30, v3;
	s21 =	sor.u32 s26, s29;
	v38 =	vmul.f32 v30, v11;
	v62 =	vor.u32 v1, v19;
	[tilespmem:s28+$0xCC80] =	vst v42  }
0x2dc: {  	v41 =	vld [tilespmem:s21+$0x0];
	v1 =	vor.u32 v1, v50;
	s21 =	sor.u32 s23, s24;
	[tilespmem:v22+s0+$0x0] =	vst.idx.msk vm4, v63;
	v22 =	vshll.u32 v49, $0x2;
	v20 =	vmul.u32 $0x600, v20  }
0x2dd: {  	v59 =	vand.u32 $0x5F, v51;
	v37 =	vadd.f32 v36, v9;
	[smem:$0x7B4] =	sst s28;
	[tilespmem:s28+$0xCD00] =	vst v42;
	s28 =	sor.u32 $0x180, s21;
	v52 =	vand.u32 $0x600, v22  }
0x2de: {  	v47 =	vadd.f32 v36, v38;
	vm2 =	vge.f32 v45, $0.0e+00;
	[tilespmem:s28+$0xCC00] =	vst v48;
	v20 =	vadd.s32 v52, v20  }
0x2df: {  	v53 =	vmul.f32 v44, v40;
	[tilespmem:v33+s0+$0x0] =	vst.idx.msk vm4, v37;
	v22 =	vor.u32 $0x80, v59;
	v46 =	vor.u32 v59, v20  }
0x2e0: {  	[smem:$0x77D] =	sst s2;
	s20 =	sadd.s32 $0x6D80, s25;
	v63 =	vor.u32 $0x100, v59;
	[tilespmem:v62+s0+$0x0] =	vst.idx.msk vm4, v47;
	v45 =	vmovc v52;
	v52 =	vsub.f32 $1.000000000e+00, v44;
	v54 =	vor.u32 v20, v22  }
0x2e1: {  	v11 =	vor.u32 $0x180, v59;
	s21 =	sor.u32 s11, s20;
	v41 =	vmul.f32 v44, v41;
	[smem:$0x7B5] =	sst s28;
	s28 =	sor.u32 s14, s2;
	[tilespmem:v1+s0+$0x0] =	vst.idx.msk vm4, v30;
	v47 =	vor.u32 v20, v63  }
0x2e2: {  	v43 =	vmul.f32 v44, v43;
	s2 =	sld [smem:$0x782];
	[tilespmem:s28+$0x0] =	vst v42;
	v3 =	vld [tilespmem:s21+$0x0];
	v20 =	vor.u32 v20, v11;
	s21 =	sor.u32 s14, s6;
	v51 =	vadd.f32 v52, v53  }
0x2e3: {  	v55 =	vadd.f32 v52, v41;
	[tilespmem:s21+$0x0] =	vst v42  }
0x2e4: {  	s29 =	sld [smem:$0x781];
	v56 =	vadd.f32 v52, v43;
	[tilespmem:v46+s0+$0x0] =	vst.idx.msk vm2, v51  }
0x2e5: {  	[smem:$0x78F] =	sst s20;
	s20 =	sor.u32 s26, s2;
	[tilespmem:v54+s0+$0x0] =	vst.idx.msk vm2, v55  }
0x2e6: {  	s2 =	smov.u32 s3;
	s6 =	sor.u32 $0x180, s1;
	s21 =	sadd.s32 $0x6180, s25;
	[tilespmem:v47+s0+$0x0] =	vst.idx.msk vm2, v56  }
0x2e7: {  	v37 =	vld [tilespmem:s6+$0x3C00];
	[smem:$0x794] =	sst s21;
	[tilespmem:v20+s0+$0x0] =	vst.idx.msk vm2, v44;
	s0 =	sor.u32 s14, s3;
	s3 =	sadd.s32 $0x4980, s25  }
0x2e8: {  	vm12 =	vgt.f32 v6, $5.000000000e-01;
	v31 =	vmul.f32 $1.000000000e+02, v31;
	v60 =	vmul.f32 v32, v21;
	v21 =	vld [tilespmem:s6+$0x8400];
	s6 =	sor.u32 s11, s21;
	[tilespmem:$0x1F4D0] =	vst v56;
	[smem:$0x799] =	sst s3  }
0x2e9: {  	vm3 =	vmand vm12, vm3;
	v49 =	vmul.f32 v14, v6;
	v58 =	vadd.f32 $8.388608000e+06, v3;
	v1 =	vld [tilespmem:s20+$0x0];
	[tilespmem:s0+$0x0] =	vst v42;
	s20 =	sor.u32 s14, s22;
	s21 =	sor.u32 s11, s3;
	s3 =	sld [smem:$0x776]  }
0x2ea: {  	vm5 =	vgt.f32 v14, $0.0e+00;
	v0 =	vnsel vm3, $0x41000000, v0;
	vm14 =	vgt.f32 v15, $5.000000000e-01;
	s1 =	sor.u32 s14, s29;
	[tilespmem:s20+$0x0] =	vst v48  }
0x2eb: {  	v57 =	vmax.f32 v6, $0.0e+00;
	v31 =	vadd.f32 v49, v31;
	v6 =	vadd.f32 $-8.388608000e+06, v58;
	s20 =	sor.u32 s14, s4;
	v46 =	vld [tilespmem:s21+$0x0];
	s21 =	sld [smem:$0x786];
	[tilespmem:s1+$0x0] =	vst v42  }
0x2ec: {  	v7 =	vmul.f32 v32, v7;
	v61 =	vmul.f32 v32, v26;
	v26 =	vadd.f32 v60, v34;
	[tilespmem:s20+$0x0] =	vst v42;
	s4 =	sor.u32 s14, s3  }
0x2ed: {  	v62 =	vmul.f32 v16, v15;
	v31 =	vnsel vm5, $0x42C80000, v31;
	v6 =	vtrunc.f32 v6;
	s20 =	sor.u32 s14, s17;
	s17 =	sld [smem:$0x777];
	[tilespmem:s4+$0x0] =	vst v42  }
0x2ee: {  	vm1 =	vmand vm14, vm1;
	v43 =	vmul.f32 v32, v31;
	v6 =	vcvt.f32.s32 v6;
	s0 =	sor.u32 s14, s21;
	s4 =	sld [smem:$0x778];
	[tilespmem:s20+$0x0] =	vst v48  }
0x2ef: {  	vm13 =	vgt.f32 v16, $0.0e+00;
	v34 =	vsel vm1, v4, v0;
	v26 =	vmul.f32 v17, v26;
	s28 =	sor.u32 s14, s5;
	s29 =	sadd.s32 $0x5580, s25;
	v14 =	vld [tilespmem:s6+$0x0];
	[tilespmem:s0+$0x0] =	vst v42  }
0x2f0: {  	v41 =	vadd.f32 v7, v8;
	[smem:$0x79A] =	sst s29;
	v7 =	vadd.f32 v62, v43;
	s6 =	sor.u32 s11, s29;
	v6 =	vmul.u32 $0x600, v6;
	s29 =	sor.u32 s14, s17;
	[tilespmem:s28+$0x0] =	vst v42  }
0x2f1: {  	v10 =	vadd.f32 v26, v10;
	v32 =	vmax.f32 v15, v57;
	v49 =	vld [tilespmem:s6+$0x0];
	v47 =	vadd.f32 $8.388608000e+06, v1;
	s5 =	sor.u32 s14, s4;
	[tilespmem:s29+$0x0] =	vst v42  }
0x2f2: {  	v31 =	vsel vm13, v7, v31;
	vm15 =	vge.f32 v21, $0.0e+00;
	v56 =	vadd.s32 v18, v6;
	[tilespmem:s5+$0x0] =	vst v48;
	s5 =	sld [smem:$0x78C]  }
0x2f3: {  	[tilespmem:$0x1F4C0] =	vst v55;
	v20 =	vadd.f32 v61, v35;
	s20 =	sld [smem:$0x7A7];
	v6 =	vor.u32 v23, v56;
	v55 =	vadd.f32 $-8.388608000e+06, v47  }
0x2f4: {  	[smem:$0x78A] =	sst s9;
	[tilespmem:$0x1F4B0] =	vst v51;
	s6 =	sor.u32 s14, s9;
	v7 =	vsub.f32 $1.000000000e+00, v14;
	v26 =	vmul.f32 v14, v37;
	s0 =	sor.u32 s25, s26;
	v35 =	vor.u32 v56, v24  }
0x2f5: {  	s9 =	sld [smem:$0x78B];
	v46 =	vmul.f32 v14, v46;
	v16 =	vor.u32 v56, v19;
	v15 =	vld [tilespmem:s0+$0x8700];
	v0 =	vtrunc.f32 v55;
	[tilespmem:s6+$0x0] =	vst v42;
	s6 =	sor.u32 s14, s5  }
0x2f6: {  	v8 =	vmul.f32 v14, v49;
	v60 =	vadd.f32 v7, v26;
	v57 =	vld [tilespmem:s0+$0x3F00];
	s1 =	sor.u32 s26, s20;
	v0 =	vcvt.f32.s32 v0;
	[tilespmem:s6+$0x0] =	vst v42;
	s6 =	sld [smem:$0x7A8]  }
0x2f7: {  	s22 =	simm.s32 $0xCC00;
	[tilespmem:$0x1F500] =	vst v1;
	v61 =	vor.u32 v56, v50;
	v1 =	vadd.f32 v7, v46;
	v53 =	vld [tilespmem:s1+$0x0]  }
0x2f8: {  	v33 =	vadd.f32 v7, v8;
	s21 =	sor.u32 s26, s9;
	[tilespmem:v6+s22+$0x0] =	vst.idx.msk vm15, v60;
	v0 =	vmul.u32 $0x600, v0  }
0x2f9: {  	v58 =	vld [tilespmem:s21+$0x0];
	[tilespmem:v35+s22+$0x0] =	vst.idx.msk vm15, v1;
	s9 =	sor.u32 s26, s6  }
0x2fa: {  	s21 =	sor.u32 s14, s7;
	s7 =	sld [smem:$0x78E];
	vm5 =	vge.f32 v15, $0.0e+00;
	[tilespmem:v16+s22+$0x0] =	vst.idx.msk vm15, v33;
	v37 =	vadd.s32 v45, v0;
	v51 =	vld [tilespmem:s9+$0x0]  }
0x2fb: {  	s29 =	sadd.s32 $0x6D00, s25;
	[tilespmem:s21+$0x0] =	vst v42;
	v55 =	vor.u32 v59, v37  }
0x2fc: {  	v4 =	vsub.f32 $1.000000000e+00, v53;
	v35 =	vmul.f32 v53, v57;
	[tilespmem:v61+s22+$0x0] =	vst.idx.msk vm15, v14;
	s21 =	sor.u32 s11, s29  }
0x2fd: {  	v56 =	vor.u32 v37, v22;
	v16 =	vld [tilespmem:s21+$0x0];
	s9 =	sor.u32 s14, s7;
	s7 =	sld [smem:$0x779]  }
0x2fe: {  	[tilespmem:$0x1F490] =	vst v52;
	v43 =	vmul.f32 v53, v58;
	v57 =	vor.u32 v37, v63;
	v60 =	vadd.f32 v4, v35  }
0x2ff: {  	s5 =	sld [smem:$0x791];
	v47 =	vor.u32 v37, v11;
	[tilespmem:s9+$0x0] =	vst v48;
	v58 =	vmul.f32 v53, v51  }
0x300: {  	vm6 =	vgt.f32 v13, $0.0e+00;
	vm7 =	vgt.f32 v12, $5.000000000e-01;
	v61 =	vadd.f32 v4, v43;
	s1 =	sor.u32 s14, s7;
	[tilespmem:v55+s22+$0x0] =	vst.idx.msk vm5, v60  }
0x301: {  	[smem:$0x790] =	sst s18;
	v62 =	vmul.f32 v13, v12;
	v54 =	vmul.f32 v17, v31;
	[tilespmem:s1+$0x0] =	vst v42;
	v1 =	vadd.f32 v4, v58  }
0x302: {  	vm0 =	vmand vm7, vm0;
	v20 =	vmul.f32 v17, v20;
	[smem:$0x7A2] =	sst s29;
	s9 =	sor.u32 s26, s5;
	s5 =	sadd.s32 $0x6100, s25;
	v49 =	vadd.f32 $8.388608000e+06, v16;
	[tilespmem:v56+s22+$0x0] =	vst.idx.msk vm5, v61  }
0x303: {  	vm8 =	vgt.f32 v28, $0.0e+00;
	vm9 =	vgt.f32 v30, $5.000000000e-01;
	s18 =	sor.u32 s14, s18;
	v62 =	vadd.f32 v62, v54;
	[smem:$0x7A6] =	sst s5;
	[tilespmem:v57+s22+$0x0] =	vst.idx.msk vm5, v1  }
0x304: {  	v20 =	vadd.f32 v20, v29;
	v33 =	vmul.f32 v36, v10;
	s29 =	sor.u32 s14, s10;
	v10 =	vld [tilespmem:s31+$0x8500];
	s10 =	sor.u32 s11, s5;
	s5 =	sld [smem:$0x797];
	v54 =	vadd.f32 $-8.388608000e+06, v49;
	[tilespmem:v47+s22+$0x0] =	vst.idx.msk vm5, v53  }
0x305: {  	v2 =	vsel vm0, v2, v34;
	v52 =	vmul.f32 v28, v30;
	v17 =	vmul.f32 v17, v41;
	[tilespmem:s18+$0x0] =	vst v42;
	v41 =	vld [tilespmem:s9+$0x0];
	s9 =	sor.u32 s14, s12;
	s12 =	sld [smem:$0x77A]  }
0x306: {  	v13 =	vsel vm6, v62, v31;
	v37 =	vmul.f32 v36, v20;
	v6 =	vld [tilespmem:s10+$0x0];
	s10 =	sld [smem:$0x77B];
	[tilespmem:s29+$0x0] =	vst v42;
	v55 =	vtrunc.f32 v54  }
0x307: {  	v17 =	vadd.f32 v17, v27;
	v28 =	vcvt.f32.s32 v55;
	v47 =	vadd.f32 v33, v39;
	[tilespmem:s9+$0x0] =	vst v48;
	s9 =	sld [smem:$0x796]  }
0x308: {  	v31 =	vmul.f32 v36, v13;
	v27 =	vmax.f32 v12, v32;
	s21 =	sadd.s32 $0x4900, s25;
	v9 =	vadd.f32 v37, v9;
	v56 =	vld [tilespmem:s31+$0x3D00];
	[tilespmem:$0x1F4E0] =	vst v58;
	s18 =	sor.u32 s14, s12  }
0x309: {  	v40 =	vmul.f32 v36, v17;
	[smem:$0x7A4] =	sst s21;
	s1 =	sor.u32 s11, s21;
	s21 =	sor.u32 s14, s10;
	v61 =	vmul.u32 $0x600, v28;
	v62 =	vld [tilespmem:s0+$0x8680];
	v17 =	vmul.f32 v7, v47;
	[tilespmem:s18+$0x0] =	vst v42  }
0x30a: {  	v34 =	vmax.f32 v30, v27;
	v27 =	vadd.f32 v52, v31;
	v60 =	vmul.f32 v7, v9;
	s18 =	sor.u32 s14, s9;
	s9 =	sor.u32 s14, s5;
	s5 =	sld [smem:$0x79C];
	[tilespmem:$0x1F550] =	vst v41  }
0x30b: {  	vm10 =	vge.f32 v10, $0.0e+00;
	v51 =	vld [tilespmem:s1+$0x0];
	s29 =	sadd.s32 $0x5500, s25;
	v9 =	vadd.f32 v17, v26;
	v17 =	vadd.s32 v18, v61;
	[tilespmem:s21+$0x0] =	vst v42  }
0x30c: {  	v13 =	vsel vm8, v27, v13;
	v20 =	vld [tilespmem:s0+$0x3E80];
	v27 =	vor.u32 v23, v17;
	v57 =	vadd.f32 $8.388608000e+06, v41;
	s21 =	sor.u32 s11, s29;
	[tilespmem:s18+$0x0] =	vst v42  }
0x30d: {  	v12 =	vadd.f32 v40, v38;
	v38 =	vsub.f32 $1.000000000e+00, v6;
	v30 =	vmul.f32 v6, v56;
	v58 =	vld [tilespmem:s21+$0x0];
	s18 =	sld [smem:$0x79E];
	[tilespmem:s9+$0x0] =	vst v48;
	s9 =	sor.u32 s26, s5  }
0x30e: {  	s1 =	sor.u32 s14, s13;
	[smem:$0x7A5] =	sst s29;
	[tilespmem:$0x1F540] =	vst v62;
	v26 =	vadd.f32 $-8.388608000e+06, v57;
	v40 =	vld [tilespmem:s9+$0x0]  }
0x30f: {  	s13 =	sor.u32 s14, s15;
	v33 =	vadd.f32 v38, v30;
	v41 =	vor.u32 v17, v24;
	[tilespmem:s1+$0x0] =	vst v42;
	s9 =	sld [smem:$0x79F]  }
0x310: {  	vm3 =	vmand vm9, vm4;
	v29 =	vmul.f32 v6, v51;
	s29 =	sor.u32 s14, s30;
	s30 =	sld [smem:$0x79D];
	s21 =	sor.u32 s26, s18;
	[tilespmem:s13+$0x0] =	vst v42;
	v26 =	vtrunc.f32 v26  }
0x311: {  	v36 =	vsel vm3, v5, v2;
	v55 =	vor.u32 v17, v19;
	[tilespmem:v27+s22+$0x0] =	vst.idx.msk vm10, v33;
	v5 =	vld [tilespmem:s21+$0x0];
	s21 =	sor.u32 s14, s19;
	v26 =	vcvt.f32.s32 v26  }
0x312: {  	v37 =	vadd.f32 v38, v29;
	v17 =	vor.u32 v17, v50;
	[tilespmem:s21+$0x0] =	vst v42;
	v32 =	vmul.f32 v6, v58;
	s13 =	sor.u32 s26, s9  }
0x313: {  	v31 =	vadd.f32 v60, v46;
	s5 =	sor.u32 s14, s30;
	[tilespmem:s29+$0x0] =	vst v48;
	v46 =	vld [tilespmem:s13+$0x0];
	v26 =	vmul.u32 $0x600, v26;
	s13 =	sld [smem:$0x77C];
	v20 =	vmul.f32 v40, v20  }
0x314: {  	[tilespmem:v41+s22+$0x0] =	vst.idx.msk vm10, v37;
	v0 =	vld [tilespmem:s5+$0x0];
	v54 =	vadd.f32 v38, v32  }
0x315: {  	vm6 =	vge.f32 v62, $0.0e+00;
	v56 =	vadd.s32 v45, v26;
	[tilespmem:$0x1F510] =	vst v20  }
0x316: {  	s18 =	smov.u32 s15;
	s15 =	smov.u32 s19;
	v27 =	vor.u32 v59, v56;
	v5 =	vmul.f32 v40, v5;
	s19 =	sadd.s32 s13, s23;
	[tilespmem:v55+s22+$0x0] =	vst.idx.msk vm10, v54  }
0x317: {  	v60 =	vsub.f32 $1.000000000e+00, v40;
	v39 =	vor.u32 v56, v22;
	s21 =	sor.u32 $0x380, s19;
	[tilespmem:v17+s22+$0x0] =	vst.idx.msk vm10, v6  }
0x318: {  	[tilespmem:$0x1F520] =	vst v5;
	v33 =	vmul.f32 v40, v46;
	v61 =	vld [tilespmem:s21+$0x8400]  }
0x319: {  	v37 =	vadd.f32 v60, v20;
	v49 =	vor.u32 v56, v63;
	[tilespmem:$0x1F680] =	vst v0  }
0x31a: {  	s1 =	sld [smem:$0x7B8];
	v52 =	vor.u32 v56, v11;
	v57 =	vadd.f32 v60, v5;
	[tilespmem:$0x1F530] =	vst v33  }
0x31b: {  	v28 =	vadd.f32 $8.388608000e+06, v0;
	[tilespmem:v27+s22+$0x0] =	vst.idx.msk vm6, v37  }
0x31c: {  	s29 =	sor.u32 s14, s8;
	v62 =	vadd.f32 v60, v33;
	[tilespmem:v39+s22+$0x0] =	vst.idx.msk vm6, v57  }
0x31d: {  	s5 =	sld [smem:$0x7A1];
	v41 =	vadd.f32 $-8.388608000e+06, v28;
	v28 =	vld [tilespmem:s29+$0x0];
	s29 =	sadd.s32 $0x30, s1;
	[tilespmem:$0x1F5C0] =	vst v61  }
0x31e: {  	v51 =	vmov s23;
	v55 =	vor.u32 s23, v25;
	[smem:$0x7AD] =	sst s19;
	s23 =	sand.u32 $0x70, s29;
	[tilespmem:v49+s22+$0x0] =	vst.idx.msk vm6, v62  }
0x31f: {  	v2 =	vmul.f32 v21, v14;
	s19 =	sld [smem:$0x7A3];
	s9 =	sor.u32 s24, s23;
	[tilespmem:v52+s22+$0x0] =	vst.idx.msk vm6, v40  }
0x320: {  	vm11 =	vgt.f32 v21, $0.0e+00;
	v47 =	vmul.f32 v7, v13;
	s8 =	sor.u32 s14, s5;
	s5 =	sld [smem:$0x77D];
	v20 =	vmovc v11;
	v58 =	vld [tilespmem:s21+$0x3C00];
	v11 =	vtrunc.f32 v41;
	[tilespmem:s9+$0xCC00] =	vst v42  }
0x321: {  	vm12 =	vgt.f32 v14, $5.000000000e-01;
	v7 =	vmul.f32 v7, v12;
	s1 =	sor.u32 s29, s24;
	v21 =	vcvt.f32.s32 v11;
	[smem:$0x7B6] =	sst s9;
	v52 =	vld [tilespmem:s8+$0x0];
	[tilespmem:s9+$0xCC80] =	vst v42  }
0x322: {  	vm1 =	vmand vm12, vm15;
	v51 =	vshll.u32 v51, $0x2;
	v47 =	vadd.f32 v2, v47;
	s24 =	sor.u32 $0x180, s1;
	[tilespmem:s9+$0xCD00] =	vst v42;
	s9 =	sld [smem:$0x77F]  }
0x323: {  	s28 =	sadd.s32 $0x6C80, s25;
	v7 =	vadd.f32 v7, v8;
	v46 =	vsel vm1, v3, v36;
	s1 =	sor.u32 s23, s5;
	[tilespmem:s24+$0xCC00] =	vst v48;
	v8 =	vmul.u32 $0x600, v21  }
0x324: {  	s30 =	sor.u32 s11, s28;
	v27 =	vand.u32 $0x600, v51;
	vm1 =	vge.f32 v61, $0.0e+00;
	v21 =	vand.u32 $0x6F, v55;
	[tilespmem:s1+$0x0] =	vst v42  }
0x325: {  	v2 =	vld [tilespmem:s30+$0x0];
	s21 =	sor.u32 s14, s19;
	v12 =	vsub.f32 $1.000000000e+00, v28;
	v17 =	vmul.f32 v28, v58;
	[tilespmem:$0x1F5D0] =	vst v28;
	s1 =	sor.u32 s23, s9;
	v8 =	vadd.s32 v27, v8  }
0x326: {  	v34 =	vmax.f32 v14, v34;
	s19 =	sld [smem:$0x77E];
	v56 =	vld [tilespmem:s21+$0x0];
	[tilespmem:s1+$0x0] =	vst v42;
	v36 =	vor.u32 v21, v8;
	v14 =	vmul.f32 v28, v52  }
0x327: {  	[smem:$0x7B7] =	sst s24;
	s24 =	sor.u32 s23, s2;
	v58 =	vadd.f32 v12, v17;
	[tilespmem:$0x1F5B0] =	vst v12  }
0x328: {  	v54 =	vmul.f32 v38, v9;
	s21 =	sadd.s32 $0x4880, s25;
	v5 =	vor.u32 $0x80, v21;
	[tilespmem:s24+$0x0] =	vst v42;
	v51 =	vadd.f32 v12, v14  }
0x329: {  	[smem:$0x7A9] =	sst s28;
	s30 =	sadd.s32 $0x6080, s25;
	s28 =	sor.u32 s11, s21;
	v11 =	vor.u32 $0x100, v21;
	v61 =	vor.u32 v8, v5;
	[tilespmem:$0x1F600] =	vst v58  }
0x32a: {  	[smem:$0x7AA] =	sst s30;
	v39 =	vsel vm11, v47, v13;
	v47 =	vadd.f32 v54, v30;
	v49 =	vld [tilespmem:s28+$0x0];
	s8 =	sor.u32 s26, s19;
	v62 =	vor.u32 v8, v11;
	[tilespmem:$0x1F620] =	vst v51  }
0x32b: {  	[smem:$0x7AB] =	sst s21;
	v57 =	vadd.f32 $8.388608000e+06, v2;
	v30 =	vld [tilespmem:s8+$0x0];
	s2 =	sor.u32 s11, s30;
	v9 =	vmul.f32 v28, v56;
	v37 =	vor.u32 $0x180, v21;
	[tilespmem:v36+s22+$0x0] =	vst.idx.msk vm1, v58  }
0x32c: {  	v54 =	vor.u32 v8, v37;
	v8 =	vld [tilespmem:s2+$0x0];
	s1 =	sld [smem:$0x780]  }
0x32d: {  	v3 =	vadd.f32 $-8.388608000e+06, v57;
	v56 =	vadd.f32 v12, v9  }
0x32e: {  	[tilespmem:v61+s22+$0x0] =	vst.idx.msk vm1, v51;
	s28 =	sld [smem:$0x782]  }
0x32f: {  	s5 =	sadd.s32 $0x5480, s25;
	v3 =	vtrunc.f32 v3;
	v9 =	vld [tilespmem:s31+$0x8480];
	[tilespmem:v62+s22+$0x0] =	vst.idx.msk vm1, v56;
	s8 =	sld [smem:$0x781];
	s1 =	sor.u32 s23, s1  }
0x330: {  	v31 =	vmul.f32 v38, v31;
	v33 =	vmov v28;
	v3 =	vcvt.f32.s32 v3;
	v57 =	vld [tilespmem:s31+$0x3C80];
	s21 =	sld [smem:$0x783];
	[tilespmem:s1+$0x0] =	vst v48;
	s1 =	sor.u32 s11, s5  }
0x331: {  	v55 =	vmul.f32 v38, v39;
	v52 =	vmul.f32 v10, v6;
	[smem:$0x7AC] =	sst s5;
	[tilespmem:v54+s22+$0x0] =	vst.idx.msk vm1, v33;
	s9 =	sor.u32 s14, s28;
	v61 =	vld [tilespmem:s1+$0x0]  }
0x332: {  	vm13 =	vgt.f32 v10, $0.0e+00;
	v7 =	vmul.f32 v38, v7;
	v3 =	vmul.u32 $0x600, v3;
	[tilespmem:$0x1F650] =	vst v56;
	s5 =	sld [smem:$0x785];
	s1 =	sor.u32 s23, s8;
	v0 =	vld [tilespmem:s9+$0x0]  }
0x333: {  	vm14 =	vgt.f32 v6, $5.000000000e-01;
	v29 =	vadd.f32 v31, v29;
	s24 =	sor.u32 s23, s3;
	v14 =	vadd.f32 v52, v55;
	s3 =	sld [smem:$0x784];
	[tilespmem:s1+$0x0] =	vst v42;
	s1 =	sor.u32 s23, s21  }
0x334: {  	v32 =	vadd.f32 v7, v32;
	v3 =	vadd.s32 v18, v3;
	vm15 =	vge.f32 v9, $0.0e+00;
	s8 =	sld [smem:$0x786];
	[tilespmem:s1+$0x0] =	vst v42  }
0x335: {  	v7 =	vmax.f32 v6, v34;
	v14 =	vsel vm13, v14, v39;
	v31 =	vor.u32 v23, v3;
	s9 =	sld [smem:$0x787];
	s1 =	sor.u32 s23, s5;
	[tilespmem:s24+$0x0] =	vst v42  }
0x336: {  	v58 =	vadd.f32 $8.388608000e+06, v30;
	v39 =	vsub.f32 $1.000000000e+00, v8;
	v13 =	vld [tilespmem:s0+$0x3E00];
	s30 =	sor.u32 s26, s3;
	v6 =	vmul.f32 v8, v57;
	[tilespmem:s1+$0x0] =	vst v48  }
0x337: {  	v33 =	vor.u32 v3, v24;
	v36 =	vld [tilespmem:s30+$0x0];
	s1 =	sor.u32 s23, s8;
	[tilespmem:$0x1F690] =	vst v0  }
0x338: {  	v17 =	vmul.f32 v8, v49;
	v62 =	vadd.f32 $-8.388608000e+06, v58;
	s30 =	sld [smem:$0x788];
	v12 =	vadd.f32 v39, v6;
	[tilespmem:s1+$0x0] =	vst v42;
	s1 =	sor.u32 s23, s9  }
0x339: {  	v54 =	vor.u32 v3, v19;
	[tilespmem:s1+$0x0] =	vst v42  }
0x33a: {  	s17 =	sor.u32 s23, s17;
	v41 =	vld [tilespmem:s0+$0x8600];
	v10 =	vtrunc.f32 v62;
	v34 =	vmul.f32 v8, v61;
	v61 =	vadd.f32 v39, v17;
	[tilespmem:v31+s22+$0x0] =	vst.idx.msk vm15, v12  }
0x33b: {  	v55 =	vor.u32 v3, v50;
	v10 =	vcvt.f32.s32 v10;
	s21 =	sor.u32 s23, s4;
	s24 =	sor.u32 s26, s30;
	s8 =	sld [smem:$0x78A];
	[tilespmem:s17+$0x0] =	vst v42  }
0x33c: {  	s4 =	sor.u32 s14, s20;
	s20 =	sld [smem:$0x78C];
	v57 =	vld [tilespmem:s24+$0x0];
	s9 =	sor.u32 s25, s14;
	v52 =	vmul.f32 v36, v13;
	v13 =	vadd.f32 v39, v34;
	[tilespmem:v33+s22+$0x0] =	vst.idx.msk vm15, v61  }
0x33d: {  	vm3 =	vmand vm14, vm10;
	v10 =	vmul.u32 $0x600, v10;
	s5 =	sld [smem:$0x789];
	v62 =	vadd.f32 $8.388608000e+06, v0;
	v0 =	vld [tilespmem:s9+$0x8700];
	[tilespmem:s21+$0x0] =	vst v48  }
0x33e: {  	v16 =	vsel vm3, v16, v46;
	s24 =	sld [smem:$0x78B];
	s1 =	sor.u32 s23, s8;
	[tilespmem:v54+s22+$0x0] =	vst.idx.msk vm15, v13  }
0x33f: {  	vm9 =	vge.f32 v41, $0.0e+00;
	v46 =	vld [tilespmem:s4+$0x0];
	s4 =	sor.u32 s14, s6;
	s6 =	sld [smem:$0x78D];
	v56 =	vadd.s32 v45, v10;
	v31 =	vsub.f32 $1.000000000e+00, v36;
	[tilespmem:s1+$0x0] =	vst v42  }
0x340: {  	s2 =	sor.u32 s26, s5;
	v58 =	vadd.f32 $-8.388608000e+06, v62;
	v62 =	vor.u32 v59, v56;
	s21 =	sadd.s32 $0x6000, s25;
	s1 =	sor.u32 s23, s20;
	[tilespmem:v55+s22+$0x0] =	vst.idx.msk vm15, v8  }
0x341: {  	v28 =	vmovc v37;
	vm11 =	vgt.f32 v8, $5.000000000e-01;
	v37 =	vmul.f32 v39, v29;
	v38 =	vld [tilespmem:s2+$0x0];
	s17 =	sor.u32 s14, s24;
	v1 =	vadd.f32 v31, v52;
	[smem:$0x7AE] =	sst s21;
	[tilespmem:s1+$0x0] =	vst v42  }
0x342: {  	v12 =	vld [tilespmem:s17+$0x0];
	v33 =	vtrunc.f32 v58;
	v54 =	vor.u32 v56, v22;
	v51 =	vmul.f32 v36, v57;
	s8 =	sor.u32 s11, s21;
	s21 =	sld [smem:$0x78E];
	s1 =	sor.u32 s23, s6;
	[tilespmem:$0x1F660] =	vst v0  }
0x343: {  	v58 =	vld [tilespmem:s9+$0x3F00];
	v61 =	vcvt.f32.s32 v33;
	v33 =	vmul.f32 v9, v8;
	v8 =	vmax.f32 v8, v7;
	[tilespmem:s1+$0x0] =	vst v42  }
0x344: {  	v47 =	vmul.f32 v39, v47;
	v32 =	vmul.f32 v39, v32;
	v49 =	vadd.f32 v37, v17;
	[tilespmem:$0x1F870] =	vst v8  }
0x345: {  	v13 =	vmul.f32 v39, v14;
	v17 =	vadd.f32 v31, v51;
	[tilespmem:v62+s22+$0x0] =	vst.idx.msk vm9, v1;
	s1 =	sor.u32 s23, s21  }
0x346: {  	v32 =	vadd.f32 v32, v34;
	v3 =	vmul.u32 $0x600, v61;
	v61 =	vor.u32 v56, v63;
	[tilespmem:s1+$0x0] =	vst v48  }
0x347: {  	s2 =	sor.u32 s23, s7;
	v39 =	vld [tilespmem:s4+$0x0];
	v34 =	vadd.f32 v33, v13;
	s21 =	sld [smem:$0x790];
	v33 =	vmul.f32 v46, v12;
	[tilespmem:v54+s22+$0x0] =	vst.idx.msk vm9, v17  }
0x348: {  	v6 =	vadd.f32 v47, v6;
	v47 =	vmul.f32 v36, v38;
	v10 =	vmul.f32 v46, v58;
	[tilespmem:s2+$0x0] =	vst v42  }
0x349: {  	s2 =	sld [smem:$0x792];
	[tilespmem:$0x1F640] =	vst v33  }
0x34a: {  	s4 =	sadd.s32 $0x4800, s25;
	v54 =	vor.u32 v56, v20;
	v17 =	vadd.f32 v31, v47;
	s1 =	sor.u32 s23, s21;
	[tilespmem:$0x1F630] =	vst v10  }
0x34b: {  	[smem:$0x7AF] =	sst s4;
	vm4 =	vge.f32 v0, $0.0e+00;
	v57 =	vadd.s32 v27, v3;
	[tilespmem:s1+$0x0] =	vst v42  }
0x34c: {  	s7 =	sor.u32 s11, s4;
	s4 =	sld [smem:$0x793];
	v3 =	vld [tilespmem:s8+$0x0];
	v62 =	vor.u32 v21, v57;
	[tilespmem:v61+s22+$0x0] =	vst.idx.msk vm9, v17;
	v61 =	vmul.f32 v46, v39;
	s1 =	sor.u32 s23, s2  }
0x34d: {  	v55 =	vsub.f32 $1.000000000e+00, v46;
	[tilespmem:s1+$0x0] =	vst v42  }
0x34e: {  	s17 =	sadd.s32 $0x6C00, s25;
	s8 =	sld [smem:$0x78F];
	[tilespmem:$0x1F670] =	vst v61  }
0x34f: {  	s20 =	sor.u32 s11, s17;
	v38 =	vld [tilespmem:s31+$0x8400];
	v58 =	vor.u32 v57, v5;
	v37 =	vadd.f32 v55, v10;
	s1 =	sor.u32 s23, s4;
	[tilespmem:v54+s22+$0x0] =	vst.idx.msk vm9, v36  }
0x350: {  	v1 =	vld [tilespmem:s20+$0x0];
	[tilespmem:s1+$0x0] =	vst v48  }
0x351: {  	vm10 =	vgt.f32 v9, $0.0e+00;
	v0 =	vor.u32 v57, v11;
	v39 =	vld [tilespmem:s31+$0x3C00];
	s6 =	sor.u32 s26, s8;
	v10 =	vmov v3;
	[tilespmem:v62+s22+$0x0] =	vst.idx.msk vm4, v37  }
0x352: {  	vm0 =	vmand vm11, vm15;
	v9 =	vor.u32 v57, v28;
	v62 =	vadd.f32 v55, v33;
	v12 =	vld [tilespmem:s6+$0x0];
	[tilespmem:$0x1F880] =	vst v10;
	s6 =	sor.u32 s23, s12  }
0x353: {  	v13 =	vsel vm0, v2, v16;
	v29 =	vsub.f32 $1.000000000e+00, v3;
	[tilespmem:s6+$0x0] =	vst v42  }
0x354: {  	v14 =	vsel vm10, v34, v14;
	vm0 =	vge.f32 v38, $0.0e+00;
	v17 =	vadd.f32 v55, v61;
	v37 =	vld [tilespmem:s7+$0x0];
	s7 =	sor.u32 s23, s10;
	[tilespmem:v58+s22+$0x0] =	vst.idx.msk vm4, v62  }
0x355: {  	[smem:$0x7B0] =	sst s17;
	v34 =	vmul.f32 v38, v3;
	vm12 =	vgt.f32 v3, $5.000000000e-01;
	v33 =	vmul.f32 v29, v14;
	[tilespmem:s7+$0x0] =	vst v42  }
0x356: {  	s17 =	sadd.s32 $0x5400, s25;
	s21 =	sld [smem:$0x791];
	v54 =	vadd.f32 $8.388608000e+06, v1;
	vm3 =	vmand vm12, vm0;
	v62 =	vmul.f32 v10, v39;
	[tilespmem:v0+s22+$0x0] =	vst.idx.msk vm4, v17  }
0x357: {  	[smem:$0x7B1] =	sst s17;
	s20 =	sor.u32 s11, s17;
	v56 =	vadd.f32 v34, v33;
	v0 =	vsel vm3, v1, v13;
	[tilespmem:v9+s22+$0x0] =	vst.idx.msk vm4, v46  }
0x358: {  	vm7 =	vgt.f32 v38, $0.0e+00;
	v16 =	vadd.f32 $-8.388608000e+06, v54;
	v17 =	vld [tilespmem:s20+$0x0];
	s20 =	sld [smem:$0x796];
	[tilespmem:$0x1F920] =	vst v0  }
0x359: {  	s17 =	sld [smem:$0x795];
	s31 =	sor.u32 s14, s21;
	v33 =	vmul.f32 v29, v6;
	v1 =	vadd.f32 v29, v62;
	[tilespmem:$0x1F590] =	vst v12;
	v57 =	vsel vm7, v56, v14  }
0x35a: {  	v38 =	vmul.f32 v29, v49;
	v2 =	vtrunc.f32 v16;
	v9 =	vld [tilespmem:s31+$0x0];
	s31 =	sld [smem:$0x797];
	[tilespmem:$0x1F9F0] =	vst v57  }
0x35b: {  	v58 =	vcvt.f32.s32 v2;
	v37 =	vmul.f32 v10, v37;
	v2 =	vadd.f32 v33, v62;
	s2 =	sor.u32 s23, s20;
	[tilespmem:$0x1F850] =	vst v1  }
0x35c: {  	s1 =	sor.u32 $0x180, s17;
	[tilespmem:s2+$0x0] =	vst v42  }
0x35d: {  	s12 =	sld [smem:$0x794];
	v34 =	vadd.f32 $8.388608000e+06, v12;
	v12 =	vld [tilespmem:s1+$0x8400];
	[tilespmem:$0x1F950] =	vst v2;
	v56 =	vadd.f32 v38, v37;
	s2 =	sor.u32 s23, s31  }
0x35e: {  	v37 =	vadd.f32 v29, v37;
	[tilespmem:s2+$0x0] =	vst v48  }
0x35f: {  	s6 =	sor.u32 s23, s18;
	v0 =	vmul.u32 $0x600, v58;
	[tilespmem:$0x1F960] =	vst v56  }
0x360: {  	s18 =	sor.u32 s23, s15;
	s15 =	sld [smem:$0x79C];
	s10 =	sor.u32 s26, s12;
	[tilespmem:$0x1F890] =	vst v37  }
0x361: {  	v39 =	vmul.f32 v29, v32;
	v54 =	vld [tilespmem:s10+$0x0];
	s10 =	sld [smem:$0x799];
	v7 =	vmul.f32 v10, v17;
	v0 =	vadd.s32 v18, v0;
	[tilespmem:$0x1F6E0] =	vst v9  }
0x362: {  	s7 =	sld [smem:$0x79A];
	v56 =	vor.u32 v0, v19;
	[tilespmem:$0x1F570] =	vst v12  }
0x363: {  	v6 =	vadd.f32 $-8.388608000e+06, v34;
	s2 =	sld [smem:$0x798];
	v57 =	vadd.f32 v39, v7;
	v39 =	vor.u32 v23, v0;
	[tilespmem:$0x1F8C0] =	vst v56  }
0x364: {  	v2 =	vld [tilespmem:s1+$0x3C00];
	s4 =	sor.u32 s26, s10;
	v38 =	vadd.f32 v29, v7;
	[tilespmem:$0x1F860] =	vst v39  }
0x365: {  	s20 =	sld [smem:$0x79B];
	v16 =	vld [tilespmem:s4+$0x0];
	s31 =	sor.u32 s14, s15;
	v6 =	vtrunc.f32 v6;
	[tilespmem:$0x1F970] =	vst v57  }
0x366: {  	s17 =	sor.u32 s26, s7;
	v33 =	vld [tilespmem:s31+$0x0];
	s31 =	sld [smem:$0x79E];
	v49 =	vadd.f32 $8.388608000e+06, v9;
	v58 =	vcvt.f32.s32 v6;
	s1 =	sor.u32 s23, s2;
	[tilespmem:$0x1F8B0] =	vst v38  }
0x367: {  	v62 =	vld [tilespmem:s17+$0x0];
	s2 =	sld [smem:$0x79D];
	[tilespmem:s1+$0x0] =	vst v42  }
0x368: {  	v37 =	vld [tilespmem:s9+$0x3E80];
	v61 =	vadd.f32 $-8.388608000e+06, v49;
	v1 =	vmul.u32 $0x600, v58;
	[tilespmem:s6+$0x0] =	vst v42  }
0x369: {  	vm11 =	vge.f32 v12, $0.0e+00;
	v29 =	vsub.f32 $1.000000000e+00, v54;
	v49 =	vld [tilespmem:s9+$0x8680];
	v38 =	vmul.f32 v54, v2;
	s4 =	sor.u32 s14, s31;
	s1 =	sor.u32 s23, s20;
	[tilespmem:s18+$0x0] =	vst v42  }
0x36a: {  	v8 =	vld [tilespmem:s4+$0x0];
	v6 =	vtrunc.f32 v61;
	v1 =	vadd.s32 v45, v1;
	v42 =	vor.u32 v0, v24;
	[tilespmem:s1+$0x0] =	vst v48;
	s1 =	sor.u32 s23, s2  }
0x36b: {  	v61 =	vmul.f32 v54, v16;
	v0 =	vor.u32 v0, v50;
	v2 =	vor.u32 v59, v1;
	[tilespmem:$0x1F8A0] =	vst v42;
	v58 =	vld [tilespmem:s1+$0x0]  }
0x36c: {  	v32 =	vmov s29;
	v12 =	vmul.f32 v54, v62;
	v57 =	vcvt.f32.s32 v6;
	[tilespmem:$0x1F8D0] =	vst v0  }
0x36d: {  	s20 =	sld [smem:$0x79F];
	v62 =	vor.u32 v1, v22;
	[tilespmem:$0x1F560] =	vst v61;
	v42 =	vadd.f32 v29, v61;
	v61 =	vmul.f32 v33, v37  }
0x36e: {  	s17 =	sadd.s32 s13, s29;
	v56 =	vld [tilespmem:$0x1F4A0];
	v39 =	vadd.f32 v29, v38;
	v19 =	vor.u32 v1, v63;
	s18 =	sld [smem:$0x7A0];
	[tilespmem:$0x1F6A0] =	vst v49;
	v0 =	vmul.u32 $0x600, v57  }
0x36f: {  	v3 =	vmovc v22;
	vm7 =	vge.f32 v49, $0.0e+00;
	v49 =	vor.u32 s29, v25;
	s29 =	sor.u32 $0x380, s17;
	[tilespmem:$0x1F6B0] =	vst v61;
	v22 =	vmul.f32 v33, v8  }
0x370: {  	s6 =	sor.u32 s14, s20;
	v10 =	vld [tilespmem:s29+$0x8400];
	[tilespmem:v2+s22+$0x0] =	vst.idx.msk vm11, v39;
	v50 =	vadd.f32 $8.388608000e+06, v58  }
0x371: {  	v14 =	vmovc v45;
	v45 =	vmov v63;
	v1 =	vor.u32 v1, v20;
	v24 =	vld [tilespmem:s6+$0x0];
	s1 =	sor.u32 s23, s18;
	v0 =	vadd.s32 v27, v0;
	[tilespmem:$0x1F6C0] =	vst v22  }
0x372: {  	v63 =	vadd.f32 v29, v12;
	s2 =	sld [smem:$0x7A1];
	v23 =	vor.u32 v21, v0;
	v39 =	vld [tilespmem:s1+$0x0];
	[tilespmem:v62+s22+$0x0] =	vst.idx.msk vm11, v42;
	v62 =	vadd.f32 $-8.388608000e+06, v50  }
0x373: {  	v7 =	vmul.f32 v56, v44;
	v37 =	vsub.f32 $1.000000000e+00, v33;
	[tilespmem:$0x1F800] =	vst v58;
	v58 =	vld [tilespmem:$0x1F490]  }
0x374: {  	vm8 =	vgt.f32 v56, $0.0e+00;
	v18 =	vor.u32 v0, v5;
	[tilespmem:v19+s22+$0x0] =	vst.idx.msk vm11, v63;
	v50 =	vld [tilespmem:s29+$0x3C00];
	v6 =	vtrunc.f32 v62  }
0x375: {  	v8 =	vld [tilespmem:$0x1F4B0];
	s18 =	sld [smem:$0x7A2];
	s1 =	sor.u32 s23, s2;
	v42 =	vadd.f32 v37, v61;
	v61 =	vor.u32 v0, v11;
	[tilespmem:$0x1F770] =	vst v10;
	v6 =	vcvt.f32.s32 v6  }
0x376: {  	v56 =	vshll.u32 v32, $0x2;
	s6 =	sld [smem:$0x7A3];
	v0 =	vor.u32 v0, v28;
	v63 =	vmul.f32 v33, v24;
	v24 =	vld [tilespmem:s1+$0x0];
	[tilespmem:v1+s22+$0x0] =	vst.idx.msk vm11, v54  }
0x377: {  	v32 =	vand.u32 $0x600, v56;
	v25 =	vmovc v28;
	v28 =	vadd.f32 v37, v22;
	v22 =	vld [tilespmem:$0x1F4C0];
	[tilespmem:v23+s22+$0x0] =	vst.idx.msk vm7, v42;
	v42 =	vmul.u32 $0x600, v6  }
0x378: {  	v9 =	vmovc v11;
	s4 =	sor.u32 s26, s18;
	vm3 =	vge.f32 v10, $0.0e+00;
	[tilespmem:$0x1F6D0] =	vst v63;
	v62 =	vadd.f32 v37, v63;
	v16 =	vmul.f32 $1.000000000e+02, v58  }
0x379: {  	s1 =	sor.u32 s23, s6;
	v11 =	vld [tilespmem:s4+$0x0];
	[tilespmem:v18+s22+$0x0] =	vst.idx.msk vm7, v28;
	v63 =	vmul.f32 v39, v50;
	v50 =	vand.u32 $0x7F, v49;
	v1 =	vadd.s32 v32, v42  }
0x37a: {  	s6 =	sld [smem:$0x7A4];
	v10 =	vsub.f32 $1.000000000e+00, v39;
	[tilespmem:v61+s22+$0x0] =	vst.idx.msk vm7, v62;
	v6 =	vld [tilespmem:s1+$0x0];
	v7 =	vadd.f32 v7, v16;
	v16 =	vor.u32 v50, v1  }
0x37b: {  	vm13 =	vgt.f32 v44, $5.000000000e-01;
	s13 =	sor.u32 s14, s19;
	v13 =	vmul.f32 v4, v8;
	v28 =	vmul.f32 v39, v24;
	[tilespmem:v0+s22+$0x0] =	vst.idx.msk vm7, v33  }
0x37c: {  	[tilespmem:$0x1F580] =	vst v12;
	v0 =	vmul.f32 v4, v22;
	v19 =	vld [tilespmem:s13+$0x0];
	s13 =	sld [smem:$0x7A6];
	v23 =	vadd.f32 v10, v63;
	v42 =	vor.u32 $0x80, v50  }
0x37d: {  	[smem:$0x7B2] =	sst s17;
	v26 =	vld [tilespmem:s0+$0x8500];
	s17 =	sor.u32 s26, s6;
	[tilespmem:$0x1F760] =	vst v10;
	v56 =	vor.u32 $0x100, v50;
	v57 =	vor.u32 $0x180, v50;
	v49 =	vor.u32 v1, v42  }
0x37e: {  	v61 =	vld [tilespmem:s17+$0x0];
	s17 =	sld [smem:$0x7A5];
	v12 =	vadd.f32 $8.388608000e+06, v11;
	v63 =	vor.u32 v1, v56;
	v1 =	vor.u32 v1, v57;
	[tilespmem:$0x1F7A0] =	vst v23  }
0x37f: {  	vm10 =	vgt.f32 v53, $5.000000000e-01;
	v17 =	vld [tilespmem:$0x1F4D0];
	s2 =	sor.u32 s26, s13;
	v22 =	vmul.f32 v39, v6;
	[tilespmem:v16+s22+$0x0] =	vst.idx.msk vm3, v23;
	v23 =	vadd.f32 v10, v28  }
0x380: {  	v13 =	vadd.f32 v13, v35;
	[tilespmem:$0x1F5A0] =	vst v11;
	v18 =	vld [tilespmem:s2+$0x0];
	v6 =	vnsel vm8, $0x42C80000, v7;
	v7 =	vadd.f32 $-8.388608000e+06, v12  }
0x381: {  	s29 =	sor.u32 s26, s17;
	v11 =	vadd.f32 v0, v43;
	v0 =	vmul.f32 v15, v53;
	v43 =	vld [tilespmem:s0+$0x3D00];
	v10 =	vadd.f32 v10, v22;
	[tilespmem:$0x1F7B0] =	vst v23  }
0x382: {  	v2 =	vld [tilespmem:s29+$0x0];
	v7 =	vtrunc.f32 v7;
	v28 =	vmul.f32 v4, v6;
	[tilespmem:v49+s22+$0x0] =	vst.idx.msk vm3, v23;
	v23 =	vadd.f32 $8.388608000e+06, v19  }
0x383: {  	s4 =	sor.u32 s14, s3;
	vm12 =	vge.f32 v26, $0.0e+00;
	vm8 =	vgt.f32 v15, $0.0e+00;
	v7 =	vcvt.f32.s32 v7;
	v49 =	vld [tilespmem:$0x1F4E0];
	[tilespmem:v63+s22+$0x0] =	vst.idx.msk vm3, v10  }
0x384: {  	s28 =	sor.u32 s23, s28;
	v35 =	vld [tilespmem:s4+$0x0];
	v22 =	vmul.f32 v4, v17;
	v0 =	vadd.f32 v0, v28;
	[tilespmem:v1+s22+$0x0] =	vst.idx.msk vm3, v39;
	v15 =	vadd.f32 $-8.388608000e+06, v23  }
0x385: {  	[tilespmem:$0x1F5F0] =	vst v3;
	v34 =	vmovc v27;
	v28 =	vmax.f32 v44, $0.0e+00;
	v62 =	vmul.u32 $0x600, v7;
	v27 =	vmul.f32 v18, v61;
	v4 =	vld [tilespmem:s28+$0x0]  }
0x386: {  	[tilespmem:$0x1F730] =	vst v19;
	v19 =	vld [tilespmem:s9+$0x8600];
	v8 =	vsub.f32 $1.000000000e+00, v18;
	v12 =	vmax.f32 v53, v28;
	v17 =	vtrunc.f32 v15  }
0x387: {  	[tilespmem:$0x1F5E0] =	vst v14;
	v44 =	vld [tilespmem:s9+$0x3E00];
	v63 =	vmul.f32 v18, v43;
	v61 =	vadd.s32 v14, v62;
	v7 =	vcvt.f32.s32 v17  }
0x388: {  	[tilespmem:$0x1F610] =	vst v45;
	s29 =	sor.u32 s14, s30;
	v28 =	vmul.f32 v18, v2;
	v16 =	vadd.f32 v22, v49;
	v49 =	vor.u32 v59, v61  }
0x389: {  	s2 =	smov.u32 s3;
	s3 =	sor.u32 s14, s5;
	[tilespmem:$0x1F7E0] =	vst v10;
	v43 =	vsub.f32 $1.000000000e+00, v35;
	v10 =	vsel vm8, v0, v6;
	v62 =	vld [tilespmem:s29+$0x0];
	v7 =	vmul.u32 $0x600, v7  }
0x38a: {  	v53 =	vor.u32 v61, v3;
	v2 =	vor.u32 v61, v45;
	[tilespmem:$0x1F810] =	vst v4;
	v15 =	vadd.f32 $8.388608000e+06, v4;
	v4 =	vld [tilespmem:s3+$0x0]  }
0x38b: {  	v48 =	vmovc v21;
	v24 =	vmovc v3;
	vm8 =	vge.f32 v19, $0.0e+00;
	v17 =	vadd.f32 v8, v63;
	v7 =	vadd.s32 v34, v7  }
0x38c: {  	v23 =	vmovc v45;
	[tilespmem:$0x1F700] =	vst v19;
	v22 =	vmov v14;
	v14 =	vmul.f32 v35, v44;
	v3 =	vor.u32 v21, v7  }
0x38d: {  	v19 =	vadd.f32 v8, v27;
	v45 =	vadd.f32 $-8.388608000e+06, v15;
	v6 =	vor.u32 v7, v5;
	[tilespmem:v49+s22+$0x0] =	vst.idx.msk vm12, v17  }
0x38e: {  	v44 =	vmovc v5;
	v15 =	vmul.f32 v35, v62;
	v21 =	vadd.f32 v8, v28;
	v5 =	vor.u32 v7, v9  }
0x38f: {  	v17 =	vadd.f32 v43, v14;
	[tilespmem:v53+s22+$0x0] =	vst.idx.msk vm12, v19;
	v19 =	vmul.f32 v35, v4  }
0x390: {  	[tilespmem:v2+s22+$0x0] =	vst.idx.msk vm12, v21;
	v21 =	vadd.f32 v43, v15  }
0x391: {  	v58 =	vmov v20;
	s4 =	sld [smem:$0x7A7];
	v49 =	vld [tilespmem:$0x1F4F0];
	[tilespmem:v3+s22+$0x0] =	vst.idx.msk vm8, v17;
	v3 =	vor.u32 v61, v20;
	v20 =	vadd.f32 v43, v19  }
0x392: {  	[tilespmem:v6+s22+$0x0] =	vst.idx.msk vm8, v21;
	v21 =	vld [tilespmem:$0x1F500]  }
0x393: {  	s1 =	sor.u32 s25, s23;
	v62 =	vtrunc.f32 v45;
	[tilespmem:v5+s22+$0x0] =	vst.idx.msk vm8, v20;
	v20 =	vld [tilespmem:$0x1F510]  }
0x394: {  	[tilespmem:$0x1F6F0] =	vst v14;
	s3 =	sor.u32 s23, s4;
	v14 =	vld [tilespmem:s1+$0x8700];
	v1 =	vcvt.f32.s32 v62;
	v62 =	vmul.f32 v60, v13  }
0x395: {  	vm2 =	vmand vm13, vm2;
	v45 =	vld [tilespmem:s3+$0x0]  }
0x396: {  	vm13 =	vmand vm10, vm5;
	v4 =	vld [tilespmem:s1+$0x3F00];
	v0 =	vnsel vm2, $0x41000000, v49;
	v1 =	vmul.u32 $0x600, v1  }
0x397: {  	s29 =	sld [smem:$0x7A8];
	v53 =	vmov v9;
	v9 =	vsel vm13, v21, v0;
	v21 =	vld [tilespmem:$0x1F520]  }
0x398: {  	v5 =	vadd.s32 v32, v1;
	v2 =	vadd.f32 v62, v20;
	v62 =	vmov v32;
	v32 =	vld [tilespmem:$0x1F530]  }
0x399: {  	s28 =	sor.u32 s23, s24;
	v7 =	vor.u32 v7, v25  }
0x39a: {  	v11 =	vmul.f32 v60, v11;
	s3 =	sor.u32 s23, s29;
	s29 =	sld [smem:$0x7A9];
	v61 =	vld [tilespmem:s28+$0x0]  }
0x39b: {  	v49 =	vmul.f32 v60, v16;
	vm2 =	vge.f32 v14, $0.0e+00;
	v1 =	vld [tilespmem:$0x1F540]  }
0x39c: {  	v16 =	vld [tilespmem:s3+$0x0];
	v13 =	vor.u32 v50, v5;
	v6 =	vadd.f32 v11, v21  }
0x39d: {  	s4 =	sor.u32 s26, s29;
	[tilespmem:v3+s22+$0x0] =	vst.idx.msk vm12, v18;
	v11 =	vadd.f32 v49, v32;
	v49 =	vmul.f32 v45, v4;
	v32 =	vsub.f32 $1.000000000e+00, v45  }
0x39e: {  	[tilespmem:v7+s22+$0x0] =	vst.idx.msk vm8, v35;
	v21 =	vld [tilespmem:s4+$0x0]  }
0x39f: {  	[tilespmem:$0x1F720] =	vst v19;
	v3 =	vor.u32 v5, v42;
	v19 =	vmul.f32 v45, v61;
	v61 =	vadd.f32 v32, v49  }
0x3a0: {  	s24 =	sor.u32 s14, s8;
	v0 =	vor.u32 v5, v56;
	v4 =	vmul.f32 v60, v10;
	v60 =	vmul.f32 v1, v40  }
0x3a1: {  	v20 =	vmul.f32 v45, v16;
	s4 =	sld [smem:$0x7AA];
	[tilespmem:v13+s22+$0x0] =	vst.idx.msk vm2, v61;
	v61 =	vld [tilespmem:s24+$0x0]  }
0x3a2: {  	vm15 =	vgt.f32 v40, $5.000000000e-01;
	[tilespmem:$0x1F7C0] =	vst v49;
	v49 =	vadd.f32 v32, v19;
	v4 =	vadd.f32 v60, v4;
	s24 =	sor.u32 s23, s21;
	s21 =	sld [smem:$0x7AB]  }
0x3a3: {  	v17 =	vld [tilespmem:$0x1F550];
	v5 =	vor.u32 v5, v57;
	[tilespmem:$0x1F7D0] =	vst v19;
	v60 =	vadd.f32 v32, v20;
	v19 =	vadd.f32 $8.388608000e+06, v21  }
0x3a4: {  	vm10 =	vmand vm15, vm6;
	v2 =	vmul.f32 v31, v2;
	s28 =	sor.u32 s26, s4;
	[tilespmem:v3+s22+$0x0] =	vst.idx.msk vm2, v49  }
0x3a5: {  	v12 =	vmax.f32 v40, v12;
	vm14 =	vgt.f32 v1, $0.0e+00;
	v7 =	vld [tilespmem:s28+$0x0];
	[tilespmem:v0+s22+$0x0] =	vst.idx.msk vm2, v60;
	v0 =	vadd.f32 $-8.388608000e+06, v19;
	s28 =	sor.u32 s26, s21  }
0x3a6: {  	v2 =	vadd.f32 v2, v52;
	v6 =	vmul.f32 v31, v6;
	[tilespmem:$0x1F750] =	vst v61;
	v13 =	vadd.f32 $8.388608000e+06, v61;
	v61 =	vld [tilespmem:s28+$0x0];
	s28 =	sld [smem:$0x7AC]  }
0x3a7: {  	[tilespmem:$0x1F7F0] =	vst v20;
	v52 =	vld [tilespmem:s0+$0x3C80];
	v20 =	vmul.f32 v31, v11;
	v4 =	vsel vm14, v4, v10;
	v60 =	vtrunc.f32 v0  }
0x3a8: {  	vm14 =	vgt.f32 v36, $5.000000000e-01;
	v3 =	vsel vm10, v17, v9;
	v17 =	vld [tilespmem:s0+$0x8480];
	[tilespmem:v5+s22+$0x0] =	vst.idx.msk vm2, v45;
	v10 =	vcvt.f32.s32 v60  }
0x3a9: {  	v2 =	vmul.f32 v29, v2;
	v6 =	vadd.f32 v6, v51;
	vm6 =	vmand vm14, vm9;
	v40 =	vld [tilespmem:s24+$0x0];
	s24 =	sor.u32 s26, s28  }
0x3aa: {  	[tilespmem:$0x1F710] =	vst v15;
	v15 =	vadd.f32 v20, v47;
	v20 =	vsel vm6, v30, v3;
	v3 =	vmul.u32 $0x600, v10;
	v0 =	vld [tilespmem:s24+$0x0];
	s24 =	sld [smem:$0x7AD]  }
0x3ab: {  	vm13 =	vgt.f32 v41, $0.0e+00;
	v51 =	vmul.f32 v41, v36;
	v49 =	vmul.f32 v31, v4  }
0x3ac: {  	v31 =	vmax.f32 v36, v12;
	v6 =	vmul.f32 v29, v6;
	v41 =	vadd.s32 v22, v3  }
0x3ad: {  	v19 =	vadd.f32 v2, v38;
	v13 =	vadd.f32 $-8.388608000e+06, v13;
	v2 =	vor.u32 v41, v23;
	v23 =	vld [tilespmem:$0x1F560];
	s3 =	sor.u32 $0x180, s24  }
0x3ae: {  	v9 =	vadd.f32 v51, v49;
	vm6 =	vge.f32 v17, $0.0e+00;
	v10 =	vadd.f32 $8.388608000e+06, v40;
	v38 =	vld [tilespmem:s3+$0x3C00]  }
0x3af: {  	v11 =	vmul.f32 v7, v52;
	v30 =	vtrunc.f32 v13;
	v51 =	vor.u32 v59, v41;
	s24 =	sor.u32 s14, s10;
	v49 =	vld [tilespmem:s3+$0x8400]  }
0x3b0: {  	v16 =	vsub.f32 $1.000000000e+00, v7;
	[tilespmem:$0x1F840] =	vst v40;
	v12 =	vcvt.f32.s32 v30;
	v36 =	vadd.f32 $-8.388608000e+06, v10;
	v40 =	vld [tilespmem:s24+$0x0];
	s24 =	sor.u32 s14, s12  }
0x3b1: {  	[tilespmem:$0x1F780] =	vst v14;
	v14 =	vsel vm13, v9, v4;
	v60 =	vmul.f32 v7, v61;
	v52 =	vor.u32 v41, v24;
	v47 =	vld [tilespmem:s24+$0x0]  }
0x3b2: {  	v9 =	vadd.f32 v16, v11;
	v12 =	vmul.u32 $0x600, v12;
	v13 =	vtrunc.f32 v36  }
0x3b3: {  	v22 =	vadd.f32 v16, v60;
	v10 =	vmul.f32 v7, v0;
	v61 =	vcvt.f32.s32 v13  }
0x3b4: {  	v36 =	vadd.s32 v34, v12;
	[tilespmem:v51+s22+$0x0] =	vst.idx.msk vm6, v9;
	v9 =	vadd.f32 v6, v23;
	vm10 =	vge.f32 v49, $0.0e+00  }
0x3b5: {  	v24 =	vmovc v48;
	v6 =	vor.u32 v48, v36;
	v3 =	vor.u32 v36, v44;
	v1 =	vmul.u32 $0x600, v61  }
0x3b6: {  	v5 =	vld [tilespmem:s1+$0x8680];
	s24 =	sor.u32 s14, s7;
	[tilespmem:v52+s22+$0x0] =	vst.idx.msk vm6, v22;
	v48 =	vadd.f32 v16, v10;
	v61 =	vmul.f32 v47, v38;
	v52 =	vsub.f32 $1.000000000e+00, v47  }
0x3b7: {  	v4 =	vld [tilespmem:s24+$0x0];
	v22 =	vmul.f32 v47, v40  }
0x3b8: {  	s24 =	sor.u32 s23, s15;
	v51 =	vld [tilespmem:s1+$0x3E80];
	[tilespmem:v2+s22+$0x0] =	vst.idx.msk vm6, v48;
	v23 =	vadd.f32 v52, v61  }
0x3b9: {  	v30 =	vld [tilespmem:s24+$0x0];
	[tilespmem:$0x1F740] =	vst v22;
	v38 =	vadd.f32 v52, v22  }
0x3ba: {  	v22 =	vld [tilespmem:$0x1F570];
	[tilespmem:v6+s22+$0x0] =	vst.idx.msk vm10, v23  }
0x3bb: {  	v48 =	vor.u32 v36, v53;
	[tilespmem:v3+s22+$0x0] =	vst.idx.msk vm10, v38;
	v38 =	vld [tilespmem:$0x1F580]  }
0x3bc: {  	v1 =	vadd.s32 v62, v1;
	v36 =	vor.u32 v36, v25;
	v40 =	vmovc v62;
	v62 =	vmul.f32 v47, v4  }
0x3bd: {  	v15 =	vmul.f32 v29, v15;
	vm5 =	vge.f32 v5, $0.0e+00;
	v4 =	vor.u32 v50, v1  }
0x3be: {  	s15 =	sor.u32 s23, s31;
	v12 =	vmul.f32 v30, v51;
	v51 =	vsub.f32 $1.000000000e+00, v30;
	v23 =	vadd.f32 v52, v62  }
0x3bf: {  	vm15 =	vgt.f32 v26, $0.0e+00;
	[tilespmem:$0x1F790] =	vst v5;
	v5 =	vld [tilespmem:s15+$0x0];
	v6 =	vmul.f32 v29, v14;
	v29 =	vmul.f32 v22, v54  }
0x3c0: {  	s20 =	sor.u32 s23, s20;
	vm9 =	vgt.f32 v22, $0.0e+00;
	v22 =	vadd.f32 v51, v12;
	[tilespmem:v48+s22+$0x0] =	vst.idx.msk vm10, v23;
	v2 =	vadd.f32 v15, v38;
	v38 =	vld [tilespmem:$0x1F590]  }
0x3c1: {  	vm13 =	vgt.f32 v54, $5.000000000e-01;
	v48 =	vor.u32 v41, v58;
	v41 =	vor.u32 v1, v56;
	[tilespmem:v36+s22+$0x0] =	vst.idx.msk vm10, v47;
	v15 =	vld [tilespmem:s20+$0x0]  }
0x3c2: {  	v23 =	vadd.f32 v29, v6;
	v6 =	vmax.f32 v54, v31;
	v31 =	vmul.f32 v8, v9  }
0x3c3: {  	vm11 =	vmand vm13, vm11;
	s15 =	sld [smem:$0x7AE];
	v29 =	vmul.f32 v8, v19;
	v54 =	vmul.f32 v26, v18;
	[tilespmem:v4+s22+$0x0] =	vst.idx.msk vm5, v22  }
0x3c4: {  	v0 =	vsel vm9, v23, v14;
	v4 =	vadd.f32 v31, v27;
	v23 =	vor.u32 v1, v42  }
0x3c5: {  	v22 =	vmovc v58;
	v27 =	vmul.f32 v8, v0;
	v9 =	vsel vm11, v38, v20;
	v38 =	vmul.f32 v30, v5  }
0x3c6: {  	s24 =	sor.u32 s26, s15;
	v3 =	vadd.f32 v29, v63;
	v58 =	vmov v42;
	[tilespmem:v48+s22+$0x0] =	vst.idx.msk vm6, v7;
	v42 =	vmul.f32 v30, v15  }
0x3c7: {  	s31 =	sor.u32 s14, s18;
	v6 =	vmax.f32 v18, v6;
	v19 =	vld [tilespmem:s24+$0x0];
	v27 =	vadd.f32 v54, v27;
	v48 =	vadd.f32 v51, v38  }
0x3c8: {  	v1 =	vor.u32 v1, v57;
	v2 =	vmul.f32 v8, v2;
	[tilespmem:$0x1F830] =	vst v38;
	v15 =	vadd.f32 v51, v42;
	v38 =	vld [tilespmem:s31+$0x0]  }
0x3c9: {  	v3 =	vmul.f32 v16, v3;
	v0 =	vsel vm15, v27, v0;
	[tilespmem:v23+s22+$0x0] =	vst.idx.msk vm5, v48  }
0x3ca: {  	vm13 =	vgt.f32 v18, $5.000000000e-01;
	v54 =	vmul.f32 v17, v7;
	v18 =	vmul.f32 v16, v0;
	[tilespmem:v41+s22+$0x0] =	vst.idx.msk vm5, v15;
	v15 =	vld [tilespmem:s0+$0x8400]  }
0x3cb: {  	vm14 =	vgt.f32 v17, $0.0e+00;
	v2 =	vadd.f32 v2, v28;
	v20 =	vld [tilespmem:$0x1F5A0]  }
0x3cc: {  	vm9 =	vmand vm13, vm12;
	s20 =	sor.u32 s23, s19;
	s19 =	sld [smem:$0x7AF];
	v11 =	vadd.f32 v3, v11;
	v29 =	vadd.f32 v54, v18  }
0x3cd: {  	v26 =	vld [tilespmem:s9+$0x8500];
	v6 =	vmax.f32 v7, v6;
	v14 =	vsub.f32 $1.000000000e+00, v19;
	[tilespmem:v1+s22+$0x0] =	vst.idx.msk vm5, v30;
	v36 =	vadd.f32 $8.388608000e+06, v38  }
0x3ce: {  	vm15 =	vgt.f32 v7, $5.000000000e-01;
	v23 =	vmul.f32 v16, v4;
	v0 =	vsel vm14, v29, v0;
	v28 =	vld [tilespmem:s20+$0x0];
	s20 =	sld [smem:$0x7B0]  }
0x3cf: {  	v31 =	vld [tilespmem:s0+$0x3C00];
	s24 =	sor.u32 s26, s19;
	[tilespmem:$0x1F930] =	vst v42;
	v48 =	vmul.f32 v14, v0;
	v3 =	vadd.f32 $-8.388608000e+06, v36;
	v42 =	vmul.f32 v15, v19  }
0x3d0: {  	v2 =	vmul.f32 v16, v2;
	vm6 =	vmand vm15, vm6;
	v9 =	vsel vm9, v20, v9;
	v41 =	vld [tilespmem:s24+$0x0];
	s24 =	sor.u32 s14, s13  }
0x3d1: {  	v1 =	vadd.f32 v23, v60;
	v13 =	vld [tilespmem:s24+$0x0];
	s31 =	sor.u32 s26, s20;
	v20 =	vtrunc.f32 v3;
	v7 =	vadd.f32 v42, v48  }
0x3d2: {  	[tilespmem:$0x1F820] =	vst v12;
	v60 =	vsel vm6, v21, v9;
	vm12 =	vgt.f32 v15, $0.0e+00;
	v54 =	vld [tilespmem:s31+$0x0];
	v21 =	vcvt.f32.s32 v20  }
0x3d3: {  	s3 =	sor.u32 s14, s6;
	vm11 =	vge.f32 v26, $0.0e+00;
	s24 =	sld [smem:$0x7B1];
	[tilespmem:$0x1F8E0] =	vst v28;
	v8 =	vadd.f32 $8.388608000e+06, v28;
	v28 =	vld [tilespmem:s9+$0x3D00];
	v0 =	vsel vm12, v7, v0  }
0x3d4: {  	v12 =	vld [tilespmem:s3+$0x0];
	vm13 =	vgt.f32 v19, $5.000000000e-01;
	v2 =	vadd.f32 v2, v10;
	s31 =	sor.u32 s14, s17;
	[tilespmem:$0x1FA30] =	vst v0;
	v0 =	vmul.u32 $0x600, v21  }
0x3d5: {  	vm6 =	vge.f32 v15, $0.0e+00;
	v15 =	vmul.f32 v19, v31;
	v16 =	vld [tilespmem:s31+$0x0];
	v23 =	vadd.f32 $-8.388608000e+06, v8  }
0x3d6: {  	s3 =	sor.u32 s26, s24;
	vm9 =	vmand vm13, vm6;
	v8 =	vsub.f32 $1.000000000e+00, v13;
	v0 =	vadd.s32 v34, v0  }
0x3d7: {  	v9 =	vtrunc.f32 v23;
	v29 =	vsel vm9, v54, v60;
	v60 =	vld [tilespmem:s3+$0x0];
	v18 =	vor.u32 v24, v0  }
0x3d8: {  	[tilespmem:$0x1F9D0] =	vst v24;
	v7 =	vmovc v24;
	v31 =	vcvt.f32.s32 v9;
	v27 =	vmul.f32 v13, v28;
	v24 =	vor.u32 v0, v44  }
0x3d9: {  	v36 =	vadd.f32 $8.388608000e+06, v54;
	[tilespmem:$0x1F940] =	vst v29;
	v29 =	vmul.f32 v13, v12;
	v12 =	vor.u32 v0, v53  }
0x3da: {  	s2 =	sor.u32 s23, s2;
	v42 =	vld [tilespmem:s1+$0x8600];
	v48 =	vmul.u32 $0x600, v31;
	v5 =	vadd.f32 v8, v27;
	v31 =	vmul.f32 v13, v16  }
0x3db: {  	[tilespmem:$0x1F9E0] =	vst v44;
	v10 =	vmul.f32 v19, v41;
	v41 =	vld [tilespmem:s2+$0x0];
	v9 =	vmul.f32 v14, v1;
	v21 =	vadd.f32 v8, v29  }
0x3dc: {  	v54 =	vld [tilespmem:s1+$0x3E00];
	v3 =	vadd.f32 $-8.388608000e+06, v36;
	v16 =	vmul.f32 v19, v60;
	v60 =	vadd.f32 v8, v31;
	[tilespmem:v18+s22+$0x0] =	vst.idx.msk vm11, v5  }
0x3dd: {  	[tilespmem:v24+s22+$0x0] =	vst.idx.msk vm11, v21  }
0x3de: {  	v1 =	vld [tilespmem:$0x1F5C0];
	v28 =	vtrunc.f32 v3;
	[tilespmem:v12+s22+$0x0] =	vst.idx.msk vm11, v60;
	v12 =	vadd.f32 v9, v10  }
0x3df: {  	v63 =	vmovc v25;
	v25 =	vmovc v53;
	[tilespmem:$0x1F9B0] =	vst v6;
	vm9 =	vge.f32 v42, $0.0e+00;
	v17 =	vadd.s32 v40, v48;
	v53 =	vcvt.f32.s32 v28;
	v28 =	vld [tilespmem:$0x1F5B0]  }
0x3e0: {  	v6 =	vmov v44;
	v44 =	vor.u32 v50, v17;
	[tilespmem:$0x1FA10] =	vst v12;
	v12 =	vld [tilespmem:$0x1F5D0]  }
0x3e1: {  	v18 =	vmul.f32 v41, v54;
	v54 =	vsub.f32 $1.000000000e+00, v41  }
0x3e2: {  	v2 =	vmul.f32 v14, v2;
	s2 =	sor.u32 s23, s5  }
0x3e3: {  	v4 =	vmov v34;
	v34 =	vld [tilespmem:s2+$0x0];
	v5 =	vadd.f32 v54, v18  }
0x3e4: {  	v11 =	vmul.f32 v14, v11;
	s31 =	sor.u32 s23, s30;
	v48 =	vld [tilespmem:$0x1F5E0];
	v23 =	vadd.f32 v2, v16  }
0x3e5: {  	v0 =	vor.u32 v0, v63;
	v24 =	vld [tilespmem:s31+$0x0];
	v36 =	vmul.f32 $1.000000000e+02, v28;
	[tilespmem:v44+s22+$0x0] =	vst.idx.msk vm9, v5;
	v44 =	vmul.f32 v1, v12  }
0x3e6: {  	[tilespmem:$0x1FA20] =	vst v23;
	v23 =	vld [tilespmem:$0x1F5F0]  }
0x3e7: {  	v11 =	vadd.f32 v11, v15;
	v2 =	vadd.f32 v44, v36;
	v44 =	vld [tilespmem:$0x1F610]  }
0x3e8: {  	v21 =	vmul.u32 $0x600, v53  }
0x3e9: {  	[tilespmem:$0x1FA00] =	vst v11;
	v60 =	vadd.f32 v14, v10;
	v10 =	vadd.f32 v14, v16;
	v28 =	vld [tilespmem:$0x1F600]  }
0x3ea: {  	v9 =	vadd.s32 v48, v21;
	[tilespmem:v0+s22+$0x0] =	vst.idx.msk vm11, v13;
	v48 =	vld [tilespmem:$0x1F620]  }
0x3eb: {  	[tilespmem:$0x1F990] =	vst v10;
	v21 =	vor.u32 v9, v22;
	v22 =	vld [tilespmem:$0x1F630];
	v3 =	vor.u32 v9, v23  }
0x3ec: {  	v10 =	vor.u32 v17, v58;
	[tilespmem:$0x1F910] =	vst v3;
	v3 =	vor.u32 v9, v44;
	v44 =	vld [tilespmem:$0x1F660]  }
0x3ed: {  	v11 =	vmul.f32 v41, v34;
	v0 =	vor.u32 v17, v56;
	[tilespmem:$0x1F900] =	vst v60;
	v60 =	vmul.f32 v41, v24;
	v23 =	vld [tilespmem:$0x1F640]  }
0x3ee: {  	vm12 =	vgt.f32 v1, $0.0e+00;
	v53 =	vadd.f32 v14, v15;
	v14 =	vor.u32 v17, v57;
	v5 =	vld [tilespmem:$0x1F680]  }
0x3ef: {  	s3 =	sor.u32 s14, s29;
	v16 =	vadd.f32 v54, v11;
	v34 =	vmul.f32 v55, v28;
	v28 =	vld [tilespmem:$0x1F650];
	v36 =	vadd.f32 v54, v60  }
0x3f0: {  	[tilespmem:$0x1F8F0] =	vst v53;
	v24 =	vor.u32 v59, v9;
	v59 =	vld [tilespmem:s3+$0x0];
	v53 =	vmul.f32 v55, v48;
	v2 =	vnsel vm12, $0x42C80000, v2  }
0x3f1: {  	v1 =	vld [tilespmem:$0x1F6A0];
	[tilespmem:v10+s22+$0x0] =	vst.idx.msk vm9, v36;
	v36 =	vmul.f32 v55, v2;
	v48 =	vmul.f32 v44, v46  }
0x3f2: {  	s5 =	sor.u32 s23, s8;
	s8 =	sor.u32 s14, s21;
	[tilespmem:v0+s22+$0x0] =	vst.idx.msk vm9, v16;
	v0 =	vadd.f32 v53, v23;
	v53 =	vld [tilespmem:$0x1F670]  }
0x3f3: {  	vm14 =	vgt.f32 v46, $5.000000000e-01;
	v20 =	vld [tilespmem:s8+$0x0];
	[tilespmem:v14+s22+$0x0] =	vst.idx.msk vm9, v41;
	v14 =	vadd.f32 v48, v36  }
0x3f4: {  	v9 =	vadd.f32 v34, v22;
	v34 =	vmul.f32 v55, v28;
	v55 =	vld [tilespmem:s5+$0x0];
	vm13 =	vgt.f32 v44, $0.0e+00  }
0x3f5: {  	vm12 =	vgt.f32 v12, $5.000000000e-01;
	v28 =	vmax.f32 v12, $0.0e+00;
	v12 =	vld [tilespmem:$0x1F6B0];
	v2 =	vsel vm13, v14, v2  }
0x3f6: {  	v17 =	vmax.f32 v46, v28;
	v46 =	vmul.f32 v1, v33;
	v36 =	vld [tilespmem:$0x1F690];
	v48 =	vmul.f32 v37, v2  }
0x3f7: {  	v15 =	vmul.f32 v37, v0;
	v0 =	vld [tilespmem:$0x1F700];
	v10 =	vadd.f32 v34, v53;
	v34 =	vadd.f32 $8.388608000e+06, v59  }
0x3f8: {  	s30 =	sor.u32 s14, s4;
	[tilespmem:$0x1F980] =	vst v11;
	vm1 =	vmand vm12, vm1;
	v23 =	vadd.f32 v46, v48;
	v48 =	vld [tilespmem:$0x1F6D0]  }
0x3f9: {  	v11 =	vnsel vm1, $0x41000000, v5;
	[tilespmem:$0x1F9A0] =	vst v3;
	v3 =	vld [tilespmem:s30+$0x0];
	v44 =	vadd.f32 $-8.388608000e+06, v34  }
0x3fa: {  	s31 =	sld [smem:$0x7B2];
	vm1 =	vmand vm14, vm4;
	v9 =	vmul.f32 v37, v9;
	v53 =	vadd.f32 $8.388608000e+06, v55;
	v46 =	vld [tilespmem:$0x1F6C0]  }
0x3fb: {  	v10 =	vmul.f32 v37, v10;
	v16 =	vtrunc.f32 v44;
	v14 =	vsel vm1, v36, v11;
	v36 =	vld [tilespmem:s9+$0x8480]  }
0x3fc: {  	vm15 =	vgt.f32 v1, $0.0e+00;
	v34 =	vld [tilespmem:s9+$0x3C80];
	v44 =	vadd.f32 $-8.388608000e+06, v53;
	v22 =	vcvt.f32.s32 v16  }
0x3fd: {  	s0 =	sor.u32 $0x180, s31;
	vm4 =	vgt.f32 v33, $5.000000000e-01;
	v9 =	vadd.f32 v9, v12;
	v12 =	vadd.f32 v10, v48;
	v10 =	vld [tilespmem:$0x1F6E0]  }
0x3fe: {  	v28 =	vld [tilespmem:s0+$0x3C00];
	v17 =	vmax.f32 v33, v17;
	v53 =	vtrunc.f32 v44;
	v22 =	vmul.u32 $0x600, v22  }
0x3ff: {  	s2 =	sor.u32 s23, s12;
	v9 =	vmul.f32 v43, v9;
	v5 =	vcvt.f32.s32 v53;
	v15 =	vadd.f32 v15, v46;
	v46 =	vld [tilespmem:s0+$0x8400]  }
0x400: {  	v53 =	vld [tilespmem:s2+$0x0];
	vm1 =	vmand vm4, vm7;
	v22 =	vadd.s32 v4, v22;
	vm4 =	vge.f32 v36, $0.0e+00  }
0x401: {  	[tilespmem:$0x1F9C0] =	vst v21;
	v34 =	vmul.f32 v3, v34;
	v21 =	vmul.u32 $0x600, v5;
	v11 =	vld [tilespmem:$0x1F6F0];
	v37 =	vor.u32 v7, v22  }
0x402: {  	v5 =	vor.u32 v22, v6;
	v10 =	vsel vm1, v10, v14;
	v14 =	vsub.f32 $1.000000000e+00, v3  }
0x403: {  	v44 =	vmul.f32 v3, v20;
	v16 =	vmovc v4;
	v4 =	vmul.f32 v0, v35;
	v23 =	vsel vm15, v23, v2  }
0x404: {  	s3 =	sor.u32 s23, s10;
	v21 =	vadd.s32 v40, v21;
	vm1 =	vge.f32 v46, $0.0e+00;
	v33 =	vadd.f32 v14, v34  }
0x405: {  	s5 =	sor.u32 s14, s28;
	v20 =	vmul.f32 v53, v28;
	v6 =	vor.u32 v50, v21;
	v48 =	vld [tilespmem:s3+$0x0];
	v1 =	vadd.f32 v14, v44  }
0x406: {  	v28 =	vsub.f32 $1.000000000e+00, v53;
	v9 =	vadd.f32 v9, v11;
	v11 =	vld [tilespmem:s5+$0x0];
	[tilespmem:v37+s22+$0x0] =	vst.idx.msk vm4, v33;
	v33 =	vmul.f32 v43, v23  }
0x407: {  	[tilespmem:v5+s22+$0x0] =	vst.idx.msk vm4, v1;
	v5 =	vld [tilespmem:$0x1F710]  }
0x408: {  	s7 =	sor.u32 s23, s7;
	v4 =	vadd.f32 v4, v33;
	v33 =	vadd.f32 v28, v20  }
0x409: {  	vm12 =	vgt.f32 v0, $0.0e+00;
	v7 =	vld [tilespmem:s7+$0x0];
	v0 =	vmul.f32 v52, v9;
	v37 =	vor.u32 v21, v58  }
0x40a: {  	vm14 =	vgt.f32 v49, $0.0e+00;
	v15 =	vmul.f32 v43, v15;
	v48 =	vmul.f32 v53, v48;
	[tilespmem:v6+s22+$0x0] =	vst.idx.msk vm1, v33;
	v33 =	vld [tilespmem:$0x1F720]  }
0x40b: {  	vm13 =	vgt.f32 v35, $5.000000000e-01;
	v1 =	vsel vm12, v4, v23;
	v4 =	vadd.f32 v0, v61  }
0x40c: {  	v12 =	vmul.f32 v43, v12;
	v43 =	vadd.f32 v15, v5;
	v15 =	vadd.f32 v28, v48  }
0x40d: {  	v9 =	vmax.f32 v35, v17;
	v17 =	vor.u32 v21, v57;
	v35 =	vmul.f32 v52, v1  }
0x40e: {  	vm7 =	vmand vm13, vm8;
	v5 =	vor.u32 v21, v56;
	v4 =	vmul.f32 v8, v4;
	[tilespmem:v37+s22+$0x0] =	vst.idx.msk vm1, v15  }
0x40f: {  	v23 =	vld [tilespmem:$0x1F730];
	v15 =	vmul.f32 v53, v7;
	v2 =	vadd.f32 v12, v33;
	v33 =	vmul.f32 v49, v47  }
0x410: {  	vm13 =	vgt.f32 v13, $5.000000000e-01;
	vm15 =	vgt.f32 v47, $5.000000000e-01;
	v4 =	vadd.f32 v4, v27  }
0x411: {  	v37 =	vmul.f32 v52, v43;
	v43 =	vadd.f32 v28, v15;
	v6 =	vadd.f32 v33, v35;
	v33 =	vld [tilespmem:$0x1F740]  }
0x412: {  	v11 =	vmul.f32 v3, v11;
	v2 =	vmul.f32 v52, v2;
	v52 =	vor.u32 v22, v25  }
0x413: {  	vm12 =	vgt.f32 v26, $0.0e+00;
	v4 =	vmul.f32 v14, v4;
	v35 =	vor.u32 v22, v63;
	[tilespmem:v5+s22+$0x0] =	vst.idx.msk vm1, v43  }
0x414: {  	s8 =	sor.u32 s23, s18;
	v10 =	vsel vm7, v23, v10;
	vm7 =	vmand vm15, vm10;
	v2 =	vadd.f32 v2, v62;
	[tilespmem:v17+s22+$0x0] =	vst.idx.msk vm1, v53  }
0x415: {  	v43 =	vadd.f32 v14, v11;
	v7 =	vadd.f32 v4, v34;
	v1 =	vsel vm14, v6, v1;
	v22 =	vld [tilespmem:s8+$0x0]  }
0x416: {  	v61 =	vmovc v25;
	v25 =	vld [tilespmem:$0x1F770];
	v49 =	vmul.f32 v8, v1;
	v2 =	vmul.f32 v8, v2;
	v0 =	vadd.f32 v37, v33  }
0x417: {  	vm15 =	vgt.f32 v3, $5.000000000e-01;
	v37 =	vmax.f32 v47, v9;
	v47 =	vmul.f32 v26, v13;
	[tilespmem:v52+s22+$0x0] =	vst.idx.msk vm4, v43;
	v52 =	vld [tilespmem:$0x1F750]  }
0x418: {  	s10 =	sor.u32 s14, s15;
	vm14 =	vgt.f32 v36, $0.0e+00;
	v9 =	vld [tilespmem:s1+$0x8500];
	[tilespmem:v35+s22+$0x0] =	vst.idx.msk vm4, v3;
	v2 =	vadd.f32 v2, v31;
	v6 =	vmax.f32 v13, v37  }
0x419: {  	vm4 =	vmand vm15, vm4;
	v0 =	vmul.f32 v8, v0;
	v23 =	vadd.f32 v47, v49;
	v5 =	vld [tilespmem:s10+$0x0]  }
0x41a: {  	v33 =	vld [tilespmem:s9+$0x8400];
	v8 =	vmax.f32 v3, v6;
	v34 =	vadd.f32 $8.388608000e+06, v22;
	v35 =	vmul.f32 v14, v2  }
0x41b: {  	v0 =	vadd.f32 v0, v29;
	v1 =	vsel vm12, v23, v1;
	v29 =	vmul.f32 v36, v3  }
0x41c: {  	v62 =	vsel vm7, v52, v10;
	v31 =	vmul.f32 v14, v1;
	vm7 =	vmand vm13, vm11  }
0x41d: {  	s12 =	sor.u32 s14, s20;
	v11 =	vadd.f32 v35, v11;
	v52 =	vld [tilespmem:s1+$0x3D00];
	vm13 =	vgt.f32 v25, $0.0e+00;
	v0 =	vmul.f32 v14, v0  }
0x41e: {  	v37 =	vsel vm7, v38, v62;
	v38 =	vadd.f32 $-8.388608000e+06, v34;
	v14 =	vld [tilespmem:s12+$0x0];
	vm7 =	vge.f32 v9, $0.0e+00  }
0x41f: {  	v62 =	vld [tilespmem:$0x1F760];
	v4 =	vadd.f32 v29, v31;
	v12 =	vsub.f32 $1.000000000e+00, v5;
	v47 =	vmul.f32 v33, v5  }
0x420: {  	s13 =	sor.u32 s23, s13;
	v34 =	vld [tilespmem:$0x1F790];
	v2 =	vsel vm4, v59, v37;
	v17 =	vadd.f32 v0, v44;
	v44 =	vtrunc.f32 v38  }
0x421: {  	s18 =	sor.u32 s14, s19;
	v29 =	vmul.f32 v25, v39;
	v43 =	vsel vm14, v4, v1;
	v1 =	vcvt.f32.s32 v44;
	v4 =	vld [tilespmem:s13+$0x0]  }
0x422: {  	vm4 =	vge.f32 v33, $0.0e+00;
	vm11 =	vgt.f32 v5, $5.000000000e-01;
	v44 =	vld [tilespmem:s18+$0x0];
	v49 =	vmul.f32 v12, v43  }
0x423: {  	vm10 =	vgt.f32 v33, $0.0e+00;
	v31 =	vld [tilespmem:s9+$0x3C00];
	vm12 =	vmand vm11, vm4;
	v1 =	vmul.u32 $0x600, v1  }
0x424: {  	s30 =	sor.u32 s23, s6;
	v7 =	vmul.f32 v12, v7;
	v13 =	vmul.f32 $1.000000000e+02, v62;
	v59 =	vadd.f32 v47, v49  }
0x425: {  	s31 =	sor.u32 s23, s17;
	v11 =	vmul.f32 v12, v11;
	v38 =	vsel vm12, v14, v2;
	v47 =	vld [tilespmem:s30+$0x0];
	v1 =	vadd.s32 v40, v1  }
0x426: {  	v49 =	vld [tilespmem:s31+$0x0];
	v0 =	vsel vm10, v59, v43;
	v43 =	vadd.f32 v29, v13;
	v25 =	vor.u32 v50, v1  }
0x427: {  	v33 =	vmul.f32 v4, v52;
	v6 =	vsub.f32 $1.000000000e+00, v4;
	v29 =	vmul.f32 v5, v44;
	v44 =	vld [tilespmem:$0x1F780]  }
0x428: {  	s2 =	sor.u32 s14, s24;
	vm15 =	vgt.f32 v34, $0.0e+00;
	v10 =	vmul.f32 v5, v31;
	v59 =	vadd.f32 $8.388608000e+06, v14  }
0x429: {  	v62 =	vld [tilespmem:s2+$0x0];
	v36 =	vor.u32 v1, v58;
	v27 =	vnsel vm13, $0x42C80000, v43;
	v13 =	vadd.f32 v6, v33  }
0x42a: {  	v37 =	vadd.f32 $-8.388608000e+06, v59;
	v59 =	vmul.f32 v12, v17;
	v52 =	vmul.f32 v4, v47  }
0x42b: {  	v43 =	vor.u32 v1, v56;
	v3 =	vmul.f32 v4, v49;
	v49 =	vmul.f32 v32, v27  }
0x42c: {  	v35 =	vadd.f32 v59, v29;
	v59 =	vld [tilespmem:$0x1F7B0];
	[tilespmem:v25+s22+$0x0] =	vst.idx.msk vm7, v13;
	v47 =	vmul.f32 v44, v45;
	v13 =	vtrunc.f32 v37  }
0x42d: {  	v1 =	vor.u32 v1, v57;
	v25 =	vadd.f32 v6, v52;
	v31 =	vcvt.f32.s32 v13;
	v13 =	vld [tilespmem:$0x1F7C0]  }
0x42e: {  	v14 =	vmul.f32 v5, v62;
	v62 =	vadd.f32 v6, v3;
	v2 =	vadd.f32 v47, v49;
	v49 =	vld [tilespmem:$0x1F7A0]  }
0x42f: {  	vm12 =	vgt.f32 v39, $5.000000000e-01;
	v17 =	vadd.f32 v7, v10;
	[tilespmem:v36+s22+$0x0] =	vst.idx.msk vm7, v25;
	v36 =	vmul.f32 v34, v30;
	v34 =	vld [tilespmem:$0x1F7F0]  }
0x430: {  	vm14 =	vgt.f32 v44, $0.0e+00;
	[tilespmem:v43+s22+$0x0] =	vst.idx.msk vm7, v62;
	v7 =	vmul.u32 $0x600, v31;
	v31 =	vmax.f32 v39, $0.0e+00;
	v39 =	vld [tilespmem:$0x1F820]  }
0x431: {  	v43 =	vadd.f32 v12, v14;
	v23 =	vsel vm14, v2, v27;
	v2 =	vadd.f32 v11, v14;
	v14 =	vld [tilespmem:$0x1F7D0]  }
0x432: {  	s3 =	sor.u32 s23, s29;
	[tilespmem:v1+s22+$0x0] =	vst.idx.msk vm7, v4;
	v27 =	vmul.f32 v32, v59;
	v59 =	vld [tilespmem:$0x1F860]  }
0x433: {  	v37 =	vmul.f32 v51, v23;
	v1 =	vld [tilespmem:s3+$0x0]  }
0x434: {  	v47 =	vadd.f32 v12, v29;
	v29 =	vadd.s32 v16, v7;
	v16 =	vld [tilespmem:$0x1F7E0]  }
0x435: {  	v62 =	vadd.f32 v36, v37;
	v36 =	vld [tilespmem:$0x1F800]  }
0x436: {  	v37 =	vld [tilespmem:$0x1F810]  }
0x437: {  	v21 =	vadd.f32 v12, v10;
	v25 =	vmul.f32 v32, v49;
	v49 =	vld [tilespmem:$0x1F840]  }
0x438: {  	vm13 =	vgt.f32 v45, $5.000000000e-01;
	v11 =	vadd.f32 v27, v14;
	v14 =	vmax.f32 v45, v31;
	v45 =	vld [tilespmem:$0x1F830]  }
0x439: {  	v7 =	vsel vm15, v62, v23;
	v62 =	vld [tilespmem:$0x1F870];
	v12 =	vmul.f32 v32, v16;
	v26 =	vadd.f32 $8.388608000e+06, v1  }
0x43a: {  	v10 =	vadd.f32 v25, v13;
	v13 =	vld [tilespmem:$0x1F880];
	v32 =	vmul.f32 v42, v41;
	v25 =	vmul.f32 v54, v7  }
0x43b: {  	s4 =	sor.u32 s23, s4;
	vm3 =	vmand vm12, vm3;
	vm14 =	vgt.f32 v42, $0.0e+00;
	v16 =	vld [tilespmem:$0x1F8F0];
	v26 =	vadd.f32 $-8.388608000e+06, v26  }
0x43c: {  	v42 =	vmul.f32 v46, v53;
	v27 =	vmul.f32 v51, v10;
	v10 =	vld [tilespmem:s4+$0x0];
	v23 =	vadd.f32 v32, v25  }
0x43d: {  	s5 =	sor.u32 s23, s21;
	v12 =	vadd.f32 v12, v34;
	v25 =	vnsel vm3, $0x41000000, v36;
	v36 =	vld [tilespmem:s1+$0x3C80];
	v26 =	vtrunc.f32 v26  }
0x43e: {  	v11 =	vmul.f32 v51, v11;
	v34 =	vld [tilespmem:s5+$0x0];
	v23 =	vsel vm14, v23, v7;
	v26 =	vcvt.f32.s32 v26  }
0x43f: {  	v12 =	vmul.f32 v51, v12;
	v51 =	vld [tilespmem:$0x1F850];
	v44 =	vmul.f32 v28, v23  }
0x440: {  	v7 =	vld [tilespmem:s1+$0x8480];
	v26 =	vmul.u32 $0x600, v26  }
0x441: {  	vm2 =	vmand vm13, vm2;
	v31 =	vadd.f32 v42, v44;
	v44 =	vld [tilespmem:$0x1F8A0]  }
0x442: {  	vm8 =	vgt.f32 v46, $0.0e+00;
	v25 =	vsel vm2, v37, v25;
	v37 =	vadd.s32 v40, v26;
	v26 =	vld [tilespmem:$0x1F8C0]  }
0x443: {  	v27 =	vadd.f32 v27, v39;
	v42 =	vld [tilespmem:$0x1F890];
	v23 =	vsel vm8, v31, v23  }
0x444: {  	v39 =	vmul.f32 v9, v4;
	[tilespmem:v59+s22+$0x0] =	vst.idx.msk vm0, v51;
	v59 =	vld [tilespmem:$0x1F8D0];
	v51 =	vmul.f32 v6, v23  }
0x445: {  	s6 =	sor.u32 s23, s28;
	vm15 =	vgt.f32 v30, $5.000000000e-01;
	v46 =	vld [tilespmem:$0x1F8B0]  }
0x446: {  	vm10 =	vgt.f32 v41, $5.000000000e-01;
	vm2 =	vmand vm15, vm5;
	[tilespmem:v24+s22+$0x0] =	vst.idx.msk vm6, v16;
	v24 =	vadd.f32 v39, v51;
	v39 =	vld [tilespmem:s6+$0x0]  }
0x447: {  	vm11 =	vmand vm10, vm9;
	vm15 =	vgt.f32 v9, $0.0e+00;
	v25 =	vsel vm2, v49, v25;
	v51 =	vld [tilespmem:$0x1F920]  }
0x448: {  	v36 =	vmul.f32 v10, v36;
	v31 =	vmax.f32 v13, v62;
	vm12 =	vge.f32 v7, $0.0e+00;
	v62 =	vld [tilespmem:$0x1F8E0]  }
0x449: {  	v49 =	vmov v40;
	v34 =	vmul.f32 v10, v34;
	v40 =	vor.u32 v50, v37;
	[tilespmem:v44+s22+$0x0] =	vst.idx.msk vm0, v42  }
0x44a: {  	v9 =	vsel vm15, v24, v23;
	v44 =	vor.u32 v37, v58;
	[tilespmem:v26+s22+$0x0] =	vst.idx.msk vm0, v46;
	v26 =	vsub.f32 $1.000000000e+00, v10;
	v46 =	vld [tilespmem:$0x1F910]  }
0x44b: {  	v24 =	vmul.f32 v54, v27;
	v27 =	vor.u32 v37, v56;
	v37 =	vor.u32 v37, v57  }
0x44c: {  	v39 =	vmul.f32 v10, v39;
	[tilespmem:v59+s22+$0x0] =	vst.idx.msk vm0, v13;
	v59 =	vadd.f32 $8.388608000e+06, v51;
	v32 =	vadd.f32 v26, v36  }
0x44d: {  	v11 =	vadd.f32 v11, v45;
	v45 =	vld [tilespmem:$0x1F900];
	v25 =	vsel vm11, v62, v25;
	v62 =	vadd.f32 v26, v34  }
0x44e: {  	[tilespmem:v40+s22+$0x0] =	vst.idx.msk vm12, v32;
	v32 =	vadd.f32 $-8.388608000e+06, v59;
	v59 =	vadd.f32 v26, v39  }
0x44f: {  	[tilespmem:v44+s22+$0x0] =	vst.idx.msk vm12, v62;
	v44 =	vld [tilespmem:$0x1F940]  }
0x450: {  	vm14 =	vgt.f32 v51, $7.500000000e+00;
	v51 =	vld [tilespmem:$0x1F960];
	[tilespmem:v27+s22+$0x0] =	vst.idx.msk vm12, v59  }
0x451: {  	vm13 =	vgt.f32 v53, $5.000000000e-01;
	[tilespmem:v37+s22+$0x0] =	vst.idx.msk vm12, v10;
	v37 =	vld [tilespmem:$0x1F9D0]  }
0x452: {  	v11 =	vmul.f32 v54, v11;
	vm0 =	vmand vm13, vm1;
	[tilespmem:v46+s22+$0x0] =	vst.idx.msk vm6, v45;
	v45 =	vld [tilespmem:$0x1F950]  }
0x453: {  	v25 =	vsel vm0, v55, v25;
	v55 =	vld [tilespmem:$0x1F970]  }
0x454: {  	v11 =	vadd.f32 v11, v60;
	vm5 =	vgt.f32 v44, $7.500000000e+00;
	v46 =	vadd.f32 $8.388608000e+06, v44;
	v44 =	vld [tilespmem:$0x1F9E0]  }
0x455: {  	v60 =	vld [tilespmem:$0x1F980];
	v18 =	vadd.f32 v24, v18  }
0x456: {  	s7 =	rddreg [dreg:$0x1c];
	v11 =	vmul.f32 v28, v11;
	v13 =	vld [tilespmem:$0x1F930];
	v24 =	vadd.f32 $-8.388608000e+06, v46  }
0x457: {  	v18 =	vmul.f32 v28, v18;
	v23 =	vsel vm14, $0xBF800000, v32;
	v40 =	vor.u32 v37, v29;
	[tilespmem:s7+$0x9600] =	vst v45;
	v45 =	vld [tilespmem:$0x1F9F0]  }
0x458: {  	s10 =	sor.u32 s23, s20;
	s9 =	rddreg [dreg:$0x8];
	v11 =	vadd.f32 v11, v48;
	[tilespmem:s7+$0x9680] =	vst v51;
	v23 =	vtrunc.f32 v23;
	v62 =	vsel vm5, $0xBF800000, v24;
	v24 =	vld [tilespmem:$0x1F9A0]  }
0x459: {  	s8 =	rddreg [dreg:$0x1a];
	s0 =	sadd.s32 s9, s25;
	v18 =	vadd.f32 v18, v20;
	[tilespmem:s7+$0x9700] =	vst v55;
	v20 =	vld [tilespmem:s10+$0x0];
	v32 =	vcvt.f32.s32 v23;
	v27 =	vor.u32 v29, v44  }
0x45a: {  	s12 =	sor.u32 s11, s0;
	v14 =	vmax.f32 v30, v14;
	v11 =	vmul.f32 v6, v11;
	v46 =	vor.u32 v29, v61;
	[tilespmem:s8+$0x9600] =	vst v31;
	v31 =	vld [tilespmem:$0x1F9C0]  }
0x45b: {  	v8 =	vmax.f32 v5, v8;
	v30 =	vld [tilespmem:$0x1F990];
	v14 =	vmax.f32 v41, v14;
	v12 =	vadd.f32 v12, v13;
	[tilespmem:s12+$0x14400] =	vst v32  }
0x45c: {  	v11 =	vadd.f32 v11, v52;
	v51 =	vor.u32 v29, v63;
	[tilespmem:v40+s22+$0x0] =	vst.idx.msk vm4, v21  }
0x45d: {  	vm9 =	vgt.f32 v10, $5.000000000e-01;
	vm8 =	vgt.f32 v4, $5.000000000e-01;
	v59 =	vld [tilespmem:$0x1FA10];
	v12 =	vmul.f32 v54, v12;
	[tilespmem:s12+$0xFC00] =	vst v45  }
0x45e: {  	s15 =	sor.u32 s23, s15;
	v41 =	vmul.f32 v7, v10;
	vm0 =	vmand vm8, vm7;
	v11 =	vmul.f32 v26, v11;
	v63 =	vld [tilespmem:s1+$0x8400];
	[tilespmem:v27+s22+$0x0] =	vst.idx.msk vm4, v47  }
0x45f: {  	v12 =	vadd.f32 v12, v60;
	v60 =	vsel vm0, v22, v25;
	v25 =	vld [tilespmem:s15+$0x0];
	v61 =	vadd.f32 $8.388608000e+06, v20;
	[tilespmem:v46+s22+$0x0] =	vst.idx.msk vm4, v43  }
0x460: {  	s21 =	sor.u32 s23, s24;
	s24 =	sld [smem:$0x7B4];
	v11 =	vadd.f32 v11, v34;
	v18 =	vmul.f32 v6, v18;
	v54 =	vld [tilespmem:$0x1FA00];
	vm0 =	vmand vm9, vm12;
	[tilespmem:v24+s22+$0x0] =	vst.idx.msk vm6, v30  }
0x461: {  	v12 =	vmul.f32 v28, v12;
	v16 =	vtrunc.f32 v62;
	v62 =	vld [tilespmem:$0x1FA20];
	v22 =	vadd.f32 $-8.388608000e+06, v61;
	[tilespmem:v51+s22+$0x0] =	vst.idx.msk vm4, v5  }
0x462: {  	s13 =	sld [smem:$0x7B3];
	vm10 =	vgt.f32 v38, $7.500000000e+00;
	v55 =	vadd.f32 v18, v33;
	v1 =	vsel vm0, v1, v60;
	v24 =	vld [tilespmem:$0x1F9B0];
	[tilespmem:v31+s22+$0x0] =	vst.idx.msk vm6, v19  }
0x463: {  	vm11 =	vge.f32 v63, $0.0e+00;
	v12 =	vadd.f32 v12, v15;
	v33 =	vtrunc.f32 v22;
	[tilespmem:s24+$0x9600] =	vst v17  }
0x464: {  	vm12 =	vgt.f32 v25, $5.000000000e-01;
	v15 =	vcvt.f32.s32 v33;
	v31 =	vmul.f32 v26, v55;
	[tilespmem:s24+$0x9680] =	vst v35  }
0x465: {  	s20 =	sor.u32 s23, s19;
	v34 =	vld [tilespmem:s1+$0x3C00];
	v44 =	vsub.f32 $1.000000000e+00, v25;
	v16 =	vcvt.f32.s32 v16;
	v6 =	vmul.f32 v6, v12;
	[tilespmem:s13+$0x9600] =	vst v54  }
0x466: {  	v15 =	vmul.u32 $0x600, v15;
	v30 =	vmax.f32 v53, v14;
	[tilespmem:s13+$0x9680] =	vst v59;
	v14 =	vadd.f32 v31, v36;
	v36 =	vld [tilespmem:s20+$0x0]  }
0x467: {  	s17 =	rddreg [dreg:$0x1e];
	v37 =	vld [tilespmem:s21+$0x0];
	vm1 =	vmand vm12, vm11;
	v3 =	vadd.f32 v6, v3;
	[tilespmem:s13+$0x9700] =	vst v62;
	v24 =	vmax.f32 v19, v24  }
0x468: {  	s25 =	sld [smem:$0x7B5];
	v13 =	vld [tilespmem:$0x1FA30];
	v1 =	vsel vm1, v20, v1;
	v40 =	vadd.s32 v49, v15;
	[tilespmem:s17+$0x9600] =	vst v24;
	v24 =	vadd.f32 $8.388608000e+06, v38  }
0x469: {  	s18 =	sor.u32 s26, s0;
	v3 =	vmul.f32 v26, v3;
	v46 =	vmul.f32 v26, v9;
	v43 =	vor.u32 v50, v40;
	[tilespmem:s24+$0x9700] =	vst v2  }
0x46a: {  	v45 =	vor.u32 v40, v58;
	[tilespmem:s18+$0x14400] =	vst v16;
	v16 =	vmul.f32 v25, v34;
	v32 =	vadd.f32 $-8.388608000e+06, v24  }
0x46b: {  	s26 =	sor.u32 s14, s0;
	v3 =	vadd.f32 v3, v39;
	v47 =	vor.u32 v40, v56;
	[tilespmem:s25+$0x9600] =	vst v8;
	v18 =	vmul.f32 v25, v36  }
0x46c: {  	v49 =	vmul.f32 v25, v37;
	[tilespmem:s26+$0xFC00] =	vst v0;
	v50 =	vadd.f32 v44, v16;
	v6 =	vsel vm10, $0xBF800000, v32  }
0x46d: {  	[tilespmem:s18+$0xFC00] =	vst v13;
	v53 =	vadd.f32 v44, v18;
	v38 =	vtrunc.f32 v6;
	v6 =	vor.u32 v40, v57  }
0x46e: {  	v56 =	vadd.f32 $8.388608000e+06, v1;
	v55 =	vadd.f32 v44, v49;
	v3 =	vmul.f32 v44, v3;
	[tilespmem:v43+s22+$0x0] =	vst.idx.msk vm11, v50  }
0x46f: {  	vm13 =	vgt.f32 v7, $0.0e+00;
	v52 =	vmul.f32 v44, v14;
	v5 =	vcvt.f32.s32 v38;
	[tilespmem:v45+s22+$0x0] =	vst.idx.msk vm11, v53  }
0x470: {  	s28 =	sld [smem:$0x7B6];
	v51 =	vadd.f32 v41, v46;
	v54 =	vmul.f32 v44, v11;
	v58 =	vadd.f32 $-8.388608000e+06, v56;
	[tilespmem:v47+s22+$0x0] =	vst.idx.msk vm11, v55  }
0x471: {  	v4 =	vmax.f32 v4, v30;
	v0 =	vadd.f32 v3, v49;
	v8 =	vadd.f32 v52, v16;
	[tilespmem:s26+$0x14400] =	vst v5  }
0x472: {  	s1 =	rddreg [dreg:$0x16];
	vm14 =	vgt.f32 v1, $7.500000000e+00;
	v7 =	vadd.f32 v54, v18;
	v5 =	vsel vm13, v51, v9;
	[tilespmem:v6+s22+$0x0] =	vst.idx.msk vm11, v25  }
0x473: {  	s29 =	sld [smem:$0x7B7];
	p0 =	slt.u32 s1, $0x14;
	v60 =	vsel vm14, $0xBF800000, v58;
	v57 =	vmul.f32 v63, v25;
	v2 =	vmul.f32 v44, v5;
	[tilespmem:s28+$0x9600] =	vst v8  }
.Ltmp1:
0x474: {  	v59 =	vmax.f32 v10, v4;
	v62 =	vtrunc.f32 v60;
	[tilespmem:s28+$0x9680] =	vst v7;
	(pc) =	sbr.rel @p0 .LBB2_5-.Ltmp1, $4  }
0x475: {  	s30 =	sld [smem:$0x7B8];
	v61 =	vmax.f32 v25, v59;
	v1 =	vcvt.f32.s32 v62;
	v2 =	vadd.f32 v57, v2;
	[tilespmem:s28+$0x9700] =	vst v0  }
0x476: {  	s0 =	sor.u32 s23, s0;
	vm15 =	vgt.f32 v63, $0.0e+00;
	[tilespmem:s29+$0x9600] =	vst v61  }
0x477: {  	s31 =	rddreg [dreg:$0x18];
	v63 =	vsel vm15, v2, v5;
	[tilespmem:s0+$0x14400] =	vst v1  }
0x478: {  	s23 =	sadd.s32 $0x4, s31;
	s2 =	sadd.s32 $0x40, s30;
	v48 =	vimm.f32 $0.0e+00;
	v42 =	vimm.f32 $1.000000000e+00;
	v25 =	vlaneseq.u32;
	[tilespmem:s0+$0xFC00] =	vst v63  }
0x479: {  	s3 =	rddreg [dreg:$0x10]  }
0x47a: {  	s2 =	rddreg [dreg:$0x11];
	s3 =	sadd.s32 $0x1, s3  }
0x47b: {  	s1 =	rddreg [dreg:$0x2];
	s0 =	smul.u32 $0xC0, s2;
	p0 =	sne.s32 s3, $0x18  }
.Ltmp2:
0x47c: {  	s9 =	simm.s32 $0x0;
	s30 =	simm.s32 $0x9600;
	(pc) =	sbr.rel @p0 .LBB2_2-.Ltmp2, $4  }
0x47d: {  	s31 =	rddreg [dreg:$0x5];
	s29 =	smul.u32 $0x600, s2;
	s0 =	sadd.s32 s1, s0  }
0x47e: {  	[hbm4b:s0+s9] =	stream.linear.scatter [tilespmem:s30], [sflag:$0x6], $0x600, $0x38;
	[tilespmem:$0x18C00] =	vst v63  }
0x47f: {  	s0 =	sadd.s32 s31, s29  }
0x480: {  	[hbm4b:s0+s9] =	stream.linear.scatter [tilespmem:s22], [sflag:$0x8], $0x3000, $0x38;
	[tilespmem:$0x18C00] =	vst v63  }
0x481: {  	s0 =	simm.s32 $0x5  }
0x482: {  	_ =	swait.ge [sflag:s0], $0x600  }
0x483: {  	[sflag:s0] =	ssyncset.done $0x0  }
0x484: {  	s23 =	simm.s32 $0x7;
	[sflag:s0] =	ssyncadd.s32 $0xFFFFFA00  }
0x485: {  	_ =	swait.ge [sflag:s23], $0x3000  }
0x486: {  	[sflag:s23] =	ssyncset.done $0x0  }
0x487: {  	s24 =	simm.s32 $0x6;
	[sflag:s23] =	ssyncadd.s32 $0xFFFFD000  }
0x488: {  	_ =	swait.ge [sflag:s24], $0x600  }
0x489: {  	[sflag:s24] =	ssyncset.done $0x0  }
0x48a: {  	s25 =	simm.s32 $0x8;
	[sflag:s24] =	ssyncadd.s32 $0xFFFFFA00  }
0x48b: {  	_ =	swait.ge [sflag:s25], $0x3000  }
0x48c: {  	s1 =	simm.s32 $0xFC00;
	[sflag:s25] =	ssyncset.done $0x0  }
0x48d: {  	s28 =	simm.s32 $0x9;
	s26 =	rddreg [dreg:$0xc];
	[sflag:s25] =	ssyncadd.s32 $0xFFFFD000  }
0x48e: {  	[hbm4b:s26+s9] =	stream.linear.scatter [tilespmem:s1], [sflag:$0x9], $0x4800, $0x38;
	[tilespmem:$0x18C00] =	vst v63  }
0x48f: {  	_ =	swait.ge [sflag:s28], $0x4800  }
0x490: {  	[sflag:s28] =	ssyncset.done $0x0  }
0x491: {  	s2 =	simm.s32 $0x14400;
	s29 =	rddreg [dreg:$0xd];
	[sflag:s28] =	ssyncadd.s32 $0xFFFFB800  }
0x492: {  	[hbm4b:s29+s9] =	stream.linear.scatter [tilespmem:s2], [sflag:$0x9], $0x4800, $0x38;
	[tilespmem:$0x18C00] =	vst v63  }
0x493: {  	_ =	swait.ge [sflag:s28], $0x4800  }
0x494: {  	s30 =	rddreg [dreg:$0xf]  }
0x495: {  	s31 =	rddreg [dreg:$0xe];
	s2 =	sadd.s32 $0x1, s30  }
0x496: {  	p0 =	sne.s32 s2, s31  }
.Ltmp3:
0x497: {  	_ = 	snop;
	(pc) =	sbr.rel @p0 .LBB2_1-.Ltmp3, $3  }
0x498: {  	_ =	sdelay $0x1  }
0x499: {  	[sflag:s28] =	ssyncset.done $0x0  }
0x49a: {  	[sflag:s28] =	ssyncadd.s32 $0xFFFFB800  }
0x49b: {  	_ =	sfence.sel $0x180000  }
0x49c: {  	[bflag:$0x0] =	sbarrier.arrive $0xFFFF  }
0x49d: {  	_ =	strace $0x90000047  }
0x49e: {  	s0 =	stileid.u32;
	[bflag:$0x2] =	sbarrier.arrive $0xFFFF  }
0x49f: {  	p0 =	sne.s32 s0, $0x0;
	s0 =	rddreg [dreg:$0x6]  }
0x4a0: {  	s0 =	sadd.s32 @!p0 $0x100000, s0  }
0x4a1: {  	[sflag:s0] =	ssyncadd.tile.s32 @!p0 $0x1;
	_ =	shalt  }
.Lfunc_end2:
_tile_overlayer_lowered:
.L_overlay_start_2:
0x4a2: {  	(tag) =	ssettag $0x2  }
0x4a3: {  	s0 =	rddreg [dreg:$0x0];
	s2 =	stileid.u32  }
0x4a4: {  	s1 =	rddreg [dreg:$0x1];
	p0 =	sne.s32 s2, $0x0  }
0x4a5: {  	s3 =	rddreg [dreg:$0x2];
	[bflag:$0x3] =	sbarrier.arrive $0xFFFF;
	s2 =	simm.s32 @!p0 $0x1C09  }
0x4a6: {  	[timem:s3], [sflag:s2] =	dma.local @!p0 [hbm:s0], s1  }
0x4a7: {  	s0 =	simm.s32 @!p0 $0x9  }
0x4a8: {  	_ =	swait.ge @!p0 [sflag:s0], s1  }
0x4a9: {  	s1 =	ssub.s32 @!p0 $0x0, s1;
	[sflag:s0] =	ssyncset.done @!p0 $0x0  }
0x4aa: {  	[sflag:s0] =	ssyncadd.s32 @!p0 s1  }
0x4ab: {  	[bflag:$0x3] =	sbarrier.arrive $0xFFFF  }
0x4ac: {  	_ =	shalt  }

</sc_bundles>
